<compile_context>
chip_gen: v7x
topology: tpu7x:2x2x1
jax: 0.10.2.dev20260603
libtpu: 0.0.44.dev20260713+nightly
codegen_flags: <defaults>
</compile_context>

<pallas_src>
import functools

import jax
import jax.numpy as jnp
from jax import lax
from jax.experimental import pallas as pl
from jax.experimental.pallas import tpu as pltpu
from jax.experimental.pallas import tpu_sc as plsc

_N = 100000
_D = 128
_CH = 160
_NCHUNKS = _N // _CH
_NW = 32
_L = 16
_KPW = -(-_NCHUNKS // _NW)


def _dl_body(x_hbm, m_hbm, w_hbm, o_hbm,
             xb0, xb1, mb0, mb1, ob0, ob1, mx0, mx1, wv,
             in_sem0, in_sem1, out_sem0, out_sem1):
    cid = lax.axis_index("c")
    sid = lax.axis_index("s")
    wid = sid * 2 + cid

    pltpu.sync_copy(w_hbm, wv)
    wregs = [wv[pl.ds(c * _L, _L)] for c in range(_D // _L)]

    xbs = (xb0, xb1)
    mxs = (mx0, mx1)
    mbs = (mb0, mb1)
    obs = (ob0, ob1)
    in_sems = (in_sem0, in_sem1)
    out_sems = (out_sem0, out_sem1)

    def x_in(k, slot):
        row0 = (wid + k * _NW) * _CH
        return pltpu.make_async_copy(
            x_hbm.at[pl.ds(row0, _CH), :], xbs[slot], in_sems[slot])

    def m_in(k, slot):
        e0 = (wid + k * _NW) * _CH
        return pltpu.make_async_copy(
            m_hbm.at[pl.ds(e0, _CH)], mbs[slot], in_sems[slot])

    def o_out(k, slot):
        row0 = (wid + k * _NW) * _CH
        return pltpu.make_async_copy(
            obs[slot], o_hbm.at[pl.ds(row0, _CH), :], out_sems[slot])

    def compute(slot):
        xs, ms, os_, mx = xbs[slot], mbs[slot], obs[slot], mxs[slot]

        @plsc.parallel_loop(0, _CH // _L, unroll=2)
        def expand_body(g):
            r0 = g * _L
            mvec = ms[pl.ds(r0, _L)]
            for lane in range(_L):
                mx[pl.ds((r0 + lane) * _L, _L)] = jnp.broadcast_to(
                    mvec[lane], (_L,))

        @plsc.parallel_loop(0, _CH, unroll=10)
        def row_body(r):
            sel = mx[pl.ds(r * _L, _L)] != 0.0
            for c in range(_D // _L):
                xv = xs[r, pl.ds(c * _L, _L)]
                os_[r, pl.ds(c * _L, _L)] = jnp.where(sel, xv * wregs[c], xv)

    x_in(0, 0).start()
    m_in(0, 0).start()
    x_in(1, 1).start()
    m_in(1, 1).start()
    x_in(0, 0).wait()
    m_in(0, 0).wait()
    compute(0)
    o_out(0, 0).start()

    def pair_body(i, _):
        ka = 1 + 2 * i
        kb = 2 + 2 * i

        x_in(ka + 1, 0).start()
        m_in(ka + 1, 0).start()
        x_in(ka, 1).wait()
        m_in(ka, 1).wait()

        @pl.when(ka >= 3)
        def _():
            o_out(ka - 2, 1).wait()

        compute(1)
        o_out(ka, 1).start()

        @pl.when(wid + (kb + 1) * _NW < _NCHUNKS)
        def _():
            x_in(kb + 1, 1).start()
            m_in(kb + 1, 1).start()

        x_in(kb, 0).wait()
        m_in(kb, 0).wait()
        o_out(kb - 2, 0).wait()
        compute(0)
        o_out(kb, 0).start()
        return 0

    lax.fori_loop(0, (_KPW - 1) // 2, pair_body, 0)

    last = _KPW - 1
    o_out(last - 2, 1).wait()
    o_out(last - 1, 0).wait()

    @pl.when(wid + last * _NW < _NCHUNKS)
    def _():
        x_in(last, 1).wait()
        m_in(last, 1).wait()
        compute(1)
        o_out(last, 1).start()
        o_out(last, 1).wait()


def kernel(x, node_mask, deletion_weight):
    n, d = x.shape
    mf = node_mask.astype(jnp.float32)
    mesh = plsc.VectorSubcoreMesh(core_axis_name="c", subcore_axis_name="s")
    f = functools.partial(
        pl.kernel,
        mesh=mesh,
        out_type=jax.ShapeDtypeStruct((n, d), x.dtype),
        scratch_types=[
            pltpu.VMEM((_CH, d), jnp.float32),
            pltpu.VMEM((_CH, d), jnp.float32),
            pltpu.VMEM((_CH,), jnp.float32),
            pltpu.VMEM((_CH,), jnp.float32),
            pltpu.VMEM((_CH, d), jnp.float32),
            pltpu.VMEM((_CH, d), jnp.float32),
            pltpu.VMEM((_CH * _L,), jnp.float32),
            pltpu.VMEM((_CH * _L,), jnp.float32),
            pltpu.VMEM((d,), jnp.float32),
            pltpu.SemaphoreType.DMA,
            pltpu.SemaphoreType.DMA,
            pltpu.SemaphoreType.DMA,
            pltpu.SemaphoreType.DMA,
        ],
    )(_dl_body)
    return f(x, mf, deletion_weight)

# --- scband reference (transcript-rebuilt; emitter-appended) ---
"""Pipeline reference for scband-deletion-layer-23656679866464 (READ-ONLY COPY).

The authoritative reference and input builder live on the scoring server;
editing this copy changes nothing except your own understanding.
"""

import jax, jax.numpy as jnp
import numpy as np

N = 100000
DIM = 128


def setup_inputs(seed: int = 0) -> dict:
    key = jax.random.key(seed)
    k1, k2 = jax.random.split(key, 2)
    x = jax.random.normal(k1, (N, DIM), dtype=jnp.float32)
    # node_mask: boolean mask over nodes selecting rows to be 'deleted' (rescaled)
    node_mask = jax.random.randint(k2, (N,), 0, 2).astype(jnp.bool_)
    # learned parameter initialized to ones, per the module's nn.Parameter(torch.ones(dim))
    deletion_weight = jnp.ones((DIM,), dtype=jnp.float32)
    return {"x": x, "node_mask": node_mask, "deletion_weight": deletion_weight}


def reference(x, node_mask, deletion_weight):
    # Faithful translation of:
    #   x_deleted = x.clone()
    #   x_deleted[node_mask] = x[node_mask] * deletion_weight
    # i.e. a masked scatter-overwrite of rescaled rows. In jax this is
    # expressed with a select over the boolean row mask (equivalent math,
    # maps to a masked gather/scatter pattern).
    x_deleted = jnp.where(node_mask[:, None], x * deletion_weight[None, :], x)
    return x_deleted

if __name__ == "__main__":
    import jax
    _d = setup_inputs()
    print(jax.jit(kernel)(*tuple(_d.values())))

</pallas_src>

<mosaic_0001>
#map = affine_map<(d0, d1) -> (0, 0)>
#map1 = affine_map<(d0, d1) -> (0)>
module attributes {stable_mosaic.version = 14 : i64} {
  func.func @_dl_body(%arg0: i32, %arg1: i32, %arg2: memref<100000x128xf32, #tpu.memory_space<hbm>>, %arg3: memref<100000xf32, #tpu.memory_space<hbm>>, %arg4: memref<128xf32, #tpu.memory_space<hbm>>, %arg5: memref<100000x128xf32, #tpu.memory_space<hbm>>, %arg6: memref<160x128xf32, #tpu.memory_space<vmem>>, %arg7: memref<160x128xf32, #tpu.memory_space<vmem>>, %arg8: memref<160xf32, #tpu.memory_space<vmem>>, %arg9: memref<160xf32, #tpu.memory_space<vmem>>, %arg10: memref<160x128xf32, #tpu.memory_space<vmem>>, %arg11: memref<160x128xf32, #tpu.memory_space<vmem>>, %arg12: memref<2560xf32, #tpu.memory_space<vmem>>, %arg13: memref<2560xf32, #tpu.memory_space<vmem>>, %arg14: memref<128xf32, #tpu.memory_space<vmem>>, %arg15: memref<!tpu.dma_semaphore, #tpu.memory_space<semaphore_mem>>, %arg16: memref<!tpu.dma_semaphore, #tpu.memory_space<semaphore_mem>>, %arg17: memref<!tpu.dma_semaphore, #tpu.memory_space<semaphore_mem>>, %arg18: memref<!tpu.dma_semaphore, #tpu.memory_space<semaphore_mem>>) attributes {dimension_semantics = [#tpu.dimension_semantics<core_parallel>, #tpu.dimension_semantics<subcore_parallel>], iteration_bounds = array<i64: 2, 16>, scalar_prefetch = 0 : i64, scratch_operands = 13 : i64, tpu.core_type = #tpu.core_type<sc_vector_subcore>, window_params = [{transform_indices = #map}, {transform_indices = #map1}, {transform_indices = #map1}, {transform_indices = #map}]} {
    %mul3A = arith.constant 2 : i32
    %mul3A_0 = arith.muli %arg1, %mul3A : i32
    %add3A = arith.addi %mul3A_0, %arg0 : i32
    "tpu.region"() ({
      %run_scoped3A = tpu.sem_alloc : memref<!tpu.dma_semaphore, #tpu.memory_space<semaphore_mem>>
      tpu.enqueue_dma source(%arg4 : memref<128xf32, #tpu.memory_space<hbm>>) target(%arg14 : memref<128xf32, #tpu.memory_space<vmem>>) target_semaphore(%run_scoped3A : memref<!tpu.dma_semaphore, #tpu.memory_space<semaphore_mem>>)
      tpu.wait_dma2 semaphore(%run_scoped3A : memref<!tpu.dma_semaphore, #tpu.memory_space<semaphore_mem>>) src(%arg4 : memref<128xf32, #tpu.memory_space<hbm>>) dst(%arg14 : memref<128xf32, #tpu.memory_space<vmem>>)
      tpu.yield
    }) : () -> ()
    %get3A = arith.constant 0 : index
    %get3A_1 = tpu.vector_load %arg14[%get3A] {strides = array<i32>} : memref<128xf32, #tpu.memory_space<vmem>>, vector<16xf32>,
    %get3A_2 = vector.shape_cast %get3A_1 : vector<16xf32> to vector<16xf32>
    %get3A_3 = arith.constant 16 : index
    %get3A_4 = tpu.vector_load %arg14[%get3A_3] {strides = array<i32>} : memref<128xf32, #tpu.memory_space<vmem>>, vector<16xf32>,
    %get3A_5 = vector.shape_cast %get3A_4 : vector<16xf32> to vector<16xf32>
    %get3A_6 = arith.constant 32 : index
    %get3A_7 = tpu.vector_load %arg14[%get3A_6] {strides = array<i32>} : memref<128xf32, #tpu.memory_space<vmem>>, vector<16xf32>,
    %get3A_8 = vector.shape_cast %get3A_7 : vector<16xf32> to vector<16xf32>
    %get3A_9 = arith.constant 48 : index
    %get3A_10 = tpu.vector_load %arg14[%get3A_9] {strides = array<i32>} : memref<128xf32, #tpu.memory_space<vmem>>, vector<16xf32>,
    %get3A_11 = vector.shape_cast %get3A_10 : vector<16xf32> to vector<16xf32>
    %get3A_12 = arith.constant 64 : index
    %get3A_13 = tpu.vector_load %arg14[%get3A_12] {strides = array<i32>} : memref<128xf32, #tpu.memory_space<vmem>>, vector<16xf32>,
    %get3A_14 = vector.shape_cast %get3A_13 : vector<16xf32> to vector<16xf32>
    %get3A_15 = arith.constant 80 : index
    %get3A_16 = tpu.vector_load %arg14[%get3A_15] {strides = array<i32>} : memref<128xf32, #tpu.memory_space<vmem>>, vector<16xf32>,
    %get3A_17 = vector.shape_cast %get3A_16 : vector<16xf32> to vector<16xf32>
    %get3A_18 = arith.constant 96 : index
    %get3A_19 = tpu.vector_load %arg14[%get3A_18] {strides = array<i32>} : memref<128xf32, #tpu.memory_space<vmem>>, vector<16xf32>,
    %get3A_20 = vector.shape_cast %get3A_19 : vector<16xf32> to vector<16xf32>
    %get3A_21 = arith.constant 112 : index
    %get3A_22 = tpu.vector_load %arg14[%get3A_21] {strides = array<i32>} : memref<128xf32, #tpu.memory_space<vmem>>, vector<16xf32>,
    %get3A_23 = vector.shape_cast %get3A_22 : vector<16xf32> to vector<16xf32>
    %add3A_24 = arith.constant 0 : i32
    %add3A_25 = arith.addi %add3A, %add3A_24 : i32
    %mul3A_26 = arith.constant 160 : i32
    %mul3A_27 = arith.muli %add3A_25, %mul3A_26 : i32
    %dma_start3A = arith.constant 0 : i32
    %dma_start3A_28 = tpu.memref_slice %arg2[%mul3A_27, %dma_start3A] : memref<100000x128xf32, #tpu.memory_space<hbm>> -> memref<160x128xf32, #tpu.memory_space<hbm>>
    %dma_start3A_29 = arith.constant 0 : i32
    %dma_start3A_30 = tpu.memref_slice %arg2[%mul3A_27, %dma_start3A_29] : memref<100000x128xf32, #tpu.memory_space<hbm>> -> memref<160x128xf32, #tpu.memory_space<hbm>>
    tpu.enqueue_dma source(%dma_start3A_30 : memref<160x128xf32, #tpu.memory_space<hbm>>) target(%arg6 : memref<160x128xf32, #tpu.memory_space<vmem>>) target_semaphore(%arg15 : memref<!tpu.dma_semaphore, #tpu.memory_space<semaphore_mem>>)
    %add3A_31 = arith.constant 0 : i32
    %add3A_32 = arith.addi %add3A, %add3A_31 : i32
    %mul3A_33 = arith.constant 160 : i32
    %mul3A_34 = arith.muli %add3A_32, %mul3A_33 : i32
    %dma_start3A_35 = tpu.memref_slice %arg3[%mul3A_34] : memref<100000xf32, #tpu.memory_space<hbm>> -> memref<160xf32, #tpu.memory_space<hbm>>
    %dma_start3A_36 = tpu.memref_slice %arg3[%mul3A_34] : memref<100000xf32, #tpu.memory_space<hbm>> -> memref<160xf32, #tpu.memory_space<hbm>>
    tpu.enqueue_dma source(%dma_start3A_36 : memref<160xf32, #tpu.memory_space<hbm>>) target(%arg8 : memref<160xf32, #tpu.memory_space<vmem>>) target_semaphore(%arg15 : memref<!tpu.dma_semaphore, #tpu.memory_space<semaphore_mem>>)
    %add3A_37 = arith.constant 32 : i32
    %add3A_38 = arith.addi %add3A, %add3A_37 : i32
    %mul3A_39 = arith.constant 160 : i32
    %mul3A_40 = arith.muli %add3A_38, %mul3A_39 : i32
    %dma_start3A_41 = arith.constant 0 : i32
    %dma_start3A_42 = tpu.memref_slice %arg2[%mul3A_40, %dma_start3A_41] : memref<100000x128xf32, #tpu.memory_space<hbm>> -> memref<160x128xf32, #tpu.memory_space<hbm>>
    %dma_start3A_43 = arith.constant 0 : i32
    %dma_start3A_44 = tpu.memref_slice %arg2[%mul3A_40, %dma_start3A_43] : memref<100000x128xf32, #tpu.memory_space<hbm>> -> memref<160x128xf32, #tpu.memory_space<hbm>>
    tpu.enqueue_dma source(%dma_start3A_44 : memref<160x128xf32, #tpu.memory_space<hbm>>) target(%arg7 : memref<160x128xf32, #tpu.memory_space<vmem>>) target_semaphore(%arg16 : memref<!tpu.dma_semaphore, #tpu.memory_space<semaphore_mem>>)
    %add3A_45 = arith.constant 32 : i32
    %add3A_46 = arith.addi %add3A, %add3A_45 : i32
    %mul3A_47 = arith.constant 160 : i32
    %mul3A_48 = arith.muli %add3A_46, %mul3A_47 : i32
    %dma_start3A_49 = tpu.memref_slice %arg3[%mul3A_48] : memref<100000xf32, #tpu.memory_space<hbm>> -> memref<160xf32, #tpu.memory_space<hbm>>
    %dma_start3A_50 = tpu.memref_slice %arg3[%mul3A_48] : memref<100000xf32, #tpu.memory_space<hbm>> -> memref<160xf32, #tpu.memory_space<hbm>>
    tpu.enqueue_dma source(%dma_start3A_50 : memref<160xf32, #tpu.memory_space<hbm>>) target(%arg9 : memref<160xf32, #tpu.memory_space<vmem>>) target_semaphore(%arg16 : memref<!tpu.dma_semaphore, #tpu.memory_space<semaphore_mem>>)
    %add3A_51 = arith.constant 0 : i32
    %add3A_52 = arith.addi %add3A, %add3A_51 : i32
    %mul3A_53 = arith.constant 160 : i32
    %mul3A_54 = arith.muli %add3A_52, %mul3A_53 : i32
    %dma_wait3A = arith.constant 0 : i32
    %dma_wait3A_55 = tpu.memref_slice %arg2[%mul3A_54, %dma_wait3A] : memref<100000x128xf32, #tpu.memory_space<hbm>> -> memref<160x128xf32, #tpu.memory_space<hbm>>
    %dma_wait3A_56 = arith.constant 0 : i32
    %dma_wait3A_57 = tpu.memref_slice %arg2[%mul3A_54, %dma_wait3A_56] : memref<100000x128xf32, #tpu.memory_space<hbm>> -> memref<160x128xf32, #tpu.memory_space<hbm>>
    tpu.wait_dma2 semaphore(%arg15 : memref<!tpu.dma_semaphore, #tpu.memory_space<semaphore_mem>>) src(%dma_wait3A_57 : memref<160x128xf32, #tpu.memory_space<hbm>>) dst(%arg6 : memref<160x128xf32, #tpu.memory_space<vmem>>)
    %add3A_58 = arith.constant 0 : i32
    %add3A_59 = arith.addi %add3A, %add3A_58 : i32
    %mul3A_60 = arith.constant 160 : i32
    %mul3A_61 = arith.muli %add3A_59, %mul3A_60 : i32
    %dma_wait3A_62 = tpu.memref_slice %arg3[%mul3A_61] : memref<100000xf32, #tpu.memory_space<hbm>> -> memref<160xf32, #tpu.memory_space<hbm>>
    %dma_wait3A_63 = tpu.memref_slice %arg3[%mul3A_61] : memref<100000xf32, #tpu.memory_space<hbm>> -> memref<160xf32, #tpu.memory_space<hbm>>
    tpu.wait_dma2 semaphore(%arg15 : memref<!tpu.dma_semaphore, #tpu.memory_space<semaphore_mem>>) src(%dma_wait3A_63 : memref<160xf32, #tpu.memory_space<hbm>>) dst(%arg8 : memref<160xf32, #tpu.memory_space<vmem>>)
    %parallel_loop3A = arith.constant 0 : i32
    %parallel_loop3A_64 = arith.constant 10 : i32
    %parallel_loop3A_65 = arith.constant 1 : i32
    scf.for %parallel_loop3A_103 = %parallel_loop3A to %parallel_loop3A_64 step %parallel_loop3A_65  : i32 {
      %parallel_loop3A_104 = arith.constant 16 : i32
      %parallel_loop3A_105 = arith.muli %parallel_loop3A_103, %parallel_loop3A_104 : i32
      %parallel_loop3A_106 = arith.index_cast %parallel_loop3A_105 : i32 to index
      %parallel_loop3A_107 = tpu.vector_load %arg8[%parallel_loop3A_106] {strides = array<i32>} : memref<160xf32, #tpu.memory_space<vmem>>, vector<16xf32>,
      %parallel_loop3A_108 = vector.shape_cast %parallel_loop3A_107 : vector<16xf32> to vector<16xf32>
      %parallel_loop3A_109 = vector.extract_strided_slice %parallel_loop3A_108 {offsets = [0], sizes = [1], strides = [1]} : vector<16xf32> to vector<1xf32>
      %parallel_loop3A_110 = vector.extract %parallel_loop3A_109[0] : f32 from vector<1xf32>
      %parallel_loop3A_111 = vector.broadcast %parallel_loop3A_110 : f32 to vector<16xf32>
      %parallel_loop3A_112 = arith.constant 0 : i32
      %parallel_loop3A_113 = arith.addi %parallel_loop3A_105, %parallel_loop3A_112 : i32
      %parallel_loop3A_114 = arith.constant 16 : i32
      %parallel_loop3A_115 = arith.muli %parallel_loop3A_113, %parallel_loop3A_114 : i32
      %parallel_loop3A_116 = arith.index_cast %parallel_loop3A_115 : i32 to index
      %parallel_loop3A_117 = tpu.vector_load %arg12[%parallel_loop3A_116] {strides = array<i32>} : memref<2560xf32, #tpu.memory_space<vmem>>, vector<16xf32>,
      %parallel_loop3A_118 = vector.shape_cast %parallel_loop3A_117 : vector<16xf32> to vector<16xf32>
      %parallel_loop3A_119 = vector.shape_cast %parallel_loop3A_111 : vector<16xf32> to vector<16xf32>
      tpu.vector_store %arg12[%parallel_loop3A_116], %parallel_loop3A_119 {strides = array<i32>} : memref<2560xf32, #tpu.memory_space<vmem>>, vector<16xf32>,
      %parallel_loop3A_120 = vector.extract_strided_slice %parallel_loop3A_108 {offsets = [1], sizes = [1], strides = [1]} : vector<16xf32> to vector<1xf32>
      %parallel_loop3A_121 = vector.extract %parallel_loop3A_120[0] : f32 from vector<1xf32>
      %parallel_loop3A_122 = vector.broadcast %parallel_loop3A_121 : f32 to vector<16xf32>
      %parallel_loop3A_123 = arith.constant 1 : i32
      %parallel_loop3A_124 = arith.addi %parallel_loop3A_105, %parallel_loop3A_123 : i32
      %parallel_loop3A_125 = arith.constant 16 : i32
      %parallel_loop3A_126 = arith.muli %parallel_loop3A_124, %parallel_loop3A_125 : i32
      %parallel_loop3A_127 = arith.index_cast %parallel_loop3A_126 : i32 to index
      %parallel_loop3A_128 = tpu.vector_load %arg12[%parallel_loop3A_127] {strides = array<i32>} : memref<2560xf32, #tpu.memory_space<vmem>>, vector<16xf32>,
      %parallel_loop3A_129 = vector.shape_cast %parallel_loop3A_128 : vector<16xf32> to vector<16xf32>
      %parallel_loop3A_130 = vector.shape_cast %parallel_loop3A_122 : vector<16xf32> to vector<16xf32>
      tpu.vector_store %arg12[%parallel_loop3A_127], %parallel_loop3A_130 {strides = array<i32>} : memref<2560xf32, #tpu.memory_space<vmem>>, vector<16xf32>,
      %parallel_loop3A_131 = vector.extract_strided_slice %parallel_loop3A_108 {offsets = [2], sizes = [1], strides = [1]} : vector<16xf32> to vector<1xf32>
      %parallel_loop3A_132 = vector.extract %parallel_loop3A_131[0] : f32 from vector<1xf32>
      %parallel_loop3A_133 = vector.broadcast %parallel_loop3A_132 : f32 to vector<16xf32>
      %parallel_loop3A_134 = arith.constant 2 : i32
      %parallel_loop3A_135 = arith.addi %parallel_loop3A_105, %parallel_loop3A_134 : i32
      %parallel_loop3A_136 = arith.constant 16 : i32
      %parallel_loop3A_137 = arith.muli %parallel_loop3A_135, %parallel_loop3A_136 : i32
      %parallel_loop3A_138 = arith.index_cast %parallel_loop3A_137 : i32 to index
      %parallel_loop3A_139 = tpu.vector_load %arg12[%parallel_loop3A_138] {strides = array<i32>} : memref<2560xf32, #tpu.memory_space<vmem>>, vector<16xf32>,
      %parallel_loop3A_140 = vector.shape_cast %parallel_loop3A_139 : vector<16xf32> to vector<16xf32>
      %parallel_loop3A_141 = vector.shape_cast %parallel_loop3A_133 : vector<16xf32> to vector<16xf32>
      tpu.vector_store %arg12[%parallel_loop3A_138], %parallel_loop3A_141 {strides = array<i32>} : memref<2560xf32, #tpu.memory_space<vmem>>, vector<16xf32>,
      %parallel_loop3A_142 = vector.extract_strided_slice %parallel_loop3A_108 {offsets = [3], sizes = [1], strides = [1]} : vector<16xf32> to vector<1xf32>
      %parallel_loop3A_143 = vector.extract %parallel_loop3A_142[0] : f32 from vector<1xf32>
      %parallel_loop3A_144 = vector.broadcast %parallel_loop3A_143 : f32 to vector<16xf32>
      %parallel_loop3A_145 = arith.constant 3 : i32
      %parallel_loop3A_146 = arith.addi %parallel_loop3A_105, %parallel_loop3A_145 : i32
      %parallel_loop3A_147 = arith.constant 16 : i32
      %parallel_loop3A_148 = arith.muli %parallel_loop3A_146, %parallel_loop3A_147 : i32
      %parallel_loop3A_149 = arith.index_cast %parallel_loop3A_148 : i32 to index
      %parallel_loop3A_150 = tpu.vector_load %arg12[%parallel_loop3A_149] {strides = array<i32>} : memref<2560xf32, #tpu.memory_space<vmem>>, vector<16xf32>,
      %parallel_loop3A_151 = vector.shape_cast %parallel_loop3A_150 : vector<16xf32> to vector<16xf32>
      %parallel_loop3A_152 = vector.shape_cast %parallel_loop3A_144 : vector<16xf32> to vector<16xf32>
      tpu.vector_store %arg12[%parallel_loop3A_149], %parallel_loop3A_152 {strides = array<i32>} : memref<2560xf32, #tpu.memory_space<vmem>>, vector<16xf32>,
      %parallel_loop3A_153 = vector.extract_strided_slice %parallel_loop3A_108 {offsets = [4], sizes = [1], strides = [1]} : vector<16xf32> to vector<1xf32>
      %parallel_loop3A_154 = vector.extract %parallel_loop3A_153[0] : f32 from vector<1xf32>
      %parallel_loop3A_155 = vector.broadcast %parallel_loop3A_154 : f32 to vector<16xf32>
      %parallel_loop3A_156 = arith.constant 4 : i32
      %parallel_loop3A_157 = arith.addi %parallel_loop3A_105, %parallel_loop3A_156 : i32
      %parallel_loop3A_158 = arith.constant 16 : i32
      %parallel_loop3A_159 = arith.muli %parallel_loop3A_157, %parallel_loop3A_158 : i32
      %parallel_loop3A_160 = arith.index_cast %parallel_loop3A_159 : i32 to index
      %parallel_loop3A_161 = tpu.vector_load %arg12[%parallel_loop3A_160] {strides = array<i32>} : memref<2560xf32, #tpu.memory_space<vmem>>, vector<16xf32>,
      %parallel_loop3A_162 = vector.shape_cast %parallel_loop3A_161 : vector<16xf32> to vector<16xf32>
      %parallel_loop3A_163 = vector.shape_cast %parallel_loop3A_155 : vector<16xf32> to vector<16xf32>
      tpu.vector_store %arg12[%parallel_loop3A_160], %parallel_loop3A_163 {strides = array<i32>} : memref<2560xf32, #tpu.memory_space<vmem>>, vector<16xf32>,
      %parallel_loop3A_164 = vector.extract_strided_slice %parallel_loop3A_108 {offsets = [5], sizes = [1], strides = [1]} : vector<16xf32> to vector<1xf32>
      %parallel_loop3A_165 = vector.extract %parallel_loop3A_164[0] : f32 from vector<1xf32>
      %parallel_loop3A_166 = vector.broadcast %parallel_loop3A_165 : f32 to vector<16xf32>
      %parallel_loop3A_167 = arith.constant 5 : i32
      %parallel_loop3A_168 = arith.addi %parallel_loop3A_105, %parallel_loop3A_167 : i32
      %parallel_loop3A_169 = arith.constant 16 : i32
      %parallel_loop3A_170 = arith.muli %parallel_loop3A_168, %parallel_loop3A_169 : i32
      %parallel_loop3A_171 = arith.index_cast %parallel_loop3A_170 : i32 to index
      %parallel_loop3A_172 = tpu.vector_load %arg12[%parallel_loop3A_171] {strides = array<i32>} : memref<2560xf32, #tpu.memory_space<vmem>>, vector<16xf32>,
      %parallel_loop3A_173 = vector.shape_cast %parallel_loop3A_172 : vector<16xf32> to vector<16xf32>
      %parallel_loop3A_174 = vector.shape_cast %parallel_loop3A_166 : vector<16xf32> to vector<16xf32>
      tpu.vector_store %arg12[%parallel_loop3A_171], %parallel_loop3A_174 {strides = array<i32>} : memref<2560xf32, #tpu.memory_space<vmem>>, vector<16xf32>,
      %parallel_loop3A_175 = vector.extract_strided_slice %parallel_loop3A_108 {offsets = [6], sizes = [1], strides = [1]} : vector<16xf32> to vector<1xf32>
      %parallel_loop3A_176 = vector.extract %parallel_loop3A_175[0] : f32 from vector<1xf32>
      %parallel_loop3A_177 = vector.broadcast %parallel_loop3A_176 : f32 to vector<16xf32>
      %parallel_loop3A_178 = arith.constant 6 : i32
      %parallel_loop3A_179 = arith.addi %parallel_loop3A_105, %parallel_loop3A_178 : i32
      %parallel_loop3A_180 = arith.constant 16 : i32
      %parallel_loop3A_181 = arith.muli %parallel_loop3A_179, %parallel_loop3A_180 : i32
      %parallel_loop3A_182 = arith.index_cast %parallel_loop3A_181 : i32 to index
      %parallel_loop3A_183 = tpu.vector_load %arg12[%parallel_loop3A_182] {strides = array<i32>} : memref<2560xf32, #tpu.memory_space<vmem>>, vector<16xf32>,
      %parallel_loop3A_184 = vector.shape_cast %parallel_loop3A_183 : vector<16xf32> to vector<16xf32>
      %parallel_loop3A_185 = vector.shape_cast %parallel_loop3A_177 : vector<16xf32> to vector<16xf32>
      tpu.vector_store %arg12[%parallel_loop3A_182], %parallel_loop3A_185 {strides = array<i32>} : memref<2560xf32, #tpu.memory_space<vmem>>, vector<16xf32>,
      %parallel_loop3A_186 = vector.extract_strided_slice %parallel_loop3A_108 {offsets = [7], sizes = [1], strides = [1]} : vector<16xf32> to vector<1xf32>
      %parallel_loop3A_187 = vector.extract %parallel_loop3A_186[0] : f32 from vector<1xf32>
      %parallel_loop3A_188 = vector.broadcast %parallel_loop3A_187 : f32 to vector<16xf32>
      %parallel_loop3A_189 = arith.constant 7 : i32
      %parallel_loop3A_190 = arith.addi %parallel_loop3A_105, %parallel_loop3A_189 : i32
      %parallel_loop3A_191 = arith.constant 16 : i32
      %parallel_loop3A_192 = arith.muli %parallel_loop3A_190, %parallel_loop3A_191 : i32
      %parallel_loop3A_193 = arith.index_cast %parallel_loop3A_192 : i32 to index
      %parallel_loop3A_194 = tpu.vector_load %arg12[%parallel_loop3A_193] {strides = array<i32>} : memref<2560xf32, #tpu.memory_space<vmem>>, vector<16xf32>,
      %parallel_loop3A_195 = vector.shape_cast %parallel_loop3A_194 : vector<16xf32> to vector<16xf32>
      %parallel_loop3A_196 = vector.shape_cast %parallel_loop3A_188 : vector<16xf32> to vector<16xf32>
      tpu.vector_store %arg12[%parallel_loop3A_193], %parallel_loop3A_196 {strides = array<i32>} : memref<2560xf32, #tpu.memory_space<vmem>>, vector<16xf32>,
      %parallel_loop3A_197 = vector.extract_strided_slice %parallel_loop3A_108 {offsets = [8], sizes = [1], strides = [1]} : vector<16xf32> to vector<1xf32>
      %parallel_loop3A_198 = vector.extract %parallel_loop3A_197[0] : f32 from vector<1xf32>
      %parallel_loop3A_199 = vector.broadcast %parallel_loop3A_198 : f32 to vector<16xf32>
      %parallel_loop3A_200 = arith.constant 8 : i32
      %parallel_loop3A_201 = arith.addi %parallel_loop3A_105, %parallel_loop3A_200 : i32
      %parallel_loop3A_202 = arith.constant 16 : i32
      %parallel_loop3A_203 = arith.muli %parallel_loop3A_201, %parallel_loop3A_202 : i32
      %parallel_loop3A_204 = arith.index_cast %parallel_loop3A_203 : i32 to index
      %parallel_loop3A_205 = tpu.vector_load %arg12[%parallel_loop3A_204] {strides = array<i32>} : memref<2560xf32, #tpu.memory_space<vmem>>, vector<16xf32>,
      %parallel_loop3A_206 = vector.shape_cast %parallel_loop3A_205 : vector<16xf32> to vector<16xf32>
      %parallel_loop3A_207 = vector.shape_cast %parallel_loop3A_199 : vector<16xf32> to vector<16xf32>
      tpu.vector_store %arg12[%parallel_loop3A_204], %parallel_loop3A_207 {strides = array<i32>} : memref<2560xf32, #tpu.memory_space<vmem>>, vector<16xf32>,
      %parallel_loop3A_208 = vector.extract_strided_slice %parallel_loop3A_108 {offsets = [9], sizes = [1], strides = [1]} : vector<16xf32> to vector<1xf32>
      %parallel_loop3A_209 = vector.extract %parallel_loop3A_208[0] : f32 from vector<1xf32>
      %parallel_loop3A_210 = vector.broadcast %parallel_loop3A_209 : f32 to vector<16xf32>
      %parallel_loop3A_211 = arith.constant 9 : i32
      %parallel_loop3A_212 = arith.addi %parallel_loop3A_105, %parallel_loop3A_211 : i32
      %parallel_loop3A_213 = arith.constant 16 : i32
      %parallel_loop3A_214 = arith.muli %parallel_loop3A_212, %parallel_loop3A_213 : i32
      %parallel_loop3A_215 = arith.index_cast %parallel_loop3A_214 : i32 to index
      %parallel_loop3A_216 = tpu.vector_load %arg12[%parallel_loop3A_215] {strides = array<i32>} : memref<2560xf32, #tpu.memory_space<vmem>>, vector<16xf32>,
      %parallel_loop3A_217 = vector.shape_cast %parallel_loop3A_216 : vector<16xf32> to vector<16xf32>
      %parallel_loop3A_218 = vector.shape_cast %parallel_loop3A_210 : vector<16xf32> to vector<16xf32>
      tpu.vector_store %arg12[%parallel_loop3A_215], %parallel_loop3A_218 {strides = array<i32>} : memref<2560xf32, #tpu.memory_space<vmem>>, vector<16xf32>,
      %parallel_loop3A_219 = vector.extract_strided_slice %parallel_loop3A_108 {offsets = [10], sizes = [1], strides = [1]} : vector<16xf32> to vector<1xf32>
      %parallel_loop3A_220 = vector.extract %parallel_loop3A_219[0] : f32 from vector<1xf32>
      %parallel_loop3A_221 = vector.broadcast %parallel_loop3A_220 : f32 to vector<16xf32>
      %parallel_loop3A_222 = arith.constant 10 : i32
      %parallel_loop3A_223 = arith.addi %parallel_loop3A_105, %parallel_loop3A_222 : i32
      %parallel_loop3A_224 = arith.constant 16 : i32
      %parallel_loop3A_225 = arith.muli %parallel_loop3A_223, %parallel_loop3A_224 : i32
      %parallel_loop3A_226 = arith.index_cast %parallel_loop3A_225 : i32 to index
      %parallel_loop3A_227 = tpu.vector_load %arg12[%parallel_loop3A_226] {strides = array<i32>} : memref<2560xf32, #tpu.memory_space<vmem>>, vector<16xf32>,
      %parallel_loop3A_228 = vector.shape_cast %parallel_loop3A_227 : vector<16xf32> to vector<16xf32>
      %parallel_loop3A_229 = vector.shape_cast %parallel_loop3A_221 : vector<16xf32> to vector<16xf32>
      tpu.vector_store %arg12[%parallel_loop3A_226], %parallel_loop3A_229 {strides = array<i32>} : memref<2560xf32, #tpu.memory_space<vmem>>, vector<16xf32>,
      %parallel_loop3A_230 = vector.extract_strided_slice %parallel_loop3A_108 {offsets = [11], sizes = [1], strides = [1]} : vector<16xf32> to vector<1xf32>
      %parallel_loop3A_231 = vector.extract %parallel_loop3A_230[0] : f32 from vector<1xf32>
      %parallel_loop3A_232 = vector.broadcast %parallel_loop3A_231 : f32 to vector<16xf32>
      %parallel_loop3A_233 = arith.constant 11 : i32
      %parallel_loop3A_234 = arith.addi %parallel_loop3A_105, %parallel_loop3A_233 : i32
      %parallel_loop3A_235 = arith.constant 16 : i32
      %parallel_loop3A_236 = arith.muli %parallel_loop3A_234, %parallel_loop3A_235 : i32
      %parallel_loop3A_237 = arith.index_cast %parallel_loop3A_236 : i32 to index
      %parallel_loop3A_238 = tpu.vector_load %arg12[%parallel_loop3A_237] {strides = array<i32>} : memref<2560xf32, #tpu.memory_space<vmem>>, vector<16xf32>,
      %parallel_loop3A_239 = vector.shape_cast %parallel_loop3A_238 : vector<16xf32> to vector<16xf32>
      %parallel_loop3A_240 = vector.shape_cast %parallel_loop3A_232 : vector<16xf32> to vector<16xf32>
      tpu.vector_store %arg12[%parallel_loop3A_237], %parallel_loop3A_240 {strides = array<i32>} : memref<2560xf32, #tpu.memory_space<vmem>>, vector<16xf32>,
      %parallel_loop3A_241 = vector.extract_strided_slice %parallel_loop3A_108 {offsets = [12], sizes = [1], strides = [1]} : vector<16xf32> to vector<1xf32>
      %parallel_loop3A_242 = vector.extract %parallel_loop3A_241[0] : f32 from vector<1xf32>
      %parallel_loop3A_243 = vector.broadcast %parallel_loop3A_242 : f32 to vector<16xf32>
      %parallel_loop3A_244 = arith.constant 12 : i32
      %parallel_loop3A_245 = arith.addi %parallel_loop3A_105, %parallel_loop3A_244 : i32
      %parallel_loop3A_246 = arith.constant 16 : i32
      %parallel_loop3A_247 = arith.muli %parallel_loop3A_245, %parallel_loop3A_246 : i32
      %parallel_loop3A_248 = arith.index_cast %parallel_loop3A_247 : i32 to index
      %parallel_loop3A_249 = tpu.vector_load %arg12[%parallel_loop3A_248] {strides = array<i32>} : memref<2560xf32, #tpu.memory_space<vmem>>, vector<16xf32>,
      %parallel_loop3A_250 = vector.shape_cast %parallel_loop3A_249 : vector<16xf32> to vector<16xf32>
      %parallel_loop3A_251 = vector.shape_cast %parallel_loop3A_243 : vector<16xf32> to vector<16xf32>
      tpu.vector_store %arg12[%parallel_loop3A_248], %parallel_loop3A_251 {strides = array<i32>} : memref<2560xf32, #tpu.memory_space<vmem>>, vector<16xf32>,
      %parallel_loop3A_252 = vector.extract_strided_slice %parallel_loop3A_108 {offsets = [13], sizes = [1], strides = [1]} : vector<16xf32> to vector<1xf32>
      %parallel_loop3A_253 = vector.extract %parallel_loop3A_252[0] : f32 from vector<1xf32>
      %parallel_loop3A_254 = vector.broadcast %parallel_loop3A_253 : f32 to vector<16xf32>
      %parallel_loop3A_255 = arith.constant 13 : i32
      %parallel_loop3A_256 = arith.addi %parallel_loop3A_105, %parallel_loop3A_255 : i32
      %parallel_loop3A_257 = arith.constant 16 : i32
      %parallel_loop3A_258 = arith.muli %parallel_loop3A_256, %parallel_loop3A_257 : i32
      %parallel_loop3A_259 = arith.index_cast %parallel_loop3A_258 : i32 to index
      %parallel_loop3A_260 = tpu.vector_load %arg12[%parallel_loop3A_259] {strides = array<i32>} : memref<2560xf32, #tpu.memory_space<vmem>>, vector<16xf32>,
      %parallel_loop3A_261 = vector.shape_cast %parallel_loop3A_260 : vector<16xf32> to vector<16xf32>
      %parallel_loop3A_262 = vector.shape_cast %parallel_loop3A_254 : vector<16xf32> to vector<16xf32>
      tpu.vector_store %arg12[%parallel_loop3A_259], %parallel_loop3A_262 {strides = array<i32>} : memref<2560xf32, #tpu.memory_space<vmem>>, vector<16xf32>,
      %parallel_loop3A_263 = vector.extract_strided_slice %parallel_loop3A_108 {offsets = [14], sizes = [1], strides = [1]} : vector<16xf32> to vector<1xf32>
      %parallel_loop3A_264 = vector.extract %parallel_loop3A_263[0] : f32 from vector<1xf32>
      %parallel_loop3A_265 = vector.broadcast %parallel_loop3A_264 : f32 to vector<16xf32>
      %parallel_loop3A_266 = arith.constant 14 : i32
      %parallel_loop3A_267 = arith.addi %parallel_loop3A_105, %parallel_loop3A_266 : i32
      %parallel_loop3A_268 = arith.constant 16 : i32
      %parallel_loop3A_269 = arith.muli %parallel_loop3A_267, %parallel_loop3A_268 : i32
      %parallel_loop3A_270 = arith.index_cast %parallel_loop3A_269 : i32 to index
      %parallel_loop3A_271 = tpu.vector_load %arg12[%parallel_loop3A_270] {strides = array<i32>} : memref<2560xf32, #tpu.memory_space<vmem>>, vector<16xf32>,
      %parallel_loop3A_272 = vector.shape_cast %parallel_loop3A_271 : vector<16xf32> to vector<16xf32>
      %parallel_loop3A_273 = vector.shape_cast %parallel_loop3A_265 : vector<16xf32> to vector<16xf32>
      tpu.vector_store %arg12[%parallel_loop3A_270], %parallel_loop3A_273 {strides = array<i32>} : memref<2560xf32, #tpu.memory_space<vmem>>, vector<16xf32>,
      %parallel_loop3A_274 = vector.extract_strided_slice %parallel_loop3A_108 {offsets = [15], sizes = [1], strides = [1]} : vector<16xf32> to vector<1xf32>
      %parallel_loop3A_275 = vector.extract %parallel_loop3A_274[0] : f32 from vector<1xf32>
      %parallel_loop3A_276 = vector.broadcast %parallel_loop3A_275 : f32 to vector<16xf32>
      %parallel_loop3A_277 = arith.constant 15 : i32
      %parallel_loop3A_278 = arith.addi %parallel_loop3A_105, %parallel_loop3A_277 : i32
      %parallel_loop3A_279 = arith.constant 16 : i32
      %parallel_loop3A_280 = arith.muli %parallel_loop3A_278, %parallel_loop3A_279 : i32
      %parallel_loop3A_281 = arith.index_cast %parallel_loop3A_280 : i32 to index
      %parallel_loop3A_282 = tpu.vector_load %arg12[%parallel_loop3A_281] {strides = array<i32>} : memref<2560xf32, #tpu.memory_space<vmem>>, vector<16xf32>,
      %parallel_loop3A_283 = vector.shape_cast %parallel_loop3A_282 : vector<16xf32> to vector<16xf32>
      %parallel_loop3A_284 = vector.shape_cast %parallel_loop3A_276 : vector<16xf32> to vector<16xf32>
      tpu.vector_store %arg12[%parallel_loop3A_281], %parallel_loop3A_284 {strides = array<i32>} : memref<2560xf32, #tpu.memory_space<vmem>>, vector<16xf32>,
    } {sc.loop_unroll_factor = 2 : i64, sc.parallel_access}
    %parallel_loop3A_66 = arith.constant 0 : i32
    %parallel_loop3A_67 = arith.constant 160 : i32
    %parallel_loop3A_68 = arith.constant 1 : i32
    scf.for %parallel_loop3A_103 = %parallel_loop3A_66 to %parallel_loop3A_67 step %parallel_loop3A_68  : i32 {
      %parallel_loop3A_104 = arith.constant 16 : i32
      %parallel_loop3A_105 = arith.muli %parallel_loop3A_103, %parallel_loop3A_104 : i32
      %parallel_loop3A_106 = arith.index_cast %parallel_loop3A_105 : i32 to index
      %parallel_loop3A_107 = tpu.vector_load %arg12[%parallel_loop3A_106] {strides = array<i32>} : memref<2560xf32, #tpu.memory_space<vmem>>, vector<16xf32>,
      %parallel_loop3A_108 = vector.shape_cast %parallel_loop3A_107 : vector<16xf32> to vector<16xf32>
      %parallel_loop3A_109 = arith.constant 0.000000e+00 : f32
      %parallel_loop3A_110 = vector.broadcast %parallel_loop3A_109 : f32 to vector<16xf32>
      %parallel_loop3A_111 = arith.cmpf one, %parallel_loop3A_108, %parallel_loop3A_110 : vector<16xf32>
      %parallel_loop3A_112 = arith.index_cast %parallel_loop3A_103 : i32 to index
      %parallel_loop3A_113 = arith.constant 0 : index
      %parallel_loop3A_114 = tpu.vector_load %arg6[%parallel_loop3A_112, %parallel_loop3A_113] {strides = array<i32>} : memref<160x128xf32, #tpu.memory_space<vmem>>, vector<1x16xf32>,
      %parallel_loop3A_115 = vector.shape_cast %parallel_loop3A_114 : vector<1x16xf32> to vector<16xf32>
      %parallel_loop3A_116 = arith.mulf %parallel_loop3A_115, %get3A_2 : vector<16xf32>
      %parallel_loop3A_117 = arith.select %parallel_loop3A_111, %parallel_loop3A_116, %parallel_loop3A_115 : vector<16xi1>, vector<16xf32>
      %parallel_loop3A_118 = arith.index_cast %parallel_loop3A_103 : i32 to index
      %parallel_loop3A_119 = arith.constant 0 : index
      %parallel_loop3A_120 = tpu.vector_load %arg10[%parallel_loop3A_118, %parallel_loop3A_119] {strides = array<i32>} : memref<160x128xf32, #tpu.memory_space<vmem>>, vector<1x16xf32>,
      %parallel_loop3A_121 = vector.shape_cast %parallel_loop3A_120 : vector<1x16xf32> to vector<16xf32>
      %parallel_loop3A_122 = vector.shape_cast %parallel_loop3A_117 : vector<16xf32> to vector<1x16xf32>
      tpu.vector_store %arg10[%parallel_loop3A_118, %parallel_loop3A_119], %parallel_loop3A_122 {strides = array<i32>} : memref<160x128xf32, #tpu.memory_space<vmem>>, vector<1x16xf32>,
      %parallel_loop3A_123 = arith.index_cast %parallel_loop3A_103 : i32 to index
      %parallel_loop3A_124 = arith.constant 16 : index
      %parallel_loop3A_125 = tpu.vector_load %arg6[%parallel_loop3A_123, %parallel_loop3A_124] {strides = array<i32>} : memref<160x128xf32, #tpu.memory_space<vmem>>, vector<1x16xf32>,
      %parallel_loop3A_126 = vector.shape_cast %parallel_loop3A_125 : vector<1x16xf32> to vector<16xf32>
      %parallel_loop3A_127 = arith.mulf %parallel_loop3A_126, %get3A_5 : vector<16xf32>
      %parallel_loop3A_128 = arith.select %parallel_loop3A_111, %parallel_loop3A_127, %parallel_loop3A_126 : vector<16xi1>, vector<16xf32>
      %parallel_loop3A_129 = arith.index_cast %parallel_loop3A_103 : i32 to index
      %parallel_loop3A_130 = arith.constant 16 : index
      %parallel_loop3A_131 = tpu.vector_load %arg10[%parallel_loop3A_129, %parallel_loop3A_130] {strides = array<i32>} : memref<160x128xf32, #tpu.memory_space<vmem>>, vector<1x16xf32>,
      %parallel_loop3A_132 = vector.shape_cast %parallel_loop3A_131 : vector<1x16xf32> to vector<16xf32>
      %parallel_loop3A_133 = vector.shape_cast %parallel_loop3A_128 : vector<16xf32> to vector<1x16xf32>
      tpu.vector_store %arg10[%parallel_loop3A_129, %parallel_loop3A_130], %parallel_loop3A_133 {strides = array<i32>} : memref<160x128xf32, #tpu.memory_space<vmem>>, vector<1x16xf32>,
      %parallel_loop3A_134 = arith.index_cast %parallel_loop3A_103 : i32 to index
      %parallel_loop3A_135 = arith.constant 32 : index
      %parallel_loop3A_136 = tpu.vector_load %arg6[%parallel_loop3A_134, %parallel_loop3A_135] {strides = array<i32>} : memref<160x128xf32, #tpu.memory_space<vmem>>, vector<1x16xf32>,
      %parallel_loop3A_137 = vector.shape_cast %parallel_loop3A_136 : vector<1x16xf32> to vector<16xf32>
      %parallel_loop3A_138 = arith.mulf %parallel_loop3A_137, %get3A_8 : vector<16xf32>
      %parallel_loop3A_139 = arith.select %parallel_loop3A_111, %parallel_loop3A_138, %parallel_loop3A_137 : vector<16xi1>, vector<16xf32>
      %parallel_loop3A_140 = arith.index_cast %parallel_loop3A_103 : i32 to index
      %parallel_loop3A_141 = arith.constant 32 : index
      %parallel_loop3A_142 = tpu.vector_load %arg10[%parallel_loop3A_140, %parallel_loop3A_141] {strides = array<i32>} : memref<160x128xf32, #tpu.memory_space<vmem>>, vector<1x16xf32>,
      %parallel_loop3A_143 = vector.shape_cast %parallel_loop3A_142 : vector<1x16xf32> to vector<16xf32>
      %parallel_loop3A_144 = vector.shape_cast %parallel_loop3A_139 : vector<16xf32> to vector<1x16xf32>
      tpu.vector_store %arg10[%parallel_loop3A_140, %parallel_loop3A_141], %parallel_loop3A_144 {strides = array<i32>} : memref<160x128xf32, #tpu.memory_space<vmem>>, vector<1x16xf32>,
      %parallel_loop3A_145 = arith.index_cast %parallel_loop3A_103 : i32 to index
      %parallel_loop3A_146 = arith.constant 48 : index
      %parallel_loop3A_147 = tpu.vector_load %arg6[%parallel_loop3A_145, %parallel_loop3A_146] {strides = array<i32>} : memref<160x128xf32, #tpu.memory_space<vmem>>, vector<1x16xf32>,
      %parallel_loop3A_148 = vector.shape_cast %parallel_loop3A_147 : vector<1x16xf32> to vector<16xf32>
      %parallel_loop3A_149 = arith.mulf %parallel_loop3A_148, %get3A_11 : vector<16xf32>
      %parallel_loop3A_150 = arith.select %parallel_loop3A_111, %parallel_loop3A_149, %parallel_loop3A_148 : vector<16xi1>, vector<16xf32>
      %parallel_loop3A_151 = arith.index_cast %parallel_loop3A_103 : i32 to index
      %parallel_loop3A_152 = arith.constant 48 : index
      %parallel_loop3A_153 = tpu.vector_load %arg10[%parallel_loop3A_151, %parallel_loop3A_152] {strides = array<i32>} : memref<160x128xf32, #tpu.memory_space<vmem>>, vector<1x16xf32>,
      %parallel_loop3A_154 = vector.shape_cast %parallel_loop3A_153 : vector<1x16xf32> to vector<16xf32>
      %parallel_loop3A_155 = vector.shape_cast %parallel_loop3A_150 : vector<16xf32> to vector<1x16xf32>
      tpu.vector_store %arg10[%parallel_loop3A_151, %parallel_loop3A_152], %parallel_loop3A_155 {strides = array<i32>} : memref<160x128xf32, #tpu.memory_space<vmem>>, vector<1x16xf32>,
      %parallel_loop3A_156 = arith.index_cast %parallel_loop3A_103 : i32 to index
      %parallel_loop3A_157 = arith.constant 64 : index
      %parallel_loop3A_158 = tpu.vector_load %arg6[%parallel_loop3A_156, %parallel_loop3A_157] {strides = array<i32>} : memref<160x128xf32, #tpu.memory_space<vmem>>, vector<1x16xf32>,
      %parallel_loop3A_159 = vector.shape_cast %parallel_loop3A_158 : vector<1x16xf32> to vector<16xf32>
      %parallel_loop3A_160 = arith.mulf %parallel_loop3A_159, %get3A_14 : vector<16xf32>
      %parallel_loop3A_161 = arith.select %parallel_loop3A_111, %parallel_loop3A_160, %parallel_loop3A_159 : vector<16xi1>, vector<16xf32>
      %parallel_loop3A_162 = arith.index_cast %parallel_loop3A_103 : i32 to index
      %parallel_loop3A_163 = arith.constant 64 : index
      %parallel_loop3A_164 = tpu.vector_load %arg10[%parallel_loop3A_162, %parallel_loop3A_163] {strides = array<i32>} : memref<160x128xf32, #tpu.memory_space<vmem>>, vector<1x16xf32>,
      %parallel_loop3A_165 = vector.shape_cast %parallel_loop3A_164 : vector<1x16xf32> to vector<16xf32>
      %parallel_loop3A_166 = vector.shape_cast %parallel_loop3A_161 : vector<16xf32> to vector<1x16xf32>
      tpu.vector_store %arg10[%parallel_loop3A_162, %parallel_loop3A_163], %parallel_loop3A_166 {strides = array<i32>} : memref<160x128xf32, #tpu.memory_space<vmem>>, vector<1x16xf32>,
      %parallel_loop3A_167 = arith.index_cast %parallel_loop3A_103 : i32 to index
      %parallel_loop3A_168 = arith.constant 80 : index
      %parallel_loop3A_169 = tpu.vector_load %arg6[%parallel_loop3A_167, %parallel_loop3A_168] {strides = array<i32>} : memref<160x128xf32, #tpu.memory_space<vmem>>, vector<1x16xf32>,
      %parallel_loop3A_170 = vector.shape_cast %parallel_loop3A_169 : vector<1x16xf32> to vector<16xf32>
      %parallel_loop3A_171 = arith.mulf %parallel_loop3A_170, %get3A_17 : vector<16xf32>
      %parallel_loop3A_172 = arith.select %parallel_loop3A_111, %parallel_loop3A_171, %parallel_loop3A_170 : vector<16xi1>, vector<16xf32>
      %parallel_loop3A_173 = arith.index_cast %parallel_loop3A_103 : i32 to index
      %parallel_loop3A_174 = arith.constant 80 : index
      %parallel_loop3A_175 = tpu.vector_load %arg10[%parallel_loop3A_173, %parallel_loop3A_174] {strides = array<i32>} : memref<160x128xf32, #tpu.memory_space<vmem>>, vector<1x16xf32>,
      %parallel_loop3A_176 = vector.shape_cast %parallel_loop3A_175 : vector<1x16xf32> to vector<16xf32>
      %parallel_loop3A_177 = vector.shape_cast %parallel_loop3A_172 : vector<16xf32> to vector<1x16xf32>
      tpu.vector_store %arg10[%parallel_loop3A_173, %parallel_loop3A_174], %parallel_loop3A_177 {strides = array<i32>} : memref<160x128xf32, #tpu.memory_space<vmem>>, vector<1x16xf32>,
      %parallel_loop3A_178 = arith.index_cast %parallel_loop3A_103 : i32 to index
      %parallel_loop3A_179 = arith.constant 96 : index
      %parallel_loop3A_180 = tpu.vector_load %arg6[%parallel_loop3A_178, %parallel_loop3A_179] {strides = array<i32>} : memref<160x128xf32, #tpu.memory_space<vmem>>, vector<1x16xf32>,
      %parallel_loop3A_181 = vector.shape_cast %parallel_loop3A_180 : vector<1x16xf32> to vector<16xf32>
      %parallel_loop3A_182 = arith.mulf %parallel_loop3A_181, %get3A_20 : vector<16xf32>
      %parallel_loop3A_183 = arith.select %parallel_loop3A_111, %parallel_loop3A_182, %parallel_loop3A_181 : vector<16xi1>, vector<16xf32>
      %parallel_loop3A_184 = arith.index_cast %parallel_loop3A_103 : i32 to index
      %parallel_loop3A_185 = arith.constant 96 : index
      %parallel_loop3A_186 = tpu.vector_load %arg10[%parallel_loop3A_184, %parallel_loop3A_185] {strides = array<i32>} : memref<160x128xf32, #tpu.memory_space<vmem>>, vector<1x16xf32>,
      %parallel_loop3A_187 = vector.shape_cast %parallel_loop3A_186 : vector<1x16xf32> to vector<16xf32>
      %parallel_loop3A_188 = vector.shape_cast %parallel_loop3A_183 : vector<16xf32> to vector<1x16xf32>
      tpu.vector_store %arg10[%parallel_loop3A_184, %parallel_loop3A_185], %parallel_loop3A_188 {strides = array<i32>} : memref<160x128xf32, #tpu.memory_space<vmem>>, vector<1x16xf32>,
      %parallel_loop3A_189 = arith.index_cast %parallel_loop3A_103 : i32 to index
      %parallel_loop3A_190 = arith.constant 112 : index
      %parallel_loop3A_191 = tpu.vector_load %arg6[%parallel_loop3A_189, %parallel_loop3A_190] {strides = array<i32>} : memref<160x128xf32, #tpu.memory_space<vmem>>, vector<1x16xf32>,
      %parallel_loop3A_192 = vector.shape_cast %parallel_loop3A_191 : vector<1x16xf32> to vector<16xf32>
      %parallel_loop3A_193 = arith.mulf %parallel_loop3A_192, %get3A_23 : vector<16xf32>
      %parallel_loop3A_194 = arith.select %parallel_loop3A_111, %parallel_loop3A_193, %parallel_loop3A_192 : vector<16xi1>, vector<16xf32>
      %parallel_loop3A_195 = arith.index_cast %parallel_loop3A_103 : i32 to index
      %parallel_loop3A_196 = arith.constant 112 : index
      %parallel_loop3A_197 = tpu.vector_load %arg10[%parallel_loop3A_195, %parallel_loop3A_196] {strides = array<i32>} : memref<160x128xf32, #tpu.memory_space<vmem>>, vector<1x16xf32>,
      %parallel_loop3A_198 = vector.shape_cast %parallel_loop3A_197 : vector<1x16xf32> to vector<16xf32>
      %parallel_loop3A_199 = vector.shape_cast %parallel_loop3A_194 : vector<16xf32> to vector<1x16xf32>
      tpu.vector_store %arg10[%parallel_loop3A_195, %parallel_loop3A_196], %parallel_loop3A_199 {strides = array<i32>} : memref<160x128xf32, #tpu.memory_space<vmem>>, vector<1x16xf32>,
    } {sc.loop_unroll_factor = 10 : i64, sc.parallel_access}
    %add3A_69 = arith.constant 0 : i32
    %add3A_70 = arith.addi %add3A, %add3A_69 : i32
    %mul3A_71 = arith.constant 160 : i32
    %mul3A_72 = arith.muli %add3A_70, %mul3A_71 : i32
    %dma_start3A_73 = arith.constant 0 : i32
    %dma_start3A_74 = tpu.memref_slice %arg5[%mul3A_72, %dma_start3A_73] : memref<100000x128xf32, #tpu.memory_space<hbm>> -> memref<160x128xf32, #tpu.memory_space<hbm>>
    %dma_start3A_75 = arith.constant 0 : i32
    %dma_start3A_76 = tpu.memref_slice %arg5[%mul3A_72, %dma_start3A_75] : memref<100000x128xf32, #tpu.memory_space<hbm>> -> memref<160x128xf32, #tpu.memory_space<hbm>>
    tpu.enqueue_dma source(%arg10 : memref<160x128xf32, #tpu.memory_space<vmem>>) target(%dma_start3A_76 : memref<160x128xf32, #tpu.memory_space<hbm>>) target_semaphore(%arg17 : memref<!tpu.dma_semaphore, #tpu.memory_space<semaphore_mem>>)
    %scan3A = arith.constant 0 : i32
    %scan3A_77 = arith.constant 0 : i32
    %scan3A_78 = arith.constant 9 : i32
    %scan3A_79 = arith.addi %scan3A_77, %scan3A_78 : i32
    %scan3A_80 = arith.constant 1 : i32
    %scan3A_81 = scf.for %scan3A_103 = %scan3A_77 to %scan3A_79 step %scan3A_80 iter_args(%scan3A_104 = %scan3A) -> (i32)  : i32 {
      %mul3A_105 = arith.constant 2 : i32
      %mul3A_106 = arith.muli %mul3A_105, %scan3A_103 : i32
      %add3A_107 = arith.constant 1 : i32
      %add3A_108 = arith.addi %add3A_107, %mul3A_106 : i32
      %mul3A_109 = arith.constant 2 : i32
      %mul3A_110 = arith.muli %mul3A_109, %scan3A_103 : i32
      %add3A_111 = arith.constant 2 : i32
      %add3A_112 = arith.addi %add3A_111, %mul3A_110 : i32
      %add3A_113 = arith.constant 1 : i32
      %add3A_114 = arith.addi %add3A_108, %add3A_113 : i32
      %mul3A_115 = arith.constant 32 : i32
      %mul3A_116 = arith.muli %add3A_114, %mul3A_115 : i32
      %add3A_117 = arith.addi %add3A, %mul3A_116 : i32
      %mul3A_118 = arith.constant 160 : i32
      %mul3A_119 = arith.muli %add3A_117, %mul3A_118 : i32
      %dma_start3A_120 = arith.constant 0 : i32
      %dma_start3A_121 = tpu.memref_slice %arg2[%mul3A_119, %dma_start3A_120] : memref<100000x128xf32, #tpu.memory_space<hbm>> -> memref<160x128xf32, #tpu.memory_space<hbm>>
      %dma_start3A_122 = arith.constant 0 : i32
      %dma_start3A_123 = tpu.memref_slice %arg2[%mul3A_119, %dma_start3A_122] : memref<100000x128xf32, #tpu.memory_space<hbm>> -> memref<160x128xf32, #tpu.memory_space<hbm>>
      tpu.enqueue_dma source(%dma_start3A_123 : memref<160x128xf32, #tpu.memory_space<hbm>>) target(%arg6 : memref<160x128xf32, #tpu.memory_space<vmem>>) target_semaphore(%arg15 : memref<!tpu.dma_semaphore, #tpu.memory_space<semaphore_mem>>)
      %add3A_124 = arith.constant 1 : i32
      %add3A_125 = arith.addi %add3A_108, %add3A_124 : i32
      %mul3A_126 = arith.constant 32 : i32
      %mul3A_127 = arith.muli %add3A_125, %mul3A_126 : i32
      %add3A_128 = arith.addi %add3A, %mul3A_127 : i32
      %mul3A_129 = arith.constant 160 : i32
      %mul3A_130 = arith.muli %add3A_128, %mul3A_129 : i32
      %dma_start3A_131 = tpu.memref_slice %arg3[%mul3A_130] : memref<100000xf32, #tpu.memory_space<hbm>> -> memref<160xf32, #tpu.memory_space<hbm>>
      %dma_start3A_132 = tpu.memref_slice %arg3[%mul3A_130] : memref<100000xf32, #tpu.memory_space<hbm>> -> memref<160xf32, #tpu.memory_space<hbm>>
      tpu.enqueue_dma source(%dma_start3A_132 : memref<160xf32, #tpu.memory_space<hbm>>) target(%arg8 : memref<160xf32, #tpu.memory_space<vmem>>) target_semaphore(%arg15 : memref<!tpu.dma_semaphore, #tpu.memory_space<semaphore_mem>>)
      %mul3A_133 = arith.constant 32 : i32
      %mul3A_134 = arith.muli %add3A_108, %mul3A_133 : i32
      %add3A_135 = arith.addi %add3A, %mul3A_134 : i32
      %mul3A_136 = arith.constant 160 : i32
      %mul3A_137 = arith.muli %add3A_135, %mul3A_136 : i32
      %dma_wait3A_138 = arith.constant 0 : i32
      %dma_wait3A_139 = tpu.memref_slice %arg2[%mul3A_137, %dma_wait3A_138] : memref<100000x128xf32, #tpu.memory_space<hbm>> -> memref<160x128xf32, #tpu.memory_space<hbm>>
      %dma_wait3A_140 = arith.constant 0 : i32
      %dma_wait3A_141 = tpu.memref_slice %arg2[%mul3A_137, %dma_wait3A_140] : memref<100000x128xf32, #tpu.memory_space<hbm>> -> memref<160x128xf32, #tpu.memory_space<hbm>>
      tpu.wait_dma2 semaphore(%arg16 : memref<!tpu.dma_semaphore, #tpu.memory_space<semaphore_mem>>) src(%dma_wait3A_141 : memref<160x128xf32, #tpu.memory_space<hbm>>) dst(%arg7 : memref<160x128xf32, #tpu.memory_space<vmem>>)
      %mul3A_142 = arith.constant 32 : i32
      %mul3A_143 = arith.muli %add3A_108, %mul3A_142 : i32
      %add3A_144 = arith.addi %add3A, %mul3A_143 : i32
      %mul3A_145 = arith.constant 160 : i32
      %mul3A_146 = arith.muli %add3A_144, %mul3A_145 : i32
      %dma_wait3A_147 = tpu.memref_slice %arg3[%mul3A_146] : memref<100000xf32, #tpu.memory_space<hbm>> -> memref<160xf32, #tpu.memory_space<hbm>>
      %dma_wait3A_148 = tpu.memref_slice %arg3[%mul3A_146] : memref<100000xf32, #tpu.memory_space<hbm>> -> memref<160xf32, #tpu.memory_space<hbm>>
      tpu.wait_dma2 semaphore(%arg16 : memref<!tpu.dma_semaphore, #tpu.memory_space<semaphore_mem>>) src(%dma_wait3A_148 : memref<160xf32, #tpu.memory_space<hbm>>) dst(%arg9 : memref<160xf32, #tpu.memory_space<vmem>>)
      %ge3A = arith.constant 3 : i32
      %ge3A_149 = arith.cmpi sge, %add3A_108, %ge3A : i32
      %convert_element_type3A_150 = arith.extui %ge3A_149 : i1 to i32
      %cond3A_151 = arith.constant 0 : i32
      %cond3A_152 = arith.cmpi ne, %convert_element_type3A_150, %cond3A_151 : i32
      scf.if %cond3A_152 {
        %sub3A_220 = arith.constant 2 : i32
        %sub3A_221 = arith.subi %add3A_108, %sub3A_220 : i32
        %mul3A_222 = arith.constant 32 : i32
        %mul3A_223 = arith.muli %sub3A_221, %mul3A_222 : i32
        %add3A_224 = arith.addi %add3A, %mul3A_223 : i32
        %mul3A_225 = arith.constant 160 : i32
        %mul3A_226 = arith.muli %add3A_224, %mul3A_225 : i32
        %dma_wait3A_227 = arith.constant 0 : i32
        %dma_wait3A_228 = tpu.memref_slice %arg5[%mul3A_226, %dma_wait3A_227] : memref<100000x128xf32, #tpu.memory_space<hbm>> -> memref<160x128xf32, #tpu.memory_space<hbm>>
        %dma_wait3A_229 = arith.constant 0 : i32
        %dma_wait3A_230 = tpu.memref_slice %arg5[%mul3A_226, %dma_wait3A_229] : memref<100000x128xf32, #tpu.memory_space<hbm>> -> memref<160x128xf32, #tpu.memory_space<hbm>>
        tpu.wait_dma2 semaphore(%arg18 : memref<!tpu.dma_semaphore, #tpu.memory_space<semaphore_mem>>) src(%arg11 : memref<160x128xf32, #tpu.memory_space<vmem>>) dst(%dma_wait3A_230 : memref<160x128xf32, #tpu.memory_space<hbm>>)
      } else {
      }
      %parallel_loop3A_153 = arith.constant 0 : i32
      %parallel_loop3A_154 = arith.constant 10 : i32
      %parallel_loop3A_155 = arith.constant 1 : i32
      scf.for %parallel_loop3A_220 = %parallel_loop3A_153 to %parallel_loop3A_154 step %parallel_loop3A_155  : i32 {
        %parallel_loop3A_221 = arith.constant 16 : i32
        %parallel_loop3A_222 = arith.muli %parallel_loop3A_220, %parallel_loop3A_221 : i32
        %parallel_loop3A_223 = arith.index_cast %parallel_loop3A_222 : i32 to index
        %parallel_loop3A_224 = tpu.vector_load %arg9[%parallel_loop3A_223] {strides = array<i32>} : memref<160xf32, #tpu.memory_space<vmem>>, vector<16xf32>,
        %parallel_loop3A_225 = vector.shape_cast %parallel_loop3A_224 : vector<16xf32> to vector<16xf32>
        %parallel_loop3A_226 = vector.extract_strided_slice %parallel_loop3A_225 {offsets = [0], sizes = [1], strides = [1]} : vector<16xf32> to vector<1xf32>
        %parallel_loop3A_227 = vector.extract %parallel_loop3A_226[0] : f32 from vector<1xf32>
        %parallel_loop3A_228 = vector.broadcast %parallel_loop3A_227 : f32 to vector<16xf32>
        %parallel_loop3A_229 = arith.constant 0 : i32
        %parallel_loop3A_230 = arith.addi %parallel_loop3A_222, %parallel_loop3A_229 : i32
        %parallel_loop3A_231 = arith.constant 16 : i32
        %parallel_loop3A_232 = arith.muli %parallel_loop3A_230, %parallel_loop3A_231 : i32
        %parallel_loop3A_233 = arith.index_cast %parallel_loop3A_232 : i32 to index
        %parallel_loop3A_234 = tpu.vector_load %arg13[%parallel_loop3A_233] {strides = array<i32>} : memref<2560xf32, #tpu.memory_space<vmem>>, vector<16xf32>,
        %parallel_loop3A_235 = vector.shape_cast %parallel_loop3A_234 : vector<16xf32> to vector<16xf32>
        %parallel_loop3A_236 = vector.shape_cast %parallel_loop3A_228 : vector<16xf32> to vector<16xf32>
        tpu.vector_store %arg13[%parallel_loop3A_233], %parallel_loop3A_236 {strides = array<i32>} : memref<2560xf32, #tpu.memory_space<vmem>>, vector<16xf32>,
        %parallel_loop3A_237 = vector.extract_strided_slice %parallel_loop3A_225 {offsets = [1], sizes = [1], strides = [1]} : vector<16xf32> to vector<1xf32>
        %parallel_loop3A_238 = vector.extract %parallel_loop3A_237[0] : f32 from vector<1xf32>
        %parallel_loop3A_239 = vector.broadcast %parallel_loop3A_238 : f32 to vector<16xf32>
        %parallel_loop3A_240 = arith.constant 1 : i32
        %parallel_loop3A_241 = arith.addi %parallel_loop3A_222, %parallel_loop3A_240 : i32
        %parallel_loop3A_242 = arith.constant 16 : i32
        %parallel_loop3A_243 = arith.muli %parallel_loop3A_241, %parallel_loop3A_242 : i32
        %parallel_loop3A_244 = arith.index_cast %parallel_loop3A_243 : i32 to index
        %parallel_loop3A_245 = tpu.vector_load %arg13[%parallel_loop3A_244] {strides = array<i32>} : memref<2560xf32, #tpu.memory_space<vmem>>, vector<16xf32>,
        %parallel_loop3A_246 = vector.shape_cast %parallel_loop3A_245 : vector<16xf32> to vector<16xf32>
        %parallel_loop3A_247 = vector.shape_cast %parallel_loop3A_239 : vector<16xf32> to vector<16xf32>
        tpu.vector_store %arg13[%parallel_loop3A_244], %parallel_loop3A_247 {strides = array<i32>} : memref<2560xf32, #tpu.memory_space<vmem>>, vector<16xf32>,
        %parallel_loop3A_248 = vector.extract_strided_slice %parallel_loop3A_225 {offsets = [2], sizes = [1], strides = [1]} : vector<16xf32> to vector<1xf32>
        %parallel_loop3A_249 = vector.extract %parallel_loop3A_248[0] : f32 from vector<1xf32>
        %parallel_loop3A_250 = vector.broadcast %parallel_loop3A_249 : f32 to vector<16xf32>
        %parallel_loop3A_251 = arith.constant 2 : i32
        %parallel_loop3A_252 = arith.addi %parallel_loop3A_222, %parallel_loop3A_251 : i32
        %parallel_loop3A_253 = arith.constant 16 : i32
        %parallel_loop3A_254 = arith.muli %parallel_loop3A_252, %parallel_loop3A_253 : i32
        %parallel_loop3A_255 = arith.index_cast %parallel_loop3A_254 : i32 to index
        %parallel_loop3A_256 = tpu.vector_load %arg13[%parallel_loop3A_255] {strides = array<i32>} : memref<2560xf32, #tpu.memory_space<vmem>>, vector<16xf32>,
        %parallel_loop3A_257 = vector.shape_cast %parallel_loop3A_256 : vector<16xf32> to vector<16xf32>
        %parallel_loop3A_258 = vector.shape_cast %parallel_loop3A_250 : vector<16xf32> to vector<16xf32>
        tpu.vector_store %arg13[%parallel_loop3A_255], %parallel_loop3A_258 {strides = array<i32>} : memref<2560xf32, #tpu.memory_space<vmem>>, vector<16xf32>,
        %parallel_loop3A_259 = vector.extract_strided_slice %parallel_loop3A_225 {offsets = [3], sizes = [1], strides = [1]} : vector<16xf32> to vector<1xf32>
        %parallel_loop3A_260 = vector.extract %parallel_loop3A_259[0] : f32 from vector<1xf32>
        %parallel_loop3A_261 = vector.broadcast %parallel_loop3A_260 : f32 to vector<16xf32>
        %parallel_loop3A_262 = arith.constant 3 : i32
        %parallel_loop3A_263 = arith.addi %parallel_loop3A_222, %parallel_loop3A_262 : i32
        %parallel_loop3A_264 = arith.constant 16 : i32
        %parallel_loop3A_265 = arith.muli %parallel_loop3A_263, %parallel_loop3A_264 : i32
        %parallel_loop3A_266 = arith.index_cast %parallel_loop3A_265 : i32 to index
        %parallel_loop3A_267 = tpu.vector_load %arg13[%parallel_loop3A_266] {strides = array<i32>} : memref<2560xf32, #tpu.memory_space<vmem>>, vector<16xf32>,
        %parallel_loop3A_268 = vector.shape_cast %parallel_loop3A_267 : vector<16xf32> to vector<16xf32>
        %parallel_loop3A_269 = vector.shape_cast %parallel_loop3A_261 : vector<16xf32> to vector<16xf32>
        tpu.vector_store %arg13[%parallel_loop3A_266], %parallel_loop3A_269 {strides = array<i32>} : memref<2560xf32, #tpu.memory_space<vmem>>, vector<16xf32>,
        %parallel_loop3A_270 = vector.extract_strided_slice %parallel_loop3A_225 {offsets = [4], sizes = [1], strides = [1]} : vector<16xf32> to vector<1xf32>
        %parallel_loop3A_271 = vector.extract %parallel_loop3A_270[0] : f32 from vector<1xf32>
        %parallel_loop3A_272 = vector.broadcast %parallel_loop3A_271 : f32 to vector<16xf32>
        %parallel_loop3A_273 = arith.constant 4 : i32
        %parallel_loop3A_274 = arith.addi %parallel_loop3A_222, %parallel_loop3A_273 : i32
        %parallel_loop3A_275 = arith.constant 16 : i32
        %parallel_loop3A_276 = arith.muli %parallel_loop3A_274, %parallel_loop3A_275 : i32
        %parallel_loop3A_277 = arith.index_cast %parallel_loop3A_276 : i32 to index
        %parallel_loop3A_278 = tpu.vector_load %arg13[%parallel_loop3A_277] {strides = array<i32>} : memref<2560xf32, #tpu.memory_space<vmem>>, vector<16xf32>,
        %parallel_loop3A_279 = vector.shape_cast %parallel_loop3A_278 : vector<16xf32> to vector<16xf32>
        %parallel_loop3A_280 = vector.shape_cast %parallel_loop3A_272 : vector<16xf32> to vector<16xf32>
        tpu.vector_store %arg13[%parallel_loop3A_277], %parallel_loop3A_280 {strides = array<i32>} : memref<2560xf32, #tpu.memory_space<vmem>>, vector<16xf32>,
        %parallel_loop3A_281 = vector.extract_strided_slice %parallel_loop3A_225 {offsets = [5], sizes = [1], strides = [1]} : vector<16xf32> to vector<1xf32>
        %parallel_loop3A_282 = vector.extract %parallel_loop3A_281[0] : f32 from vector<1xf32>
        %parallel_loop3A_283 = vector.broadcast %parallel_loop3A_282 : f32 to vector<16xf32>
        %parallel_loop3A_284 = arith.constant 5 : i32
        %parallel_loop3A_285 = arith.addi %parallel_loop3A_222, %parallel_loop3A_284 : i32
        %parallel_loop3A_286 = arith.constant 16 : i32
        %parallel_loop3A_287 = arith.muli %parallel_loop3A_285, %parallel_loop3A_286 : i32
        %parallel_loop3A_288 = arith.index_cast %parallel_loop3A_287 : i32 to index
        %parallel_loop3A_289 = tpu.vector_load %arg13[%parallel_loop3A_288] {strides = array<i32>} : memref<2560xf32, #tpu.memory_space<vmem>>, vector<16xf32>,
        %parallel_loop3A_290 = vector.shape_cast %parallel_loop3A_289 : vector<16xf32> to vector<16xf32>
        %parallel_loop3A_291 = vector.shape_cast %parallel_loop3A_283 : vector<16xf32> to vector<16xf32>
        tpu.vector_store %arg13[%parallel_loop3A_288], %parallel_loop3A_291 {strides = array<i32>} : memref<2560xf32, #tpu.memory_space<vmem>>, vector<16xf32>,
        %parallel_loop3A_292 = vector.extract_strided_slice %parallel_loop3A_225 {offsets = [6], sizes = [1], strides = [1]} : vector<16xf32> to vector<1xf32>
        %parallel_loop3A_293 = vector.extract %parallel_loop3A_292[0] : f32 from vector<1xf32>
        %parallel_loop3A_294 = vector.broadcast %parallel_loop3A_293 : f32 to vector<16xf32>
        %parallel_loop3A_295 = arith.constant 6 : i32
        %parallel_loop3A_296 = arith.addi %parallel_loop3A_222, %parallel_loop3A_295 : i32
        %parallel_loop3A_297 = arith.constant 16 : i32
        %parallel_loop3A_298 = arith.muli %parallel_loop3A_296, %parallel_loop3A_297 : i32
        %parallel_loop3A_299 = arith.index_cast %parallel_loop3A_298 : i32 to index
        %parallel_loop3A_300 = tpu.vector_load %arg13[%parallel_loop3A_299] {strides = array<i32>} : memref<2560xf32, #tpu.memory_space<vmem>>, vector<16xf32>,
        %parallel_loop3A_301 = vector.shape_cast %parallel_loop3A_300 : vector<16xf32> to vector<16xf32>
        %parallel_loop3A_302 = vector.shape_cast %parallel_loop3A_294 : vector<16xf32> to vector<16xf32>
        tpu.vector_store %arg13[%parallel_loop3A_299], %parallel_loop3A_302 {strides = array<i32>} : memref<2560xf32, #tpu.memory_space<vmem>>, vector<16xf32>,
        %parallel_loop3A_303 = vector.extract_strided_slice %parallel_loop3A_225 {offsets = [7], sizes = [1], strides = [1]} : vector<16xf32> to vector<1xf32>
        %parallel_loop3A_304 = vector.extract %parallel_loop3A_303[0] : f32 from vector<1xf32>
        %parallel_loop3A_305 = vector.broadcast %parallel_loop3A_304 : f32 to vector<16xf32>
        %parallel_loop3A_306 = arith.constant 7 : i32
        %parallel_loop3A_307 = arith.addi %parallel_loop3A_222, %parallel_loop3A_306 : i32
        %parallel_loop3A_308 = arith.constant 16 : i32
        %parallel_loop3A_309 = arith.muli %parallel_loop3A_307, %parallel_loop3A_308 : i32
        %parallel_loop3A_310 = arith.index_cast %parallel_loop3A_309 : i32 to index
        %parallel_loop3A_311 = tpu.vector_load %arg13[%parallel_loop3A_310] {strides = array<i32>} : memref<2560xf32, #tpu.memory_space<vmem>>, vector<16xf32>,
        %parallel_loop3A_312 = vector.shape_cast %parallel_loop3A_311 : vector<16xf32> to vector<16xf32>
        %parallel_loop3A_313 = vector.shape_cast %parallel_loop3A_305 : vector<16xf32> to vector<16xf32>
        tpu.vector_store %arg13[%parallel_loop3A_310], %parallel_loop3A_313 {strides = array<i32>} : memref<2560xf32, #tpu.memory_space<vmem>>, vector<16xf32>,
        %parallel_loop3A_314 = vector.extract_strided_slice %parallel_loop3A_225 {offsets = [8], sizes = [1], strides = [1]} : vector<16xf32> to vector<1xf32>
        %parallel_loop3A_315 = vector.extract %parallel_loop3A_314[0] : f32 from vector<1xf32>
        %parallel_loop3A_316 = vector.broadcast %parallel_loop3A_315 : f32 to vector<16xf32>
        %parallel_loop3A_317 = arith.constant 8 : i32
        %parallel_loop3A_318 = arith.addi %parallel_loop3A_222, %parallel_loop3A_317 : i32
        %parallel_loop3A_319 = arith.constant 16 : i32
        %parallel_loop3A_320 = arith.muli %parallel_loop3A_318, %parallel_loop3A_319 : i32
        %parallel_loop3A_321 = arith.index_cast %parallel_loop3A_320 : i32 to index
        %parallel_loop3A_322 = tpu.vector_load %arg13[%parallel_loop3A_321] {strides = array<i32>} : memref<2560xf32, #tpu.memory_space<vmem>>, vector<16xf32>,
        %parallel_loop3A_323 = vector.shape_cast %parallel_loop3A_322 : vector<16xf32> to vector<16xf32>
        %parallel_loop3A_324 = vector.shape_cast %parallel_loop3A_316 : vector<16xf32> to vector<16xf32>
        tpu.vector_store %arg13[%parallel_loop3A_321], %parallel_loop3A_324 {strides = array<i32>} : memref<2560xf32, #tpu.memory_space<vmem>>, vector<16xf32>,
        %parallel_loop3A_325 = vector.extract_strided_slice %parallel_loop3A_225 {offsets = [9], sizes = [1], strides = [1]} : vector<16xf32> to vector<1xf32>
        %parallel_loop3A_326 = vector.extract %parallel_loop3A_325[0] : f32 from vector<1xf32>
        %parallel_loop3A_327 = vector.broadcast %parallel_loop3A_326 : f32 to vector<16xf32>
        %parallel_loop3A_328 = arith.constant 9 : i32
        %parallel_loop3A_329 = arith.addi %parallel_loop3A_222, %parallel_loop3A_328 : i32
        %parallel_loop3A_330 = arith.constant 16 : i32
        %parallel_loop3A_331 = arith.muli %parallel_loop3A_329, %parallel_loop3A_330 : i32
        %parallel_loop3A_332 = arith.index_cast %parallel_loop3A_331 : i32 to index
        %parallel_loop3A_333 = tpu.vector_load %arg13[%parallel_loop3A_332] {strides = array<i32>} : memref<2560xf32, #tpu.memory_space<vmem>>, vector<16xf32>,
        %parallel_loop3A_334 = vector.shape_cast %parallel_loop3A_333 : vector<16xf32> to vector<16xf32>
        %parallel_loop3A_335 = vector.shape_cast %parallel_loop3A_327 : vector<16xf32> to vector<16xf32>
        tpu.vector_store %arg13[%parallel_loop3A_332], %parallel_loop3A_335 {strides = array<i32>} : memref<2560xf32, #tpu.memory_space<vmem>>, vector<16xf32>,
        %parallel_loop3A_336 = vector.extract_strided_slice %parallel_loop3A_225 {offsets = [10], sizes = [1], strides = [1]} : vector<16xf32> to vector<1xf32>
        %parallel_loop3A_337 = vector.extract %parallel_loop3A_336[0] : f32 from vector<1xf32>
        %parallel_loop3A_338 = vector.broadcast %parallel_loop3A_337 : f32 to vector<16xf32>
        %parallel_loop3A_339 = arith.constant 10 : i32
        %parallel_loop3A_340 = arith.addi %parallel_loop3A_222, %parallel_loop3A_339 : i32
        %parallel_loop3A_341 = arith.constant 16 : i32
        %parallel_loop3A_342 = arith.muli %parallel_loop3A_340, %parallel_loop3A_341 : i32
        %parallel_loop3A_343 = arith.index_cast %parallel_loop3A_342 : i32 to index
        %parallel_loop3A_344 = tpu.vector_load %arg13[%parallel_loop3A_343] {strides = array<i32>} : memref<2560xf32, #tpu.memory_space<vmem>>, vector<16xf32>,
        %parallel_loop3A_345 = vector.shape_cast %parallel_loop3A_344 : vector<16xf32> to vector<16xf32>
        %parallel_loop3A_346 = vector.shape_cast %parallel_loop3A_338 : vector<16xf32> to vector<16xf32>
        tpu.vector_store %arg13[%parallel_loop3A_343], %parallel_loop3A_346 {strides = array<i32>} : memref<2560xf32, #tpu.memory_space<vmem>>, vector<16xf32>,
        %parallel_loop3A_347 = vector.extract_strided_slice %parallel_loop3A_225 {offsets = [11], sizes = [1], strides = [1]} : vector<16xf32> to vector<1xf32>
        %parallel_loop3A_348 = vector.extract %parallel_loop3A_347[0] : f32 from vector<1xf32>
        %parallel_loop3A_349 = vector.broadcast %parallel_loop3A_348 : f32 to vector<16xf32>
        %parallel_loop3A_350 = arith.constant 11 : i32
        %parallel_loop3A_351 = arith.addi %parallel_loop3A_222, %parallel_loop3A_350 : i32
        %parallel_loop3A_352 = arith.constant 16 : i32
        %parallel_loop3A_353 = arith.muli %parallel_loop3A_351, %parallel_loop3A_352 : i32
        %parallel_loop3A_354 = arith.index_cast %parallel_loop3A_353 : i32 to index
        %parallel_loop3A_355 = tpu.vector_load %arg13[%parallel_loop3A_354] {strides = array<i32>} : memref<2560xf32, #tpu.memory_space<vmem>>, vector<16xf32>,
        %parallel_loop3A_356 = vector.shape_cast %parallel_loop3A_355 : vector<16xf32> to vector<16xf32>
        %parallel_loop3A_357 = vector.shape_cast %parallel_loop3A_349 : vector<16xf32> to vector<16xf32>
        tpu.vector_store %arg13[%parallel_loop3A_354], %parallel_loop3A_357 {strides = array<i32>} : memref<2560xf32, #tpu.memory_space<vmem>>, vector<16xf32>,
        %parallel_loop3A_358 = vector.extract_strided_slice %parallel_loop3A_225 {offsets = [12], sizes = [1], strides = [1]} : vector<16xf32> to vector<1xf32>
        %parallel_loop3A_359 = vector.extract %parallel_loop3A_358[0] : f32 from vector<1xf32>
        %parallel_loop3A_360 = vector.broadcast %parallel_loop3A_359 : f32 to vector<16xf32>
        %parallel_loop3A_361 = arith.constant 12 : i32
        %parallel_loop3A_362 = arith.addi %parallel_loop3A_222, %parallel_loop3A_361 : i32
        %parallel_loop3A_363 = arith.constant 16 : i32
        %parallel_loop3A_364 = arith.muli %parallel_loop3A_362, %parallel_loop3A_363 : i32
        %parallel_loop3A_365 = arith.index_cast %parallel_loop3A_364 : i32 to index
        %parallel_loop3A_366 = tpu.vector_load %arg13[%parallel_loop3A_365] {strides = array<i32>} : memref<2560xf32, #tpu.memory_space<vmem>>, vector<16xf32>,
        %parallel_loop3A_367 = vector.shape_cast %parallel_loop3A_366 : vector<16xf32> to vector<16xf32>
        %parallel_loop3A_368 = vector.shape_cast %parallel_loop3A_360 : vector<16xf32> to vector<16xf32>
        tpu.vector_store %arg13[%parallel_loop3A_365], %parallel_loop3A_368 {strides = array<i32>} : memref<2560xf32, #tpu.memory_space<vmem>>, vector<16xf32>,
        %parallel_loop3A_369 = vector.extract_strided_slice %parallel_loop3A_225 {offsets = [13], sizes = [1], strides = [1]} : vector<16xf32> to vector<1xf32>
        %parallel_loop3A_370 = vector.extract %parallel_loop3A_369[0] : f32 from vector<1xf32>
        %parallel_loop3A_371 = vector.broadcast %parallel_loop3A_370 : f32 to vector<16xf32>
        %parallel_loop3A_372 = arith.constant 13 : i32
        %parallel_loop3A_373 = arith.addi %parallel_loop3A_222, %parallel_loop3A_372 : i32
        %parallel_loop3A_374 = arith.constant 16 : i32
        %parallel_loop3A_375 = arith.muli %parallel_loop3A_373, %parallel_loop3A_374 : i32
        %parallel_loop3A_376 = arith.index_cast %parallel_loop3A_375 : i32 to index
        %parallel_loop3A_377 = tpu.vector_load %arg13[%parallel_loop3A_376] {strides = array<i32>} : memref<2560xf32, #tpu.memory_space<vmem>>, vector<16xf32>,
        %parallel_loop3A_378 = vector.shape_cast %parallel_loop3A_377 : vector<16xf32> to vector<16xf32>
        %parallel_loop3A_379 = vector.shape_cast %parallel_loop3A_371 : vector<16xf32> to vector<16xf32>
        tpu.vector_store %arg13[%parallel_loop3A_376], %parallel_loop3A_379 {strides = array<i32>} : memref<2560xf32, #tpu.memory_space<vmem>>, vector<16xf32>,
        %parallel_loop3A_380 = vector.extract_strided_slice %parallel_loop3A_225 {offsets = [14], sizes = [1], strides = [1]} : vector<16xf32> to vector<1xf32>
        %parallel_loop3A_381 = vector.extract %parallel_loop3A_380[0] : f32 from vector<1xf32>
        %parallel_loop3A_382 = vector.broadcast %parallel_loop3A_381 : f32 to vector<16xf32>
        %parallel_loop3A_383 = arith.constant 14 : i32
        %parallel_loop3A_384 = arith.addi %parallel_loop3A_222, %parallel_loop3A_383 : i32
        %parallel_loop3A_385 = arith.constant 16 : i32
        %parallel_loop3A_386 = arith.muli %parallel_loop3A_384, %parallel_loop3A_385 : i32
        %parallel_loop3A_387 = arith.index_cast %parallel_loop3A_386 : i32 to index
        %parallel_loop3A_388 = tpu.vector_load %arg13[%parallel_loop3A_387] {strides = array<i32>} : memref<2560xf32, #tpu.memory_space<vmem>>, vector<16xf32>,
        %parallel_loop3A_389 = vector.shape_cast %parallel_loop3A_388 : vector<16xf32> to vector<16xf32>
        %parallel_loop3A_390 = vector.shape_cast %parallel_loop3A_382 : vector<16xf32> to vector<16xf32>
        tpu.vector_store %arg13[%parallel_loop3A_387], %parallel_loop3A_390 {strides = array<i32>} : memref<2560xf32, #tpu.memory_space<vmem>>, vector<16xf32>,
        %parallel_loop3A_391 = vector.extract_strided_slice %parallel_loop3A_225 {offsets = [15], sizes = [1], strides = [1]} : vector<16xf32> to vector<1xf32>
        %parallel_loop3A_392 = vector.extract %parallel_loop3A_391[0] : f32 from vector<1xf32>
        %parallel_loop3A_393 = vector.broadcast %parallel_loop3A_392 : f32 to vector<16xf32>
        %parallel_loop3A_394 = arith.constant 15 : i32
        %parallel_loop3A_395 = arith.addi %parallel_loop3A_222, %parallel_loop3A_394 : i32
        %parallel_loop3A_396 = arith.constant 16 : i32
        %parallel_loop3A_397 = arith.muli %parallel_loop3A_395, %parallel_loop3A_396 : i32
        %parallel_loop3A_398 = arith.index_cast %parallel_loop3A_397 : i32 to index
        %parallel_loop3A_399 = tpu.vector_load %arg13[%parallel_loop3A_398] {strides = array<i32>} : memref<2560xf32, #tpu.memory_space<vmem>>, vector<16xf32>,
        %parallel_loop3A_400 = vector.shape_cast %parallel_loop3A_399 : vector<16xf32> to vector<16xf32>
        %parallel_loop3A_401 = vector.shape_cast %parallel_loop3A_393 : vector<16xf32> to vector<16xf32>
        tpu.vector_store %arg13[%parallel_loop3A_398], %parallel_loop3A_401 {strides = array<i32>} : memref<2560xf32, #tpu.memory_space<vmem>>, vector<16xf32>,
      } {sc.loop_unroll_factor = 2 : i64, sc.parallel_access}
      %parallel_loop3A_156 = arith.constant 0 : i32
      %parallel_loop3A_157 = arith.constant 160 : i32
      %parallel_loop3A_158 = arith.constant 1 : i32
      scf.for %parallel_loop3A_220 = %parallel_loop3A_156 to %parallel_loop3A_157 step %parallel_loop3A_158  : i32 {
        %parallel_loop3A_221 = arith.constant 16 : i32
        %parallel_loop3A_222 = arith.muli %parallel_loop3A_220, %parallel_loop3A_221 : i32
        %parallel_loop3A_223 = arith.index_cast %parallel_loop3A_222 : i32 to index
        %parallel_loop3A_224 = tpu.vector_load %arg13[%parallel_loop3A_223] {strides = array<i32>} : memref<2560xf32, #tpu.memory_space<vmem>>, vector<16xf32>,
        %parallel_loop3A_225 = vector.shape_cast %parallel_loop3A_224 : vector<16xf32> to vector<16xf32>
        %parallel_loop3A_226 = arith.constant 0.000000e+00 : f32
        %parallel_loop3A_227 = vector.broadcast %parallel_loop3A_226 : f32 to vector<16xf32>
        %parallel_loop3A_228 = arith.cmpf one, %parallel_loop3A_225, %parallel_loop3A_227 : vector<16xf32>
        %parallel_loop3A_229 = arith.index_cast %parallel_loop3A_220 : i32 to index
        %parallel_loop3A_230 = arith.constant 0 : index
        %parallel_loop3A_231 = tpu.vector_load %arg7[%parallel_loop3A_229, %parallel_loop3A_230] {strides = array<i32>} : memref<160x128xf32, #tpu.memory_space<vmem>>, vector<1x16xf32>,
        %parallel_loop3A_232 = vector.shape_cast %parallel_loop3A_231 : vector<1x16xf32> to vector<16xf32>
        %parallel_loop3A_233 = arith.mulf %parallel_loop3A_232, %get3A_2 : vector<16xf32>
        %parallel_loop3A_234 = arith.select %parallel_loop3A_228, %parallel_loop3A_233, %parallel_loop3A_232 : vector<16xi1>, vector<16xf32>
        %parallel_loop3A_235 = arith.index_cast %parallel_loop3A_220 : i32 to index
        %parallel_loop3A_236 = arith.constant 0 : index
        %parallel_loop3A_237 = tpu.vector_load %arg11[%parallel_loop3A_235, %parallel_loop3A_236] {strides = array<i32>} : memref<160x128xf32, #tpu.memory_space<vmem>>, vector<1x16xf32>,
        %parallel_loop3A_238 = vector.shape_cast %parallel_loop3A_237 : vector<1x16xf32> to vector<16xf32>
        %parallel_loop3A_239 = vector.shape_cast %parallel_loop3A_234 : vector<16xf32> to vector<1x16xf32>
        tpu.vector_store %arg11[%parallel_loop3A_235, %parallel_loop3A_236], %parallel_loop3A_239 {strides = array<i32>} : memref<160x128xf32, #tpu.memory_space<vmem>>, vector<1x16xf32>,
        %parallel_loop3A_240 = arith.index_cast %parallel_loop3A_220 : i32 to index
        %parallel_loop3A_241 = arith.constant 16 : index
        %parallel_loop3A_242 = tpu.vector_load %arg7[%parallel_loop3A_240, %parallel_loop3A_241] {strides = array<i32>} : memref<160x128xf32, #tpu.memory_space<vmem>>, vector<1x16xf32>,
        %parallel_loop3A_243 = vector.shape_cast %parallel_loop3A_242 : vector<1x16xf32> to vector<16xf32>
        %parallel_loop3A_244 = arith.mulf %parallel_loop3A_243, %get3A_5 : vector<16xf32>
        %parallel_loop3A_245 = arith.select %parallel_loop3A_228, %parallel_loop3A_244, %parallel_loop3A_243 : vector<16xi1>, vector<16xf32>
        %parallel_loop3A_246 = arith.index_cast %parallel_loop3A_220 : i32 to index
        %parallel_loop3A_247 = arith.constant 16 : index
        %parallel_loop3A_248 = tpu.vector_load %arg11[%parallel_loop3A_246, %parallel_loop3A_247] {strides = array<i32>} : memref<160x128xf32, #tpu.memory_space<vmem>>, vector<1x16xf32>,
        %parallel_loop3A_249 = vector.shape_cast %parallel_loop3A_248 : vector<1x16xf32> to vector<16xf32>
        %parallel_loop3A_250 = vector.shape_cast %parallel_loop3A_245 : vector<16xf32> to vector<1x16xf32>
        tpu.vector_store %arg11[%parallel_loop3A_246, %parallel_loop3A_247], %parallel_loop3A_250 {strides = array<i32>} : memref<160x128xf32, #tpu.memory_space<vmem>>, vector<1x16xf32>,
        %parallel_loop3A_251 = arith.index_cast %parallel_loop3A_220 : i32 to index
        %parallel_loop3A_252 = arith.constant 32 : index
        %parallel_loop3A_253 = tpu.vector_load %arg7[%parallel_loop3A_251, %parallel_loop3A_252] {strides = array<i32>} : memref<160x128xf32, #tpu.memory_space<vmem>>, vector<1x16xf32>,
        %parallel_loop3A_254 = vector.shape_cast %parallel_loop3A_253 : vector<1x16xf32> to vector<16xf32>
        %parallel_loop3A_255 = arith.mulf %parallel_loop3A_254, %get3A_8 : vector<16xf32>
        %parallel_loop3A_256 = arith.select %parallel_loop3A_228, %parallel_loop3A_255, %parallel_loop3A_254 : vector<16xi1>, vector<16xf32>
        %parallel_loop3A_257 = arith.index_cast %parallel_loop3A_220 : i32 to index
        %parallel_loop3A_258 = arith.constant 32 : index
        %parallel_loop3A_259 = tpu.vector_load %arg11[%parallel_loop3A_257, %parallel_loop3A_258] {strides = array<i32>} : memref<160x128xf32, #tpu.memory_space<vmem>>, vector<1x16xf32>,
        %parallel_loop3A_260 = vector.shape_cast %parallel_loop3A_259 : vector<1x16xf32> to vector<16xf32>
        %parallel_loop3A_261 = vector.shape_cast %parallel_loop3A_256 : vector<16xf32> to vector<1x16xf32>
        tpu.vector_store %arg11[%parallel_loop3A_257, %parallel_loop3A_258], %parallel_loop3A_261 {strides = array<i32>} : memref<160x128xf32, #tpu.memory_space<vmem>>, vector<1x16xf32>,
        %parallel_loop3A_262 = arith.index_cast %parallel_loop3A_220 : i32 to index
        %parallel_loop3A_263 = arith.constant 48 : index
        %parallel_loop3A_264 = tpu.vector_load %arg7[%parallel_loop3A_262, %parallel_loop3A_263] {strides = array<i32>} : memref<160x128xf32, #tpu.memory_space<vmem>>, vector<1x16xf32>,
        %parallel_loop3A_265 = vector.shape_cast %parallel_loop3A_264 : vector<1x16xf32> to vector<16xf32>
        %parallel_loop3A_266 = arith.mulf %parallel_loop3A_265, %get3A_11 : vector<16xf32>
        %parallel_loop3A_267 = arith.select %parallel_loop3A_228, %parallel_loop3A_266, %parallel_loop3A_265 : vector<16xi1>, vector<16xf32>
        %parallel_loop3A_268 = arith.index_cast %parallel_loop3A_220 : i32 to index
        %parallel_loop3A_269 = arith.constant 48 : index
        %parallel_loop3A_270 = tpu.vector_load %arg11[%parallel_loop3A_268, %parallel_loop3A_269] {strides = array<i32>} : memref<160x128xf32, #tpu.memory_space<vmem>>, vector<1x16xf32>,
        %parallel_loop3A_271 = vector.shape_cast %parallel_loop3A_270 : vector<1x16xf32> to vector<16xf32>
        %parallel_loop3A_272 = vector.shape_cast %parallel_loop3A_267 : vector<16xf32> to vector<1x16xf32>
        tpu.vector_store %arg11[%parallel_loop3A_268, %parallel_loop3A_269], %parallel_loop3A_272 {strides = array<i32>} : memref<160x128xf32, #tpu.memory_space<vmem>>, vector<1x16xf32>,
        %parallel_loop3A_273 = arith.index_cast %parallel_loop3A_220 : i32 to index
        %parallel_loop3A_274 = arith.constant 64 : index
        %parallel_loop3A_275 = tpu.vector_load %arg7[%parallel_loop3A_273, %parallel_loop3A_274] {strides = array<i32>} : memref<160x128xf32, #tpu.memory_space<vmem>>, vector<1x16xf32>,
        %parallel_loop3A_276 = vector.shape_cast %parallel_loop3A_275 : vector<1x16xf32> to vector<16xf32>
        %parallel_loop3A_277 = arith.mulf %parallel_loop3A_276, %get3A_14 : vector<16xf32>
        %parallel_loop3A_278 = arith.select %parallel_loop3A_228, %parallel_loop3A_277, %parallel_loop3A_276 : vector<16xi1>, vector<16xf32>
        %parallel_loop3A_279 = arith.index_cast %parallel_loop3A_220 : i32 to index
        %parallel_loop3A_280 = arith.constant 64 : index
        %parallel_loop3A_281 = tpu.vector_load %arg11[%parallel_loop3A_279, %parallel_loop3A_280] {strides = array<i32>} : memref<160x128xf32, #tpu.memory_space<vmem>>, vector<1x16xf32>,
        %parallel_loop3A_282 = vector.shape_cast %parallel_loop3A_281 : vector<1x16xf32> to vector<16xf32>
        %parallel_loop3A_283 = vector.shape_cast %parallel_loop3A_278 : vector<16xf32> to vector<1x16xf32>
        tpu.vector_store %arg11[%parallel_loop3A_279, %parallel_loop3A_280], %parallel_loop3A_283 {strides = array<i32>} : memref<160x128xf32, #tpu.memory_space<vmem>>, vector<1x16xf32>,
        %parallel_loop3A_284 = arith.index_cast %parallel_loop3A_220 : i32 to index
        %parallel_loop3A_285 = arith.constant 80 : index
        %parallel_loop3A_286 = tpu.vector_load %arg7[%parallel_loop3A_284, %parallel_loop3A_285] {strides = array<i32>} : memref<160x128xf32, #tpu.memory_space<vmem>>, vector<1x16xf32>,
        %parallel_loop3A_287 = vector.shape_cast %parallel_loop3A_286 : vector<1x16xf32> to vector<16xf32>
        %parallel_loop3A_288 = arith.mulf %parallel_loop3A_287, %get3A_17 : vector<16xf32>
        %parallel_loop3A_289 = arith.select %parallel_loop3A_228, %parallel_loop3A_288, %parallel_loop3A_287 : vector<16xi1>, vector<16xf32>
        %parallel_loop3A_290 = arith.index_cast %parallel_loop3A_220 : i32 to index
        %parallel_loop3A_291 = arith.constant 80 : index
        %parallel_loop3A_292 = tpu.vector_load %arg11[%parallel_loop3A_290, %parallel_loop3A_291] {strides = array<i32>} : memref<160x128xf32, #tpu.memory_space<vmem>>, vector<1x16xf32>,
        %parallel_loop3A_293 = vector.shape_cast %parallel_loop3A_292 : vector<1x16xf32> to vector<16xf32>
        %parallel_loop3A_294 = vector.shape_cast %parallel_loop3A_289 : vector<16xf32> to vector<1x16xf32>
        tpu.vector_store %arg11[%parallel_loop3A_290, %parallel_loop3A_291], %parallel_loop3A_294 {strides = array<i32>} : memref<160x128xf32, #tpu.memory_space<vmem>>, vector<1x16xf32>,
        %parallel_loop3A_295 = arith.index_cast %parallel_loop3A_220 : i32 to index
        %parallel_loop3A_296 = arith.constant 96 : index
        %parallel_loop3A_297 = tpu.vector_load %arg7[%parallel_loop3A_295, %parallel_loop3A_296] {strides = array<i32>} : memref<160x128xf32, #tpu.memory_space<vmem>>, vector<1x16xf32>,
        %parallel_loop3A_298 = vector.shape_cast %parallel_loop3A_297 : vector<1x16xf32> to vector<16xf32>
        %parallel_loop3A_299 = arith.mulf %parallel_loop3A_298, %get3A_20 : vector<16xf32>
        %parallel_loop3A_300 = arith.select %parallel_loop3A_228, %parallel_loop3A_299, %parallel_loop3A_298 : vector<16xi1>, vector<16xf32>
        %parallel_loop3A_301 = arith.index_cast %parallel_loop3A_220 : i32 to index
        %parallel_loop3A_302 = arith.constant 96 : index
        %parallel_loop3A_303 = tpu.vector_load %arg11[%parallel_loop3A_301, %parallel_loop3A_302] {strides = array<i32>} : memref<160x128xf32, #tpu.memory_space<vmem>>, vector<1x16xf32>,
        %parallel_loop3A_304 = vector.shape_cast %parallel_loop3A_303 : vector<1x16xf32> to vector<16xf32>
        %parallel_loop3A_305 = vector.shape_cast %parallel_loop3A_300 : vector<16xf32> to vector<1x16xf32>
        tpu.vector_store %arg11[%parallel_loop3A_301, %parallel_loop3A_302], %parallel_loop3A_305 {strides = array<i32>} : memref<160x128xf32, #tpu.memory_space<vmem>>, vector<1x16xf32>,
        %parallel_loop3A_306 = arith.index_cast %parallel_loop3A_220 : i32 to index
        %parallel_loop3A_307 = arith.constant 112 : index
        %parallel_loop3A_308 = tpu.vector_load %arg7[%parallel_loop3A_306, %parallel_loop3A_307] {strides = array<i32>} : memref<160x128xf32, #tpu.memory_space<vmem>>, vector<1x16xf32>,
        %parallel_loop3A_309 = vector.shape_cast %parallel_loop3A_308 : vector<1x16xf32> to vector<16xf32>
        %parallel_loop3A_310 = arith.mulf %parallel_loop3A_309, %get3A_23 : vector<16xf32>
        %parallel_loop3A_311 = arith.select %parallel_loop3A_228, %parallel_loop3A_310, %parallel_loop3A_309 : vector<16xi1>, vector<16xf32>
        %parallel_loop3A_312 = arith.index_cast %parallel_loop3A_220 : i32 to index
        %parallel_loop3A_313 = arith.constant 112 : index
        %parallel_loop3A_314 = tpu.vector_load %arg11[%parallel_loop3A_312, %parallel_loop3A_313] {strides = array<i32>} : memref<160x128xf32, #tpu.memory_space<vmem>>, vector<1x16xf32>,
        %parallel_loop3A_315 = vector.shape_cast %parallel_loop3A_314 : vector<1x16xf32> to vector<16xf32>
        %parallel_loop3A_316 = vector.shape_cast %parallel_loop3A_311 : vector<16xf32> to vector<1x16xf32>
        tpu.vector_store %arg11[%parallel_loop3A_312, %parallel_loop3A_313], %parallel_loop3A_316 {strides = array<i32>} : memref<160x128xf32, #tpu.memory_space<vmem>>, vector<1x16xf32>,
      } {sc.loop_unroll_factor = 10 : i64, sc.parallel_access}
      %mul3A_159 = arith.constant 32 : i32
      %mul3A_160 = arith.muli %add3A_108, %mul3A_159 : i32
      %add3A_161 = arith.addi %add3A, %mul3A_160 : i32
      %mul3A_162 = arith.constant 160 : i32
      %mul3A_163 = arith.muli %add3A_161, %mul3A_162 : i32
      %dma_start3A_164 = arith.constant 0 : i32
      %dma_start3A_165 = tpu.memref_slice %arg5[%mul3A_163, %dma_start3A_164] : memref<100000x128xf32, #tpu.memory_space<hbm>> -> memref<160x128xf32, #tpu.memory_space<hbm>>
      %dma_start3A_166 = arith.constant 0 : i32
      %dma_start3A_167 = tpu.memref_slice %arg5[%mul3A_163, %dma_start3A_166] : memref<100000x128xf32, #tpu.memory_space<hbm>> -> memref<160x128xf32, #tpu.memory_space<hbm>>
      tpu.enqueue_dma source(%arg11 : memref<160x128xf32, #tpu.memory_space<vmem>>) target(%dma_start3A_167 : memref<160x128xf32, #tpu.memory_space<hbm>>) target_semaphore(%arg18 : memref<!tpu.dma_semaphore, #tpu.memory_space<semaphore_mem>>)
      %add3A_168 = arith.constant 1 : i32
      %add3A_169 = arith.addi %add3A_112, %add3A_168 : i32
      %mul3A_170 = arith.constant 32 : i32
      %mul3A_171 = arith.muli %add3A_169, %mul3A_170 : i32
      %add3A_172 = arith.addi %add3A, %mul3A_171 : i32
      %lt3A_173 = arith.constant 625 : i32
      %lt3A_174 = arith.cmpi slt, %add3A_172, %lt3A_173 : i32
      %convert_element_type3A_175 = arith.extui %lt3A_174 : i1 to i32
      %cond3A_176 = arith.constant 0 : i32
      %cond3A_177 = arith.cmpi ne, %convert_element_type3A_175, %cond3A_176 : i32
      scf.if %cond3A_177 {
        %add3A_220 = arith.constant 1 : i32
        %add3A_221 = arith.addi %add3A_112, %add3A_220 : i32
        %mul3A_222 = arith.constant 32 : i32
        %mul3A_223 = arith.muli %add3A_221, %mul3A_222 : i32
        %add3A_224 = arith.addi %add3A, %mul3A_223 : i32
        %mul3A_225 = arith.constant 160 : i32
        %mul3A_226 = arith.muli %add3A_224, %mul3A_225 : i32
        %dma_start3A_227 = arith.constant 0 : i32
        %dma_start3A_228 = tpu.memref_slice %arg2[%mul3A_226, %dma_start3A_227] : memref<100000x128xf32, #tpu.memory_space<hbm>> -> memref<160x128xf32, #tpu.memory_space<hbm>>
        %dma_start3A_229 = arith.constant 0 : i32
        %dma_start3A_230 = tpu.memref_slice %arg2[%mul3A_226, %dma_start3A_229] : memref<100000x128xf32, #tpu.memory_space<hbm>> -> memref<160x128xf32, #tpu.memory_space<hbm>>
        tpu.enqueue_dma source(%dma_start3A_230 : memref<160x128xf32, #tpu.memory_space<hbm>>) target(%arg7 : memref<160x128xf32, #tpu.memory_space<vmem>>) target_semaphore(%arg16 : memref<!tpu.dma_semaphore, #tpu.memory_space<semaphore_mem>>)
        %add3A_231 = arith.constant 1 : i32
        %add3A_232 = arith.addi %add3A_112, %add3A_231 : i32
        %mul3A_233 = arith.constant 32 : i32
        %mul3A_234 = arith.muli %add3A_232, %mul3A_233 : i32
        %add3A_235 = arith.addi %add3A, %mul3A_234 : i32
        %mul3A_236 = arith.constant 160 : i32
        %mul3A_237 = arith.muli %add3A_235, %mul3A_236 : i32
        %dma_start3A_238 = tpu.memref_slice %arg3[%mul3A_237] : memref<100000xf32, #tpu.memory_space<hbm>> -> memref<160xf32, #tpu.memory_space<hbm>>
        %dma_start3A_239 = tpu.memref_slice %arg3[%mul3A_237] : memref<100000xf32, #tpu.memory_space<hbm>> -> memref<160xf32, #tpu.memory_space<hbm>>
        tpu.enqueue_dma source(%dma_start3A_239 : memref<160xf32, #tpu.memory_space<hbm>>) target(%arg9 : memref<160xf32, #tpu.memory_space<vmem>>) target_semaphore(%arg16 : memref<!tpu.dma_semaphore, #tpu.memory_space<semaphore_mem>>)
      } else {
      }
      %mul3A_178 = arith.constant 32 : i32
      %mul3A_179 = arith.muli %add3A_112, %mul3A_178 : i32
      %add3A_180 = arith.addi %add3A, %mul3A_179 : i32
      %mul3A_181 = arith.constant 160 : i32
      %mul3A_182 = arith.muli %add3A_180, %mul3A_181 : i32
      %dma_wait3A_183 = arith.constant 0 : i32
      %dma_wait3A_184 = tpu.memref_slice %arg2[%mul3A_182, %dma_wait3A_183] : memref<100000x128xf32, #tpu.memory_space<hbm>> -> memref<160x128xf32, #tpu.memory_space<hbm>>
      %dma_wait3A_185 = arith.constant 0 : i32
      %dma_wait3A_186 = tpu.memref_slice %arg2[%mul3A_182, %dma_wait3A_185] : memref<100000x128xf32, #tpu.memory_space<hbm>> -> memref<160x128xf32, #tpu.memory_space<hbm>>
      tpu.wait_dma2 semaphore(%arg15 : memref<!tpu.dma_semaphore, #tpu.memory_space<semaphore_mem>>) src(%dma_wait3A_186 : memref<160x128xf32, #tpu.memory_space<hbm>>) dst(%arg6 : memref<160x128xf32, #tpu.memory_space<vmem>>)
      %mul3A_187 = arith.constant 32 : i32
      %mul3A_188 = arith.muli %add3A_112, %mul3A_187 : i32
      %add3A_189 = arith.addi %add3A, %mul3A_188 : i32
      %mul3A_190 = arith.constant 160 : i32
      %mul3A_191 = arith.muli %add3A_189, %mul3A_190 : i32
      %dma_wait3A_192 = tpu.memref_slice %arg3[%mul3A_191] : memref<100000xf32, #tpu.memory_space<hbm>> -> memref<160xf32, #tpu.memory_space<hbm>>
      %dma_wait3A_193 = tpu.memref_slice %arg3[%mul3A_191] : memref<100000xf32, #tpu.memory_space<hbm>> -> memref<160xf32, #tpu.memory_space<hbm>>
      tpu.wait_dma2 semaphore(%arg15 : memref<!tpu.dma_semaphore, #tpu.memory_space<semaphore_mem>>) src(%dma_wait3A_193 : memref<160xf32, #tpu.memory_space<hbm>>) dst(%arg8 : memref<160xf32, #tpu.memory_space<vmem>>)
      %sub3A = arith.constant 2 : i32
      %sub3A_194 = arith.subi %add3A_112, %sub3A : i32
      %mul3A_195 = arith.constant 32 : i32
      %mul3A_196 = arith.muli %sub3A_194, %mul3A_195 : i32
      %add3A_197 = arith.addi %add3A, %mul3A_196 : i32
      %mul3A_198 = arith.constant 160 : i32
      %mul3A_199 = arith.muli %add3A_197, %mul3A_198 : i32
      %dma_wait3A_200 = arith.constant 0 : i32
      %dma_wait3A_201 = tpu.memref_slice %arg5[%mul3A_199, %dma_wait3A_200] : memref<100000x128xf32, #tpu.memory_space<hbm>> -> memref<160x128xf32, #tpu.memory_space<hbm>>
      %dma_wait3A_202 = arith.constant 0 : i32
      %dma_wait3A_203 = tpu.memref_slice %arg5[%mul3A_199, %dma_wait3A_202] : memref<100000x128xf32, #tpu.memory_space<hbm>> -> memref<160x128xf32, #tpu.memory_space<hbm>>
      tpu.wait_dma2 semaphore(%arg17 : memref<!tpu.dma_semaphore, #tpu.memory_space<semaphore_mem>>) src(%arg10 : memref<160x128xf32, #tpu.memory_space<vmem>>) dst(%dma_wait3A_203 : memref<160x128xf32, #tpu.memory_space<hbm>>)
      %parallel_loop3A_204 = arith.constant 0 : i32
      %parallel_loop3A_205 = arith.constant 10 : i32
      %parallel_loop3A_206 = arith.constant 1 : i32
      scf.for %parallel_loop3A_220 = %parallel_loop3A_204 to %parallel_loop3A_205 step %parallel_loop3A_206  : i32 {
        %parallel_loop3A_221 = arith.constant 16 : i32
        %parallel_loop3A_222 = arith.muli %parallel_loop3A_220, %parallel_loop3A_221 : i32
        %parallel_loop3A_223 = arith.index_cast %parallel_loop3A_222 : i32 to index
        %parallel_loop3A_224 = tpu.vector_load %arg8[%parallel_loop3A_223] {strides = array<i32>} : memref<160xf32, #tpu.memory_space<vmem>>, vector<16xf32>,
        %parallel_loop3A_225 = vector.shape_cast %parallel_loop3A_224 : vector<16xf32> to vector<16xf32>
        %parallel_loop3A_226 = vector.extract_strided_slice %parallel_loop3A_225 {offsets = [0], sizes = [1], strides = [1]} : vector<16xf32> to vector<1xf32>
        %parallel_loop3A_227 = vector.extract %parallel_loop3A_226[0] : f32 from vector<1xf32>
        %parallel_loop3A_228 = vector.broadcast %parallel_loop3A_227 : f32 to vector<16xf32>
        %parallel_loop3A_229 = arith.constant 0 : i32
        %parallel_loop3A_230 = arith.addi %parallel_loop3A_222, %parallel_loop3A_229 : i32
        %parallel_loop3A_231 = arith.constant 16 : i32
        %parallel_loop3A_232 = arith.muli %parallel_loop3A_230, %parallel_loop3A_231 : i32
        %parallel_loop3A_233 = arith.index_cast %parallel_loop3A_232 : i32 to index
        %parallel_loop3A_234 = tpu.vector_load %arg12[%parallel_loop3A_233] {strides = array<i32>} : memref<2560xf32, #tpu.memory_space<vmem>>, vector<16xf32>,
        %parallel_loop3A_235 = vector.shape_cast %parallel_loop3A_234 : vector<16xf32> to vector<16xf32>
        %parallel_loop3A_236 = vector.shape_cast %parallel_loop3A_228 : vector<16xf32> to vector<16xf32>
        tpu.vector_store %arg12[%parallel_loop3A_233], %parallel_loop3A_236 {strides = array<i32>} : memref<2560xf32, #tpu.memory_space<vmem>>, vector<16xf32>,
        %parallel_loop3A_237 = vector.extract_strided_slice %parallel_loop3A_225 {offsets = [1], sizes = [1], strides = [1]} : vector<16xf32> to vector<1xf32>
        %parallel_loop3A_238 = vector.extract %parallel_loop3A_237[0] : f32 from vector<1xf32>
        %parallel_loop3A_239 = vector.broadcast %parallel_loop3A_238 : f32 to vector<16xf32>
        %parallel_loop3A_240 = arith.constant 1 : i32
        %parallel_loop3A_241 = arith.addi %parallel_loop3A_222, %parallel_loop3A_240 : i32
        %parallel_loop3A_242 = arith.constant 16 : i32
        %parallel_loop3A_243 = arith.muli %parallel_loop3A_241, %parallel_loop3A_242 : i32
        %parallel_loop3A_244 = arith.index_cast %parallel_loop3A_243 : i32 to index
        %parallel_loop3A_245 = tpu.vector_load %arg12[%parallel_loop3A_244] {strides = array<i32>} : memref<2560xf32, #tpu.memory_space<vmem>>, vector<16xf32>,
        %parallel_loop3A_246 = vector.shape_cast %parallel_loop3A_245 : vector<16xf32> to vector<16xf32>
        %parallel_loop3A_247 = vector.shape_cast %parallel_loop3A_239 : vector<16xf32> to vector<16xf32>
        tpu.vector_store %arg12[%parallel_loop3A_244], %parallel_loop3A_247 {strides = array<i32>} : memref<2560xf32, #tpu.memory_space<vmem>>, vector<16xf32>,
        %parallel_loop3A_248 = vector.extract_strided_slice %parallel_loop3A_225 {offsets = [2], sizes = [1], strides = [1]} : vector<16xf32> to vector<1xf32>
        %parallel_loop3A_249 = vector.extract %parallel_loop3A_248[0] : f32 from vector<1xf32>
        %parallel_loop3A_250 = vector.broadcast %parallel_loop3A_249 : f32 to vector<16xf32>
        %parallel_loop3A_251 = arith.constant 2 : i32
        %parallel_loop3A_252 = arith.addi %parallel_loop3A_222, %parallel_loop3A_251 : i32
        %parallel_loop3A_253 = arith.constant 16 : i32
        %parallel_loop3A_254 = arith.muli %parallel_loop3A_252, %parallel_loop3A_253 : i32
        %parallel_loop3A_255 = arith.index_cast %parallel_loop3A_254 : i32 to index
        %parallel_loop3A_256 = tpu.vector_load %arg12[%parallel_loop3A_255] {strides = array<i32>} : memref<2560xf32, #tpu.memory_space<vmem>>, vector<16xf32>,
        %parallel_loop3A_257 = vector.shape_cast %parallel_loop3A_256 : vector<16xf32> to vector<16xf32>
        %parallel_loop3A_258 = vector.shape_cast %parallel_loop3A_250 : vector<16xf32> to vector<16xf32>
        tpu.vector_store %arg12[%parallel_loop3A_255], %parallel_loop3A_258 {strides = array<i32>} : memref<2560xf32, #tpu.memory_space<vmem>>, vector<16xf32>,
        %parallel_loop3A_259 = vector.extract_strided_slice %parallel_loop3A_225 {offsets = [3], sizes = [1], strides = [1]} : vector<16xf32> to vector<1xf32>
        %parallel_loop3A_260 = vector.extract %parallel_loop3A_259[0] : f32 from vector<1xf32>
        %parallel_loop3A_261 = vector.broadcast %parallel_loop3A_260 : f32 to vector<16xf32>
        %parallel_loop3A_262 = arith.constant 3 : i32
        %parallel_loop3A_263 = arith.addi %parallel_loop3A_222, %parallel_loop3A_262 : i32
        %parallel_loop3A_264 = arith.constant 16 : i32
        %parallel_loop3A_265 = arith.muli %parallel_loop3A_263, %parallel_loop3A_264 : i32
        %parallel_loop3A_266 = arith.index_cast %parallel_loop3A_265 : i32 to index
        %parallel_loop3A_267 = tpu.vector_load %arg12[%parallel_loop3A_266] {strides = array<i32>} : memref<2560xf32, #tpu.memory_space<vmem>>, vector<16xf32>,
        %parallel_loop3A_268 = vector.shape_cast %parallel_loop3A_267 : vector<16xf32> to vector<16xf32>
        %parallel_loop3A_269 = vector.shape_cast %parallel_loop3A_261 : vector<16xf32> to vector<16xf32>
        tpu.vector_store %arg12[%parallel_loop3A_266], %parallel_loop3A_269 {strides = array<i32>} : memref<2560xf32, #tpu.memory_space<vmem>>, vector<16xf32>,
        %parallel_loop3A_270 = vector.extract_strided_slice %parallel_loop3A_225 {offsets = [4], sizes = [1], strides = [1]} : vector<16xf32> to vector<1xf32>
        %parallel_loop3A_271 = vector.extract %parallel_loop3A_270[0] : f32 from vector<1xf32>
        %parallel_loop3A_272 = vector.broadcast %parallel_loop3A_271 : f32 to vector<16xf32>
        %parallel_loop3A_273 = arith.constant 4 : i32
        %parallel_loop3A_274 = arith.addi %parallel_loop3A_222, %parallel_loop3A_273 : i32
        %parallel_loop3A_275 = arith.constant 16 : i32
        %parallel_loop3A_276 = arith.muli %parallel_loop3A_274, %parallel_loop3A_275 : i32
        %parallel_loop3A_277 = arith.index_cast %parallel_loop3A_276 : i32 to index
        %parallel_loop3A_278 = tpu.vector_load %arg12[%parallel_loop3A_277] {strides = array<i32>} : memref<2560xf32, #tpu.memory_space<vmem>>, vector<16xf32>,
        %parallel_loop3A_279 = vector.shape_cast %parallel_loop3A_278 : vector<16xf32> to vector<16xf32>
        %parallel_loop3A_280 = vector.shape_cast %parallel_loop3A_272 : vector<16xf32> to vector<16xf32>
        tpu.vector_store %arg12[%parallel_loop3A_277], %parallel_loop3A_280 {strides = array<i32>} : memref<2560xf32, #tpu.memory_space<vmem>>, vector<16xf32>,
        %parallel_loop3A_281 = vector.extract_strided_slice %parallel_loop3A_225 {offsets = [5], sizes = [1], strides = [1]} : vector<16xf32> to vector<1xf32>
        %parallel_loop3A_282 = vector.extract %parallel_loop3A_281[0] : f32 from vector<1xf32>
        %parallel_loop3A_283 = vector.broadcast %parallel_loop3A_282 : f32 to vector<16xf32>
        %parallel_loop3A_284 = arith.constant 5 : i32
        %parallel_loop3A_285 = arith.addi %parallel_loop3A_222, %parallel_loop3A_284 : i32
        %parallel_loop3A_286 = arith.constant 16 : i32
        %parallel_loop3A_287 = arith.muli %parallel_loop3A_285, %parallel_loop3A_286 : i32
        %parallel_loop3A_288 = arith.index_cast %parallel_loop3A_287 : i32 to index
        %parallel_loop3A_289 = tpu.vector_load %arg12[%parallel_loop3A_288] {strides = array<i32>} : memref<2560xf32, #tpu.memory_space<vmem>>, vector<16xf32>,
        %parallel_loop3A_290 = vector.shape_cast %parallel_loop3A_289 : vector<16xf32> to vector<16xf32>
        %parallel_loop3A_291 = vector.shape_cast %parallel_loop3A_283 : vector<16xf32> to vector<16xf32>
        tpu.vector_store %arg12[%parallel_loop3A_288], %parallel_loop3A_291 {strides = array<i32>} : memref<2560xf32, #tpu.memory_space<vmem>>, vector<16xf32>,
        %parallel_loop3A_292 = vector.extract_strided_slice %parallel_loop3A_225 {offsets = [6], sizes = [1], strides = [1]} : vector<16xf32> to vector<1xf32>
        %parallel_loop3A_293 = vector.extract %parallel_loop3A_292[0] : f32 from vector<1xf32>
        %parallel_loop3A_294 = vector.broadcast %parallel_loop3A_293 : f32 to vector<16xf32>
        %parallel_loop3A_295 = arith.constant 6 : i32
        %parallel_loop3A_296 = arith.addi %parallel_loop3A_222, %parallel_loop3A_295 : i32
        %parallel_loop3A_297 = arith.constant 16 : i32
        %parallel_loop3A_298 = arith.muli %parallel_loop3A_296, %parallel_loop3A_297 : i32
        %parallel_loop3A_299 = arith.index_cast %parallel_loop3A_298 : i32 to index
        %parallel_loop3A_300 = tpu.vector_load %arg12[%parallel_loop3A_299] {strides = array<i32>} : memref<2560xf32, #tpu.memory_space<vmem>>, vector<16xf32>,
        %parallel_loop3A_301 = vector.shape_cast %parallel_loop3A_300 : vector<16xf32> to vector<16xf32>
        %parallel_loop3A_302 = vector.shape_cast %parallel_loop3A_294 : vector<16xf32> to vector<16xf32>
        tpu.vector_store %arg12[%parallel_loop3A_299], %parallel_loop3A_302 {strides = array<i32>} : memref<2560xf32, #tpu.memory_space<vmem>>, vector<16xf32>,
        %parallel_loop3A_303 = vector.extract_strided_slice %parallel_loop3A_225 {offsets = [7], sizes = [1], strides = [1]} : vector<16xf32> to vector<1xf32>
        %parallel_loop3A_304 = vector.extract %parallel_loop3A_303[0] : f32 from vector<1xf32>
        %parallel_loop3A_305 = vector.broadcast %parallel_loop3A_304 : f32 to vector<16xf32>
        %parallel_loop3A_306 = arith.constant 7 : i32
        %parallel_loop3A_307 = arith.addi %parallel_loop3A_222, %parallel_loop3A_306 : i32
        %parallel_loop3A_308 = arith.constant 16 : i32
        %parallel_loop3A_309 = arith.muli %parallel_loop3A_307, %parallel_loop3A_308 : i32
        %parallel_loop3A_310 = arith.index_cast %parallel_loop3A_309 : i32 to index
        %parallel_loop3A_311 = tpu.vector_load %arg12[%parallel_loop3A_310] {strides = array<i32>} : memref<2560xf32, #tpu.memory_space<vmem>>, vector<16xf32>,
        %parallel_loop3A_312 = vector.shape_cast %parallel_loop3A_311 : vector<16xf32> to vector<16xf32>
        %parallel_loop3A_313 = vector.shape_cast %parallel_loop3A_305 : vector<16xf32> to vector<16xf32>
        tpu.vector_store %arg12[%parallel_loop3A_310], %parallel_loop3A_313 {strides = array<i32>} : memref<2560xf32, #tpu.memory_space<vmem>>, vector<16xf32>,
        %parallel_loop3A_314 = vector.extract_strided_slice %parallel_loop3A_225 {offsets = [8], sizes = [1], strides = [1]} : vector<16xf32> to vector<1xf32>
        %parallel_loop3A_315 = vector.extract %parallel_loop3A_314[0] : f32 from vector<1xf32>
        %parallel_loop3A_316 = vector.broadcast %parallel_loop3A_315 : f32 to vector<16xf32>
        %parallel_loop3A_317 = arith.constant 8 : i32
        %parallel_loop3A_318 = arith.addi %parallel_loop3A_222, %parallel_loop3A_317 : i32
        %parallel_loop3A_319 = arith.constant 16 : i32
        %parallel_loop3A_320 = arith.muli %parallel_loop3A_318, %parallel_loop3A_319 : i32
        %parallel_loop3A_321 = arith.index_cast %parallel_loop3A_320 : i32 to index
        %parallel_loop3A_322 = tpu.vector_load %arg12[%parallel_loop3A_321] {strides = array<i32>} : memref<2560xf32, #tpu.memory_space<vmem>>, vector<16xf32>,
        %parallel_loop3A_323 = vector.shape_cast %parallel_loop3A_322 : vector<16xf32> to vector<16xf32>
        %parallel_loop3A_324 = vector.shape_cast %parallel_loop3A_316 : vector<16xf32> to vector<16xf32>
        tpu.vector_store %arg12[%parallel_loop3A_321], %parallel_loop3A_324 {strides = array<i32>} : memref<2560xf32, #tpu.memory_space<vmem>>, vector<16xf32>,
        %parallel_loop3A_325 = vector.extract_strided_slice %parallel_loop3A_225 {offsets = [9], sizes = [1], strides = [1]} : vector<16xf32> to vector<1xf32>
        %parallel_loop3A_326 = vector.extract %parallel_loop3A_325[0] : f32 from vector<1xf32>
        %parallel_loop3A_327 = vector.broadcast %parallel_loop3A_326 : f32 to vector<16xf32>
        %parallel_loop3A_328 = arith.constant 9 : i32
        %parallel_loop3A_329 = arith.addi %parallel_loop3A_222, %parallel_loop3A_328 : i32
        %parallel_loop3A_330 = arith.constant 16 : i32
        %parallel_loop3A_331 = arith.muli %parallel_loop3A_329, %parallel_loop3A_330 : i32
        %parallel_loop3A_332 = arith.index_cast %parallel_loop3A_331 : i32 to index
        %parallel_loop3A_333 = tpu.vector_load %arg12[%parallel_loop3A_332] {strides = array<i32>} : memref<2560xf32, #tpu.memory_space<vmem>>, vector<16xf32>,
        %parallel_loop3A_334 = vector.shape_cast %parallel_loop3A_333 : vector<16xf32> to vector<16xf32>
        %parallel_loop3A_335 = vector.shape_cast %parallel_loop3A_327 : vector<16xf32> to vector<16xf32>
        tpu.vector_store %arg12[%parallel_loop3A_332], %parallel_loop3A_335 {strides = array<i32>} : memref<2560xf32, #tpu.memory_space<vmem>>, vector<16xf32>,
        %parallel_loop3A_336 = vector.extract_strided_slice %parallel_loop3A_225 {offsets = [10], sizes = [1], strides = [1]} : vector<16xf32> to vector<1xf32>
        %parallel_loop3A_337 = vector.extract %parallel_loop3A_336[0] : f32 from vector<1xf32>
        %parallel_loop3A_338 = vector.broadcast %parallel_loop3A_337 : f32 to vector<16xf32>
        %parallel_loop3A_339 = arith.constant 10 : i32
        %parallel_loop3A_340 = arith.addi %parallel_loop3A_222, %parallel_loop3A_339 : i32
        %parallel_loop3A_341 = arith.constant 16 : i32
        %parallel_loop3A_342 = arith.muli %parallel_loop3A_340, %parallel_loop3A_341 : i32
        %parallel_loop3A_343 = arith.index_cast %parallel_loop3A_342 : i32 to index
        %parallel_loop3A_344 = tpu.vector_load %arg12[%parallel_loop3A_343] {strides = array<i32>} : memref<2560xf32, #tpu.memory_space<vmem>>, vector<16xf32>,
        %parallel_loop3A_345 = vector.shape_cast %parallel_loop3A_344 : vector<16xf32> to vector<16xf32>
        %parallel_loop3A_346 = vector.shape_cast %parallel_loop3A_338 : vector<16xf32> to vector<16xf32>
        tpu.vector_store %arg12[%parallel_loop3A_343], %parallel_loop3A_346 {strides = array<i32>} : memref<2560xf32, #tpu.memory_space<vmem>>, vector<16xf32>,
        %parallel_loop3A_347 = vector.extract_strided_slice %parallel_loop3A_225 {offsets = [11], sizes = [1], strides = [1]} : vector<16xf32> to vector<1xf32>
        %parallel_loop3A_348 = vector.extract %parallel_loop3A_347[0] : f32 from vector<1xf32>
        %parallel_loop3A_349 = vector.broadcast %parallel_loop3A_348 : f32 to vector<16xf32>
        %parallel_loop3A_350 = arith.constant 11 : i32
        %parallel_loop3A_351 = arith.addi %parallel_loop3A_222, %parallel_loop3A_350 : i32
        %parallel_loop3A_352 = arith.constant 16 : i32
        %parallel_loop3A_353 = arith.muli %parallel_loop3A_351, %parallel_loop3A_352 : i32
        %parallel_loop3A_354 = arith.index_cast %parallel_loop3A_353 : i32 to index
        %parallel_loop3A_355 = tpu.vector_load %arg12[%parallel_loop3A_354] {strides = array<i32>} : memref<2560xf32, #tpu.memory_space<vmem>>, vector<16xf32>,
        %parallel_loop3A_356 = vector.shape_cast %parallel_loop3A_355 : vector<16xf32> to vector<16xf32>
        %parallel_loop3A_357 = vector.shape_cast %parallel_loop3A_349 : vector<16xf32> to vector<16xf32>
        tpu.vector_store %arg12[%parallel_loop3A_354], %parallel_loop3A_357 {strides = array<i32>} : memref<2560xf32, #tpu.memory_space<vmem>>, vector<16xf32>,
        %parallel_loop3A_358 = vector.extract_strided_slice %parallel_loop3A_225 {offsets = [12], sizes = [1], strides = [1]} : vector<16xf32> to vector<1xf32>
        %parallel_loop3A_359 = vector.extract %parallel_loop3A_358[0] : f32 from vector<1xf32>
        %parallel_loop3A_360 = vector.broadcast %parallel_loop3A_359 : f32 to vector<16xf32>
        %parallel_loop3A_361 = arith.constant 12 : i32
        %parallel_loop3A_362 = arith.addi %parallel_loop3A_222, %parallel_loop3A_361 : i32
        %parallel_loop3A_363 = arith.constant 16 : i32
        %parallel_loop3A_364 = arith.muli %parallel_loop3A_362, %parallel_loop3A_363 : i32
        %parallel_loop3A_365 = arith.index_cast %parallel_loop3A_364 : i32 to index
        %parallel_loop3A_366 = tpu.vector_load %arg12[%parallel_loop3A_365] {strides = array<i32>} : memref<2560xf32, #tpu.memory_space<vmem>>, vector<16xf32>,
        %parallel_loop3A_367 = vector.shape_cast %parallel_loop3A_366 : vector<16xf32> to vector<16xf32>
        %parallel_loop3A_368 = vector.shape_cast %parallel_loop3A_360 : vector<16xf32> to vector<16xf32>
        tpu.vector_store %arg12[%parallel_loop3A_365], %parallel_loop3A_368 {strides = array<i32>} : memref<2560xf32, #tpu.memory_space<vmem>>, vector<16xf32>,
        %parallel_loop3A_369 = vector.extract_strided_slice %parallel_loop3A_225 {offsets = [13], sizes = [1], strides = [1]} : vector<16xf32> to vector<1xf32>
        %parallel_loop3A_370 = vector.extract %parallel_loop3A_369[0] : f32 from vector<1xf32>
        %parallel_loop3A_371 = vector.broadcast %parallel_loop3A_370 : f32 to vector<16xf32>
        %parallel_loop3A_372 = arith.constant 13 : i32
        %parallel_loop3A_373 = arith.addi %parallel_loop3A_222, %parallel_loop3A_372 : i32
        %parallel_loop3A_374 = arith.constant 16 : i32
        %parallel_loop3A_375 = arith.muli %parallel_loop3A_373, %parallel_loop3A_374 : i32
        %parallel_loop3A_376 = arith.index_cast %parallel_loop3A_375 : i32 to index
        %parallel_loop3A_377 = tpu.vector_load %arg12[%parallel_loop3A_376] {strides = array<i32>} : memref<2560xf32, #tpu.memory_space<vmem>>, vector<16xf32>,
        %parallel_loop3A_378 = vector.shape_cast %parallel_loop3A_377 : vector<16xf32> to vector<16xf32>
        %parallel_loop3A_379 = vector.shape_cast %parallel_loop3A_371 : vector<16xf32> to vector<16xf32>
        tpu.vector_store %arg12[%parallel_loop3A_376], %parallel_loop3A_379 {strides = array<i32>} : memref<2560xf32, #tpu.memory_space<vmem>>, vector<16xf32>,
        %parallel_loop3A_380 = vector.extract_strided_slice %parallel_loop3A_225 {offsets = [14], sizes = [1], strides = [1]} : vector<16xf32> to vector<1xf32>
        %parallel_loop3A_381 = vector.extract %parallel_loop3A_380[0] : f32 from vector<1xf32>
        %parallel_loop3A_382 = vector.broadcast %parallel_loop3A_381 : f32 to vector<16xf32>
        %parallel_loop3A_383 = arith.constant 14 : i32
        %parallel_loop3A_384 = arith.addi %parallel_loop3A_222, %parallel_loop3A_383 : i32
        %parallel_loop3A_385 = arith.constant 16 : i32
        %parallel_loop3A_386 = arith.muli %parallel_loop3A_384, %parallel_loop3A_385 : i32
        %parallel_loop3A_387 = arith.index_cast %parallel_loop3A_386 : i32 to index
        %parallel_loop3A_388 = tpu.vector_load %arg12[%parallel_loop3A_387] {strides = array<i32>} : memref<2560xf32, #tpu.memory_space<vmem>>, vector<16xf32>,
        %parallel_loop3A_389 = vector.shape_cast %parallel_loop3A_388 : vector<16xf32> to vector<16xf32>
        %parallel_loop3A_390 = vector.shape_cast %parallel_loop3A_382 : vector<16xf32> to vector<16xf32>
        tpu.vector_store %arg12[%parallel_loop3A_387], %parallel_loop3A_390 {strides = array<i32>} : memref<2560xf32, #tpu.memory_space<vmem>>, vector<16xf32>,
        %parallel_loop3A_391 = vector.extract_strided_slice %parallel_loop3A_225 {offsets = [15], sizes = [1], strides = [1]} : vector<16xf32> to vector<1xf32>
        %parallel_loop3A_392 = vector.extract %parallel_loop3A_391[0] : f32 from vector<1xf32>
        %parallel_loop3A_393 = vector.broadcast %parallel_loop3A_392 : f32 to vector<16xf32>
        %parallel_loop3A_394 = arith.constant 15 : i32
        %parallel_loop3A_395 = arith.addi %parallel_loop3A_222, %parallel_loop3A_394 : i32
        %parallel_loop3A_396 = arith.constant 16 : i32
        %parallel_loop3A_397 = arith.muli %parallel_loop3A_395, %parallel_loop3A_396 : i32
        %parallel_loop3A_398 = arith.index_cast %parallel_loop3A_397 : i32 to index
        %parallel_loop3A_399 = tpu.vector_load %arg12[%parallel_loop3A_398] {strides = array<i32>} : memref<2560xf32, #tpu.memory_space<vmem>>, vector<16xf32>,
        %parallel_loop3A_400 = vector.shape_cast %parallel_loop3A_399 : vector<16xf32> to vector<16xf32>
        %parallel_loop3A_401 = vector.shape_cast %parallel_loop3A_393 : vector<16xf32> to vector<16xf32>
        tpu.vector_store %arg12[%parallel_loop3A_398], %parallel_loop3A_401 {strides = array<i32>} : memref<2560xf32, #tpu.memory_space<vmem>>, vector<16xf32>,
      } {sc.loop_unroll_factor = 2 : i64, sc.parallel_access}
      %parallel_loop3A_207 = arith.constant 0 : i32
      %parallel_loop3A_208 = arith.constant 160 : i32
      %parallel_loop3A_209 = arith.constant 1 : i32
      scf.for %parallel_loop3A_220 = %parallel_loop3A_207 to %parallel_loop3A_208 step %parallel_loop3A_209  : i32 {
        %parallel_loop3A_221 = arith.constant 16 : i32
        %parallel_loop3A_222 = arith.muli %parallel_loop3A_220, %parallel_loop3A_221 : i32
        %parallel_loop3A_223 = arith.index_cast %parallel_loop3A_222 : i32 to index
        %parallel_loop3A_224 = tpu.vector_load %arg12[%parallel_loop3A_223] {strides = array<i32>} : memref<2560xf32, #tpu.memory_space<vmem>>, vector<16xf32>,
        %parallel_loop3A_225 = vector.shape_cast %parallel_loop3A_224 : vector<16xf32> to vector<16xf32>
        %parallel_loop3A_226 = arith.constant 0.000000e+00 : f32
        %parallel_loop3A_227 = vector.broadcast %parallel_loop3A_226 : f32 to vector<16xf32>
        %parallel_loop3A_228 = arith.cmpf one, %parallel_loop3A_225, %parallel_loop3A_227 : vector<16xf32>
        %parallel_loop3A_229 = arith.index_cast %parallel_loop3A_220 : i32 to index
        %parallel_loop3A_230 = arith.constant 0 : index
        %parallel_loop3A_231 = tpu.vector_load %arg6[%parallel_loop3A_229, %parallel_loop3A_230] {strides = array<i32>} : memref<160x128xf32, #tpu.memory_space<vmem>>, vector<1x16xf32>,
        %parallel_loop3A_232 = vector.shape_cast %parallel_loop3A_231 : vector<1x16xf32> to vector<16xf32>
        %parallel_loop3A_233 = arith.mulf %parallel_loop3A_232, %get3A_2 : vector<16xf32>
        %parallel_loop3A_234 = arith.select %parallel_loop3A_228, %parallel_loop3A_233, %parallel_loop3A_232 : vector<16xi1>, vector<16xf32>
        %parallel_loop3A_235 = arith.index_cast %parallel_loop3A_220 : i32 to index
        %parallel_loop3A_236 = arith.constant 0 : index
        %parallel_loop3A_237 = tpu.vector_load %arg10[%parallel_loop3A_235, %parallel_loop3A_236] {strides = array<i32>} : memref<160x128xf32, #tpu.memory_space<vmem>>, vector<1x16xf32>,
        %parallel_loop3A_238 = vector.shape_cast %parallel_loop3A_237 : vector<1x16xf32> to vector<16xf32>
        %parallel_loop3A_239 = vector.shape_cast %parallel_loop3A_234 : vector<16xf32> to vector<1x16xf32>
        tpu.vector_store %arg10[%parallel_loop3A_235, %parallel_loop3A_236], %parallel_loop3A_239 {strides = array<i32>} : memref<160x128xf32, #tpu.memory_space<vmem>>, vector<1x16xf32>,
        %parallel_loop3A_240 = arith.index_cast %parallel_loop3A_220 : i32 to index
        %parallel_loop3A_241 = arith.constant 16 : index
        %parallel_loop3A_242 = tpu.vector_load %arg6[%parallel_loop3A_240, %parallel_loop3A_241] {strides = array<i32>} : memref<160x128xf32, #tpu.memory_space<vmem>>, vector<1x16xf32>,
        %parallel_loop3A_243 = vector.shape_cast %parallel_loop3A_242 : vector<1x16xf32> to vector<16xf32>
        %parallel_loop3A_244 = arith.mulf %parallel_loop3A_243, %get3A_5 : vector<16xf32>
        %parallel_loop3A_245 = arith.select %parallel_loop3A_228, %parallel_loop3A_244, %parallel_loop3A_243 : vector<16xi1>, vector<16xf32>
        %parallel_loop3A_246 = arith.index_cast %parallel_loop3A_220 : i32 to index
        %parallel_loop3A_247 = arith.constant 16 : index
        %parallel_loop3A_248 = tpu.vector_load %arg10[%parallel_loop3A_246, %parallel_loop3A_247] {strides = array<i32>} : memref<160x128xf32, #tpu.memory_space<vmem>>, vector<1x16xf32>,
        %parallel_loop3A_249 = vector.shape_cast %parallel_loop3A_248 : vector<1x16xf32> to vector<16xf32>
        %parallel_loop3A_250 = vector.shape_cast %parallel_loop3A_245 : vector<16xf32> to vector<1x16xf32>
        tpu.vector_store %arg10[%parallel_loop3A_246, %parallel_loop3A_247], %parallel_loop3A_250 {strides = array<i32>} : memref<160x128xf32, #tpu.memory_space<vmem>>, vector<1x16xf32>,
        %parallel_loop3A_251 = arith.index_cast %parallel_loop3A_220 : i32 to index
        %parallel_loop3A_252 = arith.constant 32 : index
        %parallel_loop3A_253 = tpu.vector_load %arg6[%parallel_loop3A_251, %parallel_loop3A_252] {strides = array<i32>} : memref<160x128xf32, #tpu.memory_space<vmem>>, vector<1x16xf32>,
        %parallel_loop3A_254 = vector.shape_cast %parallel_loop3A_253 : vector<1x16xf32> to vector<16xf32>
        %parallel_loop3A_255 = arith.mulf %parallel_loop3A_254, %get3A_8 : vector<16xf32>
        %parallel_loop3A_256 = arith.select %parallel_loop3A_228, %parallel_loop3A_255, %parallel_loop3A_254 : vector<16xi1>, vector<16xf32>
        %parallel_loop3A_257 = arith.index_cast %parallel_loop3A_220 : i32 to index
        %parallel_loop3A_258 = arith.constant 32 : index
        %parallel_loop3A_259 = tpu.vector_load %arg10[%parallel_loop3A_257, %parallel_loop3A_258] {strides = array<i32>} : memref<160x128xf32, #tpu.memory_space<vmem>>, vector<1x16xf32>,
        %parallel_loop3A_260 = vector.shape_cast %parallel_loop3A_259 : vector<1x16xf32> to vector<16xf32>
        %parallel_loop3A_261 = vector.shape_cast %parallel_loop3A_256 : vector<16xf32> to vector<1x16xf32>
        tpu.vector_store %arg10[%parallel_loop3A_257, %parallel_loop3A_258], %parallel_loop3A_261 {strides = array<i32>} : memref<160x128xf32, #tpu.memory_space<vmem>>, vector<1x16xf32>,
        %parallel_loop3A_262 = arith.index_cast %parallel_loop3A_220 : i32 to index
        %parallel_loop3A_263 = arith.constant 48 : index
        %parallel_loop3A_264 = tpu.vector_load %arg6[%parallel_loop3A_262, %parallel_loop3A_263] {strides = array<i32>} : memref<160x128xf32, #tpu.memory_space<vmem>>, vector<1x16xf32>,
        %parallel_loop3A_265 = vector.shape_cast %parallel_loop3A_264 : vector<1x16xf32> to vector<16xf32>
        %parallel_loop3A_266 = arith.mulf %parallel_loop3A_265, %get3A_11 : vector<16xf32>
        %parallel_loop3A_267 = arith.select %parallel_loop3A_228, %parallel_loop3A_266, %parallel_loop3A_265 : vector<16xi1>, vector<16xf32>
        %parallel_loop3A_268 = arith.index_cast %parallel_loop3A_220 : i32 to index
        %parallel_loop3A_269 = arith.constant 48 : index
        %parallel_loop3A_270 = tpu.vector_load %arg10[%parallel_loop3A_268, %parallel_loop3A_269] {strides = array<i32>} : memref<160x128xf32, #tpu.memory_space<vmem>>, vector<1x16xf32>,
        %parallel_loop3A_271 = vector.shape_cast %parallel_loop3A_270 : vector<1x16xf32> to vector<16xf32>
        %parallel_loop3A_272 = vector.shape_cast %parallel_loop3A_267 : vector<16xf32> to vector<1x16xf32>
        tpu.vector_store %arg10[%parallel_loop3A_268, %parallel_loop3A_269], %parallel_loop3A_272 {strides = array<i32>} : memref<160x128xf32, #tpu.memory_space<vmem>>, vector<1x16xf32>,
        %parallel_loop3A_273 = arith.index_cast %parallel_loop3A_220 : i32 to index
        %parallel_loop3A_274 = arith.constant 64 : index
        %parallel_loop3A_275 = tpu.vector_load %arg6[%parallel_loop3A_273, %parallel_loop3A_274] {strides = array<i32>} : memref<160x128xf32, #tpu.memory_space<vmem>>, vector<1x16xf32>,
        %parallel_loop3A_276 = vector.shape_cast %parallel_loop3A_275 : vector<1x16xf32> to vector<16xf32>
        %parallel_loop3A_277 = arith.mulf %parallel_loop3A_276, %get3A_14 : vector<16xf32>
        %parallel_loop3A_278 = arith.select %parallel_loop3A_228, %parallel_loop3A_277, %parallel_loop3A_276 : vector<16xi1>, vector<16xf32>
        %parallel_loop3A_279 = arith.index_cast %parallel_loop3A_220 : i32 to index
        %parallel_loop3A_280 = arith.constant 64 : index
        %parallel_loop3A_281 = tpu.vector_load %arg10[%parallel_loop3A_279, %parallel_loop3A_280] {strides = array<i32>} : memref<160x128xf32, #tpu.memory_space<vmem>>, vector<1x16xf32>,
        %parallel_loop3A_282 = vector.shape_cast %parallel_loop3A_281 : vector<1x16xf32> to vector<16xf32>
        %parallel_loop3A_283 = vector.shape_cast %parallel_loop3A_278 : vector<16xf32> to vector<1x16xf32>
        tpu.vector_store %arg10[%parallel_loop3A_279, %parallel_loop3A_280], %parallel_loop3A_283 {strides = array<i32>} : memref<160x128xf32, #tpu.memory_space<vmem>>, vector<1x16xf32>,
        %parallel_loop3A_284 = arith.index_cast %parallel_loop3A_220 : i32 to index
        %parallel_loop3A_285 = arith.constant 80 : index
        %parallel_loop3A_286 = tpu.vector_load %arg6[%parallel_loop3A_284, %parallel_loop3A_285] {strides = array<i32>} : memref<160x128xf32, #tpu.memory_space<vmem>>, vector<1x16xf32>,
        %parallel_loop3A_287 = vector.shape_cast %parallel_loop3A_286 : vector<1x16xf32> to vector<16xf32>
        %parallel_loop3A_288 = arith.mulf %parallel_loop3A_287, %get3A_17 : vector<16xf32>
        %parallel_loop3A_289 = arith.select %parallel_loop3A_228, %parallel_loop3A_288, %parallel_loop3A_287 : vector<16xi1>, vector<16xf32>
        %parallel_loop3A_290 = arith.index_cast %parallel_loop3A_220 : i32 to index
        %parallel_loop3A_291 = arith.constant 80 : index
        %parallel_loop3A_292 = tpu.vector_load %arg10[%parallel_loop3A_290, %parallel_loop3A_291] {strides = array<i32>} : memref<160x128xf32, #tpu.memory_space<vmem>>, vector<1x16xf32>,
        %parallel_loop3A_293 = vector.shape_cast %parallel_loop3A_292 : vector<1x16xf32> to vector<16xf32>
        %parallel_loop3A_294 = vector.shape_cast %parallel_loop3A_289 : vector<16xf32> to vector<1x16xf32>
        tpu.vector_store %arg10[%parallel_loop3A_290, %parallel_loop3A_291], %parallel_loop3A_294 {strides = array<i32>} : memref<160x128xf32, #tpu.memory_space<vmem>>, vector<1x16xf32>,
        %parallel_loop3A_295 = arith.index_cast %parallel_loop3A_220 : i32 to index
        %parallel_loop3A_296 = arith.constant 96 : index
        %parallel_loop3A_297 = tpu.vector_load %arg6[%parallel_loop3A_295, %parallel_loop3A_296] {strides = array<i32>} : memref<160x128xf32, #tpu.memory_space<vmem>>, vector<1x16xf32>,
        %parallel_loop3A_298 = vector.shape_cast %parallel_loop3A_297 : vector<1x16xf32> to vector<16xf32>
        %parallel_loop3A_299 = arith.mulf %parallel_loop3A_298, %get3A_20 : vector<16xf32>
        %parallel_loop3A_300 = arith.select %parallel_loop3A_228, %parallel_loop3A_299, %parallel_loop3A_298 : vector<16xi1>, vector<16xf32>
        %parallel_loop3A_301 = arith.index_cast %parallel_loop3A_220 : i32 to index
        %parallel_loop3A_302 = arith.constant 96 : index
        %parallel_loop3A_303 = tpu.vector_load %arg10[%parallel_loop3A_301, %parallel_loop3A_302] {strides = array<i32>} : memref<160x128xf32, #tpu.memory_space<vmem>>, vector<1x16xf32>,
        %parallel_loop3A_304 = vector.shape_cast %parallel_loop3A_303 : vector<1x16xf32> to vector<16xf32>
        %parallel_loop3A_305 = vector.shape_cast %parallel_loop3A_300 : vector<16xf32> to vector<1x16xf32>
        tpu.vector_store %arg10[%parallel_loop3A_301, %parallel_loop3A_302], %parallel_loop3A_305 {strides = array<i32>} : memref<160x128xf32, #tpu.memory_space<vmem>>, vector<1x16xf32>,
        %parallel_loop3A_306 = arith.index_cast %parallel_loop3A_220 : i32 to index
        %parallel_loop3A_307 = arith.constant 112 : index
        %parallel_loop3A_308 = tpu.vector_load %arg6[%parallel_loop3A_306, %parallel_loop3A_307] {strides = array<i32>} : memref<160x128xf32, #tpu.memory_space<vmem>>, vector<1x16xf32>,
        %parallel_loop3A_309 = vector.shape_cast %parallel_loop3A_308 : vector<1x16xf32> to vector<16xf32>
        %parallel_loop3A_310 = arith.mulf %parallel_loop3A_309, %get3A_23 : vector<16xf32>
        %parallel_loop3A_311 = arith.select %parallel_loop3A_228, %parallel_loop3A_310, %parallel_loop3A_309 : vector<16xi1>, vector<16xf32>
        %parallel_loop3A_312 = arith.index_cast %parallel_loop3A_220 : i32 to index
        %parallel_loop3A_313 = arith.constant 112 : index
        %parallel_loop3A_314 = tpu.vector_load %arg10[%parallel_loop3A_312, %parallel_loop3A_313] {strides = array<i32>} : memref<160x128xf32, #tpu.memory_space<vmem>>, vector<1x16xf32>,
        %parallel_loop3A_315 = vector.shape_cast %parallel_loop3A_314 : vector<1x16xf32> to vector<16xf32>
        %parallel_loop3A_316 = vector.shape_cast %parallel_loop3A_311 : vector<16xf32> to vector<1x16xf32>
        tpu.vector_store %arg10[%parallel_loop3A_312, %parallel_loop3A_313], %parallel_loop3A_316 {strides = array<i32>} : memref<160x128xf32, #tpu.memory_space<vmem>>, vector<1x16xf32>,
      } {sc.loop_unroll_factor = 10 : i64, sc.parallel_access}
      %mul3A_210 = arith.constant 32 : i32
      %mul3A_211 = arith.muli %add3A_112, %mul3A_210 : i32
      %add3A_212 = arith.addi %add3A, %mul3A_211 : i32
      %mul3A_213 = arith.constant 160 : i32
      %mul3A_214 = arith.muli %add3A_212, %mul3A_213 : i32
      %dma_start3A_215 = arith.constant 0 : i32
      %dma_start3A_216 = tpu.memref_slice %arg5[%mul3A_214, %dma_start3A_215] : memref<100000x128xf32, #tpu.memory_space<hbm>> -> memref<160x128xf32, #tpu.memory_space<hbm>>
      %dma_start3A_217 = arith.constant 0 : i32
      %dma_start3A_218 = tpu.memref_slice %arg5[%mul3A_214, %dma_start3A_217] : memref<100000x128xf32, #tpu.memory_space<hbm>> -> memref<160x128xf32, #tpu.memory_space<hbm>>
      tpu.enqueue_dma source(%arg10 : memref<160x128xf32, #tpu.memory_space<vmem>>) target(%dma_start3A_218 : memref<160x128xf32, #tpu.memory_space<hbm>>) target_semaphore(%arg17 : memref<!tpu.dma_semaphore, #tpu.memory_space<semaphore_mem>>)
      %scan3A_219 = arith.constant 0 : i32
      scf.yield %scan3A_219 : i32
    }
    %scan3A_82 = arith.constant 9 : i32
    %add3A_83 = arith.constant 544 : i32
    %add3A_84 = arith.addi %add3A, %add3A_83 : i32
    %mul3A_85 = arith.constant 160 : i32
    %mul3A_86 = arith.muli %add3A_84, %mul3A_85 : i32
    %dma_wait3A_87 = arith.constant 0 : i32
    %dma_wait3A_88 = tpu.memref_slice %arg5[%mul3A_86, %dma_wait3A_87] : memref<100000x128xf32, #tpu.memory_space<hbm>> -> memref<160x128xf32, #tpu.memory_space<hbm>>
    %dma_wait3A_89 = arith.constant 0 : i32
    %dma_wait3A_90 = tpu.memref_slice %arg5[%mul3A_86, %dma_wait3A_89] : memref<100000x128xf32, #tpu.memory_space<hbm>> -> memref<160x128xf32, #tpu.memory_space<hbm>>
    tpu.wait_dma2 semaphore(%arg18 : memref<!tpu.dma_semaphore, #tpu.memory_space<semaphore_mem>>) src(%arg11 : memref<160x128xf32, #tpu.memory_space<vmem>>) dst(%dma_wait3A_90 : memref<160x128xf32, #tpu.memory_space<hbm>>)
    %add3A_91 = arith.constant 576 : i32
    %add3A_92 = arith.addi %add3A, %add3A_91 : i32
    %mul3A_93 = arith.constant 160 : i32
    %mul3A_94 = arith.muli %add3A_92, %mul3A_93 : i32
    %dma_wait3A_95 = arith.constant 0 : i32
    %dma_wait3A_96 = tpu.memref_slice %arg5[%mul3A_94, %dma_wait3A_95] : memref<100000x128xf32, #tpu.memory_space<hbm>> -> memref<160x128xf32, #tpu.memory_space<hbm>>
    %dma_wait3A_97 = arith.constant 0 : i32
    %dma_wait3A_98 = tpu.memref_slice %arg5[%mul3A_94, %dma_wait3A_97] : memref<100000x128xf32, #tpu.memory_space<hbm>> -> memref<160x128xf32, #tpu.memory_space<hbm>>
    tpu.wait_dma2 semaphore(%arg17 : memref<!tpu.dma_semaphore, #tpu.memory_space<semaphore_mem>>) src(%arg10 : memref<160x128xf32, #tpu.memory_space<vmem>>) dst(%dma_wait3A_98 : memref<160x128xf32, #tpu.memory_space<hbm>>)
    %add3A_99 = arith.constant 608 : i32
    %add3A_100 = arith.addi %add3A, %add3A_99 : i32
    %lt3A = arith.constant 625 : i32
    %lt3A_101 = arith.cmpi slt, %add3A_100, %lt3A : i32
    %convert_element_type3A = arith.extui %lt3A_101 : i1 to i32
    %cond3A = arith.constant 0 : i32
    %cond3A_102 = arith.cmpi ne, %convert_element_type3A, %cond3A : i32
    scf.if %cond3A_102 {
      %add3A_103 = arith.constant 608 : i32
      %add3A_104 = arith.addi %add3A, %add3A_103 : i32
      %mul3A_105 = arith.constant 160 : i32
      %mul3A_106 = arith.muli %add3A_104, %mul3A_105 : i32
      %dma_wait3A_107 = arith.constant 0 : i32
      %dma_wait3A_108 = tpu.memref_slice %arg2[%mul3A_106, %dma_wait3A_107] : memref<100000x128xf32, #tpu.memory_space<hbm>> -> memref<160x128xf32, #tpu.memory_space<hbm>>
      %dma_wait3A_109 = arith.constant 0 : i32
      %dma_wait3A_110 = tpu.memref_slice %arg2[%mul3A_106, %dma_wait3A_109] : memref<100000x128xf32, #tpu.memory_space<hbm>> -> memref<160x128xf32, #tpu.memory_space<hbm>>
      tpu.wait_dma2 semaphore(%arg16 : memref<!tpu.dma_semaphore, #tpu.memory_space<semaphore_mem>>) src(%dma_wait3A_110 : memref<160x128xf32, #tpu.memory_space<hbm>>) dst(%arg7 : memref<160x128xf32, #tpu.memory_space<vmem>>)
      %add3A_111 = arith.constant 608 : i32
      %add3A_112 = arith.addi %add3A, %add3A_111 : i32
      %mul3A_113 = arith.constant 160 : i32
      %mul3A_114 = arith.muli %add3A_112, %mul3A_113 : i32
      %dma_wait3A_115 = tpu.memref_slice %arg3[%mul3A_114] : memref<100000xf32, #tpu.memory_space<hbm>> -> memref<160xf32, #tpu.memory_space<hbm>>
      %dma_wait3A_116 = tpu.memref_slice %arg3[%mul3A_114] : memref<100000xf32, #tpu.memory_space<hbm>> -> memref<160xf32, #tpu.memory_space<hbm>>
      tpu.wait_dma2 semaphore(%arg16 : memref<!tpu.dma_semaphore, #tpu.memory_space<semaphore_mem>>) src(%dma_wait3A_116 : memref<160xf32, #tpu.memory_space<hbm>>) dst(%arg9 : memref<160xf32, #tpu.memory_space<vmem>>)
      %parallel_loop3A_117 = arith.constant 0 : i32
      %parallel_loop3A_118 = arith.constant 10 : i32
      %parallel_loop3A_119 = arith.constant 1 : i32
      scf.for %parallel_loop3A_139 = %parallel_loop3A_117 to %parallel_loop3A_118 step %parallel_loop3A_119  : i32 {
        %parallel_loop3A_140 = arith.constant 16 : i32
        %parallel_loop3A_141 = arith.muli %parallel_loop3A_139, %parallel_loop3A_140 : i32
        %parallel_loop3A_142 = arith.index_cast %parallel_loop3A_141 : i32 to index
        %parallel_loop3A_143 = tpu.vector_load %arg9[%parallel_loop3A_142] {strides = array<i32>} : memref<160xf32, #tpu.memory_space<vmem>>, vector<16xf32>,
        %parallel_loop3A_144 = vector.shape_cast %parallel_loop3A_143 : vector<16xf32> to vector<16xf32>
        %parallel_loop3A_145 = vector.extract_strided_slice %parallel_loop3A_144 {offsets = [0], sizes = [1], strides = [1]} : vector<16xf32> to vector<1xf32>
        %parallel_loop3A_146 = vector.extract %parallel_loop3A_145[0] : f32 from vector<1xf32>
        %parallel_loop3A_147 = vector.broadcast %parallel_loop3A_146 : f32 to vector<16xf32>
        %parallel_loop3A_148 = arith.constant 0 : i32
        %parallel_loop3A_149 = arith.addi %parallel_loop3A_141, %parallel_loop3A_148 : i32
        %parallel_loop3A_150 = arith.constant 16 : i32
        %parallel_loop3A_151 = arith.muli %parallel_loop3A_149, %parallel_loop3A_150 : i32
        %parallel_loop3A_152 = arith.index_cast %parallel_loop3A_151 : i32 to index
        %parallel_loop3A_153 = tpu.vector_load %arg13[%parallel_loop3A_152] {strides = array<i32>} : memref<2560xf32, #tpu.memory_space<vmem>>, vector<16xf32>,
        %parallel_loop3A_154 = vector.shape_cast %parallel_loop3A_153 : vector<16xf32> to vector<16xf32>
        %parallel_loop3A_155 = vector.shape_cast %parallel_loop3A_147 : vector<16xf32> to vector<16xf32>
        tpu.vector_store %arg13[%parallel_loop3A_152], %parallel_loop3A_155 {strides = array<i32>} : memref<2560xf32, #tpu.memory_space<vmem>>, vector<16xf32>,
        %parallel_loop3A_156 = vector.extract_strided_slice %parallel_loop3A_144 {offsets = [1], sizes = [1], strides = [1]} : vector<16xf32> to vector<1xf32>
        %parallel_loop3A_157 = vector.extract %parallel_loop3A_156[0] : f32 from vector<1xf32>
        %parallel_loop3A_158 = vector.broadcast %parallel_loop3A_157 : f32 to vector<16xf32>
        %parallel_loop3A_159 = arith.constant 1 : i32
        %parallel_loop3A_160 = arith.addi %parallel_loop3A_141, %parallel_loop3A_159 : i32
        %parallel_loop3A_161 = arith.constant 16 : i32
        %parallel_loop3A_162 = arith.muli %parallel_loop3A_160, %parallel_loop3A_161 : i32
        %parallel_loop3A_163 = arith.index_cast %parallel_loop3A_162 : i32 to index
        %parallel_loop3A_164 = tpu.vector_load %arg13[%parallel_loop3A_163] {strides = array<i32>} : memref<2560xf32, #tpu.memory_space<vmem>>, vector<16xf32>,
        %parallel_loop3A_165 = vector.shape_cast %parallel_loop3A_164 : vector<16xf32> to vector<16xf32>
        %parallel_loop3A_166 = vector.shape_cast %parallel_loop3A_158 : vector<16xf32> to vector<16xf32>
        tpu.vector_store %arg13[%parallel_loop3A_163], %parallel_loop3A_166 {strides = array<i32>} : memref<2560xf32, #tpu.memory_space<vmem>>, vector<16xf32>,
        %parallel_loop3A_167 = vector.extract_strided_slice %parallel_loop3A_144 {offsets = [2], sizes = [1], strides = [1]} : vector<16xf32> to vector<1xf32>
        %parallel_loop3A_168 = vector.extract %parallel_loop3A_167[0] : f32 from vector<1xf32>
        %parallel_loop3A_169 = vector.broadcast %parallel_loop3A_168 : f32 to vector<16xf32>
        %parallel_loop3A_170 = arith.constant 2 : i32
        %parallel_loop3A_171 = arith.addi %parallel_loop3A_141, %parallel_loop3A_170 : i32
        %parallel_loop3A_172 = arith.constant 16 : i32
        %parallel_loop3A_173 = arith.muli %parallel_loop3A_171, %parallel_loop3A_172 : i32
        %parallel_loop3A_174 = arith.index_cast %parallel_loop3A_173 : i32 to index
        %parallel_loop3A_175 = tpu.vector_load %arg13[%parallel_loop3A_174] {strides = array<i32>} : memref<2560xf32, #tpu.memory_space<vmem>>, vector<16xf32>,
        %parallel_loop3A_176 = vector.shape_cast %parallel_loop3A_175 : vector<16xf32> to vector<16xf32>
        %parallel_loop3A_177 = vector.shape_cast %parallel_loop3A_169 : vector<16xf32> to vector<16xf32>
        tpu.vector_store %arg13[%parallel_loop3A_174], %parallel_loop3A_177 {strides = array<i32>} : memref<2560xf32, #tpu.memory_space<vmem>>, vector<16xf32>,
        %parallel_loop3A_178 = vector.extract_strided_slice %parallel_loop3A_144 {offsets = [3], sizes = [1], strides = [1]} : vector<16xf32> to vector<1xf32>
        %parallel_loop3A_179 = vector.extract %parallel_loop3A_178[0] : f32 from vector<1xf32>
        %parallel_loop3A_180 = vector.broadcast %parallel_loop3A_179 : f32 to vector<16xf32>
        %parallel_loop3A_181 = arith.constant 3 : i32
        %parallel_loop3A_182 = arith.addi %parallel_loop3A_141, %parallel_loop3A_181 : i32
        %parallel_loop3A_183 = arith.constant 16 : i32
        %parallel_loop3A_184 = arith.muli %parallel_loop3A_182, %parallel_loop3A_183 : i32
        %parallel_loop3A_185 = arith.index_cast %parallel_loop3A_184 : i32 to index
        %parallel_loop3A_186 = tpu.vector_load %arg13[%parallel_loop3A_185] {strides = array<i32>} : memref<2560xf32, #tpu.memory_space<vmem>>, vector<16xf32>,
        %parallel_loop3A_187 = vector.shape_cast %parallel_loop3A_186 : vector<16xf32> to vector<16xf32>
        %parallel_loop3A_188 = vector.shape_cast %parallel_loop3A_180 : vector<16xf32> to vector<16xf32>
        tpu.vector_store %arg13[%parallel_loop3A_185], %parallel_loop3A_188 {strides = array<i32>} : memref<2560xf32, #tpu.memory_space<vmem>>, vector<16xf32>,
        %parallel_loop3A_189 = vector.extract_strided_slice %parallel_loop3A_144 {offsets = [4], sizes = [1], strides = [1]} : vector<16xf32> to vector<1xf32>
        %parallel_loop3A_190 = vector.extract %parallel_loop3A_189[0] : f32 from vector<1xf32>
        %parallel_loop3A_191 = vector.broadcast %parallel_loop3A_190 : f32 to vector<16xf32>
        %parallel_loop3A_192 = arith.constant 4 : i32
        %parallel_loop3A_193 = arith.addi %parallel_loop3A_141, %parallel_loop3A_192 : i32
        %parallel_loop3A_194 = arith.constant 16 : i32
        %parallel_loop3A_195 = arith.muli %parallel_loop3A_193, %parallel_loop3A_194 : i32
        %parallel_loop3A_196 = arith.index_cast %parallel_loop3A_195 : i32 to index
        %parallel_loop3A_197 = tpu.vector_load %arg13[%parallel_loop3A_196] {strides = array<i32>} : memref<2560xf32, #tpu.memory_space<vmem>>, vector<16xf32>,
        %parallel_loop3A_198 = vector.shape_cast %parallel_loop3A_197 : vector<16xf32> to vector<16xf32>
        %parallel_loop3A_199 = vector.shape_cast %parallel_loop3A_191 : vector<16xf32> to vector<16xf32>
        tpu.vector_store %arg13[%parallel_loop3A_196], %parallel_loop3A_199 {strides = array<i32>} : memref<2560xf32, #tpu.memory_space<vmem>>, vector<16xf32>,
        %parallel_loop3A_200 = vector.extract_strided_slice %parallel_loop3A_144 {offsets = [5], sizes = [1], strides = [1]} : vector<16xf32> to vector<1xf32>
        %parallel_loop3A_201 = vector.extract %parallel_loop3A_200[0] : f32 from vector<1xf32>
        %parallel_loop3A_202 = vector.broadcast %parallel_loop3A_201 : f32 to vector<16xf32>
        %parallel_loop3A_203 = arith.constant 5 : i32
        %parallel_loop3A_204 = arith.addi %parallel_loop3A_141, %parallel_loop3A_203 : i32
        %parallel_loop3A_205 = arith.constant 16 : i32
        %parallel_loop3A_206 = arith.muli %parallel_loop3A_204, %parallel_loop3A_205 : i32
        %parallel_loop3A_207 = arith.index_cast %parallel_loop3A_206 : i32 to index
        %parallel_loop3A_208 = tpu.vector_load %arg13[%parallel_loop3A_207] {strides = array<i32>} : memref<2560xf32, #tpu.memory_space<vmem>>, vector<16xf32>,
        %parallel_loop3A_209 = vector.shape_cast %parallel_loop3A_208 : vector<16xf32> to vector<16xf32>
        %parallel_loop3A_210 = vector.shape_cast %parallel_loop3A_202 : vector<16xf32> to vector<16xf32>
        tpu.vector_store %arg13[%parallel_loop3A_207], %parallel_loop3A_210 {strides = array<i32>} : memref<2560xf32, #tpu.memory_space<vmem>>, vector<16xf32>,
        %parallel_loop3A_211 = vector.extract_strided_slice %parallel_loop3A_144 {offsets = [6], sizes = [1], strides = [1]} : vector<16xf32> to vector<1xf32>
        %parallel_loop3A_212 = vector.extract %parallel_loop3A_211[0] : f32 from vector<1xf32>
        %parallel_loop3A_213 = vector.broadcast %parallel_loop3A_212 : f32 to vector<16xf32>
        %parallel_loop3A_214 = arith.constant 6 : i32
        %parallel_loop3A_215 = arith.addi %parallel_loop3A_141, %parallel_loop3A_214 : i32
        %parallel_loop3A_216 = arith.constant 16 : i32
        %parallel_loop3A_217 = arith.muli %parallel_loop3A_215, %parallel_loop3A_216 : i32
        %parallel_loop3A_218 = arith.index_cast %parallel_loop3A_217 : i32 to index
        %parallel_loop3A_219 = tpu.vector_load %arg13[%parallel_loop3A_218] {strides = array<i32>} : memref<2560xf32, #tpu.memory_space<vmem>>, vector<16xf32>,
        %parallel_loop3A_220 = vector.shape_cast %parallel_loop3A_219 : vector<16xf32> to vector<16xf32>
        %parallel_loop3A_221 = vector.shape_cast %parallel_loop3A_213 : vector<16xf32> to vector<16xf32>
        tpu.vector_store %arg13[%parallel_loop3A_218], %parallel_loop3A_221 {strides = array<i32>} : memref<2560xf32, #tpu.memory_space<vmem>>, vector<16xf32>,
        %parallel_loop3A_222 = vector.extract_strided_slice %parallel_loop3A_144 {offsets = [7], sizes = [1], strides = [1]} : vector<16xf32> to vector<1xf32>
        %parallel_loop3A_223 = vector.extract %parallel_loop3A_222[0] : f32 from vector<1xf32>
        %parallel_loop3A_224 = vector.broadcast %parallel_loop3A_223 : f32 to vector<16xf32>
        %parallel_loop3A_225 = arith.constant 7 : i32
        %parallel_loop3A_226 = arith.addi %parallel_loop3A_141, %parallel_loop3A_225 : i32
        %parallel_loop3A_227 = arith.constant 16 : i32
        %parallel_loop3A_228 = arith.muli %parallel_loop3A_226, %parallel_loop3A_227 : i32
        %parallel_loop3A_229 = arith.index_cast %parallel_loop3A_228 : i32 to index
        %parallel_loop3A_230 = tpu.vector_load %arg13[%parallel_loop3A_229] {strides = array<i32>} : memref<2560xf32, #tpu.memory_space<vmem>>, vector<16xf32>,
        %parallel_loop3A_231 = vector.shape_cast %parallel_loop3A_230 : vector<16xf32> to vector<16xf32>
        %parallel_loop3A_232 = vector.shape_cast %parallel_loop3A_224 : vector<16xf32> to vector<16xf32>
        tpu.vector_store %arg13[%parallel_loop3A_229], %parallel_loop3A_232 {strides = array<i32>} : memref<2560xf32, #tpu.memory_space<vmem>>, vector<16xf32>,
        %parallel_loop3A_233 = vector.extract_strided_slice %parallel_loop3A_144 {offsets = [8], sizes = [1], strides = [1]} : vector<16xf32> to vector<1xf32>
        %parallel_loop3A_234 = vector.extract %parallel_loop3A_233[0] : f32 from vector<1xf32>
        %parallel_loop3A_235 = vector.broadcast %parallel_loop3A_234 : f32 to vector<16xf32>
        %parallel_loop3A_236 = arith.constant 8 : i32
        %parallel_loop3A_237 = arith.addi %parallel_loop3A_141, %parallel_loop3A_236 : i32
        %parallel_loop3A_238 = arith.constant 16 : i32
        %parallel_loop3A_239 = arith.muli %parallel_loop3A_237, %parallel_loop3A_238 : i32
        %parallel_loop3A_240 = arith.index_cast %parallel_loop3A_239 : i32 to index
        %parallel_loop3A_241 = tpu.vector_load %arg13[%parallel_loop3A_240] {strides = array<i32>} : memref<2560xf32, #tpu.memory_space<vmem>>, vector<16xf32>,
        %parallel_loop3A_242 = vector.shape_cast %parallel_loop3A_241 : vector<16xf32> to vector<16xf32>
        %parallel_loop3A_243 = vector.shape_cast %parallel_loop3A_235 : vector<16xf32> to vector<16xf32>
        tpu.vector_store %arg13[%parallel_loop3A_240], %parallel_loop3A_243 {strides = array<i32>} : memref<2560xf32, #tpu.memory_space<vmem>>, vector<16xf32>,
        %parallel_loop3A_244 = vector.extract_strided_slice %parallel_loop3A_144 {offsets = [9], sizes = [1], strides = [1]} : vector<16xf32> to vector<1xf32>
        %parallel_loop3A_245 = vector.extract %parallel_loop3A_244[0] : f32 from vector<1xf32>
        %parallel_loop3A_246 = vector.broadcast %parallel_loop3A_245 : f32 to vector<16xf32>
        %parallel_loop3A_247 = arith.constant 9 : i32
        %parallel_loop3A_248 = arith.addi %parallel_loop3A_141, %parallel_loop3A_247 : i32
        %parallel_loop3A_249 = arith.constant 16 : i32
        %parallel_loop3A_250 = arith.muli %parallel_loop3A_248, %parallel_loop3A_249 : i32
        %parallel_loop3A_251 = arith.index_cast %parallel_loop3A_250 : i32 to index
        %parallel_loop3A_252 = tpu.vector_load %arg13[%parallel_loop3A_251] {strides = array<i32>} : memref<2560xf32, #tpu.memory_space<vmem>>, vector<16xf32>,
        %parallel_loop3A_253 = vector.shape_cast %parallel_loop3A_252 : vector<16xf32> to vector<16xf32>
        %parallel_loop3A_254 = vector.shape_cast %parallel_loop3A_246 : vector<16xf32> to vector<16xf32>
        tpu.vector_store %arg13[%parallel_loop3A_251], %parallel_loop3A_254 {strides = array<i32>} : memref<2560xf32, #tpu.memory_space<vmem>>, vector<16xf32>,
        %parallel_loop3A_255 = vector.extract_strided_slice %parallel_loop3A_144 {offsets = [10], sizes = [1], strides = [1]} : vector<16xf32> to vector<1xf32>
        %parallel_loop3A_256 = vector.extract %parallel_loop3A_255[0] : f32 from vector<1xf32>
        %parallel_loop3A_257 = vector.broadcast %parallel_loop3A_256 : f32 to vector<16xf32>
        %parallel_loop3A_258 = arith.constant 10 : i32
        %parallel_loop3A_259 = arith.addi %parallel_loop3A_141, %parallel_loop3A_258 : i32
        %parallel_loop3A_260 = arith.constant 16 : i32
        %parallel_loop3A_261 = arith.muli %parallel_loop3A_259, %parallel_loop3A_260 : i32
        %parallel_loop3A_262 = arith.index_cast %parallel_loop3A_261 : i32 to index
        %parallel_loop3A_263 = tpu.vector_load %arg13[%parallel_loop3A_262] {strides = array<i32>} : memref<2560xf32, #tpu.memory_space<vmem>>, vector<16xf32>,
        %parallel_loop3A_264 = vector.shape_cast %parallel_loop3A_263 : vector<16xf32> to vector<16xf32>
        %parallel_loop3A_265 = vector.shape_cast %parallel_loop3A_257 : vector<16xf32> to vector<16xf32>
        tpu.vector_store %arg13[%parallel_loop3A_262], %parallel_loop3A_265 {strides = array<i32>} : memref<2560xf32, #tpu.memory_space<vmem>>, vector<16xf32>,
        %parallel_loop3A_266 = vector.extract_strided_slice %parallel_loop3A_144 {offsets = [11], sizes = [1], strides = [1]} : vector<16xf32> to vector<1xf32>
        %parallel_loop3A_267 = vector.extract %parallel_loop3A_266[0] : f32 from vector<1xf32>
        %parallel_loop3A_268 = vector.broadcast %parallel_loop3A_267 : f32 to vector<16xf32>
        %parallel_loop3A_269 = arith.constant 11 : i32
        %parallel_loop3A_270 = arith.addi %parallel_loop3A_141, %parallel_loop3A_269 : i32
        %parallel_loop3A_271 = arith.constant 16 : i32
        %parallel_loop3A_272 = arith.muli %parallel_loop3A_270, %parallel_loop3A_271 : i32
        %parallel_loop3A_273 = arith.index_cast %parallel_loop3A_272 : i32 to index
        %parallel_loop3A_274 = tpu.vector_load %arg13[%parallel_loop3A_273] {strides = array<i32>} : memref<2560xf32, #tpu.memory_space<vmem>>, vector<16xf32>,
        %parallel_loop3A_275 = vector.shape_cast %parallel_loop3A_274 : vector<16xf32> to vector<16xf32>
        %parallel_loop3A_276 = vector.shape_cast %parallel_loop3A_268 : vector<16xf32> to vector<16xf32>
        tpu.vector_store %arg13[%parallel_loop3A_273], %parallel_loop3A_276 {strides = array<i32>} : memref<2560xf32, #tpu.memory_space<vmem>>, vector<16xf32>,
        %parallel_loop3A_277 = vector.extract_strided_slice %parallel_loop3A_144 {offsets = [12], sizes = [1], strides = [1]} : vector<16xf32> to vector<1xf32>
        %parallel_loop3A_278 = vector.extract %parallel_loop3A_277[0] : f32 from vector<1xf32>
        %parallel_loop3A_279 = vector.broadcast %parallel_loop3A_278 : f32 to vector<16xf32>
        %parallel_loop3A_280 = arith.constant 12 : i32
        %parallel_loop3A_281 = arith.addi %parallel_loop3A_141, %parallel_loop3A_280 : i32
        %parallel_loop3A_282 = arith.constant 16 : i32
        %parallel_loop3A_283 = arith.muli %parallel_loop3A_281, %parallel_loop3A_282 : i32
        %parallel_loop3A_284 = arith.index_cast %parallel_loop3A_283 : i32 to index
        %parallel_loop3A_285 = tpu.vector_load %arg13[%parallel_loop3A_284] {strides = array<i32>} : memref<2560xf32, #tpu.memory_space<vmem>>, vector<16xf32>,
        %parallel_loop3A_286 = vector.shape_cast %parallel_loop3A_285 : vector<16xf32> to vector<16xf32>
        %parallel_loop3A_287 = vector.shape_cast %parallel_loop3A_279 : vector<16xf32> to vector<16xf32>
        tpu.vector_store %arg13[%parallel_loop3A_284], %parallel_loop3A_287 {strides = array<i32>} : memref<2560xf32, #tpu.memory_space<vmem>>, vector<16xf32>,
        %parallel_loop3A_288 = vector.extract_strided_slice %parallel_loop3A_144 {offsets = [13], sizes = [1], strides = [1]} : vector<16xf32> to vector<1xf32>
        %parallel_loop3A_289 = vector.extract %parallel_loop3A_288[0] : f32 from vector<1xf32>
        %parallel_loop3A_290 = vector.broadcast %parallel_loop3A_289 : f32 to vector<16xf32>
        %parallel_loop3A_291 = arith.constant 13 : i32
        %parallel_loop3A_292 = arith.addi %parallel_loop3A_141, %parallel_loop3A_291 : i32
        %parallel_loop3A_293 = arith.constant 16 : i32
        %parallel_loop3A_294 = arith.muli %parallel_loop3A_292, %parallel_loop3A_293 : i32
        %parallel_loop3A_295 = arith.index_cast %parallel_loop3A_294 : i32 to index
        %parallel_loop3A_296 = tpu.vector_load %arg13[%parallel_loop3A_295] {strides = array<i32>} : memref<2560xf32, #tpu.memory_space<vmem>>, vector<16xf32>,
        %parallel_loop3A_297 = vector.shape_cast %parallel_loop3A_296 : vector<16xf32> to vector<16xf32>
        %parallel_loop3A_298 = vector.shape_cast %parallel_loop3A_290 : vector<16xf32> to vector<16xf32>
        tpu.vector_store %arg13[%parallel_loop3A_295], %parallel_loop3A_298 {strides = array<i32>} : memref<2560xf32, #tpu.memory_space<vmem>>, vector<16xf32>,
        %parallel_loop3A_299 = vector.extract_strided_slice %parallel_loop3A_144 {offsets = [14], sizes = [1], strides = [1]} : vector<16xf32> to vector<1xf32>
        %parallel_loop3A_300 = vector.extract %parallel_loop3A_299[0] : f32 from vector<1xf32>
        %parallel_loop3A_301 = vector.broadcast %parallel_loop3A_300 : f32 to vector<16xf32>
        %parallel_loop3A_302 = arith.constant 14 : i32
        %parallel_loop3A_303 = arith.addi %parallel_loop3A_141, %parallel_loop3A_302 : i32
        %parallel_loop3A_304 = arith.constant 16 : i32
        %parallel_loop3A_305 = arith.muli %parallel_loop3A_303, %parallel_loop3A_304 : i32
        %parallel_loop3A_306 = arith.index_cast %parallel_loop3A_305 : i32 to index
        %parallel_loop3A_307 = tpu.vector_load %arg13[%parallel_loop3A_306] {strides = array<i32>} : memref<2560xf32, #tpu.memory_space<vmem>>, vector<16xf32>,
        %parallel_loop3A_308 = vector.shape_cast %parallel_loop3A_307 : vector<16xf32> to vector<16xf32>
        %parallel_loop3A_309 = vector.shape_cast %parallel_loop3A_301 : vector<16xf32> to vector<16xf32>
        tpu.vector_store %arg13[%parallel_loop3A_306], %parallel_loop3A_309 {strides = array<i32>} : memref<2560xf32, #tpu.memory_space<vmem>>, vector<16xf32>,
        %parallel_loop3A_310 = vector.extract_strided_slice %parallel_loop3A_144 {offsets = [15], sizes = [1], strides = [1]} : vector<16xf32> to vector<1xf32>
        %parallel_loop3A_311 = vector.extract %parallel_loop3A_310[0] : f32 from vector<1xf32>
        %parallel_loop3A_312 = vector.broadcast %parallel_loop3A_311 : f32 to vector<16xf32>
        %parallel_loop3A_313 = arith.constant 15 : i32
        %parallel_loop3A_314 = arith.addi %parallel_loop3A_141, %parallel_loop3A_313 : i32
        %parallel_loop3A_315 = arith.constant 16 : i32
        %parallel_loop3A_316 = arith.muli %parallel_loop3A_314, %parallel_loop3A_315 : i32
        %parallel_loop3A_317 = arith.index_cast %parallel_loop3A_316 : i32 to index
        %parallel_loop3A_318 = tpu.vector_load %arg13[%parallel_loop3A_317] {strides = array<i32>} : memref<2560xf32, #tpu.memory_space<vmem>>, vector<16xf32>,
        %parallel_loop3A_319 = vector.shape_cast %parallel_loop3A_318 : vector<16xf32> to vector<16xf32>
        %parallel_loop3A_320 = vector.shape_cast %parallel_loop3A_312 : vector<16xf32> to vector<16xf32>
        tpu.vector_store %arg13[%parallel_loop3A_317], %parallel_loop3A_320 {strides = array<i32>} : memref<2560xf32, #tpu.memory_space<vmem>>, vector<16xf32>,
      } {sc.loop_unroll_factor = 2 : i64, sc.parallel_access}
      %parallel_loop3A_120 = arith.constant 0 : i32
      %parallel_loop3A_121 = arith.constant 160 : i32
      %parallel_loop3A_122 = arith.constant 1 : i32
      scf.for %parallel_loop3A_139 = %parallel_loop3A_120 to %parallel_loop3A_121 step %parallel_loop3A_122  : i32 {
        %parallel_loop3A_140 = arith.constant 16 : i32
        %parallel_loop3A_141 = arith.muli %parallel_loop3A_139, %parallel_loop3A_140 : i32
        %parallel_loop3A_142 = arith.index_cast %parallel_loop3A_141 : i32 to index
        %parallel_loop3A_143 = tpu.vector_load %arg13[%parallel_loop3A_142] {strides = array<i32>} : memref<2560xf32, #tpu.memory_space<vmem>>, vector<16xf32>,
        %parallel_loop3A_144 = vector.shape_cast %parallel_loop3A_143 : vector<16xf32> to vector<16xf32>
        %parallel_loop3A_145 = arith.constant 0.000000e+00 : f32
        %parallel_loop3A_146 = vector.broadcast %parallel_loop3A_145 : f32 to vector<16xf32>
        %parallel_loop3A_147 = arith.cmpf one, %parallel_loop3A_144, %parallel_loop3A_146 : vector<16xf32>
        %parallel_loop3A_148 = arith.index_cast %parallel_loop3A_139 : i32 to index
        %parallel_loop3A_149 = arith.constant 0 : index
        %parallel_loop3A_150 = tpu.vector_load %arg7[%parallel_loop3A_148, %parallel_loop3A_149] {strides = array<i32>} : memref<160x128xf32, #tpu.memory_space<vmem>>, vector<1x16xf32>,
        %parallel_loop3A_151 = vector.shape_cast %parallel_loop3A_150 : vector<1x16xf32> to vector<16xf32>
        %parallel_loop3A_152 = arith.mulf %parallel_loop3A_151, %get3A_2 : vector<16xf32>
        %parallel_loop3A_153 = arith.select %parallel_loop3A_147, %parallel_loop3A_152, %parallel_loop3A_151 : vector<16xi1>, vector<16xf32>
        %parallel_loop3A_154 = arith.index_cast %parallel_loop3A_139 : i32 to index
        %parallel_loop3A_155 = arith.constant 0 : index
        %parallel_loop3A_156 = tpu.vector_load %arg11[%parallel_loop3A_154, %parallel_loop3A_155] {strides = array<i32>} : memref<160x128xf32, #tpu.memory_space<vmem>>, vector<1x16xf32>,
        %parallel_loop3A_157 = vector.shape_cast %parallel_loop3A_156 : vector<1x16xf32> to vector<16xf32>
        %parallel_loop3A_158 = vector.shape_cast %parallel_loop3A_153 : vector<16xf32> to vector<1x16xf32>
        tpu.vector_store %arg11[%parallel_loop3A_154, %parallel_loop3A_155], %parallel_loop3A_158 {strides = array<i32>} : memref<160x128xf32, #tpu.memory_space<vmem>>, vector<1x16xf32>,
        %parallel_loop3A_159 = arith.index_cast %parallel_loop3A_139 : i32 to index
        %parallel_loop3A_160 = arith.constant 16 : index
        %parallel_loop3A_161 = tpu.vector_load %arg7[%parallel_loop3A_159, %parallel_loop3A_160] {strides = array<i32>} : memref<160x128xf32, #tpu.memory_space<vmem>>, vector<1x16xf32>,
        %parallel_loop3A_162 = vector.shape_cast %parallel_loop3A_161 : vector<1x16xf32> to vector<16xf32>
        %parallel_loop3A_163 = arith.mulf %parallel_loop3A_162, %get3A_5 : vector<16xf32>
        %parallel_loop3A_164 = arith.select %parallel_loop3A_147, %parallel_loop3A_163, %parallel_loop3A_162 : vector<16xi1>, vector<16xf32>
        %parallel_loop3A_165 = arith.index_cast %parallel_loop3A_139 : i32 to index
        %parallel_loop3A_166 = arith.constant 16 : index
        %parallel_loop3A_167 = tpu.vector_load %arg11[%parallel_loop3A_165, %parallel_loop3A_166] {strides = array<i32>} : memref<160x128xf32, #tpu.memory_space<vmem>>, vector<1x16xf32>,
        %parallel_loop3A_168 = vector.shape_cast %parallel_loop3A_167 : vector<1x16xf32> to vector<16xf32>
        %parallel_loop3A_169 = vector.shape_cast %parallel_loop3A_164 : vector<16xf32> to vector<1x16xf32>
        tpu.vector_store %arg11[%parallel_loop3A_165, %parallel_loop3A_166], %parallel_loop3A_169 {strides = array<i32>} : memref<160x128xf32, #tpu.memory_space<vmem>>, vector<1x16xf32>,
        %parallel_loop3A_170 = arith.index_cast %parallel_loop3A_139 : i32 to index
        %parallel_loop3A_171 = arith.constant 32 : index
        %parallel_loop3A_172 = tpu.vector_load %arg7[%parallel_loop3A_170, %parallel_loop3A_171] {strides = array<i32>} : memref<160x128xf32, #tpu.memory_space<vmem>>, vector<1x16xf32>,
        %parallel_loop3A_173 = vector.shape_cast %parallel_loop3A_172 : vector<1x16xf32> to vector<16xf32>
        %parallel_loop3A_174 = arith.mulf %parallel_loop3A_173, %get3A_8 : vector<16xf32>
        %parallel_loop3A_175 = arith.select %parallel_loop3A_147, %parallel_loop3A_174, %parallel_loop3A_173 : vector<16xi1>, vector<16xf32>
        %parallel_loop3A_176 = arith.index_cast %parallel_loop3A_139 : i32 to index
        %parallel_loop3A_177 = arith.constant 32 : index
        %parallel_loop3A_178 = tpu.vector_load %arg11[%parallel_loop3A_176, %parallel_loop3A_177] {strides = array<i32>} : memref<160x128xf32, #tpu.memory_space<vmem>>, vector<1x16xf32>,
        %parallel_loop3A_179 = vector.shape_cast %parallel_loop3A_178 : vector<1x16xf32> to vector<16xf32>
        %parallel_loop3A_180 = vector.shape_cast %parallel_loop3A_175 : vector<16xf32> to vector<1x16xf32>
        tpu.vector_store %arg11[%parallel_loop3A_176, %parallel_loop3A_177], %parallel_loop3A_180 {strides = array<i32>} : memref<160x128xf32, #tpu.memory_space<vmem>>, vector<1x16xf32>,
        %parallel_loop3A_181 = arith.index_cast %parallel_loop3A_139 : i32 to index
        %parallel_loop3A_182 = arith.constant 48 : index
        %parallel_loop3A_183 = tpu.vector_load %arg7[%parallel_loop3A_181, %parallel_loop3A_182] {strides = array<i32>} : memref<160x128xf32, #tpu.memory_space<vmem>>, vector<1x16xf32>,
        %parallel_loop3A_184 = vector.shape_cast %parallel_loop3A_183 : vector<1x16xf32> to vector<16xf32>
        %parallel_loop3A_185 = arith.mulf %parallel_loop3A_184, %get3A_11 : vector<16xf32>
        %parallel_loop3A_186 = arith.select %parallel_loop3A_147, %parallel_loop3A_185, %parallel_loop3A_184 : vector<16xi1>, vector<16xf32>
        %parallel_loop3A_187 = arith.index_cast %parallel_loop3A_139 : i32 to index
        %parallel_loop3A_188 = arith.constant 48 : index
        %parallel_loop3A_189 = tpu.vector_load %arg11[%parallel_loop3A_187, %parallel_loop3A_188] {strides = array<i32>} : memref<160x128xf32, #tpu.memory_space<vmem>>, vector<1x16xf32>,
        %parallel_loop3A_190 = vector.shape_cast %parallel_loop3A_189 : vector<1x16xf32> to vector<16xf32>
        %parallel_loop3A_191 = vector.shape_cast %parallel_loop3A_186 : vector<16xf32> to vector<1x16xf32>
        tpu.vector_store %arg11[%parallel_loop3A_187, %parallel_loop3A_188], %parallel_loop3A_191 {strides = array<i32>} : memref<160x128xf32, #tpu.memory_space<vmem>>, vector<1x16xf32>,
        %parallel_loop3A_192 = arith.index_cast %parallel_loop3A_139 : i32 to index
        %parallel_loop3A_193 = arith.constant 64 : index
        %parallel_loop3A_194 = tpu.vector_load %arg7[%parallel_loop3A_192, %parallel_loop3A_193] {strides = array<i32>} : memref<160x128xf32, #tpu.memory_space<vmem>>, vector<1x16xf32>,
        %parallel_loop3A_195 = vector.shape_cast %parallel_loop3A_194 : vector<1x16xf32> to vector<16xf32>
        %parallel_loop3A_196 = arith.mulf %parallel_loop3A_195, %get3A_14 : vector<16xf32>
        %parallel_loop3A_197 = arith.select %parallel_loop3A_147, %parallel_loop3A_196, %parallel_loop3A_195 : vector<16xi1>, vector<16xf32>
        %parallel_loop3A_198 = arith.index_cast %parallel_loop3A_139 : i32 to index
        %parallel_loop3A_199 = arith.constant 64 : index
        %parallel_loop3A_200 = tpu.vector_load %arg11[%parallel_loop3A_198, %parallel_loop3A_199] {strides = array<i32>} : memref<160x128xf32, #tpu.memory_space<vmem>>, vector<1x16xf32>,
        %parallel_loop3A_201 = vector.shape_cast %parallel_loop3A_200 : vector<1x16xf32> to vector<16xf32>
        %parallel_loop3A_202 = vector.shape_cast %parallel_loop3A_197 : vector<16xf32> to vector<1x16xf32>
        tpu.vector_store %arg11[%parallel_loop3A_198, %parallel_loop3A_199], %parallel_loop3A_202 {strides = array<i32>} : memref<160x128xf32, #tpu.memory_space<vmem>>, vector<1x16xf32>,
        %parallel_loop3A_203 = arith.index_cast %parallel_loop3A_139 : i32 to index
        %parallel_loop3A_204 = arith.constant 80 : index
        %parallel_loop3A_205 = tpu.vector_load %arg7[%parallel_loop3A_203, %parallel_loop3A_204] {strides = array<i32>} : memref<160x128xf32, #tpu.memory_space<vmem>>, vector<1x16xf32>,
        %parallel_loop3A_206 = vector.shape_cast %parallel_loop3A_205 : vector<1x16xf32> to vector<16xf32>
        %parallel_loop3A_207 = arith.mulf %parallel_loop3A_206, %get3A_17 : vector<16xf32>
        %parallel_loop3A_208 = arith.select %parallel_loop3A_147, %parallel_loop3A_207, %parallel_loop3A_206 : vector<16xi1>, vector<16xf32>
        %parallel_loop3A_209 = arith.index_cast %parallel_loop3A_139 : i32 to index
        %parallel_loop3A_210 = arith.constant 80 : index
        %parallel_loop3A_211 = tpu.vector_load %arg11[%parallel_loop3A_209, %parallel_loop3A_210] {strides = array<i32>} : memref<160x128xf32, #tpu.memory_space<vmem>>, vector<1x16xf32>,
        %parallel_loop3A_212 = vector.shape_cast %parallel_loop3A_211 : vector<1x16xf32> to vector<16xf32>
        %parallel_loop3A_213 = vector.shape_cast %parallel_loop3A_208 : vector<16xf32> to vector<1x16xf32>
        tpu.vector_store %arg11[%parallel_loop3A_209, %parallel_loop3A_210], %parallel_loop3A_213 {strides = array<i32>} : memref<160x128xf32, #tpu.memory_space<vmem>>, vector<1x16xf32>,
        %parallel_loop3A_214 = arith.index_cast %parallel_loop3A_139 : i32 to index
        %parallel_loop3A_215 = arith.constant 96 : index
        %parallel_loop3A_216 = tpu.vector_load %arg7[%parallel_loop3A_214, %parallel_loop3A_215] {strides = array<i32>} : memref<160x128xf32, #tpu.memory_space<vmem>>, vector<1x16xf32>,
        %parallel_loop3A_217 = vector.shape_cast %parallel_loop3A_216 : vector<1x16xf32> to vector<16xf32>
        %parallel_loop3A_218 = arith.mulf %parallel_loop3A_217, %get3A_20 : vector<16xf32>
        %parallel_loop3A_219 = arith.select %parallel_loop3A_147, %parallel_loop3A_218, %parallel_loop3A_217 : vector<16xi1>, vector<16xf32>
        %parallel_loop3A_220 = arith.index_cast %parallel_loop3A_139 : i32 to index
        %parallel_loop3A_221 = arith.constant 96 : index
        %parallel_loop3A_222 = tpu.vector_load %arg11[%parallel_loop3A_220, %parallel_loop3A_221] {strides = array<i32>} : memref<160x128xf32, #tpu.memory_space<vmem>>, vector<1x16xf32>,
        %parallel_loop3A_223 = vector.shape_cast %parallel_loop3A_222 : vector<1x16xf32> to vector<16xf32>
        %parallel_loop3A_224 = vector.shape_cast %parallel_loop3A_219 : vector<16xf32> to vector<1x16xf32>
        tpu.vector_store %arg11[%parallel_loop3A_220, %parallel_loop3A_221], %parallel_loop3A_224 {strides = array<i32>} : memref<160x128xf32, #tpu.memory_space<vmem>>, vector<1x16xf32>,
        %parallel_loop3A_225 = arith.index_cast %parallel_loop3A_139 : i32 to index
        %parallel_loop3A_226 = arith.constant 112 : index
        %parallel_loop3A_227 = tpu.vector_load %arg7[%parallel_loop3A_225, %parallel_loop3A_226] {strides = array<i32>} : memref<160x128xf32, #tpu.memory_space<vmem>>, vector<1x16xf32>,
        %parallel_loop3A_228 = vector.shape_cast %parallel_loop3A_227 : vector<1x16xf32> to vector<16xf32>
        %parallel_loop3A_229 = arith.mulf %parallel_loop3A_228, %get3A_23 : vector<16xf32>
        %parallel_loop3A_230 = arith.select %parallel_loop3A_147, %parallel_loop3A_229, %parallel_loop3A_228 : vector<16xi1>, vector<16xf32>
        %parallel_loop3A_231 = arith.index_cast %parallel_loop3A_139 : i32 to index
        %parallel_loop3A_232 = arith.constant 112 : index
        %parallel_loop3A_233 = tpu.vector_load %arg11[%parallel_loop3A_231, %parallel_loop3A_232] {strides = array<i32>} : memref<160x128xf32, #tpu.memory_space<vmem>>, vector<1x16xf32>,
        %parallel_loop3A_234 = vector.shape_cast %parallel_loop3A_233 : vector<1x16xf32> to vector<16xf32>
        %parallel_loop3A_235 = vector.shape_cast %parallel_loop3A_230 : vector<16xf32> to vector<1x16xf32>
        tpu.vector_store %arg11[%parallel_loop3A_231, %parallel_loop3A_232], %parallel_loop3A_235 {strides = array<i32>} : memref<160x128xf32, #tpu.memory_space<vmem>>, vector<1x16xf32>,
      } {sc.loop_unroll_factor = 10 : i64, sc.parallel_access}
      %add3A_123 = arith.constant 608 : i32
      %add3A_124 = arith.addi %add3A, %add3A_123 : i32
      %mul3A_125 = arith.constant 160 : i32
      %mul3A_126 = arith.muli %add3A_124, %mul3A_125 : i32
      %dma_start3A_127 = arith.constant 0 : i32
      %dma_start3A_128 = tpu.memref_slice %arg5[%mul3A_126, %dma_start3A_127] : memref<100000x128xf32, #tpu.memory_space<hbm>> -> memref<160x128xf32, #tpu.memory_space<hbm>>
      %dma_start3A_129 = arith.constant 0 : i32
      %dma_start3A_130 = tpu.memref_slice %arg5[%mul3A_126, %dma_start3A_129] : memref<100000x128xf32, #tpu.memory_space<hbm>> -> memref<160x128xf32, #tpu.memory_space<hbm>>
      tpu.enqueue_dma source(%arg11 : memref<160x128xf32, #tpu.memory_space<vmem>>) target(%dma_start3A_130 : memref<160x128xf32, #tpu.memory_space<hbm>>) target_semaphore(%arg18 : memref<!tpu.dma_semaphore, #tpu.memory_space<semaphore_mem>>)
      %add3A_131 = arith.constant 608 : i32
      %add3A_132 = arith.addi %add3A, %add3A_131 : i32
      %mul3A_133 = arith.constant 160 : i32
      %mul3A_134 = arith.muli %add3A_132, %mul3A_133 : i32
      %dma_wait3A_135 = arith.constant 0 : i32
      %dma_wait3A_136 = tpu.memref_slice %arg5[%mul3A_134, %dma_wait3A_135] : memref<100000x128xf32, #tpu.memory_space<hbm>> -> memref<160x128xf32, #tpu.memory_space<hbm>>
      %dma_wait3A_137 = arith.constant 0 : i32
      %dma_wait3A_138 = tpu.memref_slice %arg5[%mul3A_134, %dma_wait3A_137] : memref<100000x128xf32, #tpu.memory_space<hbm>> -> memref<160x128xf32, #tpu.memory_space<hbm>>
      tpu.wait_dma2 semaphore(%arg18 : memref<!tpu.dma_semaphore, #tpu.memory_space<semaphore_mem>>) src(%arg11 : memref<160x128xf32, #tpu.memory_space<vmem>>) dst(%dma_wait3A_138 : memref<160x128xf32, #tpu.memory_space<hbm>>)
    } else {
    }
    return
  }
}

</mosaic_0001>

<sc_bundles>
// kernel: kernel.3.cloned.1.call-start
scs
__scs_entry_jumppad:
0x0: {  	(pc) =	sbr.rel $0x88, $3  }
0x1: {  	(tag) =	ssettag $0x0;
	lr =	simm.s32 $0x1  }
0x2: {  	[smem:$0x3F9E] =	sst lr;
	_ =	strace $0xD0000000  }
0x3: {  	_ = 	snop  }
0x4: {  	_ = 	snop  }
0x5: {  	_ = 	snop  }
0x6: {  	_ = 	snop  }
0x7: {  	_ = 	snop  }
__scs_overlays_trampoline_lowered:
0x8: {  	[smem:$0x3FAD] =	sst s0  }
0x9: {  	[smem:$0x3FAE] =	sst s1  }
0xa: {  	[smem:$0x3FAF] =	sst s2  }
0xb: {  	[smem:$0x3FB0] =	sst s3  }
0xc: {  	[smem:$0x3FB1] =	sst s4  }
0xd: {  	[smem:$0x3FB2] =	sst s5  }
0xe: {  	[smem:$0x3FB3] =	sst s6  }
0xf: {  	[smem:$0x3FB4] =	sst s7  }
0x10: {  	[smem:$0x3FB5] =	sst s8  }
0x11: {  	[smem:$0x3FB6] =	sst s9;
	s0 =	simm.s32 @!p0 $0x0  }
0x12: {  	s1 =	sld [smem:$0x3F9C];
	s0 =	simm.s32 @p0 $0x1  }
0x13: {  	[smem:$0x3FB7] =	sst s0;
	s0 =	simm.s32 @!p1 $0x0  }
0x14: {  	s2 =	sld [smem:$0x3F9B];
	s0 =	simm.s32 @p1 $0x1  }
0x15: {  	[smem:$0x3FB8] =	sst s0;
	s0 =	simm.s32 @!p2 $0x0  }
0x16: {  	s3 =	sld [smem:$0x3FDB];
	s0 =	simm.s32 @p2 $0x1  }
0x17: {  	s4 =	simm.s32 $0x1BF5;
	[smem:$0x3FBA] =	sst s0  }
0x18: {  	s0 =	sld [smem:$0x3F9D];
	_ =	swait.ge [sflag:s4], $0x0  }
0x19: {  	s7 =	sld [smem:$0x3F9E]  }
0x1a: {  	s8 =	sadd.s32 $0xFFFFE003, lr  }
0x1b: {  	s9 =	sadd.s32 $0xFFFFFEF7, lr;
	s5 =	simm.s32 $0xFFFFFFFF;
	p2 =	slt.u32 s8, $0xFFFFF086  }
0x1c: {  	p1 =	slt.u32 s9, $0xF7A;
	s5 =	simm.s32 @!p2 $0x0  }
0x1d: {  	s5 =	simm.s32 @p1 $0x1;
	p0 =	seq.s32 s7, s2  }
0x1e: {  	s7 =	smul.u32 @!p0 $0xF7A, s2;
	p2 =	seq.s32 @!p0 s5, $0x0  }
0x1f: {  	s9 =	smul.u32 $0xF7A, s1;
	s8 =	simm.s32 @!p0 $0x1BF5;
	p2 =	por !p2, p0  }
0x20: {  	[sflag:s8] =	ssyncset.s32 @!p0 $0xFFFFF086;
	s6 =	sadd.s32 @!p0 s3, s7;
	s7 =	simm.s32 @!p0 $0x108  }
0x21: {  	s3 =	sadd.s32 s3, s9;
	s6 =	sadd.s32 @!p0 $0x88, s6;
	s7 =	simm.s32 @p2 $0x1082  }
0x22: {  	[simem:s7], [sflag:s8] =	dma.local @!p0 [hbm:s6], $0xF7A  }
0x23: {  	s9 =	sor.u32 $0xD0000000, s2;
	s6 =	simm.s32 $0x108;
	_ =	swait.ge @!p0 [sflag:s8], $0x0  }
0x24: {  	s3 =	sadd.s32 $0x88, s3;
	s6 =	simm.s32 @!p1 $0x1082;
	[sflag:s4] =	ssyncset.s32 $0xFFFFF086  }
0x25: {  	[simem:s6], [sflag:s4] =	dma.local [hbm:s3], $0xF7A  }
0x26: {  	[smem:$0x3F9E] =	sst s1;
	(tag) =	ssettag s2;
	_ =	strace s9  }
0x27: {  	s1 =	sld [smem:$0x3FAE]  }
0x28: {  	s2 =	sld [smem:$0x3FAF]  }
0x29: {  	s4 =	sld [smem:$0x3FB1]  }
0x2a: {  	p0 =	seq.s32 s5, $0x0;
	s5 =	sld [smem:$0x3FB2]  }
0x2b: {  	s6 =	sld [smem:$0x3FB3]  }
0x2c: {  	s7 =	sld [smem:$0x3FB4]  }
0x2d: {  	s3 =	simm.s32 $0x108;
	s8 =	sld [smem:$0x3FB5]  }
0x2e: {  	s3 =	simm.s32 @!p0 $0x1082;
	s9 =	sld [smem:$0x3FB6]  }
0x2f: {  	lr =	sadd.s32 s0, s3;
	s0 =	sld [smem:$0x3FAD]  }
0x30: {  	s3 =	sld [smem:$0x3FB0]  }
0x31: {  	[smem:$0x3FB9] =	sst s10  }
0x32: {  	s10 =	sld [smem:$0x3FB7];
	_ =	sdelay $0x3  }
0x33: {  	p0 =	seq.s32 s10, $0x1;
	s10 =	sld [smem:$0x3FB9];
	_ =	sdelay $0x3  }
0x34: {  	[smem:$0x3FB9] =	sst s10  }
0x35: {  	s10 =	sld [smem:$0x3FB8];
	_ =	sdelay $0x3  }
0x36: {  	p1 =	seq.s32 s10, $0x1;
	s10 =	sld [smem:$0x3FB9];
	_ =	sdelay $0x3  }
0x37: {  	[smem:$0x3FB9] =	sst s10  }
0x38: {  	s10 =	sld [smem:$0x3FBA]  }
0x39: {  	_ = 	snop;
	(pc) =	sbr.ind lr, $3  }
0x3a: {  	_ = 	snop  }
0x3b: {  	_ = 	snop  }
0x3c: {  	p2 =	seq.s32 s10, $0x1;
	s10 =	sld [smem:$0x3FB9]  }
0x3d: {  	_ =	shalt  }
0x3e: {  	_ =	shalt  }
0x3f: {  	_ =	shalt  }
0x40: {  	_ =	shalt  }
0x41: {  	_ =	shalt  }
0x42: {  	_ =	shalt  }
0x43: {  	_ =	shalt  }
0x44: {  	_ =	shalt  }
0x45: {  	_ =	shalt  }
0x46: {  	_ =	shalt  }
0x47: {  	_ =	shalt  }
0x48: {  	_ =	shalt  }
0x49: {  	_ =	shalt  }
0x4a: {  	_ =	shalt  }
0x4b: {  	_ =	shalt  }
0x4c: {  	_ =	shalt  }
0x4d: {  	_ =	shalt  }
0x4e: {  	_ =	shalt  }
0x4f: {  	_ =	shalt  }
0x50: {  	_ =	shalt  }
0x51: {  	_ =	shalt  }
0x52: {  	_ =	shalt  }
0x53: {  	_ =	shalt  }
0x54: {  	_ =	shalt  }
0x55: {  	_ =	shalt  }
0x56: {  	_ =	shalt  }
0x57: {  	_ =	shalt  }
0x58: {  	_ =	shalt  }
0x59: {  	_ =	shalt  }
0x5a: {  	_ =	shalt  }
0x5b: {  	_ =	shalt  }
0x5c: {  	_ =	shalt  }
0x5d: {  	_ =	shalt  }
0x5e: {  	_ =	shalt  }
0x5f: {  	_ =	shalt  }
0x60: {  	_ =	shalt  }
0x61: {  	_ =	shalt  }
0x62: {  	_ =	shalt  }
0x63: {  	_ =	shalt  }
0x64: {  	_ =	shalt  }
0x65: {  	_ =	shalt  }
0x66: {  	_ =	shalt  }
0x67: {  	_ =	shalt  }
0x68: {  	_ =	shalt  }
0x69: {  	_ =	shalt  }
0x6a: {  	_ =	shalt  }
0x6b: {  	_ =	shalt  }
0x6c: {  	_ =	shalt  }
0x6d: {  	_ =	shalt  }
0x6e: {  	_ =	shalt  }
0x6f: {  	_ =	shalt  }
0x70: {  	_ =	shalt  }
0x71: {  	_ =	shalt  }
0x72: {  	_ =	shalt  }
0x73: {  	_ =	shalt  }
0x74: {  	_ =	shalt  }
0x75: {  	_ =	shalt  }
0x76: {  	_ =	shalt  }
0x77: {  	_ =	shalt  }
0x78: {  	_ =	shalt  }
0x79: {  	_ =	shalt  }
0x7a: {  	_ =	shalt  }
0x7b: {  	_ =	shalt  }
0x7c: {  	_ =	shalt  }
0x7d: {  	_ =	shalt  }
0x7e: {  	_ =	shalt  }
0x7f: {  	_ =	shalt  }
0x80: {  	_ =	shalt  }
0x81: {  	_ =	shalt  }
0x82: {  	_ =	shalt  }
0x83: {  	_ =	shalt  }
0x84: {  	_ =	shalt  }
0x85: {  	_ =	shalt  }
0x86: {  	_ =	shalt  }
0x87: {  	_ =	shalt  }
.Lfunc_end0:
.L_simem_size_0:
called_computation_lowered:
.L_overlay_start_0:
0x88: {  	s2 =	sld [smem:$0x3FD9]  }
0x89: {  	s3 =	sld [smem:$0x3FFE];
	_ =	sdelay $0x1  }
0x8a: {  	s1 =	srdreg.scid  }
0x8b: {  	s0 =	sand.u32 $0x1, s1  }
0x8c: {  	s17 =	sshll.u32 s0, $0xA;
	s2 =	sadd.s32 s3, s2  }
0x8d: {  	s2 =	sadd.s32 s2, s17  }
0x8e: {  	[smem:$0x3FC5] =	sst s2  }
0x8f: {  	_ = 	snop  }
0x90: {  	s2 =	sld [smem:$0x3FC9]  }
0x91: {  	s18 =	sld [smem:$0x3FC7]  }
0x92: {  	s4 =	sld [smem:$0x3FD0];
	(tm) =	ssettm $0x1  }
0x93: {  	s5 =	sld [smem:$0x3FFB];
	_ =	sdelay $0x3  }
0x94: {  	_ =	strace s5  }
0x95: {  	s5 =	sld [smem:$0x3FFC];
	_ =	sdelay $0x3  }
0x96: {  	_ =	strace s5  }
0x97: {  	s5 =	sld [smem:$0x3FFD];
	_ =	sdelay $0x3  }
0x98: {  	_ =	strace s5  }
0x99: {  	_ =	strace $0x8FFFFFFF  }
0x9a: {  	s19 =	sld [smem:$0x3FDB];
	_ =	sdelay $0x1  }
0x9b: {  	s6 =	simm.s32 $_scs_section_size  }
0x9c: {  	s7 =	simm.s32 $_size__tile_overlayer_lowered;
	s8 =	simm.s32 $_tile_overlayer_lowered  }
0x9d: {  	s22 =	simm.s32 $0x1BFF;
	s21 =	sshll.u32 s8, $0x1;
	s5 =	sadd.s32 s6, s19  }
0x9e: {  	s9 =	simm.s32 $0x0;
	s20 =	sshll.u32 s7, $0x1;
	s7 =	sadd.s32 s21, s5  }
0x9f: {  	[timem:s9], [sflag:s22] =	dma.local [hbm:s7], s20  }
0xa0: {  	_ =	swait.ge [sflag:s22], s20  }
0xa1: {  	s6 =	ssub.s32 $0x0, s20;
	[sflag:s22] =	ssyncset.done $0x0  }
0xa2: {  	[sflag:s22] =	ssyncadd.s32 s6;
	_ =	sdelay $0x1  }
0xa3: {  	s23 =	simm.s32 $0x1B8B  }
0xa4: {  	_ =	swait.ge [sflag:s23], $0x1  }
0xa5: {  	[sflag:s23] =	ssyncset.done $0x0  }
0xa6: {  	s25 =	simm.s32 $0x1B8E;
	s24 =	sld [smem:$0x3FFE];
	[sflag:s23] =	ssyncadd.s32 $0xFFFFFFFF  }
0xa7: {  	s26 =	simm.s32 $execute0_lowered;
	[smem:$0x3FD2] =	sst s25  }
0xa8: {  	s7 =	sshll.u32 s26, $0x1;
	_ =	strace $0x80000046;
	[dreg:$0x1] =	wrdreg $0xFFFFFFFF  }
0xa9: {  	s28 =	simm.s32 $_size_execute0_lowered;
	s5 =	sadd.s32 s5, s7;
	[dreg:$0x0] =	wrdreg $0x0  }
0xaa: {  	s7 =	sshll.u32 s28, $0x1;
	[dreg:$0x2] =	wrdreg s5  }
0xab: {  	[dreg:$0x3] =	wrdreg s7  }
0xac: {  	[dreg:$0x4] =	wrdreg $0xC0  }
0xad: {  	_ =	task [dreg:s9], $0x5FFFF  }
0xae: {  	[dreg:$0x1] =	wrdreg $0xFFFFFFFF  }
0xaf: {  	[dreg:$0x0] =	wrdreg $0x60  }
0xb0: {  	[dreg:$0x2] =	wrdreg s2  }
0xb1: {  	[dreg:$0x3] =	wrdreg s24  }
0xb2: {  	[dreg:$0x4] =	wrdreg s18  }
0xb3: {  	[dreg:$0x5] =	wrdreg s4  }
0xb4: {  	[dreg:$0x6] =	wrdreg $0x9  }
0xb5: {  	_ =	task.clear_ibuf [dreg:s9], $0x7FFFF;
	_ =	strace $0x90000046  }
0xb6: {  	s29 =	simm.s32 $0x9;
	_ =	strace $0x80000048  }
0xb7: {  	_ =	swait.ge [sflag:s29], $0x1  }
0xb8: {  	[sflag:s29] =	ssyncadd.s32 $0xFFFFFFFF  }
0xb9: {  	_ =	strace $0x90000048  }
0xba: {  	_ =	sfence  }
0xbb: {  	s30 =	sld [smem:$0x0];
	_ =	sdelay $0x2  }
0xbc: {  	s31 =	sshll.u32 s1, $0xD;
	s1 =	sshrl.u32 s1, $0x2  }
0xbd: {  	s3 =	sand.u32 $0x4000, s31;
	s1 =	sadd.s32 s1, s30  }
0xbe: {  	s0 =	sor.u32 s3, s0;
	s1 =	sshll.u32 s1, $0x11  }
0xbf: {  	s0 =	sor.u32 s1, s0  }
0xc0: {  	s0 =	sadd.s32 $0x8F2B, s0  }
0xc1: {  	[sflag:s0] =	ssyncadd.remote.s32 $0x1  }
0xc2: {  	_ =	sfence.sel $0xFFFF  }
0xc3: {  	[dreg:$0x0] =	wrdreg $0xFFFFFFFF;
	(pc) =	sbr.abs _section_cstart, $3  }
0xc4: {  	[dreg:$0x1] =	wrdreg $0xFFFFFFFF  }
0xc5: {  	_ =	task.clear_ibuf [dreg:s9], $0x2FFFF;
	_ =	strace $0x9FFFFFFF  }
0xc6: {  	(tm) =	ssettm $0x7FFFFFFF  }
0xc7: {  	_ =	shalt  }
tec
execute0_lowered:
.L_overlay_start_1:
0x0: {  	(tag) =	ssettag $0x1  }
0x1: {  	s1 =	rddreg [dreg:$0x0]  }
0x2: {  	s0 =	rddreg [dreg:$0x1];
	s2 =	srdreg.scid  }
0x3: {  	s3 =	stileid.u32;
	s4 =	rddreg [dreg:$0x3];
	s5 =	simm.s32 $0x0  }
0x4: {  	s19 =	simm.s32 $0x5;
	s2 =	sand.u32 $0x1, s2;
	s3 =	sshll.u32 s3, $0x1  }
0x5: {  	s20 =	simm.s32 $0xA000;
	s28 =	simm.s32 $0x3;
	s6 =	sor.u32 s2, s3  }
0x6: {  	s29 =	simm.s32 $0x4;
	s30 =	simm.s32 $0x0;
	s3 =	smul.u32 $0xA00, s6  }
0x7: {  	[smem:$0x7FF] =	sst s5;
	s7 =	sadd.s32 $0x400, s0;
	s8 =	smul.u32 $0xA0, s6  }
0x8: {  	s17 =	sadd.s32 $0x14000, s4;
	s2 =	ssub.s32 $0x2, s2;
	s9 =	smul.u32 $0x14, s6  }
0x9: {  	_ =	strace $0x80000047;
	s23 =	sshrl.u32 s2, $0x1;
	s25 =	smul.u32 $0x5000, s6  }
0xa: {  	s13 =	sor.u32 $0x40, s6;
	s14 =	sor.u32 $0x60, s6;
	p0 =	sgt.u32 s6, $0x10  }
0xb: {  	s0 =	ssub.s32 s2, s23;
	s23 =	simm.s32 $0x1;
	s24 =	sadd.s32 $0x1400, s8  }
0xc: {  	s10 =	sadd.s32 s1, s3;
	s9 =	sadd.s32 s7, s9;
	s8 =	sshrl.u32 s25, $0x3  }
.Ltmp0:
0xd: {  	s12 =	sadd.s32 s4, s3;
	[dreg:$0x5] =	wrdreg s10;
	(pc) =	sbr.rel .LBB2_1-.Ltmp0, $4  }
0xe: {  	s16 =	smax.u32 s0, $0x1;
	s25 =	simm.s32 $0x2;
	[dreg:$0x6] =	wrdreg s9  }
0xf: {  	s26 =	sshll.u32 s24, $0x4;
	s2 =	sshrl.u32 s24, $0x3;
	s31 =	sadd.s32 s4, s8  }
0x10: {  	s24 =	simm.s32 $0xA200;
	s11 =	sadd.s32 s7, s2;
	s2 =	sadd.s32 $0x17C000, s31  }
0x11: {  	s10 =	sadd.s32 s1, s26;
	s26 =	simm.s32 $0xF200;
	[dreg:$0x7] =	wrdreg s2  }
.LBB2_21:
0x12: {  	s30 =	sadd.s32 $0x1, s30  }
0x13: {  	p1 =	sne.s32 s30, s16  }
.Ltmp1:
0x14: {  	_ = 	snop;
	(pc) =	sbr.rel @!p1 .LBB2_22-.Ltmp1, $1  }
0x15: {  	_ =	sdelay $0x3  }
.LBB2_1:
0x16: {  	s0 =	rddreg [dreg:$0x2];
	s2 =	simm.s32 $0x15600  }
0x17: {  	[tilespmem:s2], [sflag:$0x5] =	stream.linear.gather [hbm4b:s0+s5], $0x80, $0x38;
	[tilespmem:$0x15680] =	vst v63  }
0x18: {  	_ =	swait.ge [sflag:s19], $0x80  }
0x19: {  	[sflag:s19] =	ssyncset.done $0x0  }
0x1a: {  	[sflag:s19] =	ssyncadd.s32 $0xFFFFFF80  }
0x1b: {  	v1 =	vld [tilespmem:$0x15600]  }
0x1c: {  	v2 =	vld [tilespmem:$0x15610]  }
0x1d: {  	v3 =	vld [tilespmem:$0x15620]  }
0x1e: {  	v4 =	vld [tilespmem:$0x15630]  }
0x1f: {  	v5 =	vld [tilespmem:$0x15640]  }
0x20: {  	v6 =	vld [tilespmem:$0x15650]  }
0x21: {  	s15 =	rddreg [dreg:$0x5];
	v7 =	vld [tilespmem:$0x15660]  }
0x22: {  	v0 =	vld [tilespmem:$0x15670];
	[tilespmem:s5], [sflag:$0x1] =	stream.linear.gather [hbm4b:s15+s5], $0x5000, $0x38  }
0x23: {  	s18 =	rddreg [dreg:$0x6]  }
0x24: {  	[tilespmem:s20], [sflag:$0x1] =	stream.linear.gather [hbm4b:s18+s5], $0xA0, $0x38;
	[tilespmem:$0x15680] =	vst v63  }
0x25: {  	s21 =	simm.s32 $0x5000  }
0x26: {  	[tilespmem:s21], [sflag:$0x2] =	stream.linear.gather [hbm4b:s10+s5], $0x5000, $0x38;
	[tilespmem:$0x15680] =	vst v63  }
0x27: {  	s22 =	simm.s32 $0xA100  }
0x28: {  	[tilespmem:s22], [sflag:$0x2] =	stream.linear.gather [hbm4b:s11+s5], $0xA0, $0x38;
	[tilespmem:$0x15680] =	vst v63  }
0x29: {  	_ =	swait.ge [sflag:s23], $0x5000  }
0x2a: {  	[sflag:s23] =	ssyncset.done $0x0  }
0x2b: {  	[sflag:s23] =	ssyncadd.s32 $0xFFFFB000  }
0x2c: {  	_ =	swait.ge [sflag:s23], $0xA0  }
0x2d: {  	[sflag:s23] =	ssyncset.done $0x0  }
0x2e: {  	s31 =	simm.s32 $0xA010;
	[sflag:s23] =	ssyncadd.s32 $0xFFFFFF60  }
0x2f: {  	v11 =	vld [tilespmem:s31+$0x0]  }
0x30: {  	v8 =	vld [tilespmem:s31+$0xFFFFFFF0];
	_ =	sdelay $0x3  }
0x31: {  	v9 =	vbroadcast v11, $0xF  }
0x32: {  	s15 =	simm.s32 $0x14300;
	v10 =	vbroadcast v8, $0x0  }
0x33: {  	v12 =	vbroadcast v8, $0x1;
	[tilespmem:s15+$0xF0] =	vst v9  }
0x34: {  	v13 =	vbroadcast v11, $0x5;
	[tilespmem:s15+$0xFFFFFF00] =	vst v10  }
0x35: {  	v14 =	vbroadcast v11, $0x6;
	[tilespmem:s15+$0xFFFFFF10] =	vst v12  }
0x36: {  	v15 =	vbroadcast v11, $0x7;
	[tilespmem:s15+$0x50] =	vst v13  }
0x37: {  	v9 =	vbroadcast v8, $0x2;
	[tilespmem:s15+$0x60] =	vst v14  }
0x38: {  	v10 =	vbroadcast v8, $0x3;
	[tilespmem:s15+$0x70] =	vst v15  }
0x39: {  	v12 =	vbroadcast v8, $0x4;
	[tilespmem:s15+$0xFFFFFF20] =	vst v9  }
0x3a: {  	v9 =	vbroadcast v8, $0x5;
	[tilespmem:s15+$0xFFFFFF30] =	vst v10  }
0x3b: {  	v10 =	vbroadcast v8, $0x6;
	[tilespmem:s15+$0xFFFFFF40] =	vst v12  }
0x3c: {  	v12 =	vbroadcast v8, $0x7;
	[tilespmem:s15+$0xFFFFFF50] =	vst v9  }
0x3d: {  	v9 =	vbroadcast v8, $0x8;
	[tilespmem:s15+$0xFFFFFF60] =	vst v10  }
0x3e: {  	v10 =	vbroadcast v8, $0x9;
	[tilespmem:s15+$0xFFFFFF70] =	vst v12  }
0x3f: {  	v12 =	vbroadcast v8, $0xA;
	[tilespmem:s15+$0xFFFFFF80] =	vst v9  }
0x40: {  	v9 =	vbroadcast v8, $0xB;
	[tilespmem:s15+$0xFFFFFF90] =	vst v10  }
0x41: {  	v10 =	vbroadcast v8, $0xC;
	[tilespmem:s15+$0xFFFFFFA0] =	vst v12  }
0x42: {  	v12 =	vbroadcast v8, $0xD;
	[tilespmem:s15+$0xFFFFFFB0] =	vst v9  }
0x43: {  	v9 =	vbroadcast v8, $0xE;
	[tilespmem:s15+$0xFFFFFFC0] =	vst v10  }
0x44: {  	v8 =	vbroadcast v8, $0xF;
	[tilespmem:s15+$0xFFFFFFD0] =	vst v12  }
0x45: {  	v10 =	vbroadcast v11, $0x0;
	[tilespmem:s15+$0xFFFFFFE0] =	vst v9  }
0x46: {  	v12 =	vbroadcast v11, $0x4;
	[tilespmem:s15+$0xFFFFFFF0] =	vst v8  }
0x47: {  	v13 =	vbroadcast v11, $0xB;
	v9 =	vbroadcast v11, $0x1;
	[tilespmem:s15+$0x0] =	vst v10  }
0x48: {  	v14 =	vbroadcast v11, $0xD;
	v10 =	vbroadcast v11, $0x3;
	[tilespmem:s15+$0x40] =	vst v12  }
0x49: {  	v8 =	vbroadcast v11, $0x2;
	v12 =	vbroadcast v11, $0xC;
	[tilespmem:s15+$0x10] =	vst v9  }
0x4a: {  	s3 =	simm.s32 $0x14250;
	s8 =	simm.s32 $0xA030;
	[tilespmem:s15+$0x30] =	vst v10;
	v9 =	vbroadcast v11, $0x8;
	v10 =	vbroadcast v11, $0x9  }
0x4b: {  	s2 =	simm.s32 $0x280;
	s0 =	simm.s32 $0xA480;
	s18 =	simm.s32 $0x0;
	[tilespmem:s15+$0x20] =	vst v8;
	v8 =	vbroadcast v11, $0xA;
	v11 =	vbroadcast v11, $0xE  }
.LBB2_2:
0x4c: {  	v15 =	vld [tilespmem:s8+$0x0];
	s18 =	sadd.s32 $0x2, s18;
	[tilespmem:s15+$0x80] =	vst v9  }
0x4d: {  	v9 =	vld [tilespmem:s8+$0xFFFFFFF0];
	p1 =	slt.u32 s18, $0x8;
	[tilespmem:s15+$0x90] =	vst v10  }
0x4e: {  	[tilespmem:s15+$0xA0] =	vst v8  }
0x4f: {  	[tilespmem:s15+$0xB0] =	vst v13  }
0x50: {  	[tilespmem:s15+$0xC0] =	vst v12  }
0x51: {  	v16 =	vbroadcast v15, $0x0;
	v8 =	vbroadcast v15, $0xF;
	[tilespmem:s15+$0xD0] =	vst v14  }
0x52: {  	v10 =	vbroadcast v9, $0x0;
	v12 =	vbroadcast v9, $0x1;
	[tilespmem:s15+$0xE0] =	vst v11;
	s15 =	sadd.s32 $0x200, s15  }
0x53: {  	v11 =	vbroadcast v9, $0x2;
	v13 =	vbroadcast v9, $0x3;
	[tilespmem:s15+$0xF0] =	vst v8  }
0x54: {  	v8 =	vbroadcast v9, $0x4;
	[tilespmem:s15+$0xFFFFFF00] =	vst v10;
	v10 =	vbroadcast v9, $0x5  }
0x55: {  	v14 =	vbroadcast v9, $0x7;
	[tilespmem:s15+$0xFFFFFF10] =	vst v12;
	v12 =	vbroadcast v9, $0x6  }
0x56: {  	v17 =	vbroadcast v9, $0x9;
	[tilespmem:s15+$0xFFFFFF20] =	vst v11;
	v11 =	vbroadcast v9, $0x8  }
0x57: {  	v18 =	vbroadcast v9, $0xB;
	[tilespmem:s15+$0xFFFFFF30] =	vst v13;
	v13 =	vbroadcast v9, $0xA  }
0x58: {  	v19 =	vbroadcast v9, $0xC;
	v20 =	vbroadcast v9, $0xD;
	[tilespmem:s15+$0xFFFFFF40] =	vst v8  }
0x59: {  	v21 =	vbroadcast v9, $0xE;
	v22 =	vbroadcast v9, $0xF;
	[tilespmem:s15+$0xFFFFFF50] =	vst v10  }
0x5a: {  	v23 =	vbroadcast v15, $0x1;
	v24 =	vbroadcast v15, $0x2;
	[tilespmem:s15+$0xFFFFFF60] =	vst v12  }
0x5b: {  	v25 =	vbroadcast v15, $0x3;
	v26 =	vbroadcast v15, $0x4;
	[tilespmem:s15+$0xFFFFFF70] =	vst v14  }
0x5c: {  	v27 =	vbroadcast v15, $0x5;
	v28 =	vbroadcast v15, $0x6;
	[tilespmem:s15+$0xFFFFFF80] =	vst v11  }
0x5d: {  	v9 =	vbroadcast v15, $0x8;
	[tilespmem:s15+$0xFFFFFF90] =	vst v17;
	v17 =	vbroadcast v15, $0x7  }
0x5e: {  	v8 =	vbroadcast v15, $0xA;
	v10 =	vbroadcast v15, $0x9;
	[tilespmem:s15+$0xFFFFFFA0] =	vst v13  }
0x5f: {  	v12 =	vbroadcast v15, $0xC;
	v13 =	vbroadcast v15, $0xB;
	[tilespmem:s15+$0xFFFFFFB0] =	vst v18  }
0x60: {  	v14 =	vbroadcast v15, $0xD;
	v11 =	vbroadcast v15, $0xE;
	[tilespmem:s15+$0xFFFFFFC0] =	vst v19  }
0x61: {  	[tilespmem:s15+$0xFFFFFFD0] =	vst v20  }
0x62: {  	[tilespmem:s15+$0xFFFFFFE0] =	vst v21  }
0x63: {  	[tilespmem:s15+$0xFFFFFFF0] =	vst v22  }
0x64: {  	[tilespmem:s15+$0x0] =	vst v16  }
0x65: {  	[tilespmem:s15+$0x10] =	vst v23  }
0x66: {  	[tilespmem:s15+$0x20] =	vst v24  }
.Ltmp2:
0x67: {  	[tilespmem:s15+$0x30] =	vst v25;
	(pc) =	sbr.rel @p1 .LBB2_2-.Ltmp2, $4  }
0x68: {  	[tilespmem:s15+$0x40] =	vst v26  }
0x69: {  	[tilespmem:s15+$0x50] =	vst v27  }
0x6a: {  	[tilespmem:s15+$0x60] =	vst v28  }
0x6b: {  	s8 =	sadd.s32 $0x20, s8;
	[tilespmem:s15+$0x70] =	vst v17  }
0x6c: {  	[tilespmem:s15+$0x80] =	vst v9  }
0x6d: {  	[tilespmem:s15+$0x90] =	vst v10  }
0x6e: {  	[tilespmem:s15+$0xA0] =	vst v8  }
0x6f: {  	[tilespmem:s15+$0xB0] =	vst v13  }
0x70: {  	[tilespmem:s15+$0xC0] =	vst v12  }
0x71: {  	[tilespmem:s15+$0xD0] =	vst v14  }
0x72: {  	[tilespmem:s15+$0xE0] =	vst v11  }
0x73: {  	v8 =	vld [tilespmem:s3+$0x40]  }
0x74: {  	v9 =	vld [tilespmem:s2+$0x200]  }
0x75: {  	v10 =	vld [tilespmem:s2+$0xFFFFFD80]  }
0x76: {  	v11 =	vld [tilespmem:s3+$0xFFFFFFC0]  }
0x77: {  	v12 =	vld [tilespmem:s2+$0xFFFFFE00]  }
0x78: {  	v13 =	vld [tilespmem:s3+$0xFFFFFFD0]  }
0x79: {  	v14 =	vld [tilespmem:s2+$0xFFFFFE80];
	vm0 =	vlt.f32 v8, $0.0e+00;
	vm1 =	vgt.f32 v8, $0.0e+00;
	v8 =	vmul.f32 v9, v1  }
0x7a: {  	v15 =	vld [tilespmem:s3+$0xFFFFFFE0];
	vm9 =	vmor vm1, vm0  }
0x7b: {  	v19 =	vld [tilespmem:s3+$0x0];
	v8 =	vsel vm9, v8, v9  }
0x7c: {  	v16 =	vld [tilespmem:s2+$0xFFFFFF00];
	[tilespmem:s0+$0x200] =	vst v8  }
0x7d: {  	v8 =	vld [tilespmem:s2+$0x210]  }
0x7e: {  	v18 =	vld [tilespmem:s2+$0xFFFFFF80];
	v17 =	vmul.f32 v10, v1  }
0x7f: {  	vm0 =	vlt.f32 v11, $0.0e+00;
	vm1 =	vgt.f32 v11, $0.0e+00;
	v11 =	vmul.f32 v12, v1;
	v9 =	vld [tilespmem:s3+$0xFFFFFFF0]  }
0x80: {  	v20 =	vld [tilespmem:s3+$0x10];
	vm3 =	vgt.f32 v19, $0.0e+00;
	vm8 =	vmor vm1, vm0;
	vm0 =	vlt.f32 v13, $0.0e+00  }
0x81: {  	vm1 =	vgt.f32 v13, $0.0e+00;
	v13 =	vld [tilespmem:s2+$0x0];
	v11 =	vsel vm8, v11, v12;
	v12 =	vmul.f32 v14, v1  }
0x82: {  	v22 =	vld [tilespmem:s3+$0x20];
	vm7 =	vmor vm1, vm0;
	vm0 =	vlt.f32 v15, $0.0e+00;
	v21 =	vmul.f32 v8, v2  }
0x83: {  	vm1 =	vgt.f32 v15, $0.0e+00;
	v15 =	vld [tilespmem:s2+$0x80];
	v12 =	vsel vm7, v12, v14;
	v14 =	vmul.f32 v16, v1  }
0x84: {  	v62 =	vld [tilespmem:s3+$0x30];
	vm1 =	vmor vm1, vm0;
	vm0 =	vlt.f32 v9, $0.0e+00;
	v8 =	vsel vm9, v21, v8  }
0x85: {  	vm2 =	vgt.f32 v9, $0.0e+00;
	v9 =	vld [tilespmem:s2+$0x100];
	v14 =	vsel vm1, v14, v16;
	v16 =	vmul.f32 v18, v1;
	[tilespmem:s0+$0x210] =	vst v8  }
0x86: {  	vm0 =	vmor vm2, vm0;
	vm2 =	vlt.f32 v19, $0.0e+00;
	v8 =	vmul.f32 v13, v1;
	v19 =	vld [tilespmem:s2+$0x220]  }
0x87: {  	vm4 =	vgt.f32 v20, $0.0e+00;
	[tilespmem:s0+$0xFFFFFE00] =	vst v11;
	v11 =	vsel vm0, v16, v18;
	vm2 =	vmor vm3, vm2;
	v16 =	vld [tilespmem:s2+$0x180]  }
0x88: {  	[tilespmem:s0+$0xFFFFFE80] =	vst v12;
	v12 =	vmul.f32 v15, v1;
	vm3 =	vlt.f32 v20, $0.0e+00;
	v8 =	vsel vm2, v8, v13;
	v13 =	vld [tilespmem:s3+$0xFFFFFFB0]  }
0x89: {  	vm5 =	vgt.f32 v22, $0.0e+00;
	vm6 =	vgt.f32 v62, $0.0e+00;
	[tilespmem:s0+$0xFFFFFF00] =	vst v14;
	v14 =	vld [tilespmem:s2+$0xFFFFFE10];
	vm3 =	vmor vm4, vm3  }
0x8a: {  	vm4 =	vlt.f32 v22, $0.0e+00;
	[tilespmem:s0+$0xFFFFFF80] =	vst v11;
	v11 =	vsel vm3, v12, v15;
	v15 =	vld [tilespmem:s2+$0xFFFFFE90];
	v12 =	vmul.f32 v9, v1  }
0x8b: {  	vm4 =	vmor vm5, vm4;
	vm5 =	vlt.f32 v62, $0.0e+00;
	[tilespmem:s0+$0x0] =	vst v8;
	v8 =	vld [tilespmem:s2+$0xFFFFFF10];
	v18 =	vmul.f32 v19, v3  }
0x8c: {  	[tilespmem:s0+$0x80] =	vst v11;
	vm5 =	vmor vm6, vm5;
	v11 =	vld [tilespmem:s2+$0xFFFFFF90];
	v9 =	vsel vm4, v12, v9;
	v12 =	vmul.f32 v16, v1  }
0x8d: {  	[tilespmem:s0+$0x100] =	vst v9;
	v9 =	vld [tilespmem:s2+$0x10];
	vm6 =	vlt.f32 v13, $0.0e+00;
	vm10 =	vgt.f32 v13, $0.0e+00;
	v13 =	vsel vm9, v18, v19  }
0x8e: {  	v12 =	vsel vm5, v12, v16;
	vm6 =	vmor vm10, vm6;
	v18 =	vmul.f32 v14, v2;
	v19 =	vld [tilespmem:s2+$0x90];
	[tilespmem:s0+$0x220] =	vst v13  }
0x8f: {  	[tilespmem:s0+$0x180] =	vst v12;
	v10 =	vsel vm6, v17, v10;
	v13 =	vmul.f32 v15, v2;
	v12 =	vld [tilespmem:s2+$0x230]  }
0x90: {  	v16 =	vld [tilespmem:s2+$0x110];
	[tilespmem:s0+$0xFFFFFD80] =	vst v10;
	v10 =	vsel vm8, v18, v14;
	v14 =	vmul.f32 v8, v2  }
0x91: {  	v17 =	vld [tilespmem:s2+$0xFFFFFD90];
	[tilespmem:s0+$0xFFFFFE10] =	vst v10;
	v10 =	vsel vm7, v13, v15;
	v13 =	vmul.f32 v11, v2  }
0x92: {  	[tilespmem:s0+$0xFFFFFE90] =	vst v10;
	v8 =	vsel vm1, v14, v8;
	v10 =	vmul.f32 v9, v2;
	v14 =	vld [tilespmem:s2+$0x190]  }
0x93: {  	v15 =	vld [tilespmem:s2+$0xFFFFFE20];
	[tilespmem:s0+$0xFFFFFF10] =	vst v8;
	v8 =	vsel vm0, v13, v11;
	v11 =	vmul.f32 v19, v2  }
0x94: {  	v13 =	vld [tilespmem:s2+$0xFFFFFEA0];
	[tilespmem:s0+$0xFFFFFF90] =	vst v8;
	v8 =	vsel vm2, v10, v9;
	v9 =	vmul.f32 v12, v4  }
0x95: {  	v10 =	vld [tilespmem:s2+$0xFFFFFF20];
	[tilespmem:s0+$0x10] =	vst v8;
	v8 =	vsel vm3, v11, v19;
	v11 =	vmul.f32 v16, v2  }
0x96: {  	v19 =	vld [tilespmem:s2+$0xFFFFFFA0];
	v18 =	vmul.f32 v17, v2;
	[tilespmem:s0+$0x90] =	vst v8;
	v8 =	vsel vm9, v9, v12  }
0x97: {  	v9 =	vld [tilespmem:s2+$0x20];
	v11 =	vsel vm4, v11, v16;
	v12 =	vmul.f32 v14, v2;
	[tilespmem:s0+$0x230] =	vst v8  }
0x98: {  	v16 =	vmul.f32 v15, v3;
	v8 =	vsel vm6, v18, v17;
	[tilespmem:s0+$0x110] =	vst v11;
	v11 =	vld [tilespmem:s2+$0x240]  }
0x99: {  	v17 =	vld [tilespmem:s2+$0xA0];
	[tilespmem:s0+$0xFFFFFD90] =	vst v8;
	v8 =	vmul.f32 v13, v3;
	v12 =	vsel vm5, v12, v14  }
0x9a: {  	v15 =	vsel vm8, v16, v15;
	v16 =	vmul.f32 v10, v3;
	v14 =	vld [tilespmem:s2+$0xFFFFFDA0];
	[tilespmem:s0+$0x190] =	vst v12  }
0x9b: {  	[tilespmem:s0+$0xFFFFFE20] =	vst v15;
	v12 =	vmul.f32 v19, v3;
	v8 =	vsel vm7, v8, v13;
	v13 =	vld [tilespmem:s2+$0x120]  }
0x9c: {  	v15 =	vld [tilespmem:s2+$0x1A0];
	[tilespmem:s0+$0xFFFFFEA0] =	vst v8;
	v8 =	vsel vm1, v16, v10;
	v10 =	vmul.f32 v9, v3  }
0x9d: {  	v16 =	vld [tilespmem:s2+$0xFFFFFE30];
	[tilespmem:s0+$0xFFFFFF20] =	vst v8;
	v8 =	vsel vm0, v12, v19;
	v12 =	vmul.f32 v11, v5  }
0x9e: {  	v18 =	vld [tilespmem:s2+$0xFFFFFEB0];
	[tilespmem:s0+$0xFFFFFFA0] =	vst v8;
	v8 =	vsel vm2, v10, v9;
	v9 =	vmul.f32 v17, v3  }
0x9f: {  	v19 =	vld [tilespmem:s2+$0xFFFFFF30];
	v10 =	vmul.f32 v14, v3;
	[tilespmem:s0+$0x20] =	vst v8;
	v8 =	vsel vm9, v12, v11  }
0xa0: {  	v11 =	vld [tilespmem:s2+$0xFFFFFFB0];
	v9 =	vsel vm3, v9, v17;
	v12 =	vmul.f32 v13, v3;
	[tilespmem:s0+$0x240] =	vst v8  }
0xa1: {  	v8 =	vsel vm6, v10, v14;
	[tilespmem:s0+$0xA0] =	vst v9;
	v9 =	vmul.f32 v15, v3;
	v10 =	vld [tilespmem:s2+$0x250]  }
0xa2: {  	v14 =	vld [tilespmem:s2+$0x30];
	[tilespmem:s0+$0xFFFFFDA0] =	vst v8;
	v8 =	vmul.f32 v16, v4;
	v12 =	vsel vm4, v12, v13  }
0xa3: {  	v17 =	vmul.f32 v18, v4;
	v13 =	vld [tilespmem:s2+$0xFFFFFDB0];
	[tilespmem:s0+$0x120] =	vst v12;
	v9 =	vsel vm5, v9, v15  }
0xa4: {  	v12 =	vmul.f32 v19, v4;
	v15 =	vld [tilespmem:s2+$0xB0];
	v8 =	vsel vm8, v8, v16;
	[tilespmem:s0+$0x1A0] =	vst v9  }
0xa5: {  	v16 =	vld [tilespmem:s2+$0x130];
	[tilespmem:s0+$0xFFFFFE30] =	vst v8;
	v8 =	vsel vm7, v17, v18;
	v9 =	vmul.f32 v11, v4  }
0xa6: {  	[tilespmem:s0+$0xFFFFFEB0] =	vst v8;
	v8 =	vsel vm1, v12, v19;
	v12 =	vld [tilespmem:s2+$0x1B0];
	v17 =	vmul.f32 v10, v6  }
0xa7: {  	v18 =	vld [tilespmem:s2+$0xFFFFFE40];
	[tilespmem:s0+$0xFFFFFF30] =	vst v8;
	v8 =	vsel vm0, v9, v11;
	v9 =	vmul.f32 v14, v4  }
0xa8: {  	v19 =	vld [tilespmem:s2+$0xFFFFFEC0];
	v11 =	vmul.f32 v13, v4;
	[tilespmem:s0+$0xFFFFFFB0] =	vst v8;
	v8 =	vsel vm9, v17, v10  }
0xa9: {  	v10 =	vld [tilespmem:s2+$0xFFFFFF40];
	v9 =	vsel vm2, v9, v14;
	v14 =	vmul.f32 v15, v4;
	[tilespmem:s0+$0x250] =	vst v8  }
0xaa: {  	v8 =	vsel vm6, v11, v13;
	[tilespmem:s0+$0x30] =	vst v9;
	v9 =	vmul.f32 v16, v4;
	v11 =	vld [tilespmem:s2+$0x260]  }
0xab: {  	[tilespmem:s0+$0xFFFFFDB0] =	vst v8;
	v8 =	vld [tilespmem:s2+$0xFFFFFFC0];
	v13 =	vsel vm3, v14, v15;
	v14 =	vmul.f32 v12, v4  }
0xac: {  	v17 =	vmul.f32 v18, v5;
	v15 =	vld [tilespmem:s2+$0xFFFFFDC0];
	[tilespmem:s0+$0xB0] =	vst v13;
	v9 =	vsel vm4, v9, v16  }
0xad: {  	v13 =	vmul.f32 v19, v5;
	v16 =	vld [tilespmem:s2+$0x40];
	[tilespmem:s0+$0x130] =	vst v9;
	v9 =	vsel vm5, v14, v12  }
0xae: {  	v12 =	vsel vm8, v17, v18;
	v17 =	vld [tilespmem:s2+$0xC0];
	v14 =	vmul.f32 v10, v5;
	[tilespmem:s0+$0x1B0] =	vst v9  }
0xaf: {  	[tilespmem:s0+$0xFFFFFE40] =	vst v12;
	v9 =	vsel vm7, v13, v19;
	v12 =	vld [tilespmem:s2+$0x140];
	v13 =	vmul.f32 v11, v7  }
0xb0: {  	[tilespmem:s0+$0xFFFFFEC0] =	vst v9;
	v9 =	vsel vm1, v14, v10;
	v10 =	vmul.f32 v8, v5;
	v14 =	vld [tilespmem:s2+$0x1C0]  }
0xb1: {  	v19 =	vld [tilespmem:s2+$0xFFFFFE50];
	v18 =	vmul.f32 v15, v5;
	[tilespmem:s0+$0xFFFFFF40] =	vst v9;
	v9 =	vsel vm9, v13, v11  }
0xb2: {  	v11 =	vld [tilespmem:s2+$0xFFFFFED0];
	v8 =	vsel vm0, v10, v8;
	v10 =	vmul.f32 v16, v5;
	[tilespmem:s0+$0x260] =	vst v9  }
0xb3: {  	v9 =	vsel vm6, v18, v15;
	[tilespmem:s0+$0xFFFFFFC0] =	vst v8;
	v8 =	vmul.f32 v17, v5;
	v13 =	vld [tilespmem:s2+$0x270]  }
0xb4: {  	v15 =	vmul.f32 v12, v5;
	[tilespmem:s0+$0xFFFFFDC0] =	vst v9;
	v9 =	vld [tilespmem:s2+$0xFFFFFF50];
	v10 =	vsel vm2, v10, v16  }
0xb5: {  	v16 =	vld [tilespmem:s2+$0xFFFFFDD0];
	[tilespmem:s0+$0x40] =	vst v10;
	v8 =	vsel vm3, v8, v17;
	v10 =	vmul.f32 v14, v5  }
0xb6: {  	v18 =	vld [tilespmem:s2+$0xFFFFFFD0];
	v17 =	vmul.f32 v19, v6;
	[tilespmem:s0+$0xC0] =	vst v8;
	v8 =	vsel vm4, v15, v12  }
0xb7: {  	v15 =	vld [tilespmem:s2+$0x50];
	v12 =	vmul.f32 v11, v6;
	[tilespmem:s0+$0x140] =	vst v8;
	v8 =	vsel vm5, v10, v14  }
0xb8: {  	v10 =	vsel vm8, v17, v19;
	v14 =	vld [tilespmem:s2+$0xD0];
	[tilespmem:s0+$0x1C0] =	vst v8;
	v8 =	vmul.f32 v13, v0  }
0xb9: {  	[tilespmem:s0+$0xFFFFFE50] =	vst v10;
	v10 =	vsel vm7, v12, v11;
	v11 =	vmul.f32 v9, v6;
	v12 =	vld [tilespmem:s2+$0x150]  }
0xba: {  	v17 =	vmul.f32 v16, v6;
	[tilespmem:s0+$0xFFFFFED0] =	vst v10;
	v10 =	vld [tilespmem:s2+$0x1D0];
	v8 =	vsel vm9, v8, v13  }
0xbb: {  	v13 =	vld [tilespmem:s2+$0xFFFFFE60];
	v9 =	vsel vm1, v11, v9;
	v11 =	vmul.f32 v18, v6;
	[tilespmem:s0+$0x270] =	vst v8  }
0xbc: {  	v8 =	vsel vm6, v17, v16;
	v16 =	vld [tilespmem:s2+$0xFFFFFEE0];
	[tilespmem:s0+$0xFFFFFF50] =	vst v9;
	v9 =	vmul.f32 v15, v6  }
0xbd: {  	v17 =	vmul.f32 v14, v6;
	[tilespmem:s0+$0xFFFFFDD0] =	vst v8;
	v8 =	vld [tilespmem:s2+$0xFFFFFF60];
	v11 =	vsel vm0, v11, v18  }
0xbe: {  	v18 =	vld [tilespmem:s2+$0xFFFFFDE0];
	[tilespmem:s0+$0xFFFFFFD0] =	vst v11;
	v9 =	vsel vm2, v9, v15;
	v11 =	vmul.f32 v12, v6  }
0xbf: {  	v15 =	vld [tilespmem:s2+$0xFFFFFFE0];
	[tilespmem:s0+$0x50] =	vst v9;
	v9 =	vsel vm3, v17, v14;
	v14 =	vmul.f32 v10, v6  }
0xc0: {  	v17 =	vmul.f32 v13, v7;
	v19 =	vld [tilespmem:s2+$0x60];
	[tilespmem:s0+$0xD0] =	vst v9;
	v9 =	vsel vm4, v11, v12  }
0xc1: {  	v11 =	vmul.f32 v16, v7;
	v12 =	vld [tilespmem:s2+$0xE0];
	[tilespmem:s0+$0x150] =	vst v9;
	v9 =	vsel vm5, v14, v10  }
0xc2: {  	v10 =	vsel vm8, v17, v13;
	v13 =	vmul.f32 v8, v7;
	v14 =	vld [tilespmem:s2+$0x160];
	[tilespmem:s0+$0x1D0] =	vst v9  }
0xc3: {  	v9 =	vmul.f32 v18, v7;
	[tilespmem:s0+$0xFFFFFE60] =	vst v10;
	v10 =	vsel vm7, v11, v16;
	v16 =	vld [tilespmem:s2+$0x1E0]  }
0xc4: {  	v17 =	vld [tilespmem:s2+$0xFFFFFE70];
	[tilespmem:s0+$0xFFFFFEE0] =	vst v10;
	v8 =	vsel vm1, v13, v8;
	v11 =	vmul.f32 v15, v7  }
0xc5: {  	v9 =	vsel vm6, v9, v18;
	v18 =	vld [tilespmem:s2+$0xFFFFFEF0];
	[tilespmem:s0+$0xFFFFFF60] =	vst v8;
	v13 =	vmul.f32 v19, v7  }
0xc6: {  	[tilespmem:s0+$0xFFFFFDE0] =	vst v9;
	v10 =	vld [tilespmem:s2+$0xFFFFFF70];
	v9 =	vsel vm0, v11, v15;
	v11 =	vmul.f32 v12, v7  }
0xc7: {  	v8 =	vld [tilespmem:s2+$0xFFFFFDF0];
	[tilespmem:s0+$0xFFFFFFE0] =	vst v9;
	v13 =	vsel vm2, v13, v19;
	v15 =	vmul.f32 v14, v7  }
0xc8: {  	v9 =	vld [tilespmem:s2+$0xFFFFFFF0];
	[tilespmem:s0+$0x60] =	vst v13;
	v12 =	vsel vm3, v11, v12;
	v13 =	vmul.f32 v16, v7  }
0xc9: {  	v19 =	vmul.f32 v17, v0;
	v11 =	vld [tilespmem:s2+$0x70];
	[tilespmem:s0+$0xE0] =	vst v12;
	v14 =	vsel vm4, v15, v14  }
0xca: {  	v63 =	vmul.f32 v18, v0;
	v12 =	vld [tilespmem:s2+$0xF0];
	[tilespmem:s0+$0x160] =	vst v14;
	v14 =	vsel vm5, v13, v16  }
0xcb: {  	v17 =	vsel vm8, v19, v17;
	v13 =	vld [tilespmem:s2+$0x170];
	[tilespmem:s0+$0x1E0] =	vst v14;
	v16 =	vmul.f32 v10, v0  }
0xcc: {  	s18 =	simm.s32 $0x142F0;
	s3 =	simm.s32 $0x0;
	v15 =	vmul.f32 v8, v0;
	[tilespmem:s0+$0xFFFFFE70] =	vst v17;
	v17 =	vsel vm7, v63, v18;
	v14 =	vld [tilespmem:s2+$0x1F0]  }
.LBB2_4:
0xcd: {  	v18 =	vld [tilespmem:s18+$0x40];
	[tilespmem:s0+$0xFFFFFEF0] =	vst v17;
	v10 =	vsel vm1, v16, v10;
	v16 =	vmul.f32 v9, v0;
	s2 =	sadd.s32 $0x500, s2  }
0xce: {  	s3 =	sadd.s32 $0xA, s3;
	v17 =	vld [tilespmem:s2+$0x200];
	v15 =	vsel vm6, v15, v8;
	[tilespmem:s0+$0xFFFFFF70] =	vst v10;
	v10 =	vmul.f32 v11, v0  }
0xcf: {  	p1 =	slt.u32 s3, $0x96;
	v8 =	vld [tilespmem:s2+$0xFFFFFD80];
	[tilespmem:s0+$0xFFFFFDF0] =	vst v15;
	v9 =	vsel vm0, v16, v9;
	v15 =	vmul.f32 v12, v0  }
0xd0: {  	v16 =	vld [tilespmem:s18+$0xFFFFFFC0];
	[tilespmem:s0+$0xFFFFFFF0] =	vst v9;
	v9 =	vsel vm2, v10, v11;
	v10 =	vmul.f32 v13, v0  }
0xd1: {  	v11 =	vld [tilespmem:s2+$0xFFFFFE00];
	[tilespmem:s0+$0x70] =	vst v9;
	v9 =	vsel vm3, v15, v12;
	v12 =	vmul.f32 v14, v0  }
0xd2: {  	v15 =	vld [tilespmem:s18+$0xFFFFFFD0];
	[tilespmem:s0+$0xF0] =	vst v9;
	v9 =	vsel vm4, v10, v13  }
0xd3: {  	vm0 =	vlt.f32 v18, $0.0e+00;
	vm1 =	vgt.f32 v18, $0.0e+00;
	v10 =	vld [tilespmem:s2+$0xFFFFFE80];
	v13 =	vmul.f32 v17, v1;
	[tilespmem:s0+$0x170] =	vst v9  }
0xd4: {  	vm9 =	vmor vm1, vm0;
	v12 =	vsel vm5, v12, v14;
	v9 =	vmul.f32 v8, v1;
	v18 =	vld [tilespmem:s18+$0xFFFFFFE0]  }
0xd5: {  	vm0 =	vlt.f32 v16, $0.0e+00;
	vm1 =	vgt.f32 v16, $0.0e+00;
	v14 =	vld [tilespmem:s2+$0xFFFFFF00];
	v13 =	vsel vm9, v13, v17;
	[tilespmem:s0+$0x1F0] =	vst v12;
	s0 =	sadd.s32 $0x500, s0  }
0xd6: {  	vm7 =	vmor vm1, vm0;
	v12 =	vmul.f32 v11, v1;
	v16 =	vld [tilespmem:s18+$0xFFFFFFF0];
	[tilespmem:s0+$0x200] =	vst v13  }
0xd7: {  	vm0 =	vlt.f32 v15, $0.0e+00;
	vm1 =	vgt.f32 v15, $0.0e+00;
	v13 =	vld [tilespmem:s2+$0x210]  }
0xd8: {  	v11 =	vsel vm7, v12, v11;
	vm8 =	vmor vm1, vm0;
	v12 =	vmul.f32 v10, v1;
	v15 =	vld [tilespmem:s2+$0xFFFFFF80]  }
0xd9: {  	[tilespmem:s0+$0xFFFFFE00] =	vst v11;
	vm0 =	vlt.f32 v18, $0.0e+00;
	vm1 =	vgt.f32 v18, $0.0e+00;
	v11 =	vld [tilespmem:s18+$0x0]  }
0xda: {  	v10 =	vsel vm8, v12, v10;
	vm1 =	vmor vm1, vm0;
	v12 =	vmul.f32 v14, v1;
	v17 =	vld [tilespmem:s2+$0x0]  }
0xdb: {  	[tilespmem:s0+$0xFFFFFE80] =	vst v10;
	vm0 =	vlt.f32 v16, $0.0e+00;
	vm2 =	vgt.f32 v16, $0.0e+00;
	v10 =	vld [tilespmem:s18+$0x10]  }
0xdc: {  	v12 =	vsel vm1, v12, v14;
	vm0 =	vmor vm2, vm0;
	v14 =	vld [tilespmem:s2+$0x80];
	v16 =	vmul.f32 v13, v2  }
0xdd: {  	[tilespmem:s0+$0xFFFFFF00] =	vst v12;
	v12 =	vmul.f32 v15, v1;
	v18 =	vld [tilespmem:s18+$0x20]  }
0xde: {  	vm2 =	vlt.f32 v11, $0.0e+00;
	vm3 =	vgt.f32 v11, $0.0e+00;
	v11 =	vld [tilespmem:s2+$0x100];
	v13 =	vsel vm9, v16, v13  }
0xdf: {  	v12 =	vsel vm0, v12, v15;
	vm2 =	vmor vm3, vm2;
	v15 =	vmul.f32 v17, v1;
	v16 =	vld [tilespmem:s18+$0x30];
	[tilespmem:s0+$0x210] =	vst v13  }
0xe0: {  	[tilespmem:s0+$0xFFFFFF80] =	vst v12;
	vm3 =	vlt.f32 v10, $0.0e+00;
	vm4 =	vgt.f32 v10, $0.0e+00;
	v10 =	vld [tilespmem:s2+$0x220]  }
0xe1: {  	v12 =	vsel vm2, v15, v17;
	vm3 =	vmor vm4, vm3;
	v13 =	vmul.f32 v14, v1;
	v15 =	vld [tilespmem:s2+$0x180]  }
0xe2: {  	v17 =	vld [tilespmem:s18+$0xFFFFFFB0];
	[tilespmem:s0+$0x0] =	vst v12;
	vm4 =	vlt.f32 v18, $0.0e+00;
	vm5 =	vgt.f32 v18, $0.0e+00  }
0xe3: {  	v12 =	vld [tilespmem:s2+$0xFFFFFE10];
	v13 =	vsel vm3, v13, v14;
	vm4 =	vmor vm5, vm4;
	v14 =	vmul.f32 v11, v1  }
0xe4: {  	v18 =	vld [tilespmem:s2+$0xFFFFFE90];
	[tilespmem:s0+$0x80] =	vst v13;
	vm5 =	vlt.f32 v16, $0.0e+00;
	vm6 =	vgt.f32 v16, $0.0e+00  }
0xe5: {  	v13 =	vld [tilespmem:s2+$0xFFFFFF10];
	v11 =	vsel vm4, v14, v11;
	vm5 =	vmor vm6, vm5;
	v14 =	vmul.f32 v10, v3  }
0xe6: {  	v16 =	vld [tilespmem:s2+$0xFFFFFF90];
	[tilespmem:s0+$0x100] =	vst v11;
	v11 =	vmul.f32 v15, v1  }
0xe7: {  	vm6 =	vlt.f32 v17, $0.0e+00;
	vm10 =	vgt.f32 v17, $0.0e+00;
	v17 =	vld [tilespmem:s2+$0x10];
	v10 =	vsel vm9, v14, v10  }
0xe8: {  	vm6 =	vmor vm10, vm6;
	v14 =	vmul.f32 v12, v2;
	v19 =	vld [tilespmem:s2+$0x90];
	v11 =	vsel vm5, v11, v15;
	[tilespmem:s0+$0x220] =	vst v10  }
0xe9: {  	v8 =	vsel vm6, v9, v8;
	v9 =	vmul.f32 v18, v2;
	[tilespmem:s0+$0x180] =	vst v11;
	v10 =	vld [tilespmem:s2+$0x230]  }
0xea: {  	[tilespmem:s0+$0xFFFFFD80] =	vst v8;
	v8 =	vsel vm7, v14, v12;
	v11 =	vmul.f32 v13, v2;
	v12 =	vld [tilespmem:s2+$0x110]  }
0xeb: {  	v14 =	vld [tilespmem:s2+$0xFFFFFD90];
	[tilespmem:s0+$0xFFFFFE10] =	vst v8;
	v8 =	vsel vm8, v9, v18;
	v9 =	vmul.f32 v16, v2  }
0xec: {  	[tilespmem:s0+$0xFFFFFE90] =	vst v8;
	v8 =	vsel vm1, v11, v13;
	v11 =	vmul.f32 v17, v2;
	v13 =	vld [tilespmem:s2+$0x190]  }
0xed: {  	v15 =	vld [tilespmem:s2+$0xFFFFFE20];
	[tilespmem:s0+$0xFFFFFF10] =	vst v8;
	v8 =	vsel vm0, v9, v16;
	v9 =	vmul.f32 v19, v2  }
0xee: {  	v16 =	vld [tilespmem:s2+$0xFFFFFEA0];
	[tilespmem:s0+$0xFFFFFF90] =	vst v8;
	v8 =	vsel vm2, v11, v17;
	v11 =	vmul.f32 v10, v4  }
0xef: {  	v17 =	vld [tilespmem:s2+$0xFFFFFF20];
	[tilespmem:s0+$0x10] =	vst v8;
	v8 =	vsel vm3, v9, v19;
	v9 =	vmul.f32 v12, v2  }
0xf0: {  	v18 =	vmul.f32 v14, v2;
	v19 =	vld [tilespmem:s2+$0xFFFFFFA0];
	[tilespmem:s0+$0x90] =	vst v8;
	v8 =	vsel vm9, v11, v10  }
0xf1: {  	v10 =	vld [tilespmem:s2+$0x20];
	v9 =	vsel vm4, v9, v12;
	v11 =	vmul.f32 v13, v2;
	[tilespmem:s0+$0x230] =	vst v8  }
0xf2: {  	v8 =	vsel vm6, v18, v14;
	v12 =	vmul.f32 v15, v3;
	[tilespmem:s0+$0x110] =	vst v9;
	v9 =	vld [tilespmem:s2+$0x240]  }
0xf3: {  	[tilespmem:s0+$0xFFFFFD90] =	vst v8;
	v8 =	vmul.f32 v16, v3;
	v14 =	vld [tilespmem:s2+$0xA0];
	v11 =	vsel vm5, v11, v13  }
0xf4: {  	v13 =	vld [tilespmem:s2+$0xFFFFFDA0];
	v12 =	vsel vm7, v12, v15;
	v15 =	vmul.f32 v17, v3;
	[tilespmem:s0+$0x190] =	vst v11  }
0xf5: {  	[tilespmem:s0+$0xFFFFFE20] =	vst v12;
	v8 =	vsel vm8, v8, v16;
	v11 =	vmul.f32 v19, v3;
	v12 =	vld [tilespmem:s2+$0x120]  }
0xf6: {  	[tilespmem:s0+$0xFFFFFEA0] =	vst v8;
	v8 =	vsel vm1, v15, v17;
	v15 =	vmul.f32 v10, v3;
	v16 =	vld [tilespmem:s2+$0x1A0]  }
0xf7: {  	v17 =	vld [tilespmem:s2+$0xFFFFFE30];
	[tilespmem:s0+$0xFFFFFF20] =	vst v8;
	v8 =	vsel vm0, v11, v19;
	v11 =	vmul.f32 v9, v5  }
0xf8: {  	v18 =	vld [tilespmem:s2+$0xFFFFFEB0];
	[tilespmem:s0+$0xFFFFFFA0] =	vst v8;
	v8 =	vsel vm2, v15, v10;
	v10 =	vmul.f32 v14, v3  }
0xf9: {  	v15 =	vmul.f32 v13, v3;
	v19 =	vld [tilespmem:s2+$0xFFFFFF30];
	[tilespmem:s0+$0x20] =	vst v8;
	v8 =	vsel vm9, v11, v9  }
0xfa: {  	v9 =	vld [tilespmem:s2+$0xFFFFFFB0];
	v10 =	vsel vm3, v10, v14;
	v11 =	vmul.f32 v12, v3;
	[tilespmem:s0+$0x240] =	vst v8  }
0xfb: {  	v8 =	vsel vm6, v15, v13;
	[tilespmem:s0+$0xA0] =	vst v10;
	v10 =	vmul.f32 v16, v3;
	v13 =	vld [tilespmem:s2+$0x250]  }
0xfc: {  	[tilespmem:s0+$0xFFFFFDA0] =	vst v8;
	v8 =	vmul.f32 v17, v4;
	v14 =	vld [tilespmem:s2+$0x30];
	v11 =	vsel vm4, v11, v12  }
0xfd: {  	v12 =	vld [tilespmem:s2+$0xFFFFFDB0];
	v15 =	vmul.f32 v18, v4;
	[tilespmem:s0+$0x120] =	vst v11;
	v10 =	vsel vm5, v10, v16  }
0xfe: {  	v8 =	vsel vm7, v8, v17;
	v11 =	vmul.f32 v19, v4;
	v16 =	vld [tilespmem:s2+$0xB0];
	[tilespmem:s0+$0x1A0] =	vst v10  }
0xff: {  	[tilespmem:s0+$0xFFFFFE30] =	vst v8;
	v8 =	vsel vm8, v15, v18;
	v10 =	vmul.f32 v9, v4;
	v15 =	vld [tilespmem:s2+$0x130]  }
0x100: {  	[tilespmem:s0+$0xFFFFFEB0] =	vst v8;
	v8 =	vsel vm1, v11, v19;
	v11 =	vld [tilespmem:s2+$0x1B0];
	v17 =	vmul.f32 v13, v6  }
0x101: {  	v18 =	vld [tilespmem:s2+$0xFFFFFE40];
	[tilespmem:s0+$0xFFFFFF30] =	vst v8;
	v8 =	vsel vm0, v10, v9;
	v9 =	vmul.f32 v14, v4  }
0x102: {  	v10 =	vmul.f32 v12, v4;
	v19 =	vld [tilespmem:s2+$0xFFFFFEC0];
	[tilespmem:s0+$0xFFFFFFB0] =	vst v8;
	v8 =	vsel vm9, v17, v13  }
0x103: {  	v13 =	vld [tilespmem:s2+$0xFFFFFF40];
	v9 =	vsel vm2, v9, v14;
	v14 =	vmul.f32 v16, v4;
	[tilespmem:s0+$0x250] =	vst v8  }
0x104: {  	v8 =	vsel vm6, v10, v12;
	[tilespmem:s0+$0x30] =	vst v9;
	v9 =	vmul.f32 v15, v4;
	v10 =	vld [tilespmem:s2+$0x260]  }
0x105: {  	[tilespmem:s0+$0xFFFFFDB0] =	vst v8;
	v8 =	vld [tilespmem:s2+$0xFFFFFFC0];
	v12 =	vsel vm3, v14, v16;
	v14 =	vmul.f32 v11, v4  }
0x106: {  	v16 =	vld [tilespmem:s2+$0xFFFFFDC0];
	v17 =	vmul.f32 v18, v5;
	[tilespmem:s0+$0xB0] =	vst v12;
	v9 =	vsel vm4, v9, v15  }
0x107: {  	v12 =	vmul.f32 v19, v5;
	v15 =	vld [tilespmem:s2+$0x40];
	[tilespmem:s0+$0x130] =	vst v9;
	v9 =	vsel vm5, v14, v11  }
0x108: {  	v11 =	vsel vm7, v17, v18;
	v14 =	vmul.f32 v13, v5;
	v17 =	vld [tilespmem:s2+$0xC0];
	[tilespmem:s0+$0x1B0] =	vst v9  }
0x109: {  	[tilespmem:s0+$0xFFFFFE40] =	vst v11;
	v9 =	vsel vm8, v12, v19;
	v11 =	vld [tilespmem:s2+$0x140];
	v12 =	vmul.f32 v10, v7  }
0x10a: {  	[tilespmem:s0+$0xFFFFFEC0] =	vst v9;
	v9 =	vsel vm1, v14, v13;
	v13 =	vmul.f32 v8, v5;
	v14 =	vld [tilespmem:s2+$0x1C0]  }
0x10b: {  	v18 =	vmul.f32 v16, v5;
	v19 =	vld [tilespmem:s2+$0xFFFFFE50];
	[tilespmem:s0+$0xFFFFFF40] =	vst v9;
	v9 =	vsel vm9, v12, v10  }
0x10c: {  	v10 =	vld [tilespmem:s2+$0xFFFFFED0];
	v8 =	vsel vm0, v13, v8;
	v12 =	vmul.f32 v15, v5;
	[tilespmem:s0+$0x260] =	vst v9  }
0x10d: {  	v9 =	vsel vm6, v18, v16;
	[tilespmem:s0+$0xFFFFFFC0] =	vst v8;
	v8 =	vmul.f32 v17, v5;
	v13 =	vld [tilespmem:s2+$0x270]  }
0x10e: {  	[tilespmem:s0+$0xFFFFFDC0] =	vst v9;
	v9 =	vld [tilespmem:s2+$0xFFFFFF50];
	v12 =	vsel vm2, v12, v15;
	v15 =	vmul.f32 v11, v5  }
0x10f: {  	v16 =	vld [tilespmem:s2+$0xFFFFFDD0];
	[tilespmem:s0+$0x40] =	vst v12;
	v8 =	vsel vm3, v8, v17;
	v12 =	vmul.f32 v14, v5  }
0x110: {  	v17 =	vmul.f32 v19, v6;
	v18 =	vld [tilespmem:s2+$0xFFFFFFD0];
	[tilespmem:s0+$0xC0] =	vst v8;
	v8 =	vsel vm4, v15, v11  }
0x111: {  	v11 =	vmul.f32 v10, v6;
	v15 =	vld [tilespmem:s2+$0x50];
	[tilespmem:s0+$0x140] =	vst v8;
	v8 =	vsel vm5, v12, v14  }
0x112: {  	v12 =	vsel vm7, v17, v19;
	v14 =	vld [tilespmem:s2+$0xD0];
	[tilespmem:s0+$0x1C0] =	vst v8;
	v8 =	vmul.f32 v13, v0  }
0x113: {  	[tilespmem:s0+$0xFFFFFE50] =	vst v12;
	v10 =	vsel vm8, v11, v10;
	v11 =	vmul.f32 v9, v6;
	v12 =	vld [tilespmem:s2+$0x150]  }
0x114: {  	v17 =	vmul.f32 v16, v6;
	[tilespmem:s0+$0xFFFFFED0] =	vst v10;
	v10 =	vld [tilespmem:s2+$0x1D0];
	v8 =	vsel vm9, v8, v13  }
0x115: {  	v13 =	vld [tilespmem:s2+$0xFFFFFE60];
	v9 =	vsel vm1, v11, v9;
	v11 =	vmul.f32 v18, v6;
	[tilespmem:s0+$0x270] =	vst v8  }
0x116: {  	v8 =	vsel vm6, v17, v16;
	v16 =	vld [tilespmem:s2+$0xFFFFFEE0];
	[tilespmem:s0+$0xFFFFFF50] =	vst v9;
	v9 =	vmul.f32 v15, v6  }
0x117: {  	[tilespmem:s0+$0xFFFFFDD0] =	vst v8;
	v8 =	vld [tilespmem:s2+$0xFFFFFF60];
	v11 =	vsel vm0, v11, v18;
	v17 =	vmul.f32 v14, v6  }
0x118: {  	v18 =	vld [tilespmem:s2+$0xFFFFFDE0];
	[tilespmem:s0+$0xFFFFFFD0] =	vst v11;
	v9 =	vsel vm2, v9, v15;
	v11 =	vmul.f32 v12, v6  }
0x119: {  	v15 =	vld [tilespmem:s2+$0xFFFFFFE0];
	[tilespmem:s0+$0x50] =	vst v9;
	v9 =	vsel vm3, v17, v14;
	v14 =	vmul.f32 v10, v6  }
0x11a: {  	v17 =	vmul.f32 v13, v7;
	v19 =	vld [tilespmem:s2+$0x60];
	[tilespmem:s0+$0xD0] =	vst v9;
	v9 =	vsel vm4, v11, v12  }
0x11b: {  	v11 =	vmul.f32 v16, v7;
	v12 =	vld [tilespmem:s2+$0xE0];
	[tilespmem:s0+$0x150] =	vst v9;
	v9 =	vsel vm5, v14, v10  }
0x11c: {  	v10 =	vsel vm7, v17, v13;
	v13 =	vmul.f32 v8, v7;
	v14 =	vld [tilespmem:s2+$0x160];
	[tilespmem:s0+$0x1D0] =	vst v9  }
0x11d: {  	v9 =	vmul.f32 v18, v7;
	[tilespmem:s0+$0xFFFFFE60] =	vst v10;
	v10 =	vsel vm8, v11, v16;
	v16 =	vld [tilespmem:s2+$0x1E0]  }
0x11e: {  	v17 =	vld [tilespmem:s2+$0xFFFFFE70];
	[tilespmem:s0+$0xFFFFFEE0] =	vst v10;
	v8 =	vsel vm1, v13, v8;
	v11 =	vmul.f32 v15, v7  }
0x11f: {  	v9 =	vsel vm6, v9, v18;
	v18 =	vld [tilespmem:s2+$0xFFFFFEF0];
	[tilespmem:s0+$0xFFFFFF60] =	vst v8;
	v13 =	vmul.f32 v19, v7  }
0x120: {  	[tilespmem:s0+$0xFFFFFDE0] =	vst v9;
	v10 =	vld [tilespmem:s2+$0xFFFFFF70];
	v9 =	vsel vm0, v11, v15;
	v11 =	vmul.f32 v12, v7  }
0x121: {  	v8 =	vld [tilespmem:s2+$0xFFFFFDF0];
	[tilespmem:s0+$0xFFFFFFE0] =	vst v9;
	v13 =	vsel vm2, v13, v19;
	v15 =	vmul.f32 v14, v7  }
.Ltmp3:
0x122: {  	v9 =	vld [tilespmem:s2+$0xFFFFFFF0];
	[tilespmem:s0+$0x60] =	vst v13;
	v12 =	vsel vm3, v11, v12;
	v13 =	vmul.f32 v16, v7;
	(pc) =	sbr.rel @p1 .LBB2_4-.Ltmp3, $4  }
0x123: {  	v19 =	vmul.f32 v17, v0;
	v11 =	vld [tilespmem:s2+$0x70];
	[tilespmem:s0+$0xE0] =	vst v12;
	v14 =	vsel vm4, v15, v14  }
0x124: {  	v20 =	vmul.f32 v18, v0;
	v12 =	vld [tilespmem:s2+$0xF0];
	[tilespmem:s0+$0x160] =	vst v14;
	v14 =	vsel vm5, v13, v16  }
0x125: {  	v17 =	vsel vm7, v19, v17;
	v16 =	vmul.f32 v10, v0;
	v13 =	vld [tilespmem:s2+$0x170];
	[tilespmem:s0+$0x1E0] =	vst v14  }
0x126: {  	s18 =	sadd.s32 $0xA0, s18;
	v15 =	vmul.f32 v8, v0;
	[tilespmem:s0+$0xFFFFFE70] =	vst v17;
	v17 =	vsel vm8, v20, v18;
	v14 =	vld [tilespmem:s2+$0x1F0]  }
0x127: {  	[tilespmem:s0+$0xFFFFFEF0] =	vst v17;
	v10 =	vsel vm1, v16, v10;
	v59 =	vmul.f32 v9, v0  }
0x128: {  	v8 =	vsel vm6, v15, v8;
	[tilespmem:s0+$0xFFFFFF70] =	vst v10;
	v60 =	vmul.f32 v11, v0  }
0x129: {  	[tilespmem:s0+$0xFFFFFDF0] =	vst v8;
	v8 =	vsel vm0, v59, v9;
	v61 =	vmul.f32 v12, v0  }
0x12a: {  	[tilespmem:s0+$0xFFFFFFF0] =	vst v8;
	v8 =	vsel vm2, v60, v11;
	v62 =	vmul.f32 v13, v0  }
0x12b: {  	[tilespmem:s0+$0x70] =	vst v8;
	v8 =	vsel vm3, v61, v12;
	v63 =	vmul.f32 v14, v0  }
0x12c: {  	[tilespmem:s0+$0xF0] =	vst v8;
	v8 =	vsel vm4, v62, v13  }
0x12d: {  	[tilespmem:s0+$0x170] =	vst v8;
	v8 =	vsel vm5, v63, v14  }
0x12e: {  	s31 =	simm.s32 $0x0;
	[tilespmem:s0+$0x1F0] =	vst v8  }
0x12f: {  	[hbm4b:s12+s31] =	stream.linear.scatter [tilespmem:s24], [sflag:$0x3], $0x5000, $0x38;
	[tilespmem:$0x15680] =	vst v63  }
.LBB2_6:
0x130: {  	s0 =	sshll.u32 s31, $0x6  }
0x131: {  	s3 =	sadd.s32 s13, s0  }
0x132: {  	s2 =	smul.u32 $0xA00, s3;
	_ =	sdelay $0x1  }
0x133: {  	s3 =	smul.u32 $0x14, s3;
	s8 =	sadd.s32 s1, s2  }
0x134: {  	[tilespmem:s5], [sflag:$0x1] =	stream.linear.gather [hbm4b:s8+s5], $0x5000, $0x38;
	[tilespmem:$0x15680] =	vst v63  }
0x135: {  	s3 =	sadd.s32 s7, s3  }
0x136: {  	[tilespmem:s20], [sflag:$0x1] =	stream.linear.gather [hbm4b:s3+s5], $0xA0, $0x38;
	[tilespmem:$0x15680] =	vst v63  }
0x137: {  	_ =	swait.ge [sflag:s25], $0x5000  }
0x138: {  	[sflag:s25] =	ssyncset.done $0x0  }
0x139: {  	[sflag:s25] =	ssyncadd.s32 $0xFFFFB000  }
0x13a: {  	_ =	swait.ge [sflag:s25], $0xA0  }
0x13b: {  	p1 =	seq.s32 s31, $0x0;
	[sflag:s25] =	ssyncset.done $0x0  }
0x13c: {  	s3 =	simm.s32 @!p1 $0x4;
	[sflag:s25] =	ssyncadd.s32 $0xFFFFFF60  }
0x13d: {  	_ =	swait.ge @!p1 [sflag:s3], $0x5000  }
0x13e: {  	[sflag:s3] =	ssyncset.done @!p1 $0x0  }
0x13f: {  	s22 =	simm.s32 $0xA110;
	[sflag:s3] =	ssyncadd.s32 @!p1 $0xFFFFB000  }
0x140: {  	v11 =	vld [tilespmem:s22+$0x0]  }
0x141: {  	v8 =	vld [tilespmem:s22+$0xFFFFFFF0];
	_ =	sdelay $0x3  }
0x142: {  	v9 =	vbroadcast v11, $0xF  }
0x143: {  	s22 =	simm.s32 $0x14D00;
	v10 =	vbroadcast v8, $0x0  }
0x144: {  	v12 =	vbroadcast v8, $0x1;
	[tilespmem:s22+$0xF0] =	vst v9  }
0x145: {  	v13 =	vbroadcast v11, $0x5;
	[tilespmem:s22+$0xFFFFFF00] =	vst v10  }
0x146: {  	v14 =	vbroadcast v11, $0x6;
	[tilespmem:s22+$0xFFFFFF10] =	vst v12  }
0x147: {  	v15 =	vbroadcast v11, $0x7;
	[tilespmem:s22+$0x50] =	vst v13  }
0x148: {  	v9 =	vbroadcast v8, $0x2;
	[tilespmem:s22+$0x60] =	vst v14  }
0x149: {  	v10 =	vbroadcast v8, $0x3;
	[tilespmem:s22+$0x70] =	vst v15  }
0x14a: {  	v12 =	vbroadcast v8, $0x4;
	[tilespmem:s22+$0xFFFFFF20] =	vst v9  }
0x14b: {  	v9 =	vbroadcast v8, $0x5;
	[tilespmem:s22+$0xFFFFFF30] =	vst v10  }
0x14c: {  	v10 =	vbroadcast v8, $0x6;
	[tilespmem:s22+$0xFFFFFF40] =	vst v12  }
0x14d: {  	v12 =	vbroadcast v8, $0x7;
	[tilespmem:s22+$0xFFFFFF50] =	vst v9  }
0x14e: {  	v9 =	vbroadcast v8, $0x8;
	[tilespmem:s22+$0xFFFFFF60] =	vst v10  }
0x14f: {  	v10 =	vbroadcast v8, $0x9;
	[tilespmem:s22+$0xFFFFFF70] =	vst v12  }
0x150: {  	v12 =	vbroadcast v8, $0xA;
	[tilespmem:s22+$0xFFFFFF80] =	vst v9  }
0x151: {  	v9 =	vbroadcast v8, $0xB;
	[tilespmem:s22+$0xFFFFFF90] =	vst v10  }
0x152: {  	v10 =	vbroadcast v8, $0xC;
	[tilespmem:s22+$0xFFFFFFA0] =	vst v12  }
0x153: {  	v12 =	vbroadcast v8, $0xD;
	[tilespmem:s22+$0xFFFFFFB0] =	vst v9  }
0x154: {  	v9 =	vbroadcast v8, $0xE;
	[tilespmem:s22+$0xFFFFFFC0] =	vst v10  }
0x155: {  	v8 =	vbroadcast v8, $0xF;
	[tilespmem:s22+$0xFFFFFFD0] =	vst v12  }
0x156: {  	v10 =	vbroadcast v11, $0x0;
	[tilespmem:s22+$0xFFFFFFE0] =	vst v9  }
0x157: {  	v12 =	vbroadcast v11, $0x4;
	[tilespmem:s22+$0xFFFFFFF0] =	vst v8  }
0x158: {  	v13 =	vbroadcast v11, $0xB;
	v9 =	vbroadcast v11, $0x1;
	[tilespmem:s22+$0x0] =	vst v10  }
0x159: {  	v14 =	vbroadcast v11, $0xD;
	v10 =	vbroadcast v11, $0x3;
	[tilespmem:s22+$0x40] =	vst v12  }
0x15a: {  	v8 =	vbroadcast v11, $0x2;
	v12 =	vbroadcast v11, $0xC;
	[tilespmem:s22+$0x10] =	vst v9  }
0x15b: {  	s15 =	simm.s32 $0x14C50;
	s21 =	simm.s32 $0x5280;
	s18 =	simm.s32 $0xF480;
	[tilespmem:s22+$0x30] =	vst v10;
	v9 =	vbroadcast v11, $0x8;
	v10 =	vbroadcast v11, $0x9  }
0x15c: {  	s9 =	simm.s32 $0xA130;
	s8 =	simm.s32 $0x0;
	s3 =	sor.u32 s6, s0;
	[tilespmem:s22+$0x20] =	vst v8;
	v8 =	vbroadcast v11, $0xA;
	v11 =	vbroadcast v11, $0xE  }
.LBB2_7:
0x15d: {  	v15 =	vld [tilespmem:s9+$0x0];
	s8 =	sadd.s32 $0x2, s8;
	[tilespmem:s22+$0x80] =	vst v9  }
0x15e: {  	v9 =	vld [tilespmem:s9+$0xFFFFFFF0];
	p1 =	slt.u32 s8, $0x8;
	[tilespmem:s22+$0x90] =	vst v10  }
0x15f: {  	[tilespmem:s22+$0xA0] =	vst v8  }
0x160: {  	[tilespmem:s22+$0xB0] =	vst v13  }
0x161: {  	[tilespmem:s22+$0xC0] =	vst v12  }
0x162: {  	v16 =	vbroadcast v15, $0x0;
	v8 =	vbroadcast v15, $0xF;
	[tilespmem:s22+$0xD0] =	vst v14  }
0x163: {  	v10 =	vbroadcast v9, $0x0;
	v12 =	vbroadcast v9, $0x1;
	[tilespmem:s22+$0xE0] =	vst v11;
	s22 =	sadd.s32 $0x200, s22  }
0x164: {  	v11 =	vbroadcast v9, $0x2;
	v13 =	vbroadcast v9, $0x3;
	[tilespmem:s22+$0xF0] =	vst v8  }
0x165: {  	v8 =	vbroadcast v9, $0x4;
	[tilespmem:s22+$0xFFFFFF00] =	vst v10;
	v10 =	vbroadcast v9, $0x5  }
0x166: {  	v14 =	vbroadcast v9, $0x7;
	[tilespmem:s22+$0xFFFFFF10] =	vst v12;
	v12 =	vbroadcast v9, $0x6  }
0x167: {  	v17 =	vbroadcast v9, $0x9;
	[tilespmem:s22+$0xFFFFFF20] =	vst v11;
	v11 =	vbroadcast v9, $0x8  }
0x168: {  	v18 =	vbroadcast v9, $0xB;
	[tilespmem:s22+$0xFFFFFF30] =	vst v13;
	v13 =	vbroadcast v9, $0xA  }
0x169: {  	v19 =	vbroadcast v9, $0xC;
	v20 =	vbroadcast v9, $0xD;
	[tilespmem:s22+$0xFFFFFF40] =	vst v8  }
0x16a: {  	v21 =	vbroadcast v9, $0xE;
	v22 =	vbroadcast v9, $0xF;
	[tilespmem:s22+$0xFFFFFF50] =	vst v10  }
0x16b: {  	v23 =	vbroadcast v15, $0x1;
	v24 =	vbroadcast v15, $0x2;
	[tilespmem:s22+$0xFFFFFF60] =	vst v12  }
0x16c: {  	v25 =	vbroadcast v15, $0x3;
	v26 =	vbroadcast v15, $0x4;
	[tilespmem:s22+$0xFFFFFF70] =	vst v14  }
0x16d: {  	v27 =	vbroadcast v15, $0x5;
	v28 =	vbroadcast v15, $0x6;
	[tilespmem:s22+$0xFFFFFF80] =	vst v11  }
0x16e: {  	v9 =	vbroadcast v15, $0x8;
	[tilespmem:s22+$0xFFFFFF90] =	vst v17;
	v17 =	vbroadcast v15, $0x7  }
0x16f: {  	v8 =	vbroadcast v15, $0xA;
	v10 =	vbroadcast v15, $0x9;
	[tilespmem:s22+$0xFFFFFFA0] =	vst v13  }
0x170: {  	v12 =	vbroadcast v15, $0xC;
	v13 =	vbroadcast v15, $0xB;
	[tilespmem:s22+$0xFFFFFFB0] =	vst v18  }
0x171: {  	v14 =	vbroadcast v15, $0xD;
	v11 =	vbroadcast v15, $0xE;
	[tilespmem:s22+$0xFFFFFFC0] =	vst v19  }
0x172: {  	[tilespmem:s22+$0xFFFFFFD0] =	vst v20  }
0x173: {  	[tilespmem:s22+$0xFFFFFFE0] =	vst v21  }
0x174: {  	[tilespmem:s22+$0xFFFFFFF0] =	vst v22  }
0x175: {  	[tilespmem:s22+$0x0] =	vst v16  }
0x176: {  	[tilespmem:s22+$0x10] =	vst v23  }
0x177: {  	[tilespmem:s22+$0x20] =	vst v24  }
.Ltmp4:
0x178: {  	[tilespmem:s22+$0x30] =	vst v25;
	(pc) =	sbr.rel @p1 .LBB2_7-.Ltmp4, $4  }
0x179: {  	[tilespmem:s22+$0x40] =	vst v26  }
0x17a: {  	[tilespmem:s22+$0x50] =	vst v27  }
0x17b: {  	[tilespmem:s22+$0x60] =	vst v28  }
0x17c: {  	s9 =	sadd.s32 $0x20, s9;
	[tilespmem:s22+$0x70] =	vst v17  }
0x17d: {  	[tilespmem:s22+$0x80] =	vst v9  }
0x17e: {  	[tilespmem:s22+$0x90] =	vst v10  }
0x17f: {  	[tilespmem:s22+$0xA0] =	vst v8  }
0x180: {  	[tilespmem:s22+$0xB0] =	vst v13  }
0x181: {  	[tilespmem:s22+$0xC0] =	vst v12  }
0x182: {  	[tilespmem:s22+$0xD0] =	vst v14  }
0x183: {  	[tilespmem:s22+$0xE0] =	vst v11  }
0x184: {  	v8 =	vld [tilespmem:s15+$0x40]  }
0x185: {  	v9 =	vld [tilespmem:s21+$0x200]  }
0x186: {  	v10 =	vld [tilespmem:s21+$0xFFFFFD80]  }
0x187: {  	v11 =	vld [tilespmem:s15+$0xFFFFFFC0]  }
0x188: {  	v12 =	vld [tilespmem:s21+$0xFFFFFE00]  }
0x189: {  	v13 =	vld [tilespmem:s15+$0xFFFFFFD0]  }
0x18a: {  	v14 =	vld [tilespmem:s21+$0xFFFFFE80];
	vm0 =	vlt.f32 v8, $0.0e+00;
	vm1 =	vgt.f32 v8, $0.0e+00;
	v8 =	vmul.f32 v9, v1  }
0x18b: {  	v15 =	vld [tilespmem:s15+$0xFFFFFFE0];
	vm9 =	vmor vm1, vm0  }
0x18c: {  	v19 =	vld [tilespmem:s15+$0x0];
	v8 =	vsel vm9, v8, v9  }
0x18d: {  	v16 =	vld [tilespmem:s21+$0xFFFFFF00];
	[tilespmem:s18+$0x200] =	vst v8  }
0x18e: {  	v8 =	vld [tilespmem:s21+$0x210]  }
0x18f: {  	v18 =	vld [tilespmem:s21+$0xFFFFFF80];
	v17 =	vmul.f32 v10, v1  }
0x190: {  	vm0 =	vlt.f32 v11, $0.0e+00;
	vm1 =	vgt.f32 v11, $0.0e+00;
	v11 =	vmul.f32 v12, v1;
	v9 =	vld [tilespmem:s15+$0xFFFFFFF0]  }
0x191: {  	v20 =	vld [tilespmem:s15+$0x10];
	vm3 =	vgt.f32 v19, $0.0e+00;
	vm8 =	vmor vm1, vm0;
	vm0 =	vlt.f32 v13, $0.0e+00  }
0x192: {  	vm1 =	vgt.f32 v13, $0.0e+00;
	v13 =	vld [tilespmem:s21+$0x0];
	v11 =	vsel vm8, v11, v12;
	v12 =	vmul.f32 v14, v1  }
0x193: {  	v22 =	vld [tilespmem:s15+$0x20];
	vm7 =	vmor vm1, vm0;
	vm0 =	vlt.f32 v15, $0.0e+00;
	v21 =	vmul.f32 v8, v2  }
0x194: {  	vm1 =	vgt.f32 v15, $0.0e+00;
	v15 =	vld [tilespmem:s21+$0x80];
	v12 =	vsel vm7, v12, v14;
	v14 =	vmul.f32 v16, v1  }
0x195: {  	v63 =	vld [tilespmem:s15+$0x30];
	vm1 =	vmor vm1, vm0;
	vm0 =	vlt.f32 v9, $0.0e+00;
	v8 =	vsel vm9, v21, v8  }
0x196: {  	vm2 =	vgt.f32 v9, $0.0e+00;
	v9 =	vld [tilespmem:s21+$0x100];
	v14 =	vsel vm1, v14, v16;
	v16 =	vmul.f32 v18, v1;
	[tilespmem:s18+$0x210] =	vst v8  }
0x197: {  	vm0 =	vmor vm2, vm0;
	vm2 =	vlt.f32 v19, $0.0e+00;
	v8 =	vmul.f32 v13, v1;
	v19 =	vld [tilespmem:s21+$0x220]  }
0x198: {  	vm4 =	vgt.f32 v20, $0.0e+00;
	[tilespmem:s18+$0xFFFFFE00] =	vst v11;
	v11 =	vsel vm0, v16, v18;
	vm2 =	vmor vm3, vm2;
	v16 =	vld [tilespmem:s21+$0x180]  }
0x199: {  	[tilespmem:s18+$0xFFFFFE80] =	vst v12;
	v12 =	vmul.f32 v15, v1;
	vm3 =	vlt.f32 v20, $0.0e+00;
	v8 =	vsel vm2, v8, v13;
	v13 =	vld [tilespmem:s15+$0xFFFFFFB0]  }
0x19a: {  	vm5 =	vgt.f32 v22, $0.0e+00;
	vm6 =	vgt.f32 v63, $0.0e+00;
	[tilespmem:s18+$0xFFFFFF00] =	vst v14;
	v14 =	vld [tilespmem:s21+$0xFFFFFE10];
	vm3 =	vmor vm4, vm3  }
0x19b: {  	vm4 =	vlt.f32 v22, $0.0e+00;
	[tilespmem:s18+$0xFFFFFF80] =	vst v11;
	v11 =	vsel vm3, v12, v15;
	v15 =	vld [tilespmem:s21+$0xFFFFFE90];
	v12 =	vmul.f32 v9, v1  }
0x19c: {  	vm4 =	vmor vm5, vm4;
	vm5 =	vlt.f32 v63, $0.0e+00;
	[tilespmem:s18+$0x0] =	vst v8;
	v8 =	vld [tilespmem:s21+$0xFFFFFF10];
	v18 =	vmul.f32 v19, v3  }
0x19d: {  	[tilespmem:s18+$0x80] =	vst v11;
	vm5 =	vmor vm6, vm5;
	v11 =	vld [tilespmem:s21+$0xFFFFFF90];
	v9 =	vsel vm4, v12, v9;
	v12 =	vmul.f32 v16, v1  }
0x19e: {  	[tilespmem:s18+$0x100] =	vst v9;
	v9 =	vld [tilespmem:s21+$0x10];
	vm6 =	vlt.f32 v13, $0.0e+00;
	vm10 =	vgt.f32 v13, $0.0e+00;
	v13 =	vsel vm9, v18, v19  }
0x19f: {  	v12 =	vsel vm5, v12, v16;
	vm6 =	vmor vm10, vm6;
	v18 =	vmul.f32 v14, v2;
	v19 =	vld [tilespmem:s21+$0x90];
	[tilespmem:s18+$0x220] =	vst v13  }
0x1a0: {  	[tilespmem:s18+$0x180] =	vst v12;
	v10 =	vsel vm6, v17, v10;
	v13 =	vmul.f32 v15, v2;
	v12 =	vld [tilespmem:s21+$0x230]  }
0x1a1: {  	v16 =	vld [tilespmem:s21+$0x110];
	[tilespmem:s18+$0xFFFFFD80] =	vst v10;
	v10 =	vsel vm8, v18, v14;
	v14 =	vmul.f32 v8, v2  }
0x1a2: {  	v17 =	vld [tilespmem:s21+$0xFFFFFD90];
	[tilespmem:s18+$0xFFFFFE10] =	vst v10;
	v10 =	vsel vm7, v13, v15;
	v13 =	vmul.f32 v11, v2  }
0x1a3: {  	[tilespmem:s18+$0xFFFFFE90] =	vst v10;
	v8 =	vsel vm1, v14, v8;
	v10 =	vmul.f32 v9, v2;
	v14 =	vld [tilespmem:s21+$0x190]  }
0x1a4: {  	v15 =	vld [tilespmem:s21+$0xFFFFFE20];
	[tilespmem:s18+$0xFFFFFF10] =	vst v8;
	v8 =	vsel vm0, v13, v11;
	v11 =	vmul.f32 v19, v2  }
0x1a5: {  	v13 =	vld [tilespmem:s21+$0xFFFFFEA0];
	[tilespmem:s18+$0xFFFFFF90] =	vst v8;
	v8 =	vsel vm2, v10, v9;
	v9 =	vmul.f32 v12, v4  }
0x1a6: {  	v10 =	vld [tilespmem:s21+$0xFFFFFF20];
	[tilespmem:s18+$0x10] =	vst v8;
	v8 =	vsel vm3, v11, v19;
	v11 =	vmul.f32 v16, v2  }
0x1a7: {  	v19 =	vld [tilespmem:s21+$0xFFFFFFA0];
	v18 =	vmul.f32 v17, v2;
	[tilespmem:s18+$0x90] =	vst v8;
	v8 =	vsel vm9, v9, v12  }
0x1a8: {  	v9 =	vld [tilespmem:s21+$0x20];
	v11 =	vsel vm4, v11, v16;
	v12 =	vmul.f32 v14, v2;
	[tilespmem:s18+$0x230] =	vst v8  }
0x1a9: {  	v16 =	vmul.f32 v15, v3;
	v8 =	vsel vm6, v18, v17;
	[tilespmem:s18+$0x110] =	vst v11;
	v11 =	vld [tilespmem:s21+$0x240]  }
0x1aa: {  	v17 =	vld [tilespmem:s21+$0xA0];
	[tilespmem:s18+$0xFFFFFD90] =	vst v8;
	v8 =	vmul.f32 v13, v3;
	v12 =	vsel vm5, v12, v14  }
0x1ab: {  	v15 =	vsel vm8, v16, v15;
	v16 =	vmul.f32 v10, v3;
	v14 =	vld [tilespmem:s21+$0xFFFFFDA0];
	[tilespmem:s18+$0x190] =	vst v12  }
0x1ac: {  	[tilespmem:s18+$0xFFFFFE20] =	vst v15;
	v12 =	vmul.f32 v19, v3;
	v8 =	vsel vm7, v8, v13;
	v13 =	vld [tilespmem:s21+$0x120]  }
0x1ad: {  	v15 =	vld [tilespmem:s21+$0x1A0];
	[tilespmem:s18+$0xFFFFFEA0] =	vst v8;
	v8 =	vsel vm1, v16, v10;
	v10 =	vmul.f32 v9, v3  }
0x1ae: {  	v16 =	vld [tilespmem:s21+$0xFFFFFE30];
	[tilespmem:s18+$0xFFFFFF20] =	vst v8;
	v8 =	vsel vm0, v12, v19;
	v12 =	vmul.f32 v11, v5  }
0x1af: {  	v18 =	vld [tilespmem:s21+$0xFFFFFEB0];
	[tilespmem:s18+$0xFFFFFFA0] =	vst v8;
	v8 =	vsel vm2, v10, v9;
	v9 =	vmul.f32 v17, v3  }
0x1b0: {  	v19 =	vld [tilespmem:s21+$0xFFFFFF30];
	v10 =	vmul.f32 v14, v3;
	[tilespmem:s18+$0x20] =	vst v8;
	v8 =	vsel vm9, v12, v11  }
0x1b1: {  	v11 =	vld [tilespmem:s21+$0xFFFFFFB0];
	v9 =	vsel vm3, v9, v17;
	v12 =	vmul.f32 v13, v3;
	[tilespmem:s18+$0x240] =	vst v8  }
0x1b2: {  	v8 =	vsel vm6, v10, v14;
	[tilespmem:s18+$0xA0] =	vst v9;
	v9 =	vmul.f32 v15, v3;
	v10 =	vld [tilespmem:s21+$0x250]  }
0x1b3: {  	v14 =	vld [tilespmem:s21+$0x30];
	[tilespmem:s18+$0xFFFFFDA0] =	vst v8;
	v8 =	vmul.f32 v16, v4;
	v12 =	vsel vm4, v12, v13  }
0x1b4: {  	v17 =	vmul.f32 v18, v4;
	v13 =	vld [tilespmem:s21+$0xFFFFFDB0];
	[tilespmem:s18+$0x120] =	vst v12;
	v9 =	vsel vm5, v9, v15  }
0x1b5: {  	v12 =	vmul.f32 v19, v4;
	v15 =	vld [tilespmem:s21+$0xB0];
	v8 =	vsel vm8, v8, v16;
	[tilespmem:s18+$0x1A0] =	vst v9  }
0x1b6: {  	v16 =	vld [tilespmem:s21+$0x130];
	[tilespmem:s18+$0xFFFFFE30] =	vst v8;
	v8 =	vsel vm7, v17, v18;
	v9 =	vmul.f32 v11, v4  }
0x1b7: {  	[tilespmem:s18+$0xFFFFFEB0] =	vst v8;
	v8 =	vsel vm1, v12, v19;
	v12 =	vld [tilespmem:s21+$0x1B0];
	v17 =	vmul.f32 v10, v6  }
0x1b8: {  	v18 =	vld [tilespmem:s21+$0xFFFFFE40];
	[tilespmem:s18+$0xFFFFFF30] =	vst v8;
	v8 =	vsel vm0, v9, v11;
	v9 =	vmul.f32 v14, v4  }
0x1b9: {  	v19 =	vld [tilespmem:s21+$0xFFFFFEC0];
	v11 =	vmul.f32 v13, v4;
	[tilespmem:s18+$0xFFFFFFB0] =	vst v8;
	v8 =	vsel vm9, v17, v10  }
0x1ba: {  	v10 =	vld [tilespmem:s21+$0xFFFFFF40];
	v9 =	vsel vm2, v9, v14;
	v14 =	vmul.f32 v15, v4;
	[tilespmem:s18+$0x250] =	vst v8  }
0x1bb: {  	v8 =	vsel vm6, v11, v13;
	[tilespmem:s18+$0x30] =	vst v9;
	v9 =	vmul.f32 v16, v4;
	v11 =	vld [tilespmem:s21+$0x260]  }
0x1bc: {  	[tilespmem:s18+$0xFFFFFDB0] =	vst v8;
	v8 =	vld [tilespmem:s21+$0xFFFFFFC0];
	v13 =	vsel vm3, v14, v15;
	v14 =	vmul.f32 v12, v4  }
0x1bd: {  	v17 =	vmul.f32 v18, v5;
	v15 =	vld [tilespmem:s21+$0xFFFFFDC0];
	[tilespmem:s18+$0xB0] =	vst v13;
	v9 =	vsel vm4, v9, v16  }
0x1be: {  	v13 =	vmul.f32 v19, v5;
	v16 =	vld [tilespmem:s21+$0x40];
	[tilespmem:s18+$0x130] =	vst v9;
	v9 =	vsel vm5, v14, v12  }
0x1bf: {  	v12 =	vsel vm8, v17, v18;
	v17 =	vld [tilespmem:s21+$0xC0];
	v14 =	vmul.f32 v10, v5;
	[tilespmem:s18+$0x1B0] =	vst v9  }
0x1c0: {  	[tilespmem:s18+$0xFFFFFE40] =	vst v12;
	v9 =	vsel vm7, v13, v19;
	v12 =	vld [tilespmem:s21+$0x140];
	v13 =	vmul.f32 v11, v7  }
0x1c1: {  	[tilespmem:s18+$0xFFFFFEC0] =	vst v9;
	v9 =	vsel vm1, v14, v10;
	v10 =	vmul.f32 v8, v5;
	v14 =	vld [tilespmem:s21+$0x1C0]  }
0x1c2: {  	v19 =	vld [tilespmem:s21+$0xFFFFFE50];
	v18 =	vmul.f32 v15, v5;
	[tilespmem:s18+$0xFFFFFF40] =	vst v9;
	v9 =	vsel vm9, v13, v11  }
0x1c3: {  	v11 =	vld [tilespmem:s21+$0xFFFFFED0];
	v8 =	vsel vm0, v10, v8;
	v10 =	vmul.f32 v16, v5;
	[tilespmem:s18+$0x260] =	vst v9  }
0x1c4: {  	v9 =	vsel vm6, v18, v15;
	[tilespmem:s18+$0xFFFFFFC0] =	vst v8;
	v8 =	vmul.f32 v17, v5;
	v13 =	vld [tilespmem:s21+$0x270]  }
0x1c5: {  	v15 =	vmul.f32 v12, v5;
	[tilespmem:s18+$0xFFFFFDC0] =	vst v9;
	v9 =	vld [tilespmem:s21+$0xFFFFFF50];
	v10 =	vsel vm2, v10, v16  }
0x1c6: {  	v16 =	vld [tilespmem:s21+$0xFFFFFDD0];
	[tilespmem:s18+$0x40] =	vst v10;
	v8 =	vsel vm3, v8, v17;
	v10 =	vmul.f32 v14, v5  }
0x1c7: {  	v18 =	vld [tilespmem:s21+$0xFFFFFFD0];
	v17 =	vmul.f32 v19, v6;
	[tilespmem:s18+$0xC0] =	vst v8;
	v8 =	vsel vm4, v15, v12  }
0x1c8: {  	v15 =	vld [tilespmem:s21+$0x50];
	v12 =	vmul.f32 v11, v6;
	[tilespmem:s18+$0x140] =	vst v8;
	v8 =	vsel vm5, v10, v14  }
0x1c9: {  	v10 =	vsel vm8, v17, v19;
	v14 =	vld [tilespmem:s21+$0xD0];
	[tilespmem:s18+$0x1C0] =	vst v8;
	v8 =	vmul.f32 v13, v0  }
0x1ca: {  	[tilespmem:s18+$0xFFFFFE50] =	vst v10;
	v10 =	vsel vm7, v12, v11;
	v11 =	vmul.f32 v9, v6;
	v12 =	vld [tilespmem:s21+$0x150]  }
0x1cb: {  	v17 =	vmul.f32 v16, v6;
	[tilespmem:s18+$0xFFFFFED0] =	vst v10;
	v10 =	vld [tilespmem:s21+$0x1D0];
	v8 =	vsel vm9, v8, v13  }
0x1cc: {  	v13 =	vld [tilespmem:s21+$0xFFFFFE60];
	v9 =	vsel vm1, v11, v9;
	v11 =	vmul.f32 v18, v6;
	[tilespmem:s18+$0x270] =	vst v8  }
0x1cd: {  	v8 =	vsel vm6, v17, v16;
	v16 =	vld [tilespmem:s21+$0xFFFFFEE0];
	[tilespmem:s18+$0xFFFFFF50] =	vst v9;
	v9 =	vmul.f32 v15, v6  }
0x1ce: {  	v17 =	vmul.f32 v14, v6;
	[tilespmem:s18+$0xFFFFFDD0] =	vst v8;
	v8 =	vld [tilespmem:s21+$0xFFFFFF60];
	v11 =	vsel vm0, v11, v18  }
0x1cf: {  	v18 =	vld [tilespmem:s21+$0xFFFFFDE0];
	[tilespmem:s18+$0xFFFFFFD0] =	vst v11;
	v9 =	vsel vm2, v9, v15;
	v11 =	vmul.f32 v12, v6  }
0x1d0: {  	v15 =	vld [tilespmem:s21+$0xFFFFFFE0];
	[tilespmem:s18+$0x50] =	vst v9;
	v9 =	vsel vm3, v17, v14;
	v14 =	vmul.f32 v10, v6  }
0x1d1: {  	v17 =	vmul.f32 v13, v7;
	v19 =	vld [tilespmem:s21+$0x60];
	[tilespmem:s18+$0xD0] =	vst v9;
	v9 =	vsel vm4, v11, v12  }
0x1d2: {  	v11 =	vmul.f32 v16, v7;
	v12 =	vld [tilespmem:s21+$0xE0];
	[tilespmem:s18+$0x150] =	vst v9;
	v9 =	vsel vm5, v14, v10  }
0x1d3: {  	v10 =	vsel vm8, v17, v13;
	v13 =	vmul.f32 v8, v7;
	v14 =	vld [tilespmem:s21+$0x160];
	[tilespmem:s18+$0x1D0] =	vst v9  }
0x1d4: {  	v9 =	vmul.f32 v18, v7;
	[tilespmem:s18+$0xFFFFFE60] =	vst v10;
	v10 =	vsel vm7, v11, v16;
	v16 =	vld [tilespmem:s21+$0x1E0]  }
0x1d5: {  	v17 =	vld [tilespmem:s21+$0xFFFFFE70];
	[tilespmem:s18+$0xFFFFFEE0] =	vst v10;
	v8 =	vsel vm1, v13, v8;
	v11 =	vmul.f32 v15, v7  }
0x1d6: {  	v9 =	vsel vm6, v9, v18;
	v13 =	vld [tilespmem:s21+$0xFFFFFEF0];
	[tilespmem:s18+$0xFFFFFF60] =	vst v8;
	v18 =	vmul.f32 v19, v7  }
0x1d7: {  	[tilespmem:s18+$0xFFFFFDE0] =	vst v9;
	v10 =	vld [tilespmem:s21+$0xFFFFFF70];
	v9 =	vsel vm0, v11, v15;
	v11 =	vmul.f32 v12, v7  }
0x1d8: {  	v8 =	vld [tilespmem:s21+$0xFFFFFDF0];
	[tilespmem:s18+$0xFFFFFFE0] =	vst v9;
	v15 =	vsel vm2, v18, v19;
	v18 =	vmul.f32 v14, v7  }
0x1d9: {  	v9 =	vld [tilespmem:s21+$0xFFFFFFF0];
	[tilespmem:s18+$0x60] =	vst v15;
	v12 =	vsel vm3, v11, v12;
	v15 =	vmul.f32 v16, v7  }
0x1da: {  	v19 =	vmul.f32 v17, v0;
	v11 =	vld [tilespmem:s21+$0x70];
	[tilespmem:s18+$0xE0] =	vst v12;
	v14 =	vsel vm4, v18, v14  }
0x1db: {  	v18 =	vmul.f32 v13, v0;
	v12 =	vld [tilespmem:s21+$0xF0];
	[tilespmem:s18+$0x160] =	vst v14;
	v15 =	vsel vm5, v15, v16  }
0x1dc: {  	v17 =	vsel vm8, v19, v17;
	v14 =	vld [tilespmem:s21+$0x170];
	[tilespmem:s18+$0x1E0] =	vst v15;
	v16 =	vmul.f32 v10, v0  }
0x1dd: {  	s22 =	simm.s32 $0x0;
	s15 =	simm.s32 $0x14CF0;
	v15 =	vmul.f32 v8, v0;
	[tilespmem:s18+$0xFFFFFE70] =	vst v17;
	v17 =	vsel vm7, v18, v13;
	v13 =	vld [tilespmem:s21+$0x1F0]  }
.LBB2_9:
0x1de: {  	v18 =	vld [tilespmem:s15+$0x40];
	[tilespmem:s18+$0xFFFFFEF0] =	vst v17;
	v10 =	vsel vm1, v16, v10;
	v16 =	vmul.f32 v9, v0;
	s21 =	sadd.s32 $0x500, s21  }
0x1df: {  	s22 =	sadd.s32 $0xA, s22;
	v17 =	vld [tilespmem:s21+$0x200];
	v15 =	vsel vm6, v15, v8;
	[tilespmem:s18+$0xFFFFFF70] =	vst v10;
	v10 =	vmul.f32 v11, v0  }
0x1e0: {  	p1 =	slt.u32 s22, $0x96;
	v8 =	vld [tilespmem:s21+$0xFFFFFD80];
	[tilespmem:s18+$0xFFFFFDF0] =	vst v15;
	v9 =	vsel vm0, v16, v9;
	v15 =	vmul.f32 v12, v0  }
0x1e1: {  	v16 =	vld [tilespmem:s15+$0xFFFFFFC0];
	[tilespmem:s18+$0xFFFFFFF0] =	vst v9;
	v9 =	vsel vm2, v10, v11;
	v10 =	vmul.f32 v14, v0  }
0x1e2: {  	v11 =	vld [tilespmem:s21+$0xFFFFFE00];
	[tilespmem:s18+$0x70] =	vst v9;
	v9 =	vsel vm3, v15, v12;
	v12 =	vmul.f32 v13, v0  }
0x1e3: {  	v15 =	vld [tilespmem:s15+$0xFFFFFFD0];
	[tilespmem:s18+$0xF0] =	vst v9;
	v9 =	vsel vm4, v10, v14  }
0x1e4: {  	vm0 =	vlt.f32 v18, $0.0e+00;
	vm1 =	vgt.f32 v18, $0.0e+00;
	v10 =	vld [tilespmem:s21+$0xFFFFFE80];
	v14 =	vmul.f32 v17, v1;
	[tilespmem:s18+$0x170] =	vst v9  }
0x1e5: {  	vm9 =	vmor vm1, vm0;
	v12 =	vsel vm5, v12, v13;
	v9 =	vmul.f32 v8, v1;
	v18 =	vld [tilespmem:s15+$0xFFFFFFE0]  }
0x1e6: {  	vm0 =	vlt.f32 v16, $0.0e+00;
	vm1 =	vgt.f32 v16, $0.0e+00;
	v13 =	vld [tilespmem:s21+$0xFFFFFF00];
	v14 =	vsel vm9, v14, v17;
	[tilespmem:s18+$0x1F0] =	vst v12;
	s18 =	sadd.s32 $0x500, s18  }
0x1e7: {  	vm7 =	vmor vm1, vm0;
	v12 =	vmul.f32 v11, v1;
	v16 =	vld [tilespmem:s15+$0xFFFFFFF0];
	[tilespmem:s18+$0x200] =	vst v14  }
0x1e8: {  	vm0 =	vlt.f32 v15, $0.0e+00;
	vm1 =	vgt.f32 v15, $0.0e+00;
	v14 =	vld [tilespmem:s21+$0x210]  }
0x1e9: {  	v11 =	vsel vm7, v12, v11;
	vm8 =	vmor vm1, vm0;
	v12 =	vmul.f32 v10, v1;
	v15 =	vld [tilespmem:s21+$0xFFFFFF80]  }
0x1ea: {  	[tilespmem:s18+$0xFFFFFE00] =	vst v11;
	vm0 =	vlt.f32 v18, $0.0e+00;
	vm1 =	vgt.f32 v18, $0.0e+00;
	v11 =	vld [tilespmem:s15+$0x0]  }
0x1eb: {  	v10 =	vsel vm8, v12, v10;
	vm1 =	vmor vm1, vm0;
	v12 =	vmul.f32 v13, v1;
	v17 =	vld [tilespmem:s21+$0x0]  }
0x1ec: {  	[tilespmem:s18+$0xFFFFFE80] =	vst v10;
	vm0 =	vlt.f32 v16, $0.0e+00;
	vm2 =	vgt.f32 v16, $0.0e+00;
	v10 =	vld [tilespmem:s15+$0x10]  }
0x1ed: {  	v12 =	vsel vm1, v12, v13;
	vm0 =	vmor vm2, vm0;
	v13 =	vld [tilespmem:s21+$0x80];
	v16 =	vmul.f32 v14, v2  }
0x1ee: {  	[tilespmem:s18+$0xFFFFFF00] =	vst v12;
	v12 =	vmul.f32 v15, v1;
	v18 =	vld [tilespmem:s15+$0x20]  }
0x1ef: {  	vm2 =	vlt.f32 v11, $0.0e+00;
	vm3 =	vgt.f32 v11, $0.0e+00;
	v11 =	vld [tilespmem:s21+$0x100];
	v14 =	vsel vm9, v16, v14  }
0x1f0: {  	v12 =	vsel vm0, v12, v15;
	vm2 =	vmor vm3, vm2;
	v15 =	vmul.f32 v17, v1;
	v16 =	vld [tilespmem:s15+$0x30];
	[tilespmem:s18+$0x210] =	vst v14  }
0x1f1: {  	[tilespmem:s18+$0xFFFFFF80] =	vst v12;
	vm3 =	vlt.f32 v10, $0.0e+00;
	vm4 =	vgt.f32 v10, $0.0e+00;
	v10 =	vld [tilespmem:s21+$0x220]  }
0x1f2: {  	v12 =	vsel vm2, v15, v17;
	vm3 =	vmor vm4, vm3;
	v14 =	vmul.f32 v13, v1;
	v15 =	vld [tilespmem:s21+$0x180]  }
0x1f3: {  	v17 =	vld [tilespmem:s15+$0xFFFFFFB0];
	[tilespmem:s18+$0x0] =	vst v12;
	vm4 =	vlt.f32 v18, $0.0e+00;
	vm5 =	vgt.f32 v18, $0.0e+00  }
0x1f4: {  	v12 =	vld [tilespmem:s21+$0xFFFFFE10];
	v13 =	vsel vm3, v14, v13;
	vm4 =	vmor vm5, vm4;
	v14 =	vmul.f32 v11, v1  }
0x1f5: {  	v18 =	vld [tilespmem:s21+$0xFFFFFE90];
	[tilespmem:s18+$0x80] =	vst v13;
	vm5 =	vlt.f32 v16, $0.0e+00;
	vm6 =	vgt.f32 v16, $0.0e+00  }
0x1f6: {  	v13 =	vld [tilespmem:s21+$0xFFFFFF10];
	v11 =	vsel vm4, v14, v11;
	vm5 =	vmor vm6, vm5;
	v14 =	vmul.f32 v10, v3  }
0x1f7: {  	v16 =	vld [tilespmem:s21+$0xFFFFFF90];
	[tilespmem:s18+$0x100] =	vst v11;
	v11 =	vmul.f32 v15, v1  }
0x1f8: {  	vm6 =	vlt.f32 v17, $0.0e+00;
	vm10 =	vgt.f32 v17, $0.0e+00;
	v17 =	vld [tilespmem:s21+$0x10];
	v10 =	vsel vm9, v14, v10  }
0x1f9: {  	vm6 =	vmor vm10, vm6;
	v14 =	vmul.f32 v12, v2;
	v19 =	vld [tilespmem:s21+$0x90];
	v11 =	vsel vm5, v11, v15;
	[tilespmem:s18+$0x220] =	vst v10  }
0x1fa: {  	v8 =	vsel vm6, v9, v8;
	v9 =	vmul.f32 v18, v2;
	[tilespmem:s18+$0x180] =	vst v11;
	v10 =	vld [tilespmem:s21+$0x230]  }
0x1fb: {  	[tilespmem:s18+$0xFFFFFD80] =	vst v8;
	v8 =	vsel vm7, v14, v12;
	v11 =	vmul.f32 v13, v2;
	v12 =	vld [tilespmem:s21+$0x110]  }
0x1fc: {  	v14 =	vld [tilespmem:s21+$0xFFFFFD90];
	[tilespmem:s18+$0xFFFFFE10] =	vst v8;
	v8 =	vsel vm8, v9, v18;
	v9 =	vmul.f32 v16, v2  }
0x1fd: {  	[tilespmem:s18+$0xFFFFFE90] =	vst v8;
	v8 =	vsel vm1, v11, v13;
	v11 =	vmul.f32 v17, v2;
	v13 =	vld [tilespmem:s21+$0x190]  }
0x1fe: {  	v15 =	vld [tilespmem:s21+$0xFFFFFE20];
	[tilespmem:s18+$0xFFFFFF10] =	vst v8;
	v8 =	vsel vm0, v9, v16;
	v9 =	vmul.f32 v19, v2  }
0x1ff: {  	v16 =	vld [tilespmem:s21+$0xFFFFFEA0];
	[tilespmem:s18+$0xFFFFFF90] =	vst v8;
	v8 =	vsel vm2, v11, v17;
	v11 =	vmul.f32 v10, v4  }
0x200: {  	v17 =	vld [tilespmem:s21+$0xFFFFFF20];
	[tilespmem:s18+$0x10] =	vst v8;
	v8 =	vsel vm3, v9, v19;
	v9 =	vmul.f32 v12, v2  }
0x201: {  	v18 =	vmul.f32 v14, v2;
	v19 =	vld [tilespmem:s21+$0xFFFFFFA0];
	[tilespmem:s18+$0x90] =	vst v8;
	v8 =	vsel vm9, v11, v10  }
0x202: {  	v10 =	vld [tilespmem:s21+$0x20];
	v9 =	vsel vm4, v9, v12;
	v11 =	vmul.f32 v13, v2;
	[tilespmem:s18+$0x230] =	vst v8  }
0x203: {  	v8 =	vsel vm6, v18, v14;
	v12 =	vmul.f32 v15, v3;
	[tilespmem:s18+$0x110] =	vst v9;
	v9 =	vld [tilespmem:s21+$0x240]  }
0x204: {  	[tilespmem:s18+$0xFFFFFD90] =	vst v8;
	v8 =	vmul.f32 v16, v3;
	v14 =	vld [tilespmem:s21+$0xA0];
	v11 =	vsel vm5, v11, v13  }
0x205: {  	v13 =	vld [tilespmem:s21+$0xFFFFFDA0];
	v12 =	vsel vm7, v12, v15;
	v15 =	vmul.f32 v17, v3;
	[tilespmem:s18+$0x190] =	vst v11  }
0x206: {  	[tilespmem:s18+$0xFFFFFE20] =	vst v12;
	v8 =	vsel vm8, v8, v16;
	v11 =	vmul.f32 v19, v3;
	v12 =	vld [tilespmem:s21+$0x120]  }
0x207: {  	[tilespmem:s18+$0xFFFFFEA0] =	vst v8;
	v8 =	vsel vm1, v15, v17;
	v15 =	vmul.f32 v10, v3;
	v16 =	vld [tilespmem:s21+$0x1A0]  }
0x208: {  	v17 =	vld [tilespmem:s21+$0xFFFFFE30];
	[tilespmem:s18+$0xFFFFFF20] =	vst v8;
	v8 =	vsel vm0, v11, v19;
	v11 =	vmul.f32 v9, v5  }
0x209: {  	v18 =	vld [tilespmem:s21+$0xFFFFFEB0];
	[tilespmem:s18+$0xFFFFFFA0] =	vst v8;
	v8 =	vsel vm2, v15, v10;
	v10 =	vmul.f32 v14, v3  }
0x20a: {  	v15 =	vmul.f32 v13, v3;
	v19 =	vld [tilespmem:s21+$0xFFFFFF30];
	[tilespmem:s18+$0x20] =	vst v8;
	v8 =	vsel vm9, v11, v9  }
0x20b: {  	v9 =	vld [tilespmem:s21+$0xFFFFFFB0];
	v10 =	vsel vm3, v10, v14;
	v11 =	vmul.f32 v12, v3;
	[tilespmem:s18+$0x240] =	vst v8  }
0x20c: {  	v8 =	vsel vm6, v15, v13;
	[tilespmem:s18+$0xA0] =	vst v10;
	v10 =	vmul.f32 v16, v3;
	v13 =	vld [tilespmem:s21+$0x250]  }
0x20d: {  	[tilespmem:s18+$0xFFFFFDA0] =	vst v8;
	v8 =	vmul.f32 v17, v4;
	v14 =	vld [tilespmem:s21+$0x30];
	v11 =	vsel vm4, v11, v12  }
0x20e: {  	v12 =	vld [tilespmem:s21+$0xFFFFFDB0];
	v15 =	vmul.f32 v18, v4;
	[tilespmem:s18+$0x120] =	vst v11;
	v10 =	vsel vm5, v10, v16  }
0x20f: {  	v8 =	vsel vm7, v8, v17;
	v11 =	vmul.f32 v19, v4;
	v16 =	vld [tilespmem:s21+$0xB0];
	[tilespmem:s18+$0x1A0] =	vst v10  }
0x210: {  	[tilespmem:s18+$0xFFFFFE30] =	vst v8;
	v8 =	vsel vm8, v15, v18;
	v10 =	vmul.f32 v9, v4;
	v15 =	vld [tilespmem:s21+$0x130]  }
0x211: {  	[tilespmem:s18+$0xFFFFFEB0] =	vst v8;
	v8 =	vsel vm1, v11, v19;
	v11 =	vld [tilespmem:s21+$0x1B0];
	v17 =	vmul.f32 v13, v6  }
0x212: {  	v18 =	vld [tilespmem:s21+$0xFFFFFE40];
	[tilespmem:s18+$0xFFFFFF30] =	vst v8;
	v8 =	vsel vm0, v10, v9;
	v9 =	vmul.f32 v14, v4  }
0x213: {  	v10 =	vmul.f32 v12, v4;
	v19 =	vld [tilespmem:s21+$0xFFFFFEC0];
	[tilespmem:s18+$0xFFFFFFB0] =	vst v8;
	v8 =	vsel vm9, v17, v13  }
0x214: {  	v13 =	vld [tilespmem:s21+$0xFFFFFF40];
	v9 =	vsel vm2, v9, v14;
	v14 =	vmul.f32 v16, v4;
	[tilespmem:s18+$0x250] =	vst v8  }
0x215: {  	v8 =	vsel vm6, v10, v12;
	[tilespmem:s18+$0x30] =	vst v9;
	v9 =	vmul.f32 v15, v4;
	v10 =	vld [tilespmem:s21+$0x260]  }
0x216: {  	[tilespmem:s18+$0xFFFFFDB0] =	vst v8;
	v8 =	vld [tilespmem:s21+$0xFFFFFFC0];
	v12 =	vsel vm3, v14, v16;
	v14 =	vmul.f32 v11, v4  }
0x217: {  	v16 =	vld [tilespmem:s21+$0xFFFFFDC0];
	v17 =	vmul.f32 v18, v5;
	[tilespmem:s18+$0xB0] =	vst v12;
	v9 =	vsel vm4, v9, v15  }
0x218: {  	v12 =	vmul.f32 v19, v5;
	v15 =	vld [tilespmem:s21+$0x40];
	[tilespmem:s18+$0x130] =	vst v9;
	v9 =	vsel vm5, v14, v11  }
0x219: {  	v11 =	vsel vm7, v17, v18;
	v14 =	vmul.f32 v13, v5;
	v17 =	vld [tilespmem:s21+$0xC0];
	[tilespmem:s18+$0x1B0] =	vst v9  }
0x21a: {  	[tilespmem:s18+$0xFFFFFE40] =	vst v11;
	v9 =	vsel vm8, v12, v19;
	v11 =	vld [tilespmem:s21+$0x140];
	v12 =	vmul.f32 v10, v7  }
0x21b: {  	[tilespmem:s18+$0xFFFFFEC0] =	vst v9;
	v9 =	vsel vm1, v14, v13;
	v13 =	vmul.f32 v8, v5;
	v14 =	vld [tilespmem:s21+$0x1C0]  }
0x21c: {  	v18 =	vmul.f32 v16, v5;
	v19 =	vld [tilespmem:s21+$0xFFFFFE50];
	[tilespmem:s18+$0xFFFFFF40] =	vst v9;
	v9 =	vsel vm9, v12, v10  }
0x21d: {  	v10 =	vld [tilespmem:s21+$0xFFFFFED0];
	v8 =	vsel vm0, v13, v8;
	v12 =	vmul.f32 v15, v5;
	[tilespmem:s18+$0x260] =	vst v9  }
0x21e: {  	v9 =	vsel vm6, v18, v16;
	[tilespmem:s18+$0xFFFFFFC0] =	vst v8;
	v8 =	vmul.f32 v17, v5;
	v13 =	vld [tilespmem:s21+$0x270]  }
0x21f: {  	[tilespmem:s18+$0xFFFFFDC0] =	vst v9;
	v9 =	vld [tilespmem:s21+$0xFFFFFF50];
	v12 =	vsel vm2, v12, v15;
	v15 =	vmul.f32 v11, v5  }
0x220: {  	v16 =	vld [tilespmem:s21+$0xFFFFFDD0];
	[tilespmem:s18+$0x40] =	vst v12;
	v8 =	vsel vm3, v8, v17;
	v12 =	vmul.f32 v14, v5  }
0x221: {  	v17 =	vmul.f32 v19, v6;
	v18 =	vld [tilespmem:s21+$0xFFFFFFD0];
	[tilespmem:s18+$0xC0] =	vst v8;
	v8 =	vsel vm4, v15, v11  }
0x222: {  	v11 =	vmul.f32 v10, v6;
	v15 =	vld [tilespmem:s21+$0x50];
	[tilespmem:s18+$0x140] =	vst v8;
	v8 =	vsel vm5, v12, v14  }
0x223: {  	v12 =	vsel vm7, v17, v19;
	v14 =	vld [tilespmem:s21+$0xD0];
	[tilespmem:s18+$0x1C0] =	vst v8;
	v8 =	vmul.f32 v13, v0  }
0x224: {  	[tilespmem:s18+$0xFFFFFE50] =	vst v12;
	v10 =	vsel vm8, v11, v10;
	v11 =	vmul.f32 v9, v6;
	v12 =	vld [tilespmem:s21+$0x150]  }
0x225: {  	v17 =	vmul.f32 v16, v6;
	[tilespmem:s18+$0xFFFFFED0] =	vst v10;
	v10 =	vld [tilespmem:s21+$0x1D0];
	v8 =	vsel vm9, v8, v13  }
0x226: {  	v13 =	vld [tilespmem:s21+$0xFFFFFE60];
	v9 =	vsel vm1, v11, v9;
	v11 =	vmul.f32 v18, v6;
	[tilespmem:s18+$0x270] =	vst v8  }
0x227: {  	v8 =	vsel vm6, v17, v16;
	v16 =	vld [tilespmem:s21+$0xFFFFFEE0];
	[tilespmem:s18+$0xFFFFFF50] =	vst v9;
	v9 =	vmul.f32 v15, v6  }
0x228: {  	[tilespmem:s18+$0xFFFFFDD0] =	vst v8;
	v8 =	vld [tilespmem:s21+$0xFFFFFF60];
	v11 =	vsel vm0, v11, v18;
	v17 =	vmul.f32 v14, v6  }
0x229: {  	v18 =	vld [tilespmem:s21+$0xFFFFFDE0];
	[tilespmem:s18+$0xFFFFFFD0] =	vst v11;
	v9 =	vsel vm2, v9, v15;
	v11 =	vmul.f32 v12, v6  }
0x22a: {  	v15 =	vld [tilespmem:s21+$0xFFFFFFE0];
	[tilespmem:s18+$0x50] =	vst v9;
	v9 =	vsel vm3, v17, v14;
	v14 =	vmul.f32 v10, v6  }
0x22b: {  	v17 =	vmul.f32 v13, v7;
	v19 =	vld [tilespmem:s21+$0x60];
	[tilespmem:s18+$0xD0] =	vst v9;
	v9 =	vsel vm4, v11, v12  }
0x22c: {  	v11 =	vmul.f32 v16, v7;
	v12 =	vld [tilespmem:s21+$0xE0];
	[tilespmem:s18+$0x150] =	vst v9;
	v9 =	vsel vm5, v14, v10  }
0x22d: {  	v10 =	vsel vm7, v17, v13;
	v13 =	vmul.f32 v8, v7;
	v14 =	vld [tilespmem:s21+$0x160];
	[tilespmem:s18+$0x1D0] =	vst v9  }
0x22e: {  	v9 =	vmul.f32 v18, v7;
	[tilespmem:s18+$0xFFFFFE60] =	vst v10;
	v10 =	vsel vm8, v11, v16;
	v16 =	vld [tilespmem:s21+$0x1E0]  }
0x22f: {  	v17 =	vld [tilespmem:s21+$0xFFFFFE70];
	[tilespmem:s18+$0xFFFFFEE0] =	vst v10;
	v8 =	vsel vm1, v13, v8;
	v11 =	vmul.f32 v15, v7  }
0x230: {  	v9 =	vsel vm6, v9, v18;
	v13 =	vld [tilespmem:s21+$0xFFFFFEF0];
	[tilespmem:s18+$0xFFFFFF60] =	vst v8;
	v18 =	vmul.f32 v19, v7  }
0x231: {  	[tilespmem:s18+$0xFFFFFDE0] =	vst v9;
	v10 =	vld [tilespmem:s21+$0xFFFFFF70];
	v9 =	vsel vm0, v11, v15;
	v11 =	vmul.f32 v12, v7  }
0x232: {  	v8 =	vld [tilespmem:s21+$0xFFFFFDF0];
	[tilespmem:s18+$0xFFFFFFE0] =	vst v9;
	v15 =	vsel vm2, v18, v19;
	v18 =	vmul.f32 v14, v7  }
.Ltmp5:
0x233: {  	v9 =	vld [tilespmem:s21+$0xFFFFFFF0];
	[tilespmem:s18+$0x60] =	vst v15;
	v12 =	vsel vm3, v11, v12;
	v15 =	vmul.f32 v16, v7;
	(pc) =	sbr.rel @p1 .LBB2_9-.Ltmp5, $4  }
0x234: {  	v19 =	vmul.f32 v17, v0;
	v11 =	vld [tilespmem:s21+$0x70];
	[tilespmem:s18+$0xE0] =	vst v12;
	v14 =	vsel vm4, v18, v14  }
0x235: {  	v18 =	vmul.f32 v13, v0;
	v12 =	vld [tilespmem:s21+$0xF0];
	[tilespmem:s18+$0x160] =	vst v14;
	v15 =	vsel vm5, v15, v16  }
0x236: {  	v17 =	vsel vm7, v19, v17;
	v16 =	vmul.f32 v10, v0;
	v14 =	vld [tilespmem:s21+$0x170];
	[tilespmem:s18+$0x1E0] =	vst v15  }
0x237: {  	s15 =	sadd.s32 $0xA0, s15;
	v15 =	vmul.f32 v8, v0;
	[tilespmem:s18+$0xFFFFFE70] =	vst v17;
	v17 =	vsel vm8, v18, v13;
	v13 =	vld [tilespmem:s21+$0x1F0]  }
0x238: {  	[tilespmem:s18+$0xFFFFFEF0] =	vst v17;
	v10 =	vsel vm1, v16, v10;
	v63 =	vmul.f32 v9, v0  }
0x239: {  	v8 =	vsel vm6, v15, v8;
	[tilespmem:s18+$0xFFFFFF70] =	vst v10;
	v10 =	vmul.f32 v11, v0  }
0x23a: {  	[tilespmem:s18+$0xFFFFFDF0] =	vst v8;
	v8 =	vsel vm0, v63, v9;
	v9 =	vmul.f32 v12, v0  }
0x23b: {  	[tilespmem:s18+$0xFFFFFFF0] =	vst v8;
	v8 =	vsel vm2, v10, v11;
	v10 =	vmul.f32 v14, v0  }
0x23c: {  	[tilespmem:s18+$0x70] =	vst v8;
	v8 =	vsel vm3, v9, v12;
	v9 =	vmul.f32 v13, v0  }
0x23d: {  	s3 =	smul.u32 $0xA00, s3;
	s0 =	sadd.s32 s14, s0;
	[tilespmem:s18+$0xF0] =	vst v8;
	v8 =	vsel vm4, v10, v14  }
0x23e: {  	p1 =	sgt.u32 s0, $0x270;
	[tilespmem:s18+$0x170] =	vst v8;
	v8 =	vsel vm5, v9, v13  }
0x23f: {  	s3 =	sadd.s32 s17, s3;
	s8 =	smul.u32 @!p1 $0xA00, s0;
	s9 =	simm.s32 @!p1 $0x5000;
	[tilespmem:s18+$0x1F0] =	vst v8  }
0x240: {  	[hbm4b:s3+s5] =	stream.linear.scatter [tilespmem:s26], [sflag:$0x4], $0x5000, $0x38;
	[tilespmem:$0x15680] =	vst v63  }
0x241: {  	s0 =	smul.u32 @!p1 $0x14, s0;
	s3 =	sadd.s32 @!p1 s1, s8;
	s8 =	simm.s32 @!p1 $0x0  }
0x242: {  	[tilespmem:s9], [sflag:$0x2] =	stream.linear.gather @!p1 [hbm4b:s3+s8], $0x5000, $0x38;
	[tilespmem:$0x15680] =	vst v63  }
0x243: {  	s0 =	sadd.s32 @!p1 s7, s0;
	s3 =	simm.s32 @!p1 $0xA100  }
0x244: {  	[tilespmem:s3], [sflag:$0x2] =	stream.linear.gather @!p1 [hbm4b:s0+s8], $0xA0, $0x38;
	[tilespmem:$0x15680] =	vst v63  }
0x245: {  	_ =	swait.ge [sflag:s23], $0x5000  }
0x246: {  	[sflag:s23] =	ssyncset.done $0x0  }
0x247: {  	[sflag:s23] =	ssyncadd.s32 $0xFFFFB000  }
0x248: {  	_ =	swait.ge [sflag:s23], $0xA0  }
0x249: {  	[sflag:s23] =	ssyncset.done $0x0  }
0x24a: {  	[sflag:s23] =	ssyncadd.s32 $0xFFFFFF60  }
0x24b: {  	_ =	swait.ge [sflag:s28], $0x5000  }
0x24c: {  	[sflag:s28] =	ssyncset.done $0x0  }
0x24d: {  	s22 =	simm.s32 $0xA010;
	[sflag:s28] =	ssyncadd.s32 $0xFFFFB000  }
0x24e: {  	v8 =	vld [tilespmem:s22+$0x0]  }
0x24f: {  	v9 =	vld [tilespmem:s22+$0xFFFFFFF0];
	_ =	sdelay $0x3  }
0x250: {  	v10 =	vbroadcast v8, $0xF  }
0x251: {  	s15 =	simm.s32 $0x14300;
	v11 =	vbroadcast v9, $0x0  }
0x252: {  	v12 =	vbroadcast v9, $0x1;
	[tilespmem:s15+$0xF0] =	vst v10  }
0x253: {  	v13 =	vbroadcast v8, $0x5;
	[tilespmem:s15+$0xFFFFFF00] =	vst v11  }
0x254: {  	v14 =	vbroadcast v8, $0x6;
	[tilespmem:s15+$0xFFFFFF10] =	vst v12  }
0x255: {  	v15 =	vbroadcast v8, $0x7;
	[tilespmem:s15+$0x50] =	vst v13  }
0x256: {  	v10 =	vbroadcast v9, $0x2;
	[tilespmem:s15+$0x60] =	vst v14  }
0x257: {  	v11 =	vbroadcast v9, $0x3;
	[tilespmem:s15+$0x70] =	vst v15  }
0x258: {  	v12 =	vbroadcast v9, $0x4;
	[tilespmem:s15+$0xFFFFFF20] =	vst v10  }
0x259: {  	v10 =	vbroadcast v9, $0x5;
	[tilespmem:s15+$0xFFFFFF30] =	vst v11  }
0x25a: {  	v11 =	vbroadcast v9, $0x6;
	[tilespmem:s15+$0xFFFFFF40] =	vst v12  }
0x25b: {  	v12 =	vbroadcast v9, $0x7;
	[tilespmem:s15+$0xFFFFFF50] =	vst v10  }
0x25c: {  	v10 =	vbroadcast v9, $0x8;
	[tilespmem:s15+$0xFFFFFF60] =	vst v11  }
0x25d: {  	v11 =	vbroadcast v9, $0x9;
	[tilespmem:s15+$0xFFFFFF70] =	vst v12  }
0x25e: {  	v12 =	vbroadcast v9, $0xA;
	[tilespmem:s15+$0xFFFFFF80] =	vst v10  }
0x25f: {  	v10 =	vbroadcast v9, $0xB;
	[tilespmem:s15+$0xFFFFFF90] =	vst v11  }
0x260: {  	v11 =	vbroadcast v9, $0xC;
	[tilespmem:s15+$0xFFFFFFA0] =	vst v12  }
0x261: {  	v12 =	vbroadcast v9, $0xD;
	[tilespmem:s15+$0xFFFFFFB0] =	vst v10  }
0x262: {  	v10 =	vbroadcast v9, $0xE;
	[tilespmem:s15+$0xFFFFFFC0] =	vst v11  }
0x263: {  	v9 =	vbroadcast v9, $0xF;
	[tilespmem:s15+$0xFFFFFFD0] =	vst v12  }
0x264: {  	v11 =	vbroadcast v8, $0x0;
	[tilespmem:s15+$0xFFFFFFE0] =	vst v10  }
0x265: {  	v12 =	vbroadcast v8, $0x4;
	[tilespmem:s15+$0xFFFFFFF0] =	vst v9  }
0x266: {  	v13 =	vbroadcast v8, $0xB;
	v10 =	vbroadcast v8, $0x1;
	[tilespmem:s15+$0x0] =	vst v11  }
0x267: {  	v14 =	vbroadcast v8, $0xD;
	v11 =	vbroadcast v8, $0x3;
	[tilespmem:s15+$0x40] =	vst v12  }
0x268: {  	v9 =	vbroadcast v8, $0x2;
	v12 =	vbroadcast v8, $0xC;
	[tilespmem:s15+$0x10] =	vst v10  }
0x269: {  	[tilespmem:s15+$0x30] =	vst v11;
	v10 =	vbroadcast v8, $0x8;
	v11 =	vbroadcast v8, $0x9  }
0x26a: {  	s21 =	simm.s32 $0xA030;
	s8 =	simm.s32 $0x0;
	[tilespmem:s15+$0x20] =	vst v9;
	v9 =	vbroadcast v8, $0xA;
	v8 =	vbroadcast v8, $0xE  }
.LBB2_11:
0x26b: {  	v15 =	vld [tilespmem:s21+$0x0];
	s8 =	sadd.s32 $0x2, s8;
	[tilespmem:s15+$0x80] =	vst v10  }
0x26c: {  	v10 =	vld [tilespmem:s21+$0xFFFFFFF0];
	p1 =	slt.u32 s8, $0x8;
	[tilespmem:s15+$0x90] =	vst v11  }
0x26d: {  	[tilespmem:s15+$0xA0] =	vst v9  }
0x26e: {  	[tilespmem:s15+$0xB0] =	vst v13  }
0x26f: {  	[tilespmem:s15+$0xC0] =	vst v12  }
0x270: {  	v16 =	vbroadcast v15, $0x0;
	v9 =	vbroadcast v15, $0xF;
	[tilespmem:s15+$0xD0] =	vst v14  }
0x271: {  	s18 =	simm.s32 $0x14250;
	v11 =	vbroadcast v10, $0x0;
	v12 =	vbroadcast v10, $0x1;
	[tilespmem:s15+$0xE0] =	vst v8;
	s15 =	sadd.s32 $0x200, s15  }
0x272: {  	s3 =	simm.s32 $0x280;
	s0 =	simm.s32 $0xA480;
	v8 =	vbroadcast v10, $0x2;
	v13 =	vbroadcast v10, $0x3;
	[tilespmem:s15+$0xF0] =	vst v9  }
0x273: {  	v9 =	vbroadcast v10, $0x4;
	[tilespmem:s15+$0xFFFFFF00] =	vst v11;
	v11 =	vbroadcast v10, $0x5  }
0x274: {  	v14 =	vbroadcast v10, $0x7;
	[tilespmem:s15+$0xFFFFFF10] =	vst v12;
	v12 =	vbroadcast v10, $0x6  }
0x275: {  	v17 =	vbroadcast v10, $0x9;
	[tilespmem:s15+$0xFFFFFF20] =	vst v8;
	v8 =	vbroadcast v10, $0x8  }
0x276: {  	v18 =	vbroadcast v10, $0xB;
	[tilespmem:s15+$0xFFFFFF30] =	vst v13;
	v13 =	vbroadcast v10, $0xA  }
0x277: {  	v19 =	vbroadcast v10, $0xC;
	v20 =	vbroadcast v10, $0xD;
	[tilespmem:s15+$0xFFFFFF40] =	vst v9  }
0x278: {  	v21 =	vbroadcast v10, $0xE;
	v22 =	vbroadcast v10, $0xF;
	[tilespmem:s15+$0xFFFFFF50] =	vst v11  }
0x279: {  	v23 =	vbroadcast v15, $0x1;
	v24 =	vbroadcast v15, $0x2;
	[tilespmem:s15+$0xFFFFFF60] =	vst v12  }
0x27a: {  	v25 =	vbroadcast v15, $0x3;
	v26 =	vbroadcast v15, $0x4;
	[tilespmem:s15+$0xFFFFFF70] =	vst v14  }
0x27b: {  	v27 =	vbroadcast v15, $0x5;
	v28 =	vbroadcast v15, $0x6;
	[tilespmem:s15+$0xFFFFFF80] =	vst v8  }
0x27c: {  	v10 =	vbroadcast v15, $0x8;
	[tilespmem:s15+$0xFFFFFF90] =	vst v17;
	v17 =	vbroadcast v15, $0x7  }
0x27d: {  	v9 =	vbroadcast v15, $0xA;
	v11 =	vbroadcast v15, $0x9;
	[tilespmem:s15+$0xFFFFFFA0] =	vst v13  }
0x27e: {  	v12 =	vbroadcast v15, $0xC;
	v13 =	vbroadcast v15, $0xB;
	[tilespmem:s15+$0xFFFFFFB0] =	vst v18  }
0x27f: {  	v14 =	vbroadcast v15, $0xD;
	v8 =	vbroadcast v15, $0xE;
	[tilespmem:s15+$0xFFFFFFC0] =	vst v19  }
0x280: {  	[tilespmem:s15+$0xFFFFFFD0] =	vst v20  }
0x281: {  	[tilespmem:s15+$0xFFFFFFE0] =	vst v21  }
0x282: {  	[tilespmem:s15+$0xFFFFFFF0] =	vst v22  }
0x283: {  	[tilespmem:s15+$0x0] =	vst v16  }
0x284: {  	[tilespmem:s15+$0x10] =	vst v23  }
0x285: {  	[tilespmem:s15+$0x20] =	vst v24  }
.Ltmp6:
0x286: {  	[tilespmem:s15+$0x30] =	vst v25;
	(pc) =	sbr.rel @p1 .LBB2_11-.Ltmp6, $4  }
0x287: {  	[tilespmem:s15+$0x40] =	vst v26  }
0x288: {  	[tilespmem:s15+$0x50] =	vst v27  }
0x289: {  	[tilespmem:s15+$0x60] =	vst v28  }
0x28a: {  	s21 =	sadd.s32 $0x20, s21;
	[tilespmem:s15+$0x70] =	vst v17  }
0x28b: {  	[tilespmem:s15+$0x80] =	vst v10  }
0x28c: {  	[tilespmem:s15+$0x90] =	vst v11  }
0x28d: {  	[tilespmem:s15+$0xA0] =	vst v9  }
0x28e: {  	[tilespmem:s15+$0xB0] =	vst v13  }
0x28f: {  	[tilespmem:s15+$0xC0] =	vst v12  }
0x290: {  	[tilespmem:s15+$0xD0] =	vst v14  }
0x291: {  	[tilespmem:s15+$0xE0] =	vst v8  }
0x292: {  	v8 =	vld [tilespmem:s18+$0x40]  }
0x293: {  	v9 =	vld [tilespmem:s3+$0x200]  }
0x294: {  	v10 =	vld [tilespmem:s3+$0xFFFFFD80]  }
0x295: {  	v11 =	vld [tilespmem:s18+$0xFFFFFFC0]  }
0x296: {  	v12 =	vld [tilespmem:s3+$0xFFFFFE00]  }
0x297: {  	v13 =	vld [tilespmem:s18+$0xFFFFFFD0]  }
0x298: {  	v14 =	vld [tilespmem:s3+$0xFFFFFE80];
	vm0 =	vlt.f32 v8, $0.0e+00;
	vm1 =	vgt.f32 v8, $0.0e+00;
	v8 =	vmul.f32 v9, v1  }
0x299: {  	v15 =	vld [tilespmem:s18+$0xFFFFFFE0];
	vm9 =	vmor vm1, vm0  }
0x29a: {  	v19 =	vld [tilespmem:s18+$0x0];
	v8 =	vsel vm9, v8, v9  }
0x29b: {  	v16 =	vld [tilespmem:s3+$0xFFFFFF00];
	[tilespmem:s0+$0x200] =	vst v8  }
0x29c: {  	v8 =	vld [tilespmem:s3+$0x210]  }
0x29d: {  	v18 =	vld [tilespmem:s3+$0xFFFFFF80];
	v17 =	vmul.f32 v10, v1  }
0x29e: {  	vm0 =	vlt.f32 v11, $0.0e+00;
	vm1 =	vgt.f32 v11, $0.0e+00;
	v11 =	vmul.f32 v12, v1;
	v9 =	vld [tilespmem:s18+$0xFFFFFFF0]  }
0x29f: {  	v20 =	vld [tilespmem:s18+$0x10];
	vm3 =	vgt.f32 v19, $0.0e+00;
	vm8 =	vmor vm1, vm0;
	vm0 =	vlt.f32 v13, $0.0e+00  }
0x2a0: {  	vm1 =	vgt.f32 v13, $0.0e+00;
	v13 =	vld [tilespmem:s3+$0x0];
	v11 =	vsel vm8, v11, v12;
	v12 =	vmul.f32 v14, v1  }
0x2a1: {  	v22 =	vld [tilespmem:s18+$0x20];
	vm7 =	vmor vm1, vm0;
	vm0 =	vlt.f32 v15, $0.0e+00;
	v21 =	vmul.f32 v8, v2  }
0x2a2: {  	vm1 =	vgt.f32 v15, $0.0e+00;
	v15 =	vld [tilespmem:s3+$0x80];
	v12 =	vsel vm7, v12, v14;
	v14 =	vmul.f32 v16, v1  }
0x2a3: {  	v62 =	vld [tilespmem:s18+$0x30];
	vm1 =	vmor vm1, vm0;
	vm0 =	vlt.f32 v9, $0.0e+00;
	v8 =	vsel vm9, v21, v8  }
0x2a4: {  	vm2 =	vgt.f32 v9, $0.0e+00;
	v9 =	vld [tilespmem:s3+$0x100];
	v14 =	vsel vm1, v14, v16;
	v16 =	vmul.f32 v18, v1;
	[tilespmem:s0+$0x210] =	vst v8  }
0x2a5: {  	vm0 =	vmor vm2, vm0;
	vm2 =	vlt.f32 v19, $0.0e+00;
	v8 =	vmul.f32 v13, v1;
	v19 =	vld [tilespmem:s3+$0x220]  }
0x2a6: {  	vm4 =	vgt.f32 v20, $0.0e+00;
	[tilespmem:s0+$0xFFFFFE00] =	vst v11;
	v11 =	vsel vm0, v16, v18;
	vm2 =	vmor vm3, vm2;
	v16 =	vld [tilespmem:s3+$0x180]  }
0x2a7: {  	[tilespmem:s0+$0xFFFFFE80] =	vst v12;
	v12 =	vmul.f32 v15, v1;
	vm3 =	vlt.f32 v20, $0.0e+00;
	v8 =	vsel vm2, v8, v13;
	v13 =	vld [tilespmem:s18+$0xFFFFFFB0]  }
0x2a8: {  	vm5 =	vgt.f32 v22, $0.0e+00;
	vm6 =	vgt.f32 v62, $0.0e+00;
	[tilespmem:s0+$0xFFFFFF00] =	vst v14;
	v14 =	vld [tilespmem:s3+$0xFFFFFE10];
	vm3 =	vmor vm4, vm3  }
0x2a9: {  	vm4 =	vlt.f32 v22, $0.0e+00;
	[tilespmem:s0+$0xFFFFFF80] =	vst v11;
	v11 =	vsel vm3, v12, v15;
	v15 =	vld [tilespmem:s3+$0xFFFFFE90];
	v12 =	vmul.f32 v9, v1  }
0x2aa: {  	vm4 =	vmor vm5, vm4;
	vm5 =	vlt.f32 v62, $0.0e+00;
	[tilespmem:s0+$0x0] =	vst v8;
	v8 =	vld [tilespmem:s3+$0xFFFFFF10];
	v18 =	vmul.f32 v19, v3  }
0x2ab: {  	[tilespmem:s0+$0x80] =	vst v11;
	vm5 =	vmor vm6, vm5;
	v11 =	vld [tilespmem:s3+$0xFFFFFF90];
	v9 =	vsel vm4, v12, v9;
	v12 =	vmul.f32 v16, v1  }
0x2ac: {  	[tilespmem:s0+$0x100] =	vst v9;
	v9 =	vld [tilespmem:s3+$0x10];
	vm6 =	vlt.f32 v13, $0.0e+00;
	vm10 =	vgt.f32 v13, $0.0e+00;
	v13 =	vsel vm9, v18, v19  }
0x2ad: {  	v12 =	vsel vm5, v12, v16;
	vm6 =	vmor vm10, vm6;
	v18 =	vmul.f32 v14, v2;
	v19 =	vld [tilespmem:s3+$0x90];
	[tilespmem:s0+$0x220] =	vst v13  }
0x2ae: {  	[tilespmem:s0+$0x180] =	vst v12;
	v10 =	vsel vm6, v17, v10;
	v13 =	vmul.f32 v15, v2;
	v12 =	vld [tilespmem:s3+$0x230]  }
0x2af: {  	v16 =	vld [tilespmem:s3+$0x110];
	[tilespmem:s0+$0xFFFFFD80] =	vst v10;
	v10 =	vsel vm8, v18, v14;
	v14 =	vmul.f32 v8, v2  }
0x2b0: {  	v17 =	vld [tilespmem:s3+$0xFFFFFD90];
	[tilespmem:s0+$0xFFFFFE10] =	vst v10;
	v10 =	vsel vm7, v13, v15;
	v13 =	vmul.f32 v11, v2  }
0x2b1: {  	[tilespmem:s0+$0xFFFFFE90] =	vst v10;
	v8 =	vsel vm1, v14, v8;
	v10 =	vmul.f32 v9, v2;
	v14 =	vld [tilespmem:s3+$0x190]  }
0x2b2: {  	v15 =	vld [tilespmem:s3+$0xFFFFFE20];
	[tilespmem:s0+$0xFFFFFF10] =	vst v8;
	v8 =	vsel vm0, v13, v11;
	v11 =	vmul.f32 v19, v2  }
0x2b3: {  	v13 =	vld [tilespmem:s3+$0xFFFFFEA0];
	[tilespmem:s0+$0xFFFFFF90] =	vst v8;
	v8 =	vsel vm2, v10, v9;
	v9 =	vmul.f32 v12, v4  }
0x2b4: {  	v10 =	vld [tilespmem:s3+$0xFFFFFF20];
	[tilespmem:s0+$0x10] =	vst v8;
	v8 =	vsel vm3, v11, v19;
	v11 =	vmul.f32 v16, v2  }
0x2b5: {  	v19 =	vld [tilespmem:s3+$0xFFFFFFA0];
	v18 =	vmul.f32 v17, v2;
	[tilespmem:s0+$0x90] =	vst v8;
	v8 =	vsel vm9, v9, v12  }
0x2b6: {  	v9 =	vld [tilespmem:s3+$0x20];
	v11 =	vsel vm4, v11, v16;
	v12 =	vmul.f32 v14, v2;
	[tilespmem:s0+$0x230] =	vst v8  }
0x2b7: {  	v16 =	vmul.f32 v15, v3;
	v8 =	vsel vm6, v18, v17;
	[tilespmem:s0+$0x110] =	vst v11;
	v11 =	vld [tilespmem:s3+$0x240]  }
0x2b8: {  	v17 =	vld [tilespmem:s3+$0xA0];
	[tilespmem:s0+$0xFFFFFD90] =	vst v8;
	v8 =	vmul.f32 v13, v3;
	v12 =	vsel vm5, v12, v14  }
0x2b9: {  	v15 =	vsel vm8, v16, v15;
	v16 =	vmul.f32 v10, v3;
	v14 =	vld [tilespmem:s3+$0xFFFFFDA0];
	[tilespmem:s0+$0x190] =	vst v12  }
0x2ba: {  	[tilespmem:s0+$0xFFFFFE20] =	vst v15;
	v12 =	vmul.f32 v19, v3;
	v8 =	vsel vm7, v8, v13;
	v13 =	vld [tilespmem:s3+$0x120]  }
0x2bb: {  	v15 =	vld [tilespmem:s3+$0x1A0];
	[tilespmem:s0+$0xFFFFFEA0] =	vst v8;
	v8 =	vsel vm1, v16, v10;
	v10 =	vmul.f32 v9, v3  }
0x2bc: {  	v16 =	vld [tilespmem:s3+$0xFFFFFE30];
	[tilespmem:s0+$0xFFFFFF20] =	vst v8;
	v8 =	vsel vm0, v12, v19;
	v12 =	vmul.f32 v11, v5  }
0x2bd: {  	v18 =	vld [tilespmem:s3+$0xFFFFFEB0];
	[tilespmem:s0+$0xFFFFFFA0] =	vst v8;
	v8 =	vsel vm2, v10, v9;
	v9 =	vmul.f32 v17, v3  }
0x2be: {  	v19 =	vld [tilespmem:s3+$0xFFFFFF30];
	v10 =	vmul.f32 v14, v3;
	[tilespmem:s0+$0x20] =	vst v8;
	v8 =	vsel vm9, v12, v11  }
0x2bf: {  	v11 =	vld [tilespmem:s3+$0xFFFFFFB0];
	v9 =	vsel vm3, v9, v17;
	v12 =	vmul.f32 v13, v3;
	[tilespmem:s0+$0x240] =	vst v8  }
0x2c0: {  	v8 =	vsel vm6, v10, v14;
	[tilespmem:s0+$0xA0] =	vst v9;
	v9 =	vmul.f32 v15, v3;
	v10 =	vld [tilespmem:s3+$0x250]  }
0x2c1: {  	v14 =	vld [tilespmem:s3+$0x30];
	[tilespmem:s0+$0xFFFFFDA0] =	vst v8;
	v8 =	vmul.f32 v16, v4;
	v12 =	vsel vm4, v12, v13  }
0x2c2: {  	v17 =	vmul.f32 v18, v4;
	v13 =	vld [tilespmem:s3+$0xFFFFFDB0];
	[tilespmem:s0+$0x120] =	vst v12;
	v9 =	vsel vm5, v9, v15  }
0x2c3: {  	v12 =	vmul.f32 v19, v4;
	v15 =	vld [tilespmem:s3+$0xB0];
	v8 =	vsel vm8, v8, v16;
	[tilespmem:s0+$0x1A0] =	vst v9  }
0x2c4: {  	v16 =	vld [tilespmem:s3+$0x130];
	[tilespmem:s0+$0xFFFFFE30] =	vst v8;
	v8 =	vsel vm7, v17, v18;
	v9 =	vmul.f32 v11, v4  }
0x2c5: {  	[tilespmem:s0+$0xFFFFFEB0] =	vst v8;
	v8 =	vsel vm1, v12, v19;
	v12 =	vld [tilespmem:s3+$0x1B0];
	v17 =	vmul.f32 v10, v6  }
0x2c6: {  	v18 =	vld [tilespmem:s3+$0xFFFFFE40];
	[tilespmem:s0+$0xFFFFFF30] =	vst v8;
	v8 =	vsel vm0, v9, v11;
	v9 =	vmul.f32 v14, v4  }
0x2c7: {  	v19 =	vld [tilespmem:s3+$0xFFFFFEC0];
	v11 =	vmul.f32 v13, v4;
	[tilespmem:s0+$0xFFFFFFB0] =	vst v8;
	v8 =	vsel vm9, v17, v10  }
0x2c8: {  	v10 =	vld [tilespmem:s3+$0xFFFFFF40];
	v9 =	vsel vm2, v9, v14;
	v14 =	vmul.f32 v15, v4;
	[tilespmem:s0+$0x250] =	vst v8  }
0x2c9: {  	v8 =	vsel vm6, v11, v13;
	[tilespmem:s0+$0x30] =	vst v9;
	v9 =	vmul.f32 v16, v4;
	v11 =	vld [tilespmem:s3+$0x260]  }
0x2ca: {  	[tilespmem:s0+$0xFFFFFDB0] =	vst v8;
	v8 =	vld [tilespmem:s3+$0xFFFFFFC0];
	v13 =	vsel vm3, v14, v15;
	v14 =	vmul.f32 v12, v4  }
0x2cb: {  	v17 =	vmul.f32 v18, v5;
	v15 =	vld [tilespmem:s3+$0xFFFFFDC0];
	[tilespmem:s0+$0xB0] =	vst v13;
	v9 =	vsel vm4, v9, v16  }
0x2cc: {  	v13 =	vmul.f32 v19, v5;
	v16 =	vld [tilespmem:s3+$0x40];
	[tilespmem:s0+$0x130] =	vst v9;
	v9 =	vsel vm5, v14, v12  }
0x2cd: {  	v12 =	vsel vm8, v17, v18;
	v17 =	vld [tilespmem:s3+$0xC0];
	v14 =	vmul.f32 v10, v5;
	[tilespmem:s0+$0x1B0] =	vst v9  }
0x2ce: {  	[tilespmem:s0+$0xFFFFFE40] =	vst v12;
	v9 =	vsel vm7, v13, v19;
	v12 =	vld [tilespmem:s3+$0x140];
	v13 =	vmul.f32 v11, v7  }
0x2cf: {  	[tilespmem:s0+$0xFFFFFEC0] =	vst v9;
	v9 =	vsel vm1, v14, v10;
	v10 =	vmul.f32 v8, v5;
	v14 =	vld [tilespmem:s3+$0x1C0]  }
0x2d0: {  	v19 =	vld [tilespmem:s3+$0xFFFFFE50];
	v18 =	vmul.f32 v15, v5;
	[tilespmem:s0+$0xFFFFFF40] =	vst v9;
	v9 =	vsel vm9, v13, v11  }
0x2d1: {  	v11 =	vld [tilespmem:s3+$0xFFFFFED0];
	v8 =	vsel vm0, v10, v8;
	v10 =	vmul.f32 v16, v5;
	[tilespmem:s0+$0x260] =	vst v9  }
0x2d2: {  	v9 =	vsel vm6, v18, v15;
	[tilespmem:s0+$0xFFFFFFC0] =	vst v8;
	v8 =	vmul.f32 v17, v5;
	v13 =	vld [tilespmem:s3+$0x270]  }
0x2d3: {  	v15 =	vmul.f32 v12, v5;
	[tilespmem:s0+$0xFFFFFDC0] =	vst v9;
	v9 =	vld [tilespmem:s3+$0xFFFFFF50];
	v10 =	vsel vm2, v10, v16  }
0x2d4: {  	v16 =	vld [tilespmem:s3+$0xFFFFFDD0];
	[tilespmem:s0+$0x40] =	vst v10;
	v8 =	vsel vm3, v8, v17;
	v10 =	vmul.f32 v14, v5  }
0x2d5: {  	v18 =	vld [tilespmem:s3+$0xFFFFFFD0];
	v17 =	vmul.f32 v19, v6;
	[tilespmem:s0+$0xC0] =	vst v8;
	v8 =	vsel vm4, v15, v12  }
0x2d6: {  	v15 =	vld [tilespmem:s3+$0x50];
	v12 =	vmul.f32 v11, v6;
	[tilespmem:s0+$0x140] =	vst v8;
	v8 =	vsel vm5, v10, v14  }
0x2d7: {  	v10 =	vsel vm8, v17, v19;
	v14 =	vld [tilespmem:s3+$0xD0];
	[tilespmem:s0+$0x1C0] =	vst v8;
	v8 =	vmul.f32 v13, v0  }
0x2d8: {  	[tilespmem:s0+$0xFFFFFE50] =	vst v10;
	v10 =	vsel vm7, v12, v11;
	v11 =	vmul.f32 v9, v6;
	v12 =	vld [tilespmem:s3+$0x150]  }
0x2d9: {  	v17 =	vmul.f32 v16, v6;
	[tilespmem:s0+$0xFFFFFED0] =	vst v10;
	v10 =	vld [tilespmem:s3+$0x1D0];
	v8 =	vsel vm9, v8, v13  }
0x2da: {  	v13 =	vld [tilespmem:s3+$0xFFFFFE60];
	v9 =	vsel vm1, v11, v9;
	v11 =	vmul.f32 v18, v6;
	[tilespmem:s0+$0x270] =	vst v8  }
0x2db: {  	v8 =	vsel vm6, v17, v16;
	v16 =	vld [tilespmem:s3+$0xFFFFFEE0];
	[tilespmem:s0+$0xFFFFFF50] =	vst v9;
	v9 =	vmul.f32 v15, v6  }
0x2dc: {  	v17 =	vmul.f32 v14, v6;
	[tilespmem:s0+$0xFFFFFDD0] =	vst v8;
	v8 =	vld [tilespmem:s3+$0xFFFFFF60];
	v11 =	vsel vm0, v11, v18  }
0x2dd: {  	v18 =	vld [tilespmem:s3+$0xFFFFFDE0];
	[tilespmem:s0+$0xFFFFFFD0] =	vst v11;
	v9 =	vsel vm2, v9, v15;
	v11 =	vmul.f32 v12, v6  }
0x2de: {  	v15 =	vld [tilespmem:s3+$0xFFFFFFE0];
	[tilespmem:s0+$0x50] =	vst v9;
	v9 =	vsel vm3, v17, v14;
	v14 =	vmul.f32 v10, v6  }
0x2df: {  	v17 =	vmul.f32 v13, v7;
	v19 =	vld [tilespmem:s3+$0x60];
	[tilespmem:s0+$0xD0] =	vst v9;
	v9 =	vsel vm4, v11, v12  }
0x2e0: {  	v11 =	vmul.f32 v16, v7;
	v12 =	vld [tilespmem:s3+$0xE0];
	[tilespmem:s0+$0x150] =	vst v9;
	v9 =	vsel vm5, v14, v10  }
0x2e1: {  	v10 =	vsel vm8, v17, v13;
	v13 =	vmul.f32 v8, v7;
	v14 =	vld [tilespmem:s3+$0x160];
	[tilespmem:s0+$0x1D0] =	vst v9  }
0x2e2: {  	v9 =	vmul.f32 v18, v7;
	[tilespmem:s0+$0xFFFFFE60] =	vst v10;
	v10 =	vsel vm7, v11, v16;
	v16 =	vld [tilespmem:s3+$0x1E0]  }
0x2e3: {  	v17 =	vld [tilespmem:s3+$0xFFFFFE70];
	[tilespmem:s0+$0xFFFFFEE0] =	vst v10;
	v8 =	vsel vm1, v13, v8;
	v11 =	vmul.f32 v15, v7  }
0x2e4: {  	v9 =	vsel vm6, v9, v18;
	v18 =	vld [tilespmem:s3+$0xFFFFFEF0];
	[tilespmem:s0+$0xFFFFFF60] =	vst v8;
	v13 =	vmul.f32 v19, v7  }
0x2e5: {  	[tilespmem:s0+$0xFFFFFDE0] =	vst v9;
	v10 =	vld [tilespmem:s3+$0xFFFFFF70];
	v9 =	vsel vm0, v11, v15;
	v11 =	vmul.f32 v12, v7  }
0x2e6: {  	v8 =	vld [tilespmem:s3+$0xFFFFFDF0];
	[tilespmem:s0+$0xFFFFFFE0] =	vst v9;
	v13 =	vsel vm2, v13, v19;
	v15 =	vmul.f32 v14, v7  }
0x2e7: {  	v9 =	vld [tilespmem:s3+$0xFFFFFFF0];
	[tilespmem:s0+$0x60] =	vst v13;
	v12 =	vsel vm3, v11, v12;
	v13 =	vmul.f32 v16, v7  }
0x2e8: {  	v19 =	vmul.f32 v17, v0;
	v11 =	vld [tilespmem:s3+$0x70];
	[tilespmem:s0+$0xE0] =	vst v12;
	v14 =	vsel vm4, v15, v14  }
0x2e9: {  	v63 =	vmul.f32 v18, v0;
	v12 =	vld [tilespmem:s3+$0xF0];
	[tilespmem:s0+$0x160] =	vst v14;
	v14 =	vsel vm5, v13, v16  }
0x2ea: {  	v17 =	vsel vm8, v19, v17;
	v13 =	vld [tilespmem:s3+$0x170];
	[tilespmem:s0+$0x1E0] =	vst v14;
	v16 =	vmul.f32 v10, v0  }
0x2eb: {  	s15 =	simm.s32 $0x142F0;
	s18 =	simm.s32 $0x0;
	v15 =	vmul.f32 v8, v0;
	[tilespmem:s0+$0xFFFFFE70] =	vst v17;
	v17 =	vsel vm7, v63, v18;
	v14 =	vld [tilespmem:s3+$0x1F0]  }
.LBB2_13:
0x2ec: {  	v18 =	vld [tilespmem:s15+$0x40];
	[tilespmem:s0+$0xFFFFFEF0] =	vst v17;
	v10 =	vsel vm1, v16, v10;
	v16 =	vmul.f32 v9, v0;
	s3 =	sadd.s32 $0x500, s3  }
0x2ed: {  	s18 =	sadd.s32 $0xA, s18;
	v17 =	vld [tilespmem:s3+$0x200];
	v15 =	vsel vm6, v15, v8;
	[tilespmem:s0+$0xFFFFFF70] =	vst v10;
	v10 =	vmul.f32 v11, v0  }
0x2ee: {  	p1 =	slt.u32 s18, $0x96;
	v8 =	vld [tilespmem:s3+$0xFFFFFD80];
	[tilespmem:s0+$0xFFFFFDF0] =	vst v15;
	v9 =	vsel vm0, v16, v9;
	v15 =	vmul.f32 v12, v0  }
0x2ef: {  	v16 =	vld [tilespmem:s15+$0xFFFFFFC0];
	[tilespmem:s0+$0xFFFFFFF0] =	vst v9;
	v9 =	vsel vm2, v10, v11;
	v10 =	vmul.f32 v13, v0  }
0x2f0: {  	v11 =	vld [tilespmem:s3+$0xFFFFFE00];
	[tilespmem:s0+$0x70] =	vst v9;
	v9 =	vsel vm3, v15, v12;
	v12 =	vmul.f32 v14, v0  }
0x2f1: {  	v15 =	vld [tilespmem:s15+$0xFFFFFFD0];
	[tilespmem:s0+$0xF0] =	vst v9;
	v9 =	vsel vm4, v10, v13  }
0x2f2: {  	vm0 =	vlt.f32 v18, $0.0e+00;
	vm1 =	vgt.f32 v18, $0.0e+00;
	v10 =	vld [tilespmem:s3+$0xFFFFFE80];
	v13 =	vmul.f32 v17, v1;
	[tilespmem:s0+$0x170] =	vst v9  }
0x2f3: {  	vm9 =	vmor vm1, vm0;
	v12 =	vsel vm5, v12, v14;
	v9 =	vmul.f32 v8, v1;
	v18 =	vld [tilespmem:s15+$0xFFFFFFE0]  }
0x2f4: {  	vm0 =	vlt.f32 v16, $0.0e+00;
	vm1 =	vgt.f32 v16, $0.0e+00;
	v14 =	vld [tilespmem:s3+$0xFFFFFF00];
	v13 =	vsel vm9, v13, v17;
	[tilespmem:s0+$0x1F0] =	vst v12;
	s0 =	sadd.s32 $0x500, s0  }
0x2f5: {  	vm7 =	vmor vm1, vm0;
	v12 =	vmul.f32 v11, v1;
	v16 =	vld [tilespmem:s15+$0xFFFFFFF0];
	[tilespmem:s0+$0x200] =	vst v13  }
0x2f6: {  	vm0 =	vlt.f32 v15, $0.0e+00;
	vm1 =	vgt.f32 v15, $0.0e+00;
	v13 =	vld [tilespmem:s3+$0x210]  }
0x2f7: {  	v11 =	vsel vm7, v12, v11;
	vm8 =	vmor vm1, vm0;
	v12 =	vmul.f32 v10, v1;
	v15 =	vld [tilespmem:s3+$0xFFFFFF80]  }
0x2f8: {  	[tilespmem:s0+$0xFFFFFE00] =	vst v11;
	vm0 =	vlt.f32 v18, $0.0e+00;
	vm1 =	vgt.f32 v18, $0.0e+00;
	v11 =	vld [tilespmem:s15+$0x0]  }
0x2f9: {  	v10 =	vsel vm8, v12, v10;
	vm1 =	vmor vm1, vm0;
	v12 =	vmul.f32 v14, v1;
	v17 =	vld [tilespmem:s3+$0x0]  }
0x2fa: {  	[tilespmem:s0+$0xFFFFFE80] =	vst v10;
	vm0 =	vlt.f32 v16, $0.0e+00;
	vm2 =	vgt.f32 v16, $0.0e+00;
	v10 =	vld [tilespmem:s15+$0x10]  }
0x2fb: {  	v12 =	vsel vm1, v12, v14;
	vm0 =	vmor vm2, vm0;
	v14 =	vld [tilespmem:s3+$0x80];
	v16 =	vmul.f32 v13, v2  }
0x2fc: {  	[tilespmem:s0+$0xFFFFFF00] =	vst v12;
	v12 =	vmul.f32 v15, v1;
	v18 =	vld [tilespmem:s15+$0x20]  }
0x2fd: {  	vm2 =	vlt.f32 v11, $0.0e+00;
	vm3 =	vgt.f32 v11, $0.0e+00;
	v11 =	vld [tilespmem:s3+$0x100];
	v13 =	vsel vm9, v16, v13  }
0x2fe: {  	v12 =	vsel vm0, v12, v15;
	vm2 =	vmor vm3, vm2;
	v15 =	vmul.f32 v17, v1;
	v16 =	vld [tilespmem:s15+$0x30];
	[tilespmem:s0+$0x210] =	vst v13  }
0x2ff: {  	[tilespmem:s0+$0xFFFFFF80] =	vst v12;
	vm3 =	vlt.f32 v10, $0.0e+00;
	vm4 =	vgt.f32 v10, $0.0e+00;
	v10 =	vld [tilespmem:s3+$0x220]  }
0x300: {  	v12 =	vsel vm2, v15, v17;
	vm3 =	vmor vm4, vm3;
	v13 =	vmul.f32 v14, v1;
	v15 =	vld [tilespmem:s3+$0x180]  }
0x301: {  	v17 =	vld [tilespmem:s15+$0xFFFFFFB0];
	[tilespmem:s0+$0x0] =	vst v12;
	vm4 =	vlt.f32 v18, $0.0e+00;
	vm5 =	vgt.f32 v18, $0.0e+00  }
0x302: {  	v12 =	vld [tilespmem:s3+$0xFFFFFE10];
	v13 =	vsel vm3, v13, v14;
	vm4 =	vmor vm5, vm4;
	v14 =	vmul.f32 v11, v1  }
0x303: {  	v18 =	vld [tilespmem:s3+$0xFFFFFE90];
	[tilespmem:s0+$0x80] =	vst v13;
	vm5 =	vlt.f32 v16, $0.0e+00;
	vm6 =	vgt.f32 v16, $0.0e+00  }
0x304: {  	v13 =	vld [tilespmem:s3+$0xFFFFFF10];
	v11 =	vsel vm4, v14, v11;
	vm5 =	vmor vm6, vm5;
	v14 =	vmul.f32 v10, v3  }
0x305: {  	v16 =	vld [tilespmem:s3+$0xFFFFFF90];
	[tilespmem:s0+$0x100] =	vst v11;
	v11 =	vmul.f32 v15, v1  }
0x306: {  	vm6 =	vlt.f32 v17, $0.0e+00;
	vm10 =	vgt.f32 v17, $0.0e+00;
	v17 =	vld [tilespmem:s3+$0x10];
	v10 =	vsel vm9, v14, v10  }
0x307: {  	vm6 =	vmor vm10, vm6;
	v14 =	vmul.f32 v12, v2;
	v19 =	vld [tilespmem:s3+$0x90];
	v11 =	vsel vm5, v11, v15;
	[tilespmem:s0+$0x220] =	vst v10  }
0x308: {  	v8 =	vsel vm6, v9, v8;
	v9 =	vmul.f32 v18, v2;
	[tilespmem:s0+$0x180] =	vst v11;
	v10 =	vld [tilespmem:s3+$0x230]  }
0x309: {  	[tilespmem:s0+$0xFFFFFD80] =	vst v8;
	v8 =	vsel vm7, v14, v12;
	v11 =	vmul.f32 v13, v2;
	v12 =	vld [tilespmem:s3+$0x110]  }
0x30a: {  	v14 =	vld [tilespmem:s3+$0xFFFFFD90];
	[tilespmem:s0+$0xFFFFFE10] =	vst v8;
	v8 =	vsel vm8, v9, v18;
	v9 =	vmul.f32 v16, v2  }
0x30b: {  	[tilespmem:s0+$0xFFFFFE90] =	vst v8;
	v8 =	vsel vm1, v11, v13;
	v11 =	vmul.f32 v17, v2;
	v13 =	vld [tilespmem:s3+$0x190]  }
0x30c: {  	v15 =	vld [tilespmem:s3+$0xFFFFFE20];
	[tilespmem:s0+$0xFFFFFF10] =	vst v8;
	v8 =	vsel vm0, v9, v16;
	v9 =	vmul.f32 v19, v2  }
0x30d: {  	v16 =	vld [tilespmem:s3+$0xFFFFFEA0];
	[tilespmem:s0+$0xFFFFFF90] =	vst v8;
	v8 =	vsel vm2, v11, v17;
	v11 =	vmul.f32 v10, v4  }
0x30e: {  	v17 =	vld [tilespmem:s3+$0xFFFFFF20];
	[tilespmem:s0+$0x10] =	vst v8;
	v8 =	vsel vm3, v9, v19;
	v9 =	vmul.f32 v12, v2  }
0x30f: {  	v18 =	vmul.f32 v14, v2;
	v19 =	vld [tilespmem:s3+$0xFFFFFFA0];
	[tilespmem:s0+$0x90] =	vst v8;
	v8 =	vsel vm9, v11, v10  }
0x310: {  	v10 =	vld [tilespmem:s3+$0x20];
	v9 =	vsel vm4, v9, v12;
	v11 =	vmul.f32 v13, v2;
	[tilespmem:s0+$0x230] =	vst v8  }
0x311: {  	v8 =	vsel vm6, v18, v14;
	v12 =	vmul.f32 v15, v3;
	[tilespmem:s0+$0x110] =	vst v9;
	v9 =	vld [tilespmem:s3+$0x240]  }
0x312: {  	[tilespmem:s0+$0xFFFFFD90] =	vst v8;
	v8 =	vmul.f32 v16, v3;
	v14 =	vld [tilespmem:s3+$0xA0];
	v11 =	vsel vm5, v11, v13  }
0x313: {  	v13 =	vld [tilespmem:s3+$0xFFFFFDA0];
	v12 =	vsel vm7, v12, v15;
	v15 =	vmul.f32 v17, v3;
	[tilespmem:s0+$0x190] =	vst v11  }
0x314: {  	[tilespmem:s0+$0xFFFFFE20] =	vst v12;
	v8 =	vsel vm8, v8, v16;
	v11 =	vmul.f32 v19, v3;
	v12 =	vld [tilespmem:s3+$0x120]  }
0x315: {  	[tilespmem:s0+$0xFFFFFEA0] =	vst v8;
	v8 =	vsel vm1, v15, v17;
	v15 =	vmul.f32 v10, v3;
	v16 =	vld [tilespmem:s3+$0x1A0]  }
0x316: {  	v17 =	vld [tilespmem:s3+$0xFFFFFE30];
	[tilespmem:s0+$0xFFFFFF20] =	vst v8;
	v8 =	vsel vm0, v11, v19;
	v11 =	vmul.f32 v9, v5  }
0x317: {  	v18 =	vld [tilespmem:s3+$0xFFFFFEB0];
	[tilespmem:s0+$0xFFFFFFA0] =	vst v8;
	v8 =	vsel vm2, v15, v10;
	v10 =	vmul.f32 v14, v3  }
0x318: {  	v15 =	vmul.f32 v13, v3;
	v19 =	vld [tilespmem:s3+$0xFFFFFF30];
	[tilespmem:s0+$0x20] =	vst v8;
	v8 =	vsel vm9, v11, v9  }
0x319: {  	v9 =	vld [tilespmem:s3+$0xFFFFFFB0];
	v10 =	vsel vm3, v10, v14;
	v11 =	vmul.f32 v12, v3;
	[tilespmem:s0+$0x240] =	vst v8  }
0x31a: {  	v8 =	vsel vm6, v15, v13;
	[tilespmem:s0+$0xA0] =	vst v10;
	v10 =	vmul.f32 v16, v3;
	v13 =	vld [tilespmem:s3+$0x250]  }
0x31b: {  	[tilespmem:s0+$0xFFFFFDA0] =	vst v8;
	v8 =	vmul.f32 v17, v4;
	v14 =	vld [tilespmem:s3+$0x30];
	v11 =	vsel vm4, v11, v12  }
0x31c: {  	v12 =	vld [tilespmem:s3+$0xFFFFFDB0];
	v15 =	vmul.f32 v18, v4;
	[tilespmem:s0+$0x120] =	vst v11;
	v10 =	vsel vm5, v10, v16  }
0x31d: {  	v8 =	vsel vm7, v8, v17;
	v11 =	vmul.f32 v19, v4;
	v16 =	vld [tilespmem:s3+$0xB0];
	[tilespmem:s0+$0x1A0] =	vst v10  }
0x31e: {  	[tilespmem:s0+$0xFFFFFE30] =	vst v8;
	v8 =	vsel vm8, v15, v18;
	v10 =	vmul.f32 v9, v4;
	v15 =	vld [tilespmem:s3+$0x130]  }
0x31f: {  	[tilespmem:s0+$0xFFFFFEB0] =	vst v8;
	v8 =	vsel vm1, v11, v19;
	v11 =	vld [tilespmem:s3+$0x1B0];
	v17 =	vmul.f32 v13, v6  }
0x320: {  	v18 =	vld [tilespmem:s3+$0xFFFFFE40];
	[tilespmem:s0+$0xFFFFFF30] =	vst v8;
	v8 =	vsel vm0, v10, v9;
	v9 =	vmul.f32 v14, v4  }
0x321: {  	v10 =	vmul.f32 v12, v4;
	v19 =	vld [tilespmem:s3+$0xFFFFFEC0];
	[tilespmem:s0+$0xFFFFFFB0] =	vst v8;
	v8 =	vsel vm9, v17, v13  }
0x322: {  	v13 =	vld [tilespmem:s3+$0xFFFFFF40];
	v9 =	vsel vm2, v9, v14;
	v14 =	vmul.f32 v16, v4;
	[tilespmem:s0+$0x250] =	vst v8  }
0x323: {  	v8 =	vsel vm6, v10, v12;
	[tilespmem:s0+$0x30] =	vst v9;
	v9 =	vmul.f32 v15, v4;
	v10 =	vld [tilespmem:s3+$0x260]  }
0x324: {  	[tilespmem:s0+$0xFFFFFDB0] =	vst v8;
	v8 =	vld [tilespmem:s3+$0xFFFFFFC0];
	v12 =	vsel vm3, v14, v16;
	v14 =	vmul.f32 v11, v4  }
0x325: {  	v16 =	vld [tilespmem:s3+$0xFFFFFDC0];
	v17 =	vmul.f32 v18, v5;
	[tilespmem:s0+$0xB0] =	vst v12;
	v9 =	vsel vm4, v9, v15  }
0x326: {  	v12 =	vmul.f32 v19, v5;
	v15 =	vld [tilespmem:s3+$0x40];
	[tilespmem:s0+$0x130] =	vst v9;
	v9 =	vsel vm5, v14, v11  }
0x327: {  	v11 =	vsel vm7, v17, v18;
	v14 =	vmul.f32 v13, v5;
	v17 =	vld [tilespmem:s3+$0xC0];
	[tilespmem:s0+$0x1B0] =	vst v9  }
0x328: {  	[tilespmem:s0+$0xFFFFFE40] =	vst v11;
	v9 =	vsel vm8, v12, v19;
	v11 =	vld [tilespmem:s3+$0x140];
	v12 =	vmul.f32 v10, v7  }
0x329: {  	[tilespmem:s0+$0xFFFFFEC0] =	vst v9;
	v9 =	vsel vm1, v14, v13;
	v13 =	vmul.f32 v8, v5;
	v14 =	vld [tilespmem:s3+$0x1C0]  }
0x32a: {  	v18 =	vmul.f32 v16, v5;
	v19 =	vld [tilespmem:s3+$0xFFFFFE50];
	[tilespmem:s0+$0xFFFFFF40] =	vst v9;
	v9 =	vsel vm9, v12, v10  }
0x32b: {  	v10 =	vld [tilespmem:s3+$0xFFFFFED0];
	v8 =	vsel vm0, v13, v8;
	v12 =	vmul.f32 v15, v5;
	[tilespmem:s0+$0x260] =	vst v9  }
0x32c: {  	v9 =	vsel vm6, v18, v16;
	[tilespmem:s0+$0xFFFFFFC0] =	vst v8;
	v8 =	vmul.f32 v17, v5;
	v13 =	vld [tilespmem:s3+$0x270]  }
0x32d: {  	[tilespmem:s0+$0xFFFFFDC0] =	vst v9;
	v9 =	vld [tilespmem:s3+$0xFFFFFF50];
	v12 =	vsel vm2, v12, v15;
	v15 =	vmul.f32 v11, v5  }
0x32e: {  	v16 =	vld [tilespmem:s3+$0xFFFFFDD0];
	[tilespmem:s0+$0x40] =	vst v12;
	v8 =	vsel vm3, v8, v17;
	v12 =	vmul.f32 v14, v5  }
0x32f: {  	v17 =	vmul.f32 v19, v6;
	v18 =	vld [tilespmem:s3+$0xFFFFFFD0];
	[tilespmem:s0+$0xC0] =	vst v8;
	v8 =	vsel vm4, v15, v11  }
0x330: {  	v11 =	vmul.f32 v10, v6;
	v15 =	vld [tilespmem:s3+$0x50];
	[tilespmem:s0+$0x140] =	vst v8;
	v8 =	vsel vm5, v12, v14  }
0x331: {  	v12 =	vsel vm7, v17, v19;
	v14 =	vld [tilespmem:s3+$0xD0];
	[tilespmem:s0+$0x1C0] =	vst v8;
	v8 =	vmul.f32 v13, v0  }
0x332: {  	[tilespmem:s0+$0xFFFFFE50] =	vst v12;
	v10 =	vsel vm8, v11, v10;
	v11 =	vmul.f32 v9, v6;
	v12 =	vld [tilespmem:s3+$0x150]  }
0x333: {  	v17 =	vmul.f32 v16, v6;
	[tilespmem:s0+$0xFFFFFED0] =	vst v10;
	v10 =	vld [tilespmem:s3+$0x1D0];
	v8 =	vsel vm9, v8, v13  }
0x334: {  	v13 =	vld [tilespmem:s3+$0xFFFFFE60];
	v9 =	vsel vm1, v11, v9;
	v11 =	vmul.f32 v18, v6;
	[tilespmem:s0+$0x270] =	vst v8  }
0x335: {  	v8 =	vsel vm6, v17, v16;
	v16 =	vld [tilespmem:s3+$0xFFFFFEE0];
	[tilespmem:s0+$0xFFFFFF50] =	vst v9;
	v9 =	vmul.f32 v15, v6  }
0x336: {  	[tilespmem:s0+$0xFFFFFDD0] =	vst v8;
	v8 =	vld [tilespmem:s3+$0xFFFFFF60];
	v11 =	vsel vm0, v11, v18;
	v17 =	vmul.f32 v14, v6  }
0x337: {  	v18 =	vld [tilespmem:s3+$0xFFFFFDE0];
	[tilespmem:s0+$0xFFFFFFD0] =	vst v11;
	v9 =	vsel vm2, v9, v15;
	v11 =	vmul.f32 v12, v6  }
0x338: {  	v15 =	vld [tilespmem:s3+$0xFFFFFFE0];
	[tilespmem:s0+$0x50] =	vst v9;
	v9 =	vsel vm3, v17, v14;
	v14 =	vmul.f32 v10, v6  }
0x339: {  	v17 =	vmul.f32 v13, v7;
	v19 =	vld [tilespmem:s3+$0x60];
	[tilespmem:s0+$0xD0] =	vst v9;
	v9 =	vsel vm4, v11, v12  }
0x33a: {  	v11 =	vmul.f32 v16, v7;
	v12 =	vld [tilespmem:s3+$0xE0];
	[tilespmem:s0+$0x150] =	vst v9;
	v9 =	vsel vm5, v14, v10  }
0x33b: {  	v10 =	vsel vm7, v17, v13;
	v13 =	vmul.f32 v8, v7;
	v14 =	vld [tilespmem:s3+$0x160];
	[tilespmem:s0+$0x1D0] =	vst v9  }
0x33c: {  	v9 =	vmul.f32 v18, v7;
	[tilespmem:s0+$0xFFFFFE60] =	vst v10;
	v10 =	vsel vm8, v11, v16;
	v16 =	vld [tilespmem:s3+$0x1E0]  }
0x33d: {  	v17 =	vld [tilespmem:s3+$0xFFFFFE70];
	[tilespmem:s0+$0xFFFFFEE0] =	vst v10;
	v8 =	vsel vm1, v13, v8;
	v11 =	vmul.f32 v15, v7  }
0x33e: {  	v9 =	vsel vm6, v9, v18;
	v18 =	vld [tilespmem:s3+$0xFFFFFEF0];
	[tilespmem:s0+$0xFFFFFF60] =	vst v8;
	v13 =	vmul.f32 v19, v7  }
0x33f: {  	[tilespmem:s0+$0xFFFFFDE0] =	vst v9;
	v10 =	vld [tilespmem:s3+$0xFFFFFF70];
	v9 =	vsel vm0, v11, v15;
	v11 =	vmul.f32 v12, v7  }
0x340: {  	v8 =	vld [tilespmem:s3+$0xFFFFFDF0];
	[tilespmem:s0+$0xFFFFFFE0] =	vst v9;
	v13 =	vsel vm2, v13, v19;
	v15 =	vmul.f32 v14, v7  }
.Ltmp7:
0x341: {  	v9 =	vld [tilespmem:s3+$0xFFFFFFF0];
	[tilespmem:s0+$0x60] =	vst v13;
	v12 =	vsel vm3, v11, v12;
	v13 =	vmul.f32 v16, v7;
	(pc) =	sbr.rel @p1 .LBB2_13-.Ltmp7, $4  }
0x342: {  	v19 =	vmul.f32 v17, v0;
	v11 =	vld [tilespmem:s3+$0x70];
	[tilespmem:s0+$0xE0] =	vst v12;
	v14 =	vsel vm4, v15, v14  }
0x343: {  	v20 =	vmul.f32 v18, v0;
	v12 =	vld [tilespmem:s3+$0xF0];
	[tilespmem:s0+$0x160] =	vst v14;
	v14 =	vsel vm5, v13, v16  }
0x344: {  	v17 =	vsel vm7, v19, v17;
	v16 =	vmul.f32 v10, v0;
	v13 =	vld [tilespmem:s3+$0x170];
	[tilespmem:s0+$0x1E0] =	vst v14  }
0x345: {  	s15 =	sadd.s32 $0xA0, s15;
	v15 =	vmul.f32 v8, v0;
	[tilespmem:s0+$0xFFFFFE70] =	vst v17;
	v17 =	vsel vm8, v20, v18;
	v14 =	vld [tilespmem:s3+$0x1F0]  }
0x346: {  	[tilespmem:s0+$0xFFFFFEF0] =	vst v17;
	v10 =	vsel vm1, v16, v10;
	v59 =	vmul.f32 v9, v0  }
0x347: {  	v8 =	vsel vm6, v15, v8;
	[tilespmem:s0+$0xFFFFFF70] =	vst v10;
	v60 =	vmul.f32 v11, v0  }
0x348: {  	s31 =	sadd.s32 $0x1, s31;
	[tilespmem:s0+$0xFFFFFDF0] =	vst v8;
	v8 =	vsel vm0, v59, v9;
	v61 =	vmul.f32 v12, v0  }
0x349: {  	p1 =	sne.s32 s31, $0x9;
	[tilespmem:s0+$0xFFFFFFF0] =	vst v8;
	v8 =	vsel vm2, v60, v11;
	v62 =	vmul.f32 v13, v0  }
.Ltmp8:
0x34a: {  	[tilespmem:s0+$0x70] =	vst v8;
	v8 =	vsel vm3, v61, v12;
	v63 =	vmul.f32 v14, v0;
	(pc) =	sbr.rel @p1 .LBB2_6-.Ltmp8, $4  }
0x34b: {  	[tilespmem:s0+$0xF0] =	vst v8;
	v8 =	vsel vm4, v62, v13  }
0x34c: {  	[tilespmem:s0+$0x170] =	vst v8;
	v8 =	vsel vm5, v63, v14  }
0x34d: {  	s22 =	sadd.s32 s4, s2;
	[tilespmem:s0+$0x1F0] =	vst v8  }
0x34e: {  	[hbm4b:s22+s5] =	stream.linear.scatter [tilespmem:s24], [sflag:$0x3], $0x5000, $0x38;
	[tilespmem:$0x15680] =	vst v63  }
0x34f: {  	_ =	swait.ge [sflag:s29], $0x5000  }
.Ltmp9:
0x350: {  	[sflag:s29] =	ssyncset.done $0x0;
	(pc) =	sbr.rel @p0 .LBB2_21-.Ltmp9, $4  }
0x351: {  	[sflag:s29] =	ssyncadd.s32 $0xFFFFB000  }
0x352: {  	_ =	swait.ge [sflag:s28], $0x5000  }
0x353: {  	[sflag:s28] =	ssyncset.done $0x0  }
0x354: {  	[sflag:s28] =	ssyncadd.s32 $0xFFFFB000  }
0x355: {  	_ =	swait.ge [sflag:s25], $0x5000  }
0x356: {  	[sflag:s25] =	ssyncset.done $0x0  }
0x357: {  	[sflag:s25] =	ssyncadd.s32 $0xFFFFB000  }
0x358: {  	_ =	swait.ge [sflag:s25], $0xA0  }
0x359: {  	[sflag:s25] =	ssyncset.done $0x0  }
0x35a: {  	s0 =	simm.s32 $0xA110;
	[sflag:s25] =	ssyncadd.s32 $0xFFFFFF60  }
0x35b: {  	v8 =	vld [tilespmem:s0+$0x0]  }
0x35c: {  	v9 =	vld [tilespmem:s0+$0xFFFFFFF0];
	_ =	sdelay $0x3  }
0x35d: {  	v10 =	vbroadcast v8, $0xF  }
0x35e: {  	s3 =	simm.s32 $0x14D00;
	v11 =	vbroadcast v9, $0x0  }
0x35f: {  	v12 =	vbroadcast v9, $0x1;
	[tilespmem:s3+$0xF0] =	vst v10  }
0x360: {  	v13 =	vbroadcast v8, $0x5;
	[tilespmem:s3+$0xFFFFFF00] =	vst v11  }
0x361: {  	v14 =	vbroadcast v8, $0x6;
	[tilespmem:s3+$0xFFFFFF10] =	vst v12  }
0x362: {  	v15 =	vbroadcast v8, $0x7;
	[tilespmem:s3+$0x50] =	vst v13  }
0x363: {  	v10 =	vbroadcast v9, $0x2;
	[tilespmem:s3+$0x60] =	vst v14  }
0x364: {  	v11 =	vbroadcast v9, $0x3;
	[tilespmem:s3+$0x70] =	vst v15  }
0x365: {  	v12 =	vbroadcast v9, $0x4;
	[tilespmem:s3+$0xFFFFFF20] =	vst v10  }
0x366: {  	v10 =	vbroadcast v9, $0x5;
	[tilespmem:s3+$0xFFFFFF30] =	vst v11  }
0x367: {  	v11 =	vbroadcast v9, $0x6;
	[tilespmem:s3+$0xFFFFFF40] =	vst v12  }
0x368: {  	v12 =	vbroadcast v9, $0x7;
	[tilespmem:s3+$0xFFFFFF50] =	vst v10  }
0x369: {  	v10 =	vbroadcast v9, $0x8;
	[tilespmem:s3+$0xFFFFFF60] =	vst v11  }
0x36a: {  	v11 =	vbroadcast v9, $0x9;
	[tilespmem:s3+$0xFFFFFF70] =	vst v12  }
0x36b: {  	v12 =	vbroadcast v9, $0xA;
	[tilespmem:s3+$0xFFFFFF80] =	vst v10  }
0x36c: {  	v10 =	vbroadcast v9, $0xB;
	[tilespmem:s3+$0xFFFFFF90] =	vst v11  }
0x36d: {  	v11 =	vbroadcast v9, $0xC;
	[tilespmem:s3+$0xFFFFFFA0] =	vst v12  }
0x36e: {  	v12 =	vbroadcast v9, $0xD;
	[tilespmem:s3+$0xFFFFFFB0] =	vst v10  }
0x36f: {  	v10 =	vbroadcast v9, $0xE;
	[tilespmem:s3+$0xFFFFFFC0] =	vst v11  }
0x370: {  	v9 =	vbroadcast v9, $0xF;
	[tilespmem:s3+$0xFFFFFFD0] =	vst v12  }
0x371: {  	v11 =	vbroadcast v8, $0x0;
	[tilespmem:s3+$0xFFFFFFE0] =	vst v10  }
0x372: {  	v12 =	vbroadcast v8, $0x4;
	[tilespmem:s3+$0xFFFFFFF0] =	vst v9  }
0x373: {  	v13 =	vbroadcast v8, $0xB;
	v10 =	vbroadcast v8, $0x1;
	[tilespmem:s3+$0x0] =	vst v11  }
0x374: {  	v14 =	vbroadcast v8, $0xD;
	v11 =	vbroadcast v8, $0x3;
	[tilespmem:s3+$0x40] =	vst v12  }
0x375: {  	v9 =	vbroadcast v8, $0x2;
	v12 =	vbroadcast v8, $0xC;
	[tilespmem:s3+$0x10] =	vst v10  }
0x376: {  	[tilespmem:s3+$0x30] =	vst v11;
	v10 =	vbroadcast v8, $0x8;
	v11 =	vbroadcast v8, $0x9  }
0x377: {  	s8 =	simm.s32 $0x0;
	s18 =	simm.s32 $0xA130;
	[tilespmem:s3+$0x20] =	vst v9;
	v9 =	vbroadcast v8, $0xA;
	v8 =	vbroadcast v8, $0xE  }
.LBB2_17:
0x378: {  	v15 =	vld [tilespmem:s18+$0x0];
	s8 =	sadd.s32 $0x2, s8;
	[tilespmem:s3+$0x80] =	vst v10  }
0x379: {  	v10 =	vld [tilespmem:s18+$0xFFFFFFF0];
	p1 =	slt.u32 s8, $0x8;
	[tilespmem:s3+$0x90] =	vst v11  }
0x37a: {  	[tilespmem:s3+$0xA0] =	vst v9  }
0x37b: {  	[tilespmem:s3+$0xB0] =	vst v13  }
0x37c: {  	[tilespmem:s3+$0xC0] =	vst v12  }
0x37d: {  	v16 =	vbroadcast v15, $0x0;
	v9 =	vbroadcast v15, $0xF;
	[tilespmem:s3+$0xD0] =	vst v14  }
0x37e: {  	s15 =	simm.s32 $0x14C50;
	v11 =	vbroadcast v10, $0x0;
	v12 =	vbroadcast v10, $0x1;
	[tilespmem:s3+$0xE0] =	vst v8;
	s3 =	sadd.s32 $0x200, s3  }
0x37f: {  	s2 =	simm.s32 $0x5280;
	s0 =	simm.s32 $0xF480;
	v8 =	vbroadcast v10, $0x2;
	v13 =	vbroadcast v10, $0x3;
	[tilespmem:s3+$0xF0] =	vst v9  }
0x380: {  	v9 =	vbroadcast v10, $0x4;
	[tilespmem:s3+$0xFFFFFF00] =	vst v11;
	v11 =	vbroadcast v10, $0x5  }
0x381: {  	v14 =	vbroadcast v10, $0x7;
	[tilespmem:s3+$0xFFFFFF10] =	vst v12;
	v12 =	vbroadcast v10, $0x6  }
0x382: {  	v17 =	vbroadcast v10, $0x9;
	[tilespmem:s3+$0xFFFFFF20] =	vst v8;
	v8 =	vbroadcast v10, $0x8  }
0x383: {  	v18 =	vbroadcast v10, $0xB;
	[tilespmem:s3+$0xFFFFFF30] =	vst v13;
	v13 =	vbroadcast v10, $0xA  }
0x384: {  	v19 =	vbroadcast v10, $0xC;
	v20 =	vbroadcast v10, $0xD;
	[tilespmem:s3+$0xFFFFFF40] =	vst v9  }
0x385: {  	v21 =	vbroadcast v10, $0xE;
	v22 =	vbroadcast v10, $0xF;
	[tilespmem:s3+$0xFFFFFF50] =	vst v11  }
0x386: {  	v23 =	vbroadcast v15, $0x1;
	v24 =	vbroadcast v15, $0x2;
	[tilespmem:s3+$0xFFFFFF60] =	vst v12  }
0x387: {  	v25 =	vbroadcast v15, $0x3;
	v26 =	vbroadcast v15, $0x4;
	[tilespmem:s3+$0xFFFFFF70] =	vst v14  }
0x388: {  	v27 =	vbroadcast v15, $0x5;
	v28 =	vbroadcast v15, $0x6;
	[tilespmem:s3+$0xFFFFFF80] =	vst v8  }
0x389: {  	v10 =	vbroadcast v15, $0x8;
	[tilespmem:s3+$0xFFFFFF90] =	vst v17;
	v17 =	vbroadcast v15, $0x7  }
0x38a: {  	v9 =	vbroadcast v15, $0xA;
	v11 =	vbroadcast v15, $0x9;
	[tilespmem:s3+$0xFFFFFFA0] =	vst v13  }
0x38b: {  	v12 =	vbroadcast v15, $0xC;
	v13 =	vbroadcast v15, $0xB;
	[tilespmem:s3+$0xFFFFFFB0] =	vst v18  }
0x38c: {  	v14 =	vbroadcast v15, $0xD;
	v8 =	vbroadcast v15, $0xE;
	[tilespmem:s3+$0xFFFFFFC0] =	vst v19  }
0x38d: {  	[tilespmem:s3+$0xFFFFFFD0] =	vst v20  }
0x38e: {  	[tilespmem:s3+$0xFFFFFFE0] =	vst v21  }
0x38f: {  	[tilespmem:s3+$0xFFFFFFF0] =	vst v22  }
0x390: {  	[tilespmem:s3+$0x0] =	vst v16  }
0x391: {  	[tilespmem:s3+$0x10] =	vst v23  }
0x392: {  	[tilespmem:s3+$0x20] =	vst v24  }
.Ltmp10:
0x393: {  	[tilespmem:s3+$0x30] =	vst v25;
	(pc) =	sbr.rel @p1 .LBB2_17-.Ltmp10, $4  }
0x394: {  	[tilespmem:s3+$0x40] =	vst v26  }
0x395: {  	[tilespmem:s3+$0x50] =	vst v27  }
0x396: {  	[tilespmem:s3+$0x60] =	vst v28  }
0x397: {  	s18 =	sadd.s32 $0x20, s18;
	[tilespmem:s3+$0x70] =	vst v17  }
0x398: {  	[tilespmem:s3+$0x80] =	vst v10  }
0x399: {  	[tilespmem:s3+$0x90] =	vst v11  }
0x39a: {  	[tilespmem:s3+$0xA0] =	vst v9  }
0x39b: {  	[tilespmem:s3+$0xB0] =	vst v13  }
0x39c: {  	[tilespmem:s3+$0xC0] =	vst v12  }
0x39d: {  	[tilespmem:s3+$0xD0] =	vst v14  }
0x39e: {  	[tilespmem:s3+$0xE0] =	vst v8  }
0x39f: {  	v8 =	vld [tilespmem:s15+$0x40]  }
0x3a0: {  	v9 =	vld [tilespmem:s2+$0x200]  }
0x3a1: {  	v10 =	vld [tilespmem:s2+$0xFFFFFD80]  }
0x3a2: {  	v11 =	vld [tilespmem:s15+$0xFFFFFFC0]  }
0x3a3: {  	v12 =	vld [tilespmem:s2+$0xFFFFFE00]  }
0x3a4: {  	v13 =	vld [tilespmem:s15+$0xFFFFFFD0]  }
0x3a5: {  	v14 =	vld [tilespmem:s2+$0xFFFFFE80];
	vm0 =	vlt.f32 v8, $0.0e+00;
	vm1 =	vgt.f32 v8, $0.0e+00;
	v8 =	vmul.f32 v9, v1  }
0x3a6: {  	v15 =	vld [tilespmem:s15+$0xFFFFFFE0];
	vm9 =	vmor vm1, vm0  }
0x3a7: {  	v19 =	vld [tilespmem:s15+$0x0];
	v8 =	vsel vm9, v8, v9  }
0x3a8: {  	v16 =	vld [tilespmem:s2+$0xFFFFFF00];
	[tilespmem:s0+$0x200] =	vst v8  }
0x3a9: {  	v8 =	vld [tilespmem:s2+$0x210]  }
0x3aa: {  	v18 =	vld [tilespmem:s2+$0xFFFFFF80];
	v17 =	vmul.f32 v10, v1  }
0x3ab: {  	vm0 =	vlt.f32 v11, $0.0e+00;
	vm1 =	vgt.f32 v11, $0.0e+00;
	v11 =	vmul.f32 v12, v1;
	v9 =	vld [tilespmem:s15+$0xFFFFFFF0]  }
0x3ac: {  	v20 =	vld [tilespmem:s15+$0x10];
	vm3 =	vgt.f32 v19, $0.0e+00;
	vm8 =	vmor vm1, vm0;
	vm0 =	vlt.f32 v13, $0.0e+00  }
0x3ad: {  	vm1 =	vgt.f32 v13, $0.0e+00;
	v13 =	vld [tilespmem:s2+$0x0];
	v11 =	vsel vm8, v11, v12;
	v12 =	vmul.f32 v14, v1  }
0x3ae: {  	v22 =	vld [tilespmem:s15+$0x20];
	vm7 =	vmor vm1, vm0;
	vm0 =	vlt.f32 v15, $0.0e+00;
	v21 =	vmul.f32 v8, v2  }
0x3af: {  	vm1 =	vgt.f32 v15, $0.0e+00;
	v15 =	vld [tilespmem:s2+$0x80];
	v12 =	vsel vm7, v12, v14;
	v14 =	vmul.f32 v16, v1  }
0x3b0: {  	v62 =	vld [tilespmem:s15+$0x30];
	vm1 =	vmor vm1, vm0;
	vm0 =	vlt.f32 v9, $0.0e+00;
	v8 =	vsel vm9, v21, v8  }
0x3b1: {  	vm2 =	vgt.f32 v9, $0.0e+00;
	v9 =	vld [tilespmem:s2+$0x100];
	v14 =	vsel vm1, v14, v16;
	v16 =	vmul.f32 v18, v1;
	[tilespmem:s0+$0x210] =	vst v8  }
0x3b2: {  	vm0 =	vmor vm2, vm0;
	vm2 =	vlt.f32 v19, $0.0e+00;
	v8 =	vmul.f32 v13, v1;
	v19 =	vld [tilespmem:s2+$0x220]  }
0x3b3: {  	vm4 =	vgt.f32 v20, $0.0e+00;
	[tilespmem:s0+$0xFFFFFE00] =	vst v11;
	v11 =	vsel vm0, v16, v18;
	vm2 =	vmor vm3, vm2;
	v16 =	vld [tilespmem:s2+$0x180]  }
0x3b4: {  	[tilespmem:s0+$0xFFFFFE80] =	vst v12;
	v12 =	vmul.f32 v15, v1;
	vm3 =	vlt.f32 v20, $0.0e+00;
	v8 =	vsel vm2, v8, v13;
	v13 =	vld [tilespmem:s15+$0xFFFFFFB0]  }
0x3b5: {  	vm5 =	vgt.f32 v22, $0.0e+00;
	vm6 =	vgt.f32 v62, $0.0e+00;
	[tilespmem:s0+$0xFFFFFF00] =	vst v14;
	v14 =	vld [tilespmem:s2+$0xFFFFFE10];
	vm3 =	vmor vm4, vm3  }
0x3b6: {  	vm4 =	vlt.f32 v22, $0.0e+00;
	[tilespmem:s0+$0xFFFFFF80] =	vst v11;
	v11 =	vsel vm3, v12, v15;
	v15 =	vld [tilespmem:s2+$0xFFFFFE90];
	v12 =	vmul.f32 v9, v1  }
0x3b7: {  	vm4 =	vmor vm5, vm4;
	vm5 =	vlt.f32 v62, $0.0e+00;
	[tilespmem:s0+$0x0] =	vst v8;
	v8 =	vld [tilespmem:s2+$0xFFFFFF10];
	v18 =	vmul.f32 v19, v3  }
0x3b8: {  	[tilespmem:s0+$0x80] =	vst v11;
	vm5 =	vmor vm6, vm5;
	v11 =	vld [tilespmem:s2+$0xFFFFFF90];
	v9 =	vsel vm4, v12, v9;
	v12 =	vmul.f32 v16, v1  }
0x3b9: {  	[tilespmem:s0+$0x100] =	vst v9;
	v9 =	vld [tilespmem:s2+$0x10];
	vm6 =	vlt.f32 v13, $0.0e+00;
	vm10 =	vgt.f32 v13, $0.0e+00;
	v13 =	vsel vm9, v18, v19  }
0x3ba: {  	v12 =	vsel vm5, v12, v16;
	vm6 =	vmor vm10, vm6;
	v18 =	vmul.f32 v14, v2;
	v19 =	vld [tilespmem:s2+$0x90];
	[tilespmem:s0+$0x220] =	vst v13  }
0x3bb: {  	[tilespmem:s0+$0x180] =	vst v12;
	v10 =	vsel vm6, v17, v10;
	v13 =	vmul.f32 v15, v2;
	v12 =	vld [tilespmem:s2+$0x230]  }
0x3bc: {  	v16 =	vld [tilespmem:s2+$0x110];
	[tilespmem:s0+$0xFFFFFD80] =	vst v10;
	v10 =	vsel vm8, v18, v14;
	v14 =	vmul.f32 v8, v2  }
0x3bd: {  	v17 =	vld [tilespmem:s2+$0xFFFFFD90];
	[tilespmem:s0+$0xFFFFFE10] =	vst v10;
	v10 =	vsel vm7, v13, v15;
	v13 =	vmul.f32 v11, v2  }
0x3be: {  	[tilespmem:s0+$0xFFFFFE90] =	vst v10;
	v8 =	vsel vm1, v14, v8;
	v10 =	vmul.f32 v9, v2;
	v14 =	vld [tilespmem:s2+$0x190]  }
0x3bf: {  	v15 =	vld [tilespmem:s2+$0xFFFFFE20];
	[tilespmem:s0+$0xFFFFFF10] =	vst v8;
	v8 =	vsel vm0, v13, v11;
	v11 =	vmul.f32 v19, v2  }
0x3c0: {  	v13 =	vld [tilespmem:s2+$0xFFFFFEA0];
	[tilespmem:s0+$0xFFFFFF90] =	vst v8;
	v8 =	vsel vm2, v10, v9;
	v9 =	vmul.f32 v12, v4  }
0x3c1: {  	v10 =	vld [tilespmem:s2+$0xFFFFFF20];
	[tilespmem:s0+$0x10] =	vst v8;
	v8 =	vsel vm3, v11, v19;
	v11 =	vmul.f32 v16, v2  }
0x3c2: {  	v19 =	vld [tilespmem:s2+$0xFFFFFFA0];
	v18 =	vmul.f32 v17, v2;
	[tilespmem:s0+$0x90] =	vst v8;
	v8 =	vsel vm9, v9, v12  }
0x3c3: {  	v9 =	vld [tilespmem:s2+$0x20];
	v11 =	vsel vm4, v11, v16;
	v12 =	vmul.f32 v14, v2;
	[tilespmem:s0+$0x230] =	vst v8  }
0x3c4: {  	v16 =	vmul.f32 v15, v3;
	v8 =	vsel vm6, v18, v17;
	[tilespmem:s0+$0x110] =	vst v11;
	v11 =	vld [tilespmem:s2+$0x240]  }
0x3c5: {  	v17 =	vld [tilespmem:s2+$0xA0];
	[tilespmem:s0+$0xFFFFFD90] =	vst v8;
	v8 =	vmul.f32 v13, v3;
	v12 =	vsel vm5, v12, v14  }
0x3c6: {  	v15 =	vsel vm8, v16, v15;
	v16 =	vmul.f32 v10, v3;
	v14 =	vld [tilespmem:s2+$0xFFFFFDA0];
	[tilespmem:s0+$0x190] =	vst v12  }
0x3c7: {  	[tilespmem:s0+$0xFFFFFE20] =	vst v15;
	v12 =	vmul.f32 v19, v3;
	v8 =	vsel vm7, v8, v13;
	v13 =	vld [tilespmem:s2+$0x120]  }
0x3c8: {  	v15 =	vld [tilespmem:s2+$0x1A0];
	[tilespmem:s0+$0xFFFFFEA0] =	vst v8;
	v8 =	vsel vm1, v16, v10;
	v10 =	vmul.f32 v9, v3  }
0x3c9: {  	v16 =	vld [tilespmem:s2+$0xFFFFFE30];
	[tilespmem:s0+$0xFFFFFF20] =	vst v8;
	v8 =	vsel vm0, v12, v19;
	v12 =	vmul.f32 v11, v5  }
0x3ca: {  	v18 =	vld [tilespmem:s2+$0xFFFFFEB0];
	[tilespmem:s0+$0xFFFFFFA0] =	vst v8;
	v8 =	vsel vm2, v10, v9;
	v9 =	vmul.f32 v17, v3  }
0x3cb: {  	v19 =	vld [tilespmem:s2+$0xFFFFFF30];
	v10 =	vmul.f32 v14, v3;
	[tilespmem:s0+$0x20] =	vst v8;
	v8 =	vsel vm9, v12, v11  }
0x3cc: {  	v11 =	vld [tilespmem:s2+$0xFFFFFFB0];
	v9 =	vsel vm3, v9, v17;
	v12 =	vmul.f32 v13, v3;
	[tilespmem:s0+$0x240] =	vst v8  }
0x3cd: {  	v8 =	vsel vm6, v10, v14;
	[tilespmem:s0+$0xA0] =	vst v9;
	v9 =	vmul.f32 v15, v3;
	v10 =	vld [tilespmem:s2+$0x250]  }
0x3ce: {  	v14 =	vld [tilespmem:s2+$0x30];
	[tilespmem:s0+$0xFFFFFDA0] =	vst v8;
	v8 =	vmul.f32 v16, v4;
	v12 =	vsel vm4, v12, v13  }
0x3cf: {  	v17 =	vmul.f32 v18, v4;
	v13 =	vld [tilespmem:s2+$0xFFFFFDB0];
	[tilespmem:s0+$0x120] =	vst v12;
	v9 =	vsel vm5, v9, v15  }
0x3d0: {  	v12 =	vmul.f32 v19, v4;
	v15 =	vld [tilespmem:s2+$0xB0];
	v8 =	vsel vm8, v8, v16;
	[tilespmem:s0+$0x1A0] =	vst v9  }
0x3d1: {  	v16 =	vld [tilespmem:s2+$0x130];
	[tilespmem:s0+$0xFFFFFE30] =	vst v8;
	v8 =	vsel vm7, v17, v18;
	v9 =	vmul.f32 v11, v4  }
0x3d2: {  	[tilespmem:s0+$0xFFFFFEB0] =	vst v8;
	v8 =	vsel vm1, v12, v19;
	v12 =	vld [tilespmem:s2+$0x1B0];
	v17 =	vmul.f32 v10, v6  }
0x3d3: {  	v18 =	vld [tilespmem:s2+$0xFFFFFE40];
	[tilespmem:s0+$0xFFFFFF30] =	vst v8;
	v8 =	vsel vm0, v9, v11;
	v9 =	vmul.f32 v14, v4  }
0x3d4: {  	v19 =	vld [tilespmem:s2+$0xFFFFFEC0];
	v11 =	vmul.f32 v13, v4;
	[tilespmem:s0+$0xFFFFFFB0] =	vst v8;
	v8 =	vsel vm9, v17, v10  }
0x3d5: {  	v10 =	vld [tilespmem:s2+$0xFFFFFF40];
	v9 =	vsel vm2, v9, v14;
	v14 =	vmul.f32 v15, v4;
	[tilespmem:s0+$0x250] =	vst v8  }
0x3d6: {  	v8 =	vsel vm6, v11, v13;
	[tilespmem:s0+$0x30] =	vst v9;
	v9 =	vmul.f32 v16, v4;
	v11 =	vld [tilespmem:s2+$0x260]  }
0x3d7: {  	[tilespmem:s0+$0xFFFFFDB0] =	vst v8;
	v8 =	vld [tilespmem:s2+$0xFFFFFFC0];
	v13 =	vsel vm3, v14, v15;
	v14 =	vmul.f32 v12, v4  }
0x3d8: {  	v17 =	vmul.f32 v18, v5;
	v15 =	vld [tilespmem:s2+$0xFFFFFDC0];
	[tilespmem:s0+$0xB0] =	vst v13;
	v9 =	vsel vm4, v9, v16  }
0x3d9: {  	v13 =	vmul.f32 v19, v5;
	v16 =	vld [tilespmem:s2+$0x40];
	[tilespmem:s0+$0x130] =	vst v9;
	v9 =	vsel vm5, v14, v12  }
0x3da: {  	v12 =	vsel vm8, v17, v18;
	v17 =	vld [tilespmem:s2+$0xC0];
	v14 =	vmul.f32 v10, v5;
	[tilespmem:s0+$0x1B0] =	vst v9  }
0x3db: {  	[tilespmem:s0+$0xFFFFFE40] =	vst v12;
	v9 =	vsel vm7, v13, v19;
	v12 =	vld [tilespmem:s2+$0x140];
	v13 =	vmul.f32 v11, v7  }
0x3dc: {  	[tilespmem:s0+$0xFFFFFEC0] =	vst v9;
	v9 =	vsel vm1, v14, v10;
	v10 =	vmul.f32 v8, v5;
	v14 =	vld [tilespmem:s2+$0x1C0]  }
0x3dd: {  	v19 =	vld [tilespmem:s2+$0xFFFFFE50];
	v18 =	vmul.f32 v15, v5;
	[tilespmem:s0+$0xFFFFFF40] =	vst v9;
	v9 =	vsel vm9, v13, v11  }
0x3de: {  	v11 =	vld [tilespmem:s2+$0xFFFFFED0];
	v8 =	vsel vm0, v10, v8;
	v10 =	vmul.f32 v16, v5;
	[tilespmem:s0+$0x260] =	vst v9  }
0x3df: {  	v9 =	vsel vm6, v18, v15;
	[tilespmem:s0+$0xFFFFFFC0] =	vst v8;
	v8 =	vmul.f32 v17, v5;
	v13 =	vld [tilespmem:s2+$0x270]  }
0x3e0: {  	v15 =	vmul.f32 v12, v5;
	[tilespmem:s0+$0xFFFFFDC0] =	vst v9;
	v9 =	vld [tilespmem:s2+$0xFFFFFF50];
	v10 =	vsel vm2, v10, v16  }
0x3e1: {  	v16 =	vld [tilespmem:s2+$0xFFFFFDD0];
	[tilespmem:s0+$0x40] =	vst v10;
	v8 =	vsel vm3, v8, v17;
	v10 =	vmul.f32 v14, v5  }
0x3e2: {  	v18 =	vld [tilespmem:s2+$0xFFFFFFD0];
	v17 =	vmul.f32 v19, v6;
	[tilespmem:s0+$0xC0] =	vst v8;
	v8 =	vsel vm4, v15, v12  }
0x3e3: {  	v15 =	vld [tilespmem:s2+$0x50];
	v12 =	vmul.f32 v11, v6;
	[tilespmem:s0+$0x140] =	vst v8;
	v8 =	vsel vm5, v10, v14  }
0x3e4: {  	v10 =	vsel vm8, v17, v19;
	v14 =	vld [tilespmem:s2+$0xD0];
	[tilespmem:s0+$0x1C0] =	vst v8;
	v8 =	vmul.f32 v13, v0  }
0x3e5: {  	[tilespmem:s0+$0xFFFFFE50] =	vst v10;
	v10 =	vsel vm7, v12, v11;
	v11 =	vmul.f32 v9, v6;
	v12 =	vld [tilespmem:s2+$0x150]  }
0x3e6: {  	v17 =	vmul.f32 v16, v6;
	[tilespmem:s0+$0xFFFFFED0] =	vst v10;
	v10 =	vld [tilespmem:s2+$0x1D0];
	v8 =	vsel vm9, v8, v13  }
0x3e7: {  	v13 =	vld [tilespmem:s2+$0xFFFFFE60];
	v9 =	vsel vm1, v11, v9;
	v11 =	vmul.f32 v18, v6;
	[tilespmem:s0+$0x270] =	vst v8  }
0x3e8: {  	v8 =	vsel vm6, v17, v16;
	v16 =	vld [tilespmem:s2+$0xFFFFFEE0];
	[tilespmem:s0+$0xFFFFFF50] =	vst v9;
	v9 =	vmul.f32 v15, v6  }
0x3e9: {  	v17 =	vmul.f32 v14, v6;
	[tilespmem:s0+$0xFFFFFDD0] =	vst v8;
	v8 =	vld [tilespmem:s2+$0xFFFFFF60];
	v11 =	vsel vm0, v11, v18  }
0x3ea: {  	v18 =	vld [tilespmem:s2+$0xFFFFFDE0];
	[tilespmem:s0+$0xFFFFFFD0] =	vst v11;
	v9 =	vsel vm2, v9, v15;
	v11 =	vmul.f32 v12, v6  }
0x3eb: {  	v15 =	vld [tilespmem:s2+$0xFFFFFFE0];
	[tilespmem:s0+$0x50] =	vst v9;
	v9 =	vsel vm3, v17, v14;
	v14 =	vmul.f32 v10, v6  }
0x3ec: {  	v17 =	vmul.f32 v13, v7;
	v19 =	vld [tilespmem:s2+$0x60];
	[tilespmem:s0+$0xD0] =	vst v9;
	v9 =	vsel vm4, v11, v12  }
0x3ed: {  	v11 =	vmul.f32 v16, v7;
	v12 =	vld [tilespmem:s2+$0xE0];
	[tilespmem:s0+$0x150] =	vst v9;
	v9 =	vsel vm5, v14, v10  }
0x3ee: {  	v10 =	vsel vm8, v17, v13;
	v13 =	vmul.f32 v8, v7;
	v14 =	vld [tilespmem:s2+$0x160];
	[tilespmem:s0+$0x1D0] =	vst v9  }
0x3ef: {  	v9 =	vmul.f32 v18, v7;
	[tilespmem:s0+$0xFFFFFE60] =	vst v10;
	v10 =	vsel vm7, v11, v16;
	v16 =	vld [tilespmem:s2+$0x1E0]  }
0x3f0: {  	v17 =	vld [tilespmem:s2+$0xFFFFFE70];
	[tilespmem:s0+$0xFFFFFEE0] =	vst v10;
	v8 =	vsel vm1, v13, v8;
	v11 =	vmul.f32 v15, v7  }
0x3f1: {  	v9 =	vsel vm6, v9, v18;
	v18 =	vld [tilespmem:s2+$0xFFFFFEF0];
	[tilespmem:s0+$0xFFFFFF60] =	vst v8;
	v13 =	vmul.f32 v19, v7  }
0x3f2: {  	[tilespmem:s0+$0xFFFFFDE0] =	vst v9;
	v10 =	vld [tilespmem:s2+$0xFFFFFF70];
	v9 =	vsel vm0, v11, v15;
	v11 =	vmul.f32 v12, v7  }
0x3f3: {  	v8 =	vld [tilespmem:s2+$0xFFFFFDF0];
	[tilespmem:s0+$0xFFFFFFE0] =	vst v9;
	v13 =	vsel vm2, v13, v19;
	v15 =	vmul.f32 v14, v7  }
0x3f4: {  	v9 =	vld [tilespmem:s2+$0xFFFFFFF0];
	[tilespmem:s0+$0x60] =	vst v13;
	v12 =	vsel vm3, v11, v12;
	v13 =	vmul.f32 v16, v7  }
0x3f5: {  	v19 =	vmul.f32 v17, v0;
	v11 =	vld [tilespmem:s2+$0x70];
	[tilespmem:s0+$0xE0] =	vst v12;
	v14 =	vsel vm4, v15, v14  }
0x3f6: {  	v63 =	vmul.f32 v18, v0;
	v12 =	vld [tilespmem:s2+$0xF0];
	[tilespmem:s0+$0x160] =	vst v14;
	v14 =	vsel vm5, v13, v16  }
0x3f7: {  	v17 =	vsel vm8, v19, v17;
	v13 =	vld [tilespmem:s2+$0x170];
	[tilespmem:s0+$0x1E0] =	vst v14;
	v16 =	vmul.f32 v10, v0  }
0x3f8: {  	s3 =	simm.s32 $0x0;
	s15 =	simm.s32 $0x14CF0;
	v15 =	vmul.f32 v8, v0;
	[tilespmem:s0+$0xFFFFFE70] =	vst v17;
	v17 =	vsel vm7, v63, v18;
	v14 =	vld [tilespmem:s2+$0x1F0]  }
.LBB2_19:
0x3f9: {  	v18 =	vld [tilespmem:s15+$0x40];
	[tilespmem:s0+$0xFFFFFEF0] =	vst v17;
	v10 =	vsel vm1, v16, v10;
	v16 =	vmul.f32 v9, v0;
	s2 =	sadd.s32 $0x500, s2  }
0x3fa: {  	s3 =	sadd.s32 $0xA, s3;
	v17 =	vld [tilespmem:s2+$0x200];
	v15 =	vsel vm6, v15, v8;
	[tilespmem:s0+$0xFFFFFF70] =	vst v10;
	v10 =	vmul.f32 v11, v0  }
0x3fb: {  	p1 =	slt.u32 s3, $0x96;
	v8 =	vld [tilespmem:s2+$0xFFFFFD80];
	[tilespmem:s0+$0xFFFFFDF0] =	vst v15;
	v9 =	vsel vm0, v16, v9;
	v15 =	vmul.f32 v12, v0  }
0x3fc: {  	v16 =	vld [tilespmem:s15+$0xFFFFFFC0];
	[tilespmem:s0+$0xFFFFFFF0] =	vst v9;
	v9 =	vsel vm2, v10, v11;
	v10 =	vmul.f32 v13, v0  }
0x3fd: {  	v11 =	vld [tilespmem:s2+$0xFFFFFE00];
	[tilespmem:s0+$0x70] =	vst v9;
	v9 =	vsel vm3, v15, v12;
	v12 =	vmul.f32 v14, v0  }
0x3fe: {  	v15 =	vld [tilespmem:s15+$0xFFFFFFD0];
	[tilespmem:s0+$0xF0] =	vst v9;
	v9 =	vsel vm4, v10, v13  }
0x3ff: {  	vm0 =	vlt.f32 v18, $0.0e+00;
	vm1 =	vgt.f32 v18, $0.0e+00;
	v10 =	vld [tilespmem:s2+$0xFFFFFE80];
	v13 =	vmul.f32 v17, v1;
	[tilespmem:s0+$0x170] =	vst v9  }
0x400: {  	vm9 =	vmor vm1, vm0;
	v12 =	vsel vm5, v12, v14;
	v9 =	vmul.f32 v8, v1;
	v18 =	vld [tilespmem:s15+$0xFFFFFFE0]  }
0x401: {  	vm0 =	vlt.f32 v16, $0.0e+00;
	vm1 =	vgt.f32 v16, $0.0e+00;
	v14 =	vld [tilespmem:s2+$0xFFFFFF00];
	v13 =	vsel vm9, v13, v17;
	[tilespmem:s0+$0x1F0] =	vst v12;
	s0 =	sadd.s32 $0x500, s0  }
0x402: {  	vm7 =	vmor vm1, vm0;
	v12 =	vmul.f32 v11, v1;
	v16 =	vld [tilespmem:s15+$0xFFFFFFF0];
	[tilespmem:s0+$0x200] =	vst v13  }
0x403: {  	vm0 =	vlt.f32 v15, $0.0e+00;
	vm1 =	vgt.f32 v15, $0.0e+00;
	v13 =	vld [tilespmem:s2+$0x210]  }
0x404: {  	v11 =	vsel vm7, v12, v11;
	vm8 =	vmor vm1, vm0;
	v12 =	vmul.f32 v10, v1;
	v15 =	vld [tilespmem:s2+$0xFFFFFF80]  }
0x405: {  	[tilespmem:s0+$0xFFFFFE00] =	vst v11;
	vm0 =	vlt.f32 v18, $0.0e+00;
	vm1 =	vgt.f32 v18, $0.0e+00;
	v11 =	vld [tilespmem:s15+$0x0]  }
0x406: {  	v10 =	vsel vm8, v12, v10;
	vm1 =	vmor vm1, vm0;
	v12 =	vmul.f32 v14, v1;
	v17 =	vld [tilespmem:s2+$0x0]  }
0x407: {  	[tilespmem:s0+$0xFFFFFE80] =	vst v10;
	vm0 =	vlt.f32 v16, $0.0e+00;
	vm2 =	vgt.f32 v16, $0.0e+00;
	v10 =	vld [tilespmem:s15+$0x10]  }
0x408: {  	v12 =	vsel vm1, v12, v14;
	vm0 =	vmor vm2, vm0;
	v14 =	vld [tilespmem:s2+$0x80];
	v16 =	vmul.f32 v13, v2  }
0x409: {  	[tilespmem:s0+$0xFFFFFF00] =	vst v12;
	v12 =	vmul.f32 v15, v1;
	v18 =	vld [tilespmem:s15+$0x20]  }
0x40a: {  	vm2 =	vlt.f32 v11, $0.0e+00;
	vm3 =	vgt.f32 v11, $0.0e+00;
	v11 =	vld [tilespmem:s2+$0x100];
	v13 =	vsel vm9, v16, v13  }
0x40b: {  	v12 =	vsel vm0, v12, v15;
	vm2 =	vmor vm3, vm2;
	v15 =	vmul.f32 v17, v1;
	v16 =	vld [tilespmem:s15+$0x30];
	[tilespmem:s0+$0x210] =	vst v13  }
0x40c: {  	[tilespmem:s0+$0xFFFFFF80] =	vst v12;
	vm3 =	vlt.f32 v10, $0.0e+00;
	vm4 =	vgt.f32 v10, $0.0e+00;
	v10 =	vld [tilespmem:s2+$0x220]  }
0x40d: {  	v12 =	vsel vm2, v15, v17;
	vm3 =	vmor vm4, vm3;
	v13 =	vmul.f32 v14, v1;
	v15 =	vld [tilespmem:s2+$0x180]  }
0x40e: {  	v17 =	vld [tilespmem:s15+$0xFFFFFFB0];
	[tilespmem:s0+$0x0] =	vst v12;
	vm4 =	vlt.f32 v18, $0.0e+00;
	vm5 =	vgt.f32 v18, $0.0e+00  }
0x40f: {  	v12 =	vld [tilespmem:s2+$0xFFFFFE10];
	v13 =	vsel vm3, v13, v14;
	vm4 =	vmor vm5, vm4;
	v14 =	vmul.f32 v11, v1  }
0x410: {  	v18 =	vld [tilespmem:s2+$0xFFFFFE90];
	[tilespmem:s0+$0x80] =	vst v13;
	vm5 =	vlt.f32 v16, $0.0e+00;
	vm6 =	vgt.f32 v16, $0.0e+00  }
0x411: {  	v13 =	vld [tilespmem:s2+$0xFFFFFF10];
	v11 =	vsel vm4, v14, v11;
	vm5 =	vmor vm6, vm5;
	v14 =	vmul.f32 v10, v3  }
0x412: {  	v16 =	vld [tilespmem:s2+$0xFFFFFF90];
	[tilespmem:s0+$0x100] =	vst v11;
	v11 =	vmul.f32 v15, v1  }
0x413: {  	vm6 =	vlt.f32 v17, $0.0e+00;
	vm10 =	vgt.f32 v17, $0.0e+00;
	v17 =	vld [tilespmem:s2+$0x10];
	v10 =	vsel vm9, v14, v10  }
0x414: {  	vm6 =	vmor vm10, vm6;
	v14 =	vmul.f32 v12, v2;
	v19 =	vld [tilespmem:s2+$0x90];
	v11 =	vsel vm5, v11, v15;
	[tilespmem:s0+$0x220] =	vst v10  }
0x415: {  	v8 =	vsel vm6, v9, v8;
	v9 =	vmul.f32 v18, v2;
	[tilespmem:s0+$0x180] =	vst v11;
	v10 =	vld [tilespmem:s2+$0x230]  }
0x416: {  	[tilespmem:s0+$0xFFFFFD80] =	vst v8;
	v8 =	vsel vm7, v14, v12;
	v11 =	vmul.f32 v13, v2;
	v12 =	vld [tilespmem:s2+$0x110]  }
0x417: {  	v14 =	vld [tilespmem:s2+$0xFFFFFD90];
	[tilespmem:s0+$0xFFFFFE10] =	vst v8;
	v8 =	vsel vm8, v9, v18;
	v9 =	vmul.f32 v16, v2  }
0x418: {  	[tilespmem:s0+$0xFFFFFE90] =	vst v8;
	v8 =	vsel vm1, v11, v13;
	v11 =	vmul.f32 v17, v2;
	v13 =	vld [tilespmem:s2+$0x190]  }
0x419: {  	v15 =	vld [tilespmem:s2+$0xFFFFFE20];
	[tilespmem:s0+$0xFFFFFF10] =	vst v8;
	v8 =	vsel vm0, v9, v16;
	v9 =	vmul.f32 v19, v2  }
0x41a: {  	v16 =	vld [tilespmem:s2+$0xFFFFFEA0];
	[tilespmem:s0+$0xFFFFFF90] =	vst v8;
	v8 =	vsel vm2, v11, v17;
	v11 =	vmul.f32 v10, v4  }
0x41b: {  	v17 =	vld [tilespmem:s2+$0xFFFFFF20];
	[tilespmem:s0+$0x10] =	vst v8;
	v8 =	vsel vm3, v9, v19;
	v9 =	vmul.f32 v12, v2  }
0x41c: {  	v18 =	vmul.f32 v14, v2;
	v19 =	vld [tilespmem:s2+$0xFFFFFFA0];
	[tilespmem:s0+$0x90] =	vst v8;
	v8 =	vsel vm9, v11, v10  }
0x41d: {  	v10 =	vld [tilespmem:s2+$0x20];
	v9 =	vsel vm4, v9, v12;
	v11 =	vmul.f32 v13, v2;
	[tilespmem:s0+$0x230] =	vst v8  }
0x41e: {  	v8 =	vsel vm6, v18, v14;
	v12 =	vmul.f32 v15, v3;
	[tilespmem:s0+$0x110] =	vst v9;
	v9 =	vld [tilespmem:s2+$0x240]  }
0x41f: {  	[tilespmem:s0+$0xFFFFFD90] =	vst v8;
	v8 =	vmul.f32 v16, v3;
	v14 =	vld [tilespmem:s2+$0xA0];
	v11 =	vsel vm5, v11, v13  }
0x420: {  	v13 =	vld [tilespmem:s2+$0xFFFFFDA0];
	v12 =	vsel vm7, v12, v15;
	v15 =	vmul.f32 v17, v3;
	[tilespmem:s0+$0x190] =	vst v11  }
0x421: {  	[tilespmem:s0+$0xFFFFFE20] =	vst v12;
	v8 =	vsel vm8, v8, v16;
	v11 =	vmul.f32 v19, v3;
	v12 =	vld [tilespmem:s2+$0x120]  }
0x422: {  	[tilespmem:s0+$0xFFFFFEA0] =	vst v8;
	v8 =	vsel vm1, v15, v17;
	v15 =	vmul.f32 v10, v3;
	v16 =	vld [tilespmem:s2+$0x1A0]  }
0x423: {  	v17 =	vld [tilespmem:s2+$0xFFFFFE30];
	[tilespmem:s0+$0xFFFFFF20] =	vst v8;
	v8 =	vsel vm0, v11, v19;
	v11 =	vmul.f32 v9, v5  }
0x424: {  	v18 =	vld [tilespmem:s2+$0xFFFFFEB0];
	[tilespmem:s0+$0xFFFFFFA0] =	vst v8;
	v8 =	vsel vm2, v15, v10;
	v10 =	vmul.f32 v14, v3  }
0x425: {  	v15 =	vmul.f32 v13, v3;
	v19 =	vld [tilespmem:s2+$0xFFFFFF30];
	[tilespmem:s0+$0x20] =	vst v8;
	v8 =	vsel vm9, v11, v9  }
0x426: {  	v9 =	vld [tilespmem:s2+$0xFFFFFFB0];
	v10 =	vsel vm3, v10, v14;
	v11 =	vmul.f32 v12, v3;
	[tilespmem:s0+$0x240] =	vst v8  }
0x427: {  	v8 =	vsel vm6, v15, v13;
	[tilespmem:s0+$0xA0] =	vst v10;
	v10 =	vmul.f32 v16, v3;
	v13 =	vld [tilespmem:s2+$0x250]  }
0x428: {  	[tilespmem:s0+$0xFFFFFDA0] =	vst v8;
	v8 =	vmul.f32 v17, v4;
	v14 =	vld [tilespmem:s2+$0x30];
	v11 =	vsel vm4, v11, v12  }
0x429: {  	v12 =	vld [tilespmem:s2+$0xFFFFFDB0];
	v15 =	vmul.f32 v18, v4;
	[tilespmem:s0+$0x120] =	vst v11;
	v10 =	vsel vm5, v10, v16  }
0x42a: {  	v8 =	vsel vm7, v8, v17;
	v11 =	vmul.f32 v19, v4;
	v16 =	vld [tilespmem:s2+$0xB0];
	[tilespmem:s0+$0x1A0] =	vst v10  }
0x42b: {  	[tilespmem:s0+$0xFFFFFE30] =	vst v8;
	v8 =	vsel vm8, v15, v18;
	v10 =	vmul.f32 v9, v4;
	v15 =	vld [tilespmem:s2+$0x130]  }
0x42c: {  	[tilespmem:s0+$0xFFFFFEB0] =	vst v8;
	v8 =	vsel vm1, v11, v19;
	v11 =	vld [tilespmem:s2+$0x1B0];
	v17 =	vmul.f32 v13, v6  }
0x42d: {  	v18 =	vld [tilespmem:s2+$0xFFFFFE40];
	[tilespmem:s0+$0xFFFFFF30] =	vst v8;
	v8 =	vsel vm0, v10, v9;
	v9 =	vmul.f32 v14, v4  }
0x42e: {  	v10 =	vmul.f32 v12, v4;
	v19 =	vld [tilespmem:s2+$0xFFFFFEC0];
	[tilespmem:s0+$0xFFFFFFB0] =	vst v8;
	v8 =	vsel vm9, v17, v13  }
0x42f: {  	v13 =	vld [tilespmem:s2+$0xFFFFFF40];
	v9 =	vsel vm2, v9, v14;
	v14 =	vmul.f32 v16, v4;
	[tilespmem:s0+$0x250] =	vst v8  }
0x430: {  	v8 =	vsel vm6, v10, v12;
	[tilespmem:s0+$0x30] =	vst v9;
	v9 =	vmul.f32 v15, v4;
	v10 =	vld [tilespmem:s2+$0x260]  }
0x431: {  	[tilespmem:s0+$0xFFFFFDB0] =	vst v8;
	v8 =	vld [tilespmem:s2+$0xFFFFFFC0];
	v12 =	vsel vm3, v14, v16;
	v14 =	vmul.f32 v11, v4  }
0x432: {  	v16 =	vld [tilespmem:s2+$0xFFFFFDC0];
	v17 =	vmul.f32 v18, v5;
	[tilespmem:s0+$0xB0] =	vst v12;
	v9 =	vsel vm4, v9, v15  }
0x433: {  	v12 =	vmul.f32 v19, v5;
	v15 =	vld [tilespmem:s2+$0x40];
	[tilespmem:s0+$0x130] =	vst v9;
	v9 =	vsel vm5, v14, v11  }
0x434: {  	v11 =	vsel vm7, v17, v18;
	v14 =	vmul.f32 v13, v5;
	v17 =	vld [tilespmem:s2+$0xC0];
	[tilespmem:s0+$0x1B0] =	vst v9  }
0x435: {  	[tilespmem:s0+$0xFFFFFE40] =	vst v11;
	v9 =	vsel vm8, v12, v19;
	v11 =	vld [tilespmem:s2+$0x140];
	v12 =	vmul.f32 v10, v7  }
0x436: {  	[tilespmem:s0+$0xFFFFFEC0] =	vst v9;
	v9 =	vsel vm1, v14, v13;
	v13 =	vmul.f32 v8, v5;
	v14 =	vld [tilespmem:s2+$0x1C0]  }
0x437: {  	v18 =	vmul.f32 v16, v5;
	v19 =	vld [tilespmem:s2+$0xFFFFFE50];
	[tilespmem:s0+$0xFFFFFF40] =	vst v9;
	v9 =	vsel vm9, v12, v10  }
0x438: {  	v10 =	vld [tilespmem:s2+$0xFFFFFED0];
	v8 =	vsel vm0, v13, v8;
	v12 =	vmul.f32 v15, v5;
	[tilespmem:s0+$0x260] =	vst v9  }
0x439: {  	v9 =	vsel vm6, v18, v16;
	[tilespmem:s0+$0xFFFFFFC0] =	vst v8;
	v8 =	vmul.f32 v17, v5;
	v13 =	vld [tilespmem:s2+$0x270]  }
0x43a: {  	[tilespmem:s0+$0xFFFFFDC0] =	vst v9;
	v9 =	vld [tilespmem:s2+$0xFFFFFF50];
	v12 =	vsel vm2, v12, v15;
	v15 =	vmul.f32 v11, v5  }
0x43b: {  	v16 =	vld [tilespmem:s2+$0xFFFFFDD0];
	[tilespmem:s0+$0x40] =	vst v12;
	v8 =	vsel vm3, v8, v17;
	v12 =	vmul.f32 v14, v5  }
0x43c: {  	v17 =	vmul.f32 v19, v6;
	v18 =	vld [tilespmem:s2+$0xFFFFFFD0];
	[tilespmem:s0+$0xC0] =	vst v8;
	v8 =	vsel vm4, v15, v11  }
0x43d: {  	v11 =	vmul.f32 v10, v6;
	v15 =	vld [tilespmem:s2+$0x50];
	[tilespmem:s0+$0x140] =	vst v8;
	v8 =	vsel vm5, v12, v14  }
0x43e: {  	v12 =	vsel vm7, v17, v19;
	v14 =	vld [tilespmem:s2+$0xD0];
	[tilespmem:s0+$0x1C0] =	vst v8;
	v8 =	vmul.f32 v13, v0  }
0x43f: {  	[tilespmem:s0+$0xFFFFFE50] =	vst v12;
	v10 =	vsel vm8, v11, v10;
	v11 =	vmul.f32 v9, v6;
	v12 =	vld [tilespmem:s2+$0x150]  }
0x440: {  	v17 =	vmul.f32 v16, v6;
	[tilespmem:s0+$0xFFFFFED0] =	vst v10;
	v10 =	vld [tilespmem:s2+$0x1D0];
	v8 =	vsel vm9, v8, v13  }
0x441: {  	v13 =	vld [tilespmem:s2+$0xFFFFFE60];
	v9 =	vsel vm1, v11, v9;
	v11 =	vmul.f32 v18, v6;
	[tilespmem:s0+$0x270] =	vst v8  }
0x442: {  	v8 =	vsel vm6, v17, v16;
	v16 =	vld [tilespmem:s2+$0xFFFFFEE0];
	[tilespmem:s0+$0xFFFFFF50] =	vst v9;
	v9 =	vmul.f32 v15, v6  }
0x443: {  	[tilespmem:s0+$0xFFFFFDD0] =	vst v8;
	v8 =	vld [tilespmem:s2+$0xFFFFFF60];
	v11 =	vsel vm0, v11, v18;
	v17 =	vmul.f32 v14, v6  }
0x444: {  	v18 =	vld [tilespmem:s2+$0xFFFFFDE0];
	[tilespmem:s0+$0xFFFFFFD0] =	vst v11;
	v9 =	vsel vm2, v9, v15;
	v11 =	vmul.f32 v12, v6  }
0x445: {  	v15 =	vld [tilespmem:s2+$0xFFFFFFE0];
	[tilespmem:s0+$0x50] =	vst v9;
	v9 =	vsel vm3, v17, v14;
	v14 =	vmul.f32 v10, v6  }
0x446: {  	v17 =	vmul.f32 v13, v7;
	v19 =	vld [tilespmem:s2+$0x60];
	[tilespmem:s0+$0xD0] =	vst v9;
	v9 =	vsel vm4, v11, v12  }
0x447: {  	v11 =	vmul.f32 v16, v7;
	v12 =	vld [tilespmem:s2+$0xE0];
	[tilespmem:s0+$0x150] =	vst v9;
	v9 =	vsel vm5, v14, v10  }
0x448: {  	v10 =	vsel vm7, v17, v13;
	v13 =	vmul.f32 v8, v7;
	v14 =	vld [tilespmem:s2+$0x160];
	[tilespmem:s0+$0x1D0] =	vst v9  }
0x449: {  	v9 =	vmul.f32 v18, v7;
	[tilespmem:s0+$0xFFFFFE60] =	vst v10;
	v10 =	vsel vm8, v11, v16;
	v16 =	vld [tilespmem:s2+$0x1E0]  }
0x44a: {  	v17 =	vld [tilespmem:s2+$0xFFFFFE70];
	[tilespmem:s0+$0xFFFFFEE0] =	vst v10;
	v8 =	vsel vm1, v13, v8;
	v11 =	vmul.f32 v15, v7  }
0x44b: {  	v9 =	vsel vm6, v9, v18;
	v18 =	vld [tilespmem:s2+$0xFFFFFEF0];
	[tilespmem:s0+$0xFFFFFF60] =	vst v8;
	v13 =	vmul.f32 v19, v7  }
0x44c: {  	[tilespmem:s0+$0xFFFFFDE0] =	vst v9;
	v10 =	vld [tilespmem:s2+$0xFFFFFF70];
	v9 =	vsel vm0, v11, v15;
	v11 =	vmul.f32 v12, v7  }
0x44d: {  	v8 =	vld [tilespmem:s2+$0xFFFFFDF0];
	[tilespmem:s0+$0xFFFFFFE0] =	vst v9;
	v13 =	vsel vm2, v13, v19;
	v15 =	vmul.f32 v14, v7  }
.Ltmp11:
0x44e: {  	v9 =	vld [tilespmem:s2+$0xFFFFFFF0];
	[tilespmem:s0+$0x60] =	vst v13;
	v12 =	vsel vm3, v11, v12;
	v13 =	vmul.f32 v16, v7;
	(pc) =	sbr.rel @p1 .LBB2_19-.Ltmp11, $4  }
0x44f: {  	v19 =	vmul.f32 v17, v0;
	v11 =	vld [tilespmem:s2+$0x70];
	[tilespmem:s0+$0xE0] =	vst v12;
	v14 =	vsel vm4, v15, v14  }
0x450: {  	v20 =	vmul.f32 v18, v0;
	v12 =	vld [tilespmem:s2+$0xF0];
	[tilespmem:s0+$0x160] =	vst v14;
	v14 =	vsel vm5, v13, v16  }
0x451: {  	v17 =	vsel vm7, v19, v17;
	v16 =	vmul.f32 v10, v0;
	v13 =	vld [tilespmem:s2+$0x170];
	[tilespmem:s0+$0x1E0] =	vst v14  }
0x452: {  	s15 =	sadd.s32 $0xA0, s15;
	v15 =	vmul.f32 v8, v0;
	[tilespmem:s0+$0xFFFFFE70] =	vst v17;
	v17 =	vsel vm8, v20, v18;
	v14 =	vld [tilespmem:s2+$0x1F0]  }
0x453: {  	[tilespmem:s0+$0xFFFFFEF0] =	vst v17;
	v1 =	vsel vm1, v16, v10;
	v2 =	vmul.f32 v9, v0  }
0x454: {  	v3 =	vsel vm6, v15, v8;
	[tilespmem:s0+$0xFFFFFF70] =	vst v1;
	v58 =	vmul.f32 v11, v0  }
0x455: {  	[tilespmem:s0+$0xFFFFFDF0] =	vst v3;
	v2 =	vsel vm0, v2, v9;
	v59 =	vmul.f32 v12, v0  }
0x456: {  	[tilespmem:s0+$0xFFFFFFF0] =	vst v2;
	v1 =	vsel vm2, v58, v11;
	v60 =	vmul.f32 v13, v0  }
0x457: {  	[tilespmem:s0+$0x70] =	vst v1;
	v61 =	vsel vm3, v59, v12;
	v62 =	vmul.f32 v14, v0  }
0x458: {  	[tilespmem:s0+$0xF0] =	vst v61;
	v63 =	vsel vm4, v60, v13  }
0x459: {  	[tilespmem:s0+$0x170] =	vst v63;
	v0 =	vsel vm5, v62, v14  }
0x45a: {  	[tilespmem:s0+$0x1F0] =	vst v0  }
.Ltmp12:
0x45b: {  	s0 =	rddreg [dreg:$0x7];
	(pc) =	sbr.rel .LBB2_21-.Ltmp12, $4  }
0x45c: {  	[hbm4b:s0+s5] =	stream.linear.scatter [tilespmem:s26], [sflag:$0x4], $0x5000, $0x38;
	[tilespmem:$0x15680] =	vst v63  }
0x45d: {  	_ =	swait.ge [sflag:s29], $0x5000  }
0x45e: {  	[sflag:s29] =	ssyncset.done $0x0  }
0x45f: {  	[sflag:s29] =	ssyncadd.s32 $0xFFFFB000  }
.LBB2_22:
0x460: {  	_ =	sfence.sel $0x180000  }
0x461: {  	[bflag:$0x0] =	sbarrier.arrive $0xFFFF  }
0x462: {  	_ =	strace $0x90000047  }
0x463: {  	s0 =	stileid.u32;
	[bflag:$0x2] =	sbarrier.arrive $0xFFFF  }
0x464: {  	p0 =	sne.s32 s0, $0x0;
	s0 =	rddreg [dreg:$0x4]  }
0x465: {  	s0 =	sadd.s32 @!p0 $0x100000, s0  }
0x466: {  	[sflag:s0] =	ssyncadd.tile.s32 @!p0 $0x1;
	_ =	shalt  }
.Lfunc_end2:
_tile_overlayer_lowered:
.L_overlay_start_2:
0x467: {  	(tag) =	ssettag $0x2  }
0x468: {  	s0 =	rddreg [dreg:$0x0];
	s2 =	stileid.u32  }
0x469: {  	s1 =	rddreg [dreg:$0x1];
	p0 =	sne.s32 s2, $0x0  }
0x46a: {  	s3 =	rddreg [dreg:$0x2];
	[bflag:$0x3] =	sbarrier.arrive $0xFFFF;
	s2 =	simm.s32 @!p0 $0x1C05  }
0x46b: {  	[timem:s3], [sflag:s2] =	dma.local @!p0 [hbm:s0], s1  }
0x46c: {  	s0 =	simm.s32 @!p0 $0x5  }
0x46d: {  	_ =	swait.ge @!p0 [sflag:s0], s1  }
0x46e: {  	s1 =	ssub.s32 @!p0 $0x0, s1;
	[sflag:s0] =	ssyncset.done @!p0 $0x0  }
0x46f: {  	[sflag:s0] =	ssyncadd.s32 @!p0 s1  }
0x470: {  	[bflag:$0x3] =	sbarrier.arrive $0xFFFF  }
0x471: {  	_ =	shalt  }

</sc_bundles>
